<compile_context>
chip_gen: v7x
topology: tpu7x:2x2x1
jax: 0.10.2.dev20260603
libtpu: 0.0.44.dev20260713+nightly
codegen_flags: <defaults>
</compile_context>

<pallas_src>
import functools

import jax
import jax.numpy as jnp
from jax import lax
from jax.experimental import pallas as pl
from jax.experimental.pallas import tpu as pltpu, tpu_sc as plsc

N_NODES = 10000
N_EDGES = 320000
HID = 128
D_OUT = 64
N_GRAPHS = 64

NC = 2
NS = 16
NW = NC * NS
EPW = N_EDGES // NW
CH = 80
NCHUNK = EPW // CH
RPT = 632
N_PAD = NS * RPT


NBUF = 3


def _sc_aggr_body(h_hbm, src_hbm, dst_hbm, zeros_hbm, out_hbm,
                  sidx_v, didx_v, rows_v, aggr_sh,
                  sem0, sem1, sem2, isem0, isem1, isem2,
                  jsem0, jsem1, jsem2):
    sems = (sem0, sem1, sem2)
    isems = (isem0, isem1, isem2)
    jsems = (jsem0, jsem1, jsem2)
    cid = lax.axis_index("c")
    sid = lax.axis_index("s")
    wid = cid * NS + sid

    pltpu.sync_copy(zeros_hbm, aggr_sh.at[pl.ds(sid * RPT, RPT)])
    plsc.subcore_barrier()

    for b in range(NBUF):
        pltpu.async_copy(dst_hbm.at[wid, b], didx_v.at[b], isems[b])
        pltpu.async_copy(src_hbm.at[wid, b], sidx_v.at[b], jsems[b])
    for b in range(NBUF - 1):
        pltpu.make_async_copy(src_hbm.at[wid, b], sidx_v.at[b],
                              jsems[b]).wait()
        pltpu.async_copy(h_hbm.at[sidx_v.at[b, 0]], rows_v.at[b], sems[b])

    def step(j, b):
        pltpu.make_async_copy(dst_hbm.at[wid, j], didx_v.at[b],
                              isems[b]).wait()
        pltpu.make_async_copy(h_hbm.at[sidx_v.at[b, 0]], rows_v.at[b],
                              sems[b]).wait()
        pltpu.sync_copy(rows_v.at[b], aggr_sh.at[didx_v.at[b, 0]], add=True)
        nj = j + NBUF

        @pl.when(nj < NCHUNK)
        def _():
            pltpu.async_copy(dst_hbm.at[wid, nj], didx_v.at[b], isems[b])
            pltpu.async_copy(src_hbm.at[wid, nj], sidx_v.at[b], jsems[b])
        ng = j + NBUF - 1
        b2 = (b + NBUF - 1) % NBUF

        @pl.when(ng < NCHUNK)
        def _():
            pltpu.make_async_copy(src_hbm.at[wid, ng], sidx_v.at[b2],
                                  jsems[b2]).wait()
            pltpu.async_copy(h_hbm.at[sidx_v.at[b2, 0]], rows_v.at[b2],
                             sems[b2])

    def outer(o, carry):
        for b in range(NBUF):
            step(o * NBUF + b, b)
        return carry

    lax.fori_loop(0, NCHUNK // NBUF, outer, 0, unroll=False)
    for j in range((NCHUNK // NBUF) * NBUF, NCHUNK):
        step(j, j % NBUF)
    plsc.subcore_barrier()
    pltpu.sync_copy(aggr_sh.at[pl.ds(sid * RPT, RPT)],
                    out_hbm.at[pl.ds(cid * N_PAD + sid * RPT, RPT)])


_sc_aggr_cache = []


def _sc_aggr(*args):
    if not _sc_aggr_cache:
        _sc_aggr_cache.append(functools.partial(
            pl.kernel,
            out_type=jax.ShapeDtypeStruct((NC * N_PAD, HID), jnp.float32),
            mesh=plsc.VectorSubcoreMesh(core_axis_name="c",
                                        subcore_axis_name="s"),
            scratch_types=[
                pltpu.VMEM((NBUF, 1, CH), jnp.int32),
                pltpu.VMEM((NBUF, 1, CH), jnp.int32),
                pltpu.VMEM((NBUF, CH, HID), jnp.float32),
                pltpu.VMEM_SHARED((N_PAD, HID), jnp.float32),
            ] + [pltpu.SemaphoreType.DMA] * (3 * NBUF),
        )(_sc_aggr_body))
    return _sc_aggr_cache[0](*args)


_dot = functools.partial(jnp.dot, preferred_element_type=jnp.float32)
_segdot = functools.partial(
    lax.dot_general, dimension_numbers=(((0,), (0,)), ((), ())),
    preferred_element_type=jnp.float32)


def _prep_body(b_ref, oh_ref, oht_ref, invc_ref):
    gid = lax.broadcasted_iota(jnp.int32, (N_GRAPHS, N_NODES), 0)
    oht = (gid == b_ref[...]).astype(jnp.float32)
    oht_ref[...] = oht
    oh_ref[...] = oht.T
    cnt = jnp.sum(oht, axis=1, keepdims=True)
    invc_ref[...] = 1.0 / jnp.maximum(cnt, 1.0)


_prep = pl.pallas_call(
    _prep_body,
    out_shape=(
        jax.ShapeDtypeStruct((N_NODES, N_GRAPHS), jnp.float32),
        jax.ShapeDtypeStruct((N_GRAPHS, N_NODES), jnp.float32),
        jax.ShapeDtypeStruct((N_GRAPHS, 1), jnp.float32),
    ),
)


def _gnorm_body(h_ref, pp_ref, w1_ref, b1_ref, w2_ref, b2_ref, eps_ref,
                oh_ref, oht_ref, invc_ref,
                gnw_ref, gnb_ref, gns_ref,
                pw1_ref, pb1_ref, pw2_ref, pb2_ref, hout_ref, zg_ref):
    out = (1.0 + eps_ref[0, 0]) * h_ref[...] \
        + pp_ref[0, :N_NODES] + pp_ref[1, :N_NODES]
    out = jnp.maximum(_dot(out, w1_ref[...]) + b1_ref[...], 0.0)
    out = _dot(out, w2_ref[...]) + b2_ref[...]
    onehot = oh_ref[...]
    oht = oht_ref[...]
    inv_cnt = invc_ref[...]

    mean = _dot(oht, out) * inv_cnt
    sub = out - _dot(onehot, mean) * gns_ref[...]
    var = _dot(oht, sub * sub) * inv_cnt
    inv_std = 1.0 / jnp.sqrt(var + 1e-08)
    res = gnw_ref[...] * sub * _dot(onehot, inv_std) + gnb_ref[...]
    hn = jnp.maximum(res, 0.0)
    hout_ref[...] = hn
    z = jnp.maximum(_dot(hn, pw1_ref[...]) + pb1_ref[...], 0.0)
    z = _dot(z, pw2_ref[...]) + pb2_ref[...]
    zg_ref[...] = _dot(oht, z)


_gnorm = pl.pallas_call(
    _gnorm_body,
    out_shape=(
        jax.ShapeDtypeStruct((N_NODES, HID), jnp.float32),
        jax.ShapeDtypeStruct((N_GRAPHS, D_OUT), jnp.float32),
    ),
)


def kernel(x, edge_index, batch, params):
    src = edge_index[0].reshape(NW, NCHUNK, 1, CH)
    dst = edge_index[1].reshape(NW, NCHUNK, 1, CH)
    zeros_blk = jnp.zeros((RPT, HID), jnp.float32)
    oh, oht, invc = _prep(batch.reshape(1, N_NODES))

    h = x
    z_cat = []
    for l in range(3):
        p = params[f'l{l}']
        partials = _sc_aggr(h, src, dst, zeros_blk).reshape(NC, N_PAD, HID)
        h, zg = _gnorm(
            h, partials,
            p['w1'], p['b1'].reshape(1, HID),
            p['w2'], p['b2'].reshape(1, HID),
            p['eps'].reshape(1, 1),
            oh, oht, invc,
            p['gn_weight'].reshape(1, HID),
            p['gn_bias'].reshape(1, HID),
            p['gn_scale'].reshape(1, HID),
            p['pw1'], p['pb1'].reshape(1, HID),
            p['pw2'], p['pb2'].reshape(1, D_OUT),
        )
        z_cat.append(zg)
    return jnp.concatenate(z_cat, axis=-1)

# --- scband reference (transcript-rebuilt; emitter-appended) ---
"""Pipeline reference for scband-my-gin-34230889349284 (READ-ONLY COPY).

The authoritative reference and input builder live on the scoring server;
editing this copy changes nothing except your own understanding.
"""

import jax, jax.numpy as jnp
import numpy as np

NUM_NODES = 10000
NUM_EDGES = 320000
D_FEAT = 128
HIDDEN = 128
D_TGT = 64
LAYERS = 3
NUM_GRAPHS = 64


def _init_params(key):
    params = {}
    in_dims = [D_FEAT, HIDDEN, HIDDEN]
    for l in range(LAYERS):
        k = jax.random.fold_in(key, l)
        ks = jax.random.split(k, 8)
        d_in = in_dims[l]
        p = {}
        p['w1'] = 0.1 * jax.random.normal(ks[0], (d_in, HIDDEN), jnp.float32)
        p['b1'] = jnp.zeros((HIDDEN,), jnp.float32)
        p['w2'] = 0.1 * jax.random.normal(ks[1], (HIDDEN, HIDDEN), jnp.float32)
        p['b2'] = jnp.zeros((HIDDEN,), jnp.float32)
        p['eps'] = jnp.zeros((), jnp.float32)
        p['gn_weight'] = jnp.ones((HIDDEN,), jnp.float32)
        p['gn_bias'] = jnp.zeros((HIDDEN,), jnp.float32)
        p['gn_scale'] = jnp.ones((HIDDEN,), jnp.float32)
        p['pw1'] = 0.1 * jax.random.normal(ks[2], (HIDDEN, HIDDEN), jnp.float32)
        p['pb1'] = jnp.zeros((HIDDEN,), jnp.float32)
        p['pw2'] = 0.1 * jax.random.normal(ks[3], (HIDDEN, D_TGT), jnp.float32)
        p['pb2'] = jnp.zeros((D_TGT,), jnp.float32)
        params[f'l{l}'] = p
    return params


def setup_inputs(seed: int = 0) -> dict:
    key = jax.random.key(seed)
    k0, k1, k2, k3 = jax.random.split(key, 4)
    x = jax.random.normal(k0, (NUM_NODES, D_FEAT), jnp.float32)
    edge_index = jax.random.randint(k1, (2, NUM_EDGES), 0, NUM_NODES, dtype=jnp.int32)
    batch = jnp.sort(jax.random.randint(k2, (NUM_NODES,), 0, NUM_GRAPHS, dtype=jnp.int32))
    params = _init_params(k3)
    return {'x': x, 'edge_index': edge_index, 'batch': batch, 'params': params}


def reference(x, edge_index, batch, params):
    src = edge_index[0]
    dst = edge_index[1]
    counts = jax.ops.segment_sum(jnp.ones((NUM_NODES,), jnp.float32), batch, num_segments=NUM_GRAPHS)
    counts = jnp.maximum(counts, 1.0)
    h = x
    z_cat = []
    for l in range(LAYERS):
        p = params[f'l{l}']
        # GINConv: (1+eps)*x + sum of neighbor features (gather + scatter-add)
        msgs = h[src]
        aggr = jax.ops.segment_sum(msgs, dst, num_segments=NUM_NODES)
        out = (1.0 + p['eps']) * h + aggr
        out = jnp.maximum(out @ p['w1'] + p['b1'], 0.0)
        out = out @ p['w2'] + p['b2']
        # GraphNorm
        mean = jax.ops.segment_sum(out, batch, num_segments=NUM_GRAPHS) / counts[:, None]
        sub = out - mean[batch] * p['gn_scale']
        var = jax.ops.segment_sum(sub * sub, batch, num_segments=NUM_GRAPHS) / counts[:, None]
        std = jnp.sqrt(var + 1e-08)
        out = p['gn_weight'] * sub / std[batch] + p['gn_bias']
        h = jnp.maximum(out, 0.0)
        # projection MLP + global add pool
        z = jnp.maximum(h @ p['pw1'] + p['pb1'], 0.0)
        z = z @ p['pw2'] + p['pb2']
        zg = jax.ops.segment_sum(z, batch, num_segments=NUM_GRAPHS)
        z_cat.append(zg)
    return jnp.concatenate(z_cat, axis=-1)

if __name__ == "__main__":
    import jax
    _d = setup_inputs()
    print(jax.jit(kernel)(*tuple(_d.values())))

</pallas_src>

<mosaic_0001>
#map = affine_map<(d0, d1) -> (0, 0)>
#map1 = affine_map<(d0, d1) -> (0, 0, 0, 0)>
module attributes {stable_mosaic.version = 14 : i64} {
  func.func @_sc_aggr_body(%arg0: i32, %arg1: i32, %arg2: memref<10000x128xf32, #tpu.memory_space<hbm>>, %arg3: memref<32x125x1x80xi32, #tpu.memory_space<hbm>>, %arg4: memref<32x125x1x80xi32, #tpu.memory_space<hbm>>, %arg5: memref<632x128xf32, #tpu.memory_space<hbm>>, %arg6: memref<20224x128xf32, #tpu.memory_space<hbm>>, %arg7: memref<3x1x80xi32, #tpu.memory_space<vmem>>, %arg8: memref<3x1x80xi32, #tpu.memory_space<vmem>>, %arg9: memref<3x80x128xf32, #tpu.memory_space<vmem>>, %arg10: memref<10112x128xf32, #tpu.memory_space<vmem_shared>>, %arg11: memref<!tpu.dma_semaphore, #tpu.memory_space<semaphore_mem>>, %arg12: memref<!tpu.dma_semaphore, #tpu.memory_space<semaphore_mem>>, %arg13: memref<!tpu.dma_semaphore, #tpu.memory_space<semaphore_mem>>, %arg14: memref<!tpu.dma_semaphore, #tpu.memory_space<semaphore_mem>>, %arg15: memref<!tpu.dma_semaphore, #tpu.memory_space<semaphore_mem>>, %arg16: memref<!tpu.dma_semaphore, #tpu.memory_space<semaphore_mem>>, %arg17: memref<!tpu.dma_semaphore, #tpu.memory_space<semaphore_mem>>, %arg18: memref<!tpu.dma_semaphore, #tpu.memory_space<semaphore_mem>>, %arg19: memref<!tpu.dma_semaphore, #tpu.memory_space<semaphore_mem>>) attributes {dimension_semantics = [#tpu.dimension_semantics<core_parallel>, #tpu.dimension_semantics<subcore_parallel>], iteration_bounds = array<i64: 2, 16>, scalar_prefetch = 0 : i64, scratch_operands = 13 : i64, tpu.core_type = #tpu.core_type<sc_vector_subcore>, window_params = [{transform_indices = #map}, {transform_indices = #map1}, {transform_indices = #map1}, {transform_indices = #map}, {transform_indices = #map}]} {
    %mul3A = arith.constant 16 : i32
    %mul3A_0 = arith.muli %arg0, %mul3A : i32
    %add3A = arith.addi %mul3A_0, %arg1 : i32
    %mul3A_1 = arith.constant 632 : i32
    %mul3A_2 = arith.muli %arg1, %mul3A_1 : i32
    "tpu.region"() ({
      %run_scoped3A_251 = tpu.sem_alloc : memref<!tpu.dma_semaphore, #tpu.memory_space<semaphore_mem>>
      %dma_start3A_252 = arith.constant 0 : i32
      %dma_start3A_253 = tpu.memref_slice %arg10[%mul3A_2, %dma_start3A_252] : memref<10112x128xf32, #tpu.memory_space<vmem_shared>> -> memref<632x128xf32, #tpu.memory_space<vmem_shared>>
      tpu.enqueue_dma source(%arg5 : memref<632x128xf32, #tpu.memory_space<hbm>>) target(%dma_start3A_253 : memref<632x128xf32, #tpu.memory_space<vmem_shared>>) target_semaphore(%run_scoped3A_251 : memref<!tpu.dma_semaphore, #tpu.memory_space<semaphore_mem>>)
      %dma_wait3A_254 = arith.constant 0 : i32
      %dma_wait3A_255 = tpu.memref_slice %arg10[%mul3A_2, %dma_wait3A_254] : memref<10112x128xf32, #tpu.memory_space<vmem_shared>> -> memref<632x128xf32, #tpu.memory_space<vmem_shared>>
      tpu.wait_dma2 semaphore(%run_scoped3A_251 : memref<!tpu.dma_semaphore, #tpu.memory_space<semaphore_mem>>) src(%arg5 : memref<632x128xf32, #tpu.memory_space<hbm>>) dst(%dma_wait3A_255 : memref<632x128xf32, #tpu.memory_space<vmem_shared>>)
      tpu.yield
    }) : () -> ()
    %barrier3A = arith.constant 0 : index
    tpu.barrier barrier_id(%barrier3A)
    %dma_start3A = arith.constant 0 : i32
    %dma_start3A_3 = arith.constant 0 : i32
    %dma_start3A_4 = arith.constant 0 : i32
    %dma_start3A_5 = arith.constant 0 : i32
    %dma_start3A_6 = tpu.memref_slice %arg8[%dma_start3A_3, %dma_start3A_4, %dma_start3A_5] : memref<3x1x80xi32, #tpu.memory_space<vmem>> -> memref<1x1x80xi32, #tpu.memory_space<vmem>>
    %dma_start3A_7 = tpu.memref_squeeze %dma_start3A_6 : memref<1x1x80xi32, #tpu.memory_space<vmem>> -> memref<1x80xi32, #tpu.memory_space<vmem>>
    %dma_start3A_8 = arith.constant 0 : i32
    %dma_start3A_9 = arith.constant 0 : i32
    %dma_start3A_10 = tpu.memref_slice %arg4[%add3A, %dma_start3A, %dma_start3A_8, %dma_start3A_9] : memref<32x125x1x80xi32, #tpu.memory_space<hbm>> -> memref<1x1x1x80xi32, #tpu.memory_space<hbm>>
    %dma_start3A_11 = tpu.memref_squeeze %dma_start3A_10 : memref<1x1x1x80xi32, #tpu.memory_space<hbm>> -> memref<1x80xi32, #tpu.memory_space<hbm>>
    %dma_start3A_12 = arith.constant 0 : i32
    %dma_start3A_13 = arith.constant 0 : i32
    %dma_start3A_14 = tpu.memref_slice %arg8[%dma_start3A_3, %dma_start3A_12, %dma_start3A_13] : memref<3x1x80xi32, #tpu.memory_space<vmem>> -> memref<1x1x80xi32, #tpu.memory_space<vmem>>
    %dma_start3A_15 = tpu.memref_squeeze %dma_start3A_14 : memref<1x1x80xi32, #tpu.memory_space<vmem>> -> memref<1x80xi32, #tpu.memory_space<vmem>>
    %dma_start3A_16 = arith.constant 0 : i32
    %dma_start3A_17 = arith.constant 0 : i32
    %dma_start3A_18 = tpu.memref_slice %arg4[%add3A, %dma_start3A, %dma_start3A_16, %dma_start3A_17] : memref<32x125x1x80xi32, #tpu.memory_space<hbm>> -> memref<1x1x1x80xi32, #tpu.memory_space<hbm>>
    %dma_start3A_19 = tpu.memref_squeeze %dma_start3A_18 : memref<1x1x1x80xi32, #tpu.memory_space<hbm>> -> memref<1x80xi32, #tpu.memory_space<hbm>>
    tpu.enqueue_dma source(%dma_start3A_19 : memref<1x80xi32, #tpu.memory_space<hbm>>) target(%dma_start3A_15 : memref<1x80xi32, #tpu.memory_space<vmem>>) target_semaphore(%arg14 : memref<!tpu.dma_semaphore, #tpu.memory_space<semaphore_mem>>)
    %dma_start3A_20 = arith.constant 0 : i32
    %dma_start3A_21 = arith.constant 0 : i32
    %dma_start3A_22 = arith.constant 0 : i32
    %dma_start3A_23 = arith.constant 0 : i32
    %dma_start3A_24 = tpu.memref_slice %arg7[%dma_start3A_21, %dma_start3A_22, %dma_start3A_23] : memref<3x1x80xi32, #tpu.memory_space<vmem>> -> memref<1x1x80xi32, #tpu.memory_space<vmem>>
    %dma_start3A_25 = tpu.memref_squeeze %dma_start3A_24 : memref<1x1x80xi32, #tpu.memory_space<vmem>> -> memref<1x80xi32, #tpu.memory_space<vmem>>
    %dma_start3A_26 = arith.constant 0 : i32
    %dma_start3A_27 = arith.constant 0 : i32
    %dma_start3A_28 = tpu.memref_slice %arg3[%add3A, %dma_start3A_20, %dma_start3A_26, %dma_start3A_27] : memref<32x125x1x80xi32, #tpu.memory_space<hbm>> -> memref<1x1x1x80xi32, #tpu.memory_space<hbm>>
    %dma_start3A_29 = tpu.memref_squeeze %dma_start3A_28 : memref<1x1x1x80xi32, #tpu.memory_space<hbm>> -> memref<1x80xi32, #tpu.memory_space<hbm>>
    %dma_start3A_30 = arith.constant 0 : i32
    %dma_start3A_31 = arith.constant 0 : i32
    %dma_start3A_32 = tpu.memref_slice %arg7[%dma_start3A_21, %dma_start3A_30, %dma_start3A_31] : memref<3x1x80xi32, #tpu.memory_space<vmem>> -> memref<1x1x80xi32, #tpu.memory_space<vmem>>
    %dma_start3A_33 = tpu.memref_squeeze %dma_start3A_32 : memref<1x1x80xi32, #tpu.memory_space<vmem>> -> memref<1x80xi32, #tpu.memory_space<vmem>>
    %dma_start3A_34 = arith.constant 0 : i32
    %dma_start3A_35 = arith.constant 0 : i32
    %dma_start3A_36 = tpu.memref_slice %arg3[%add3A, %dma_start3A_20, %dma_start3A_34, %dma_start3A_35] : memref<32x125x1x80xi32, #tpu.memory_space<hbm>> -> memref<1x1x1x80xi32, #tpu.memory_space<hbm>>
    %dma_start3A_37 = tpu.memref_squeeze %dma_start3A_36 : memref<1x1x1x80xi32, #tpu.memory_space<hbm>> -> memref<1x80xi32, #tpu.memory_space<hbm>>
    tpu.enqueue_dma source(%dma_start3A_37 : memref<1x80xi32, #tpu.memory_space<hbm>>) target(%dma_start3A_33 : memref<1x80xi32, #tpu.memory_space<vmem>>) target_semaphore(%arg17 : memref<!tpu.dma_semaphore, #tpu.memory_space<semaphore_mem>>)
    %dma_start3A_38 = arith.constant 1 : i32
    %dma_start3A_39 = arith.constant 1 : i32
    %dma_start3A_40 = arith.constant 0 : i32
    %dma_start3A_41 = arith.constant 0 : i32
    %dma_start3A_42 = tpu.memref_slice %arg8[%dma_start3A_39, %dma_start3A_40, %dma_start3A_41] : memref<3x1x80xi32, #tpu.memory_space<vmem>> -> memref<1x1x80xi32, #tpu.memory_space<vmem>>
    %dma_start3A_43 = tpu.memref_squeeze %dma_start3A_42 : memref<1x1x80xi32, #tpu.memory_space<vmem>> -> memref<1x80xi32, #tpu.memory_space<vmem>>
    %dma_start3A_44 = arith.constant 0 : i32
    %dma_start3A_45 = arith.constant 0 : i32
    %dma_start3A_46 = tpu.memref_slice %arg4[%add3A, %dma_start3A_38, %dma_start3A_44, %dma_start3A_45] : memref<32x125x1x80xi32, #tpu.memory_space<hbm>> -> memref<1x1x1x80xi32, #tpu.memory_space<hbm>>
    %dma_start3A_47 = tpu.memref_squeeze %dma_start3A_46 : memref<1x1x1x80xi32, #tpu.memory_space<hbm>> -> memref<1x80xi32, #tpu.memory_space<hbm>>
    %dma_start3A_48 = arith.constant 0 : i32
    %dma_start3A_49 = arith.constant 0 : i32
    %dma_start3A_50 = tpu.memref_slice %arg8[%dma_start3A_39, %dma_start3A_48, %dma_start3A_49] : memref<3x1x80xi32, #tpu.memory_space<vmem>> -> memref<1x1x80xi32, #tpu.memory_space<vmem>>
    %dma_start3A_51 = tpu.memref_squeeze %dma_start3A_50 : memref<1x1x80xi32, #tpu.memory_space<vmem>> -> memref<1x80xi32, #tpu.memory_space<vmem>>
    %dma_start3A_52 = arith.constant 0 : i32
    %dma_start3A_53 = arith.constant 0 : i32
    %dma_start3A_54 = tpu.memref_slice %arg4[%add3A, %dma_start3A_38, %dma_start3A_52, %dma_start3A_53] : memref<32x125x1x80xi32, #tpu.memory_space<hbm>> -> memref<1x1x1x80xi32, #tpu.memory_space<hbm>>
    %dma_start3A_55 = tpu.memref_squeeze %dma_start3A_54 : memref<1x1x1x80xi32, #tpu.memory_space<hbm>> -> memref<1x80xi32, #tpu.memory_space<hbm>>
    tpu.enqueue_dma source(%dma_start3A_55 : memref<1x80xi32, #tpu.memory_space<hbm>>) target(%dma_start3A_51 : memref<1x80xi32, #tpu.memory_space<vmem>>) target_semaphore(%arg15 : memref<!tpu.dma_semaphore, #tpu.memory_space<semaphore_mem>>)
    %dma_start3A_56 = arith.constant 1 : i32
    %dma_start3A_57 = arith.constant 1 : i32
    %dma_start3A_58 = arith.constant 0 : i32
    %dma_start3A_59 = arith.constant 0 : i32
    %dma_start3A_60 = tpu.memref_slice %arg7[%dma_start3A_57, %dma_start3A_58, %dma_start3A_59] : memref<3x1x80xi32, #tpu.memory_space<vmem>> -> memref<1x1x80xi32, #tpu.memory_space<vmem>>
    %dma_start3A_61 = tpu.memref_squeeze %dma_start3A_60 : memref<1x1x80xi32, #tpu.memory_space<vmem>> -> memref<1x80xi32, #tpu.memory_space<vmem>>
    %dma_start3A_62 = arith.constant 0 : i32
    %dma_start3A_63 = arith.constant 0 : i32
    %dma_start3A_64 = tpu.memref_slice %arg3[%add3A, %dma_start3A_56, %dma_start3A_62, %dma_start3A_63] : memref<32x125x1x80xi32, #tpu.memory_space<hbm>> -> memref<1x1x1x80xi32, #tpu.memory_space<hbm>>
    %dma_start3A_65 = tpu.memref_squeeze %dma_start3A_64 : memref<1x1x1x80xi32, #tpu.memory_space<hbm>> -> memref<1x80xi32, #tpu.memory_space<hbm>>
    %dma_start3A_66 = arith.constant 0 : i32
    %dma_start3A_67 = arith.constant 0 : i32
    %dma_start3A_68 = tpu.memref_slice %arg7[%dma_start3A_57, %dma_start3A_66, %dma_start3A_67] : memref<3x1x80xi32, #tpu.memory_space<vmem>> -> memref<1x1x80xi32, #tpu.memory_space<vmem>>
    %dma_start3A_69 = tpu.memref_squeeze %dma_start3A_68 : memref<1x1x80xi32, #tpu.memory_space<vmem>> -> memref<1x80xi32, #tpu.memory_space<vmem>>
    %dma_start3A_70 = arith.constant 0 : i32
    %dma_start3A_71 = arith.constant 0 : i32
    %dma_start3A_72 = tpu.memref_slice %arg3[%add3A, %dma_start3A_56, %dma_start3A_70, %dma_start3A_71] : memref<32x125x1x80xi32, #tpu.memory_space<hbm>> -> memref<1x1x1x80xi32, #tpu.memory_space<hbm>>
    %dma_start3A_73 = tpu.memref_squeeze %dma_start3A_72 : memref<1x1x1x80xi32, #tpu.memory_space<hbm>> -> memref<1x80xi32, #tpu.memory_space<hbm>>
    tpu.enqueue_dma source(%dma_start3A_73 : memref<1x80xi32, #tpu.memory_space<hbm>>) target(%dma_start3A_69 : memref<1x80xi32, #tpu.memory_space<vmem>>) target_semaphore(%arg18 : memref<!tpu.dma_semaphore, #tpu.memory_space<semaphore_mem>>)
    %dma_start3A_74 = arith.constant 2 : i32
    %dma_start3A_75 = arith.constant 2 : i32
    %dma_start3A_76 = arith.constant 0 : i32
    %dma_start3A_77 = arith.constant 0 : i32
    %dma_start3A_78 = tpu.memref_slice %arg8[%dma_start3A_75, %dma_start3A_76, %dma_start3A_77] : memref<3x1x80xi32, #tpu.memory_space<vmem>> -> memref<1x1x80xi32, #tpu.memory_space<vmem>>
    %dma_start3A_79 = tpu.memref_squeeze %dma_start3A_78 : memref<1x1x80xi32, #tpu.memory_space<vmem>> -> memref<1x80xi32, #tpu.memory_space<vmem>>
    %dma_start3A_80 = arith.constant 0 : i32
    %dma_start3A_81 = arith.constant 0 : i32
    %dma_start3A_82 = tpu.memref_slice %arg4[%add3A, %dma_start3A_74, %dma_start3A_80, %dma_start3A_81] : memref<32x125x1x80xi32, #tpu.memory_space<hbm>> -> memref<1x1x1x80xi32, #tpu.memory_space<hbm>>
    %dma_start3A_83 = tpu.memref_squeeze %dma_start3A_82 : memref<1x1x1x80xi32, #tpu.memory_space<hbm>> -> memref<1x80xi32, #tpu.memory_space<hbm>>
    %dma_start3A_84 = arith.constant 0 : i32
    %dma_start3A_85 = arith.constant 0 : i32
    %dma_start3A_86 = tpu.memref_slice %arg8[%dma_start3A_75, %dma_start3A_84, %dma_start3A_85] : memref<3x1x80xi32, #tpu.memory_space<vmem>> -> memref<1x1x80xi32, #tpu.memory_space<vmem>>
    %dma_start3A_87 = tpu.memref_squeeze %dma_start3A_86 : memref<1x1x80xi32, #tpu.memory_space<vmem>> -> memref<1x80xi32, #tpu.memory_space<vmem>>
    %dma_start3A_88 = arith.constant 0 : i32
    %dma_start3A_89 = arith.constant 0 : i32
    %dma_start3A_90 = tpu.memref_slice %arg4[%add3A, %dma_start3A_74, %dma_start3A_88, %dma_start3A_89] : memref<32x125x1x80xi32, #tpu.memory_space<hbm>> -> memref<1x1x1x80xi32, #tpu.memory_space<hbm>>
    %dma_start3A_91 = tpu.memref_squeeze %dma_start3A_90 : memref<1x1x1x80xi32, #tpu.memory_space<hbm>> -> memref<1x80xi32, #tpu.memory_space<hbm>>
    tpu.enqueue_dma source(%dma_start3A_91 : memref<1x80xi32, #tpu.memory_space<hbm>>) target(%dma_start3A_87 : memref<1x80xi32, #tpu.memory_space<vmem>>) target_semaphore(%arg16 : memref<!tpu.dma_semaphore, #tpu.memory_space<semaphore_mem>>)
    %dma_start3A_92 = arith.constant 2 : i32
    %dma_start3A_93 = arith.constant 2 : i32
    %dma_start3A_94 = arith.constant 0 : i32
    %dma_start3A_95 = arith.constant 0 : i32
    %dma_start3A_96 = tpu.memref_slice %arg7[%dma_start3A_93, %dma_start3A_94, %dma_start3A_95] : memref<3x1x80xi32, #tpu.memory_space<vmem>> -> memref<1x1x80xi32, #tpu.memory_space<vmem>>
    %dma_start3A_97 = tpu.memref_squeeze %dma_start3A_96 : memref<1x1x80xi32, #tpu.memory_space<vmem>> -> memref<1x80xi32, #tpu.memory_space<vmem>>
    %dma_start3A_98 = arith.constant 0 : i32
    %dma_start3A_99 = arith.constant 0 : i32
    %dma_start3A_100 = tpu.memref_slice %arg3[%add3A, %dma_start3A_92, %dma_start3A_98, %dma_start3A_99] : memref<32x125x1x80xi32, #tpu.memory_space<hbm>> -> memref<1x1x1x80xi32, #tpu.memory_space<hbm>>
    %dma_start3A_101 = tpu.memref_squeeze %dma_start3A_100 : memref<1x1x1x80xi32, #tpu.memory_space<hbm>> -> memref<1x80xi32, #tpu.memory_space<hbm>>
    %dma_start3A_102 = arith.constant 0 : i32
    %dma_start3A_103 = arith.constant 0 : i32
    %dma_start3A_104 = tpu.memref_slice %arg7[%dma_start3A_93, %dma_start3A_102, %dma_start3A_103] : memref<3x1x80xi32, #tpu.memory_space<vmem>> -> memref<1x1x80xi32, #tpu.memory_space<vmem>>
    %dma_start3A_105 = tpu.memref_squeeze %dma_start3A_104 : memref<1x1x80xi32, #tpu.memory_space<vmem>> -> memref<1x80xi32, #tpu.memory_space<vmem>>
    %dma_start3A_106 = arith.constant 0 : i32
    %dma_start3A_107 = arith.constant 0 : i32
    %dma_start3A_108 = tpu.memref_slice %arg3[%add3A, %dma_start3A_92, %dma_start3A_106, %dma_start3A_107] : memref<32x125x1x80xi32, #tpu.memory_space<hbm>> -> memref<1x1x1x80xi32, #tpu.memory_space<hbm>>
    %dma_start3A_109 = tpu.memref_squeeze %dma_start3A_108 : memref<1x1x1x80xi32, #tpu.memory_space<hbm>> -> memref<1x80xi32, #tpu.memory_space<hbm>>
    tpu.enqueue_dma source(%dma_start3A_109 : memref<1x80xi32, #tpu.memory_space<hbm>>) target(%dma_start3A_105 : memref<1x80xi32, #tpu.memory_space<vmem>>) target_semaphore(%arg19 : memref<!tpu.dma_semaphore, #tpu.memory_space<semaphore_mem>>)
    %dma_wait3A = arith.constant 0 : i32
    %dma_wait3A_110 = arith.constant 0 : i32
    %dma_wait3A_111 = arith.constant 0 : i32
    %dma_wait3A_112 = arith.constant 0 : i32
    %dma_wait3A_113 = tpu.memref_slice %arg7[%dma_wait3A_110, %dma_wait3A_111, %dma_wait3A_112] : memref<3x1x80xi32, #tpu.memory_space<vmem>> -> memref<1x1x80xi32, #tpu.memory_space<vmem>>
    %dma_wait3A_114 = tpu.memref_squeeze %dma_wait3A_113 : memref<1x1x80xi32, #tpu.memory_space<vmem>> -> memref<1x80xi32, #tpu.memory_space<vmem>>
    %dma_wait3A_115 = arith.constant 0 : i32
    %dma_wait3A_116 = arith.constant 0 : i32
    %dma_wait3A_117 = tpu.memref_slice %arg3[%add3A, %dma_wait3A, %dma_wait3A_115, %dma_wait3A_116] : memref<32x125x1x80xi32, #tpu.memory_space<hbm>> -> memref<1x1x1x80xi32, #tpu.memory_space<hbm>>
    %dma_wait3A_118 = tpu.memref_squeeze %dma_wait3A_117 : memref<1x1x1x80xi32, #tpu.memory_space<hbm>> -> memref<1x80xi32, #tpu.memory_space<hbm>>
    %dma_wait3A_119 = arith.constant 0 : i32
    %dma_wait3A_120 = arith.constant 0 : i32
    %dma_wait3A_121 = tpu.memref_slice %arg7[%dma_wait3A_110, %dma_wait3A_119, %dma_wait3A_120] : memref<3x1x80xi32, #tpu.memory_space<vmem>> -> memref<1x1x80xi32, #tpu.memory_space<vmem>>
    %dma_wait3A_122 = tpu.memref_squeeze %dma_wait3A_121 : memref<1x1x80xi32, #tpu.memory_space<vmem>> -> memref<1x80xi32, #tpu.memory_space<vmem>>
    %dma_wait3A_123 = arith.constant 0 : i32
    %dma_wait3A_124 = arith.constant 0 : i32
    %dma_wait3A_125 = tpu.memref_slice %arg3[%add3A, %dma_wait3A, %dma_wait3A_123, %dma_wait3A_124] : memref<32x125x1x80xi32, #tpu.memory_space<hbm>> -> memref<1x1x1x80xi32, #tpu.memory_space<hbm>>
    %dma_wait3A_126 = tpu.memref_squeeze %dma_wait3A_125 : memref<1x1x1x80xi32, #tpu.memory_space<hbm>> -> memref<1x80xi32, #tpu.memory_space<hbm>>
    tpu.wait_dma2 semaphore(%arg17 : memref<!tpu.dma_semaphore, #tpu.memory_space<semaphore_mem>>) src(%dma_wait3A_126 : memref<1x80xi32, #tpu.memory_space<hbm>>) dst(%dma_wait3A_122 : memref<1x80xi32, #tpu.memory_space<vmem>>)
    %dma_start3A_127 = arith.constant 0 : i32
    %dma_start3A_128 = arith.constant 0 : i32
    %dma_start3A_129 = arith.constant 0 : i32
    %dma_start3A_130 = arith.constant 0 : i32
    %dma_start3A_131 = arith.constant 0 : i32
    %dma_start3A_132 = tpu.memref_slice %arg9[%dma_start3A_129, %dma_start3A_130, %dma_start3A_131] : memref<3x80x128xf32, #tpu.memory_space<vmem>> -> memref<1x80x128xf32, #tpu.memory_space<vmem>>
    %dma_start3A_133 = tpu.memref_squeeze %dma_start3A_132 : memref<1x80x128xf32, #tpu.memory_space<vmem>> -> memref<80x128xf32, #tpu.memory_space<vmem>>
    %dma_start3A_134 = arith.constant 0 : i32
    %dma_start3A_135 = tpu.memref_slice %arg7[%dma_start3A_127, %dma_start3A_128, %dma_start3A_134] : memref<3x1x80xi32, #tpu.memory_space<vmem>> -> memref<1x1x80xi32, #tpu.memory_space<vmem>>
    %dma_start3A_136 = tpu.memref_squeeze %dma_start3A_135 : memref<1x1x80xi32, #tpu.memory_space<vmem>> -> memref<80xi32, #tpu.memory_space<vmem>>
    %dma_start3A_137 = arith.constant 0 : i32
    %dma_start3A_138 = arith.constant 0 : i32
    %dma_start3A_139 = tpu.memref_slice %arg2[%dma_start3A_137, %dma_start3A_138] : memref<10000x128xf32, #tpu.memory_space<hbm>> -> memref<10000x128xf32, #tpu.memory_space<hbm>>
    tpu.enqueue_indirect_dma source(%dma_start3A_139 : memref<10000x128xf32, #tpu.memory_space<hbm>>) target(%dma_start3A_133 : memref<80x128xf32, #tpu.memory_space<vmem>>) offsets(%dma_start3A_136 : memref<80xi32, #tpu.memory_space<vmem>>) semaphore(%arg11 : memref<!tpu.dma_semaphore, #tpu.memory_space<semaphore_mem>>)
    %dma_wait3A_140 = arith.constant 1 : i32
    %dma_wait3A_141 = arith.constant 1 : i32
    %dma_wait3A_142 = arith.constant 0 : i32
    %dma_wait3A_143 = arith.constant 0 : i32
    %dma_wait3A_144 = tpu.memref_slice %arg7[%dma_wait3A_141, %dma_wait3A_142, %dma_wait3A_143] : memref<3x1x80xi32, #tpu.memory_space<vmem>> -> memref<1x1x80xi32, #tpu.memory_space<vmem>>
    %dma_wait3A_145 = tpu.memref_squeeze %dma_wait3A_144 : memref<1x1x80xi32, #tpu.memory_space<vmem>> -> memref<1x80xi32, #tpu.memory_space<vmem>>
    %dma_wait3A_146 = arith.constant 0 : i32
    %dma_wait3A_147 = arith.constant 0 : i32
    %dma_wait3A_148 = tpu.memref_slice %arg3[%add3A, %dma_wait3A_140, %dma_wait3A_146, %dma_wait3A_147] : memref<32x125x1x80xi32, #tpu.memory_space<hbm>> -> memref<1x1x1x80xi32, #tpu.memory_space<hbm>>
    %dma_wait3A_149 = tpu.memref_squeeze %dma_wait3A_148 : memref<1x1x1x80xi32, #tpu.memory_space<hbm>> -> memref<1x80xi32, #tpu.memory_space<hbm>>
    %dma_wait3A_150 = arith.constant 0 : i32
    %dma_wait3A_151 = arith.constant 0 : i32
    %dma_wait3A_152 = tpu.memref_slice %arg7[%dma_wait3A_141, %dma_wait3A_150, %dma_wait3A_151] : memref<3x1x80xi32, #tpu.memory_space<vmem>> -> memref<1x1x80xi32, #tpu.memory_space<vmem>>
    %dma_wait3A_153 = tpu.memref_squeeze %dma_wait3A_152 : memref<1x1x80xi32, #tpu.memory_space<vmem>> -> memref<1x80xi32, #tpu.memory_space<vmem>>
    %dma_wait3A_154 = arith.constant 0 : i32
    %dma_wait3A_155 = arith.constant 0 : i32
    %dma_wait3A_156 = tpu.memref_slice %arg3[%add3A, %dma_wait3A_140, %dma_wait3A_154, %dma_wait3A_155] : memref<32x125x1x80xi32, #tpu.memory_space<hbm>> -> memref<1x1x1x80xi32, #tpu.memory_space<hbm>>
    %dma_wait3A_157 = tpu.memref_squeeze %dma_wait3A_156 : memref<1x1x1x80xi32, #tpu.memory_space<hbm>> -> memref<1x80xi32, #tpu.memory_space<hbm>>
    tpu.wait_dma2 semaphore(%arg18 : memref<!tpu.dma_semaphore, #tpu.memory_space<semaphore_mem>>) src(%dma_wait3A_157 : memref<1x80xi32, #tpu.memory_space<hbm>>) dst(%dma_wait3A_153 : memref<1x80xi32, #tpu.memory_space<vmem>>)
    %dma_start3A_158 = arith.constant 1 : i32
    %dma_start3A_159 = arith.constant 0 : i32
    %dma_start3A_160 = arith.constant 1 : i32
    %dma_start3A_161 = arith.constant 0 : i32
    %dma_start3A_162 = arith.constant 0 : i32
    %dma_start3A_163 = tpu.memref_slice %arg9[%dma_start3A_160, %dma_start3A_161, %dma_start3A_162] : memref<3x80x128xf32, #tpu.memory_space<vmem>> -> memref<1x80x128xf32, #tpu.memory_space<vmem>>
    %dma_start3A_164 = tpu.memref_squeeze %dma_start3A_163 : memref<1x80x128xf32, #tpu.memory_space<vmem>> -> memref<80x128xf32, #tpu.memory_space<vmem>>
    %dma_start3A_165 = arith.constant 0 : i32
    %dma_start3A_166 = tpu.memref_slice %arg7[%dma_start3A_158, %dma_start3A_159, %dma_start3A_165] : memref<3x1x80xi32, #tpu.memory_space<vmem>> -> memref<1x1x80xi32, #tpu.memory_space<vmem>>
    %dma_start3A_167 = tpu.memref_squeeze %dma_start3A_166 : memref<1x1x80xi32, #tpu.memory_space<vmem>> -> memref<80xi32, #tpu.memory_space<vmem>>
    %dma_start3A_168 = arith.constant 0 : i32
    %dma_start3A_169 = arith.constant 0 : i32
    %dma_start3A_170 = tpu.memref_slice %arg2[%dma_start3A_168, %dma_start3A_169] : memref<10000x128xf32, #tpu.memory_space<hbm>> -> memref<10000x128xf32, #tpu.memory_space<hbm>>
    tpu.enqueue_indirect_dma source(%dma_start3A_170 : memref<10000x128xf32, #tpu.memory_space<hbm>>) target(%dma_start3A_164 : memref<80x128xf32, #tpu.memory_space<vmem>>) offsets(%dma_start3A_167 : memref<80xi32, #tpu.memory_space<vmem>>) semaphore(%arg12 : memref<!tpu.dma_semaphore, #tpu.memory_space<semaphore_mem>>)
    %scan3A = arith.constant 0 : i32
    %scan3A_171 = arith.constant 0 : i32
    %scan3A_172 = arith.constant 41 : i32
    %scan3A_173 = arith.addi %scan3A_171, %scan3A_172 : i32
    %scan3A_174 = arith.constant 1 : i32
    scf.for %scan3A_251 = %scan3A_171 to %scan3A_173 step %scan3A_174  : i32 {
      %mul3A_252 = arith.constant 3 : i32
      %mul3A_253 = arith.muli %scan3A_251, %mul3A_252 : i32
      %add3A_254 = arith.constant 0 : i32
      %add3A_255 = arith.addi %mul3A_253, %add3A_254 : i32
      %dma_wait3A_256 = arith.constant 0 : i32
      %dma_wait3A_257 = arith.constant 0 : i32
      %dma_wait3A_258 = arith.constant 0 : i32
      %dma_wait3A_259 = tpu.memref_slice %arg8[%dma_wait3A_256, %dma_wait3A_257, %dma_wait3A_258] : memref<3x1x80xi32, #tpu.memory_space<vmem>> -> memref<1x1x80xi32, #tpu.memory_space<vmem>>
      %dma_wait3A_260 = tpu.memref_squeeze %dma_wait3A_259 : memref<1x1x80xi32, #tpu.memory_space<vmem>> -> memref<1x80xi32, #tpu.memory_space<vmem>>
      %dma_wait3A_261 = arith.constant 0 : i32
      %dma_wait3A_262 = arith.constant 0 : i32
      %dma_wait3A_263 = tpu.memref_slice %arg4[%add3A, %add3A_255, %dma_wait3A_261, %dma_wait3A_262] : memref<32x125x1x80xi32, #tpu.memory_space<hbm>> -> memref<1x1x1x80xi32, #tpu.memory_space<hbm>>
      %dma_wait3A_264 = tpu.memref_squeeze %dma_wait3A_263 : memref<1x1x1x80xi32, #tpu.memory_space<hbm>> -> memref<1x80xi32, #tpu.memory_space<hbm>>
      %dma_wait3A_265 = arith.constant 0 : i32
      %dma_wait3A_266 = arith.constant 0 : i32
      %dma_wait3A_267 = tpu.memref_slice %arg8[%dma_wait3A_256, %dma_wait3A_265, %dma_wait3A_266] : memref<3x1x80xi32, #tpu.memory_space<vmem>> -> memref<1x1x80xi32, #tpu.memory_space<vmem>>
      %dma_wait3A_268 = tpu.memref_squeeze %dma_wait3A_267 : memref<1x1x80xi32, #tpu.memory_space<vmem>> -> memref<1x80xi32, #tpu.memory_space<vmem>>
      %dma_wait3A_269 = arith.constant 0 : i32
      %dma_wait3A_270 = arith.constant 0 : i32
      %dma_wait3A_271 = tpu.memref_slice %arg4[%add3A, %add3A_255, %dma_wait3A_269, %dma_wait3A_270] : memref<32x125x1x80xi32, #tpu.memory_space<hbm>> -> memref<1x1x1x80xi32, #tpu.memory_space<hbm>>
      %dma_wait3A_272 = tpu.memref_squeeze %dma_wait3A_271 : memref<1x1x1x80xi32, #tpu.memory_space<hbm>> -> memref<1x80xi32, #tpu.memory_space<hbm>>
      tpu.wait_dma2 semaphore(%arg14 : memref<!tpu.dma_semaphore, #tpu.memory_space<semaphore_mem>>) src(%dma_wait3A_272 : memref<1x80xi32, #tpu.memory_space<hbm>>) dst(%dma_wait3A_268 : memref<1x80xi32, #tpu.memory_space<vmem>>)
      %dma_wait3A_273 = arith.constant 0 : i32
      %dma_wait3A_274 = arith.constant 0 : i32
      %dma_wait3A_275 = arith.constant 0 : i32
      %dma_wait3A_276 = arith.constant 0 : i32
      %dma_wait3A_277 = arith.constant 0 : i32
      %dma_wait3A_278 = tpu.memref_slice %arg9[%dma_wait3A_275, %dma_wait3A_276, %dma_wait3A_277] : memref<3x80x128xf32, #tpu.memory_space<vmem>> -> memref<1x80x128xf32, #tpu.memory_space<vmem>>
      %dma_wait3A_279 = tpu.memref_squeeze %dma_wait3A_278 : memref<1x80x128xf32, #tpu.memory_space<vmem>> -> memref<80x128xf32, #tpu.memory_space<vmem>>
      %dma_wait3A_280 = arith.constant 0 : i32
      %dma_wait3A_281 = tpu.memref_slice %arg7[%dma_wait3A_273, %dma_wait3A_274, %dma_wait3A_280] : memref<3x1x80xi32, #tpu.memory_space<vmem>> -> memref<1x1x80xi32, #tpu.memory_space<vmem>>
      %dma_wait3A_282 = tpu.memref_squeeze %dma_wait3A_281 : memref<1x1x80xi32, #tpu.memory_space<vmem>> -> memref<80xi32, #tpu.memory_space<vmem>>
      %dma_wait3A_283 = arith.constant 0 : i32
      %dma_wait3A_284 = arith.constant 0 : i32
      %dma_wait3A_285 = tpu.memref_slice %arg2[%dma_wait3A_283, %dma_wait3A_284] : memref<10000x128xf32, #tpu.memory_space<hbm>> -> memref<10000x128xf32, #tpu.memory_space<hbm>>
      tpu.wait_indirect_dma semaphore(%arg11 : memref<!tpu.dma_semaphore, #tpu.memory_space<semaphore_mem>>) src(%dma_wait3A_285 : memref<10000x128xf32, #tpu.memory_space<hbm>>) dst(%dma_wait3A_279 : memref<80x128xf32, #tpu.memory_space<vmem>>)
      %run_scoped3A_286 = arith.constant 0 : i32
      %run_scoped3A_287 = arith.constant 0 : i32
      %run_scoped3A_288 = arith.constant 0 : i32
      "tpu.region"() ({
        %run_scoped3A_407 = tpu.sem_alloc : memref<!tpu.dma_semaphore, #tpu.memory_space<semaphore_mem>>
        %dma_start3A_408 = arith.constant 0 : i32
        %dma_start3A_409 = arith.constant 0 : i32
        %dma_start3A_410 = tpu.memref_slice %arg9[%run_scoped3A_286, %dma_start3A_408, %dma_start3A_409] : memref<3x80x128xf32, #tpu.memory_space<vmem>> -> memref<1x80x128xf32, #tpu.memory_space<vmem>>
        %dma_start3A_411 = tpu.memref_squeeze %dma_start3A_410 : memref<1x80x128xf32, #tpu.memory_space<vmem>> -> memref<80x128xf32, #tpu.memory_space<vmem>>
        %dma_start3A_412 = arith.constant 0 : i32
        %dma_start3A_413 = tpu.memref_slice %arg8[%run_scoped3A_287, %run_scoped3A_288, %dma_start3A_412] : memref<3x1x80xi32, #tpu.memory_space<vmem>> -> memref<1x1x80xi32, #tpu.memory_space<vmem>>
        %dma_start3A_414 = tpu.memref_squeeze %dma_start3A_413 : memref<1x1x80xi32, #tpu.memory_space<vmem>> -> memref<80xi32, #tpu.memory_space<vmem>>
        %dma_start3A_415 = arith.constant 0 : i32
        %dma_start3A_416 = arith.constant 0 : i32
        %dma_start3A_417 = tpu.memref_slice %arg10[%dma_start3A_415, %dma_start3A_416] : memref<10112x128xf32, #tpu.memory_space<vmem_shared>> -> memref<10112x128xf32, #tpu.memory_space<vmem_shared>>
        tpu.enqueue_indirect_dma source(%dma_start3A_411 : memref<80x128xf32, #tpu.memory_space<vmem>>) target(%dma_start3A_417 : memref<10112x128xf32, #tpu.memory_space<vmem_shared>>) offsets(%dma_start3A_414 : memref<80xi32, #tpu.memory_space<vmem>>) semaphore(%run_scoped3A_407 : memref<!tpu.dma_semaphore, #tpu.memory_space<semaphore_mem>>) {add = true}
        %dma_wait3A_418 = arith.constant 0 : i32
        %dma_wait3A_419 = arith.constant 0 : i32
        %dma_wait3A_420 = tpu.memref_slice %arg9[%run_scoped3A_286, %dma_wait3A_418, %dma_wait3A_419] : memref<3x80x128xf32, #tpu.memory_space<vmem>> -> memref<1x80x128xf32, #tpu.memory_space<vmem>>
        %dma_wait3A_421 = tpu.memref_squeeze %dma_wait3A_420 : memref<1x80x128xf32, #tpu.memory_space<vmem>> -> memref<80x128xf32, #tpu.memory_space<vmem>>
        %dma_wait3A_422 = arith.constant 0 : i32
        %dma_wait3A_423 = tpu.memref_slice %arg8[%run_scoped3A_287, %run_scoped3A_288, %dma_wait3A_422] : memref<3x1x80xi32, #tpu.memory_space<vmem>> -> memref<1x1x80xi32, #tpu.memory_space<vmem>>
        %dma_wait3A_424 = tpu.memref_squeeze %dma_wait3A_423 : memref<1x1x80xi32, #tpu.memory_space<vmem>> -> memref<80xi32, #tpu.memory_space<vmem>>
        %dma_wait3A_425 = arith.constant 0 : i32
        %dma_wait3A_426 = arith.constant 0 : i32
        %dma_wait3A_427 = tpu.memref_slice %arg10[%dma_wait3A_425, %dma_wait3A_426] : memref<10112x128xf32, #tpu.memory_space<vmem_shared>> -> memref<10112x128xf32, #tpu.memory_space<vmem_shared>>
        tpu.wait_indirect_dma semaphore(%run_scoped3A_407 : memref<!tpu.dma_semaphore, #tpu.memory_space<semaphore_mem>>) src(%dma_wait3A_421 : memref<80x128xf32, #tpu.memory_space<vmem>>) dst(%dma_wait3A_427 : memref<10112x128xf32, #tpu.memory_space<vmem_shared>>)
        tpu.yield
      }) : () -> ()
      %add3A_289 = arith.constant 3 : i32
      %add3A_290 = arith.addi %add3A_255, %add3A_289 : i32
      %lt3A = arith.constant 125 : i32
      %lt3A_291 = arith.cmpi slt, %add3A_290, %lt3A : i32
      %convert_element_type3A = arith.extui %lt3A_291 : i1 to i32
      %cond3A = arith.constant 0 : i32
      %cond3A_292 = arith.cmpi ne, %convert_element_type3A, %cond3A : i32
      scf.if %cond3A_292 {
        %dma_start3A_407 = arith.constant 0 : i32
        %dma_start3A_408 = arith.constant 0 : i32
        %dma_start3A_409 = arith.constant 0 : i32
        %dma_start3A_410 = tpu.memref_slice %arg8[%dma_start3A_407, %dma_start3A_408, %dma_start3A_409] : memref<3x1x80xi32, #tpu.memory_space<vmem>> -> memref<1x1x80xi32, #tpu.memory_space<vmem>>
        %dma_start3A_411 = tpu.memref_squeeze %dma_start3A_410 : memref<1x1x80xi32, #tpu.memory_space<vmem>> -> memref<1x80xi32, #tpu.memory_space<vmem>>
        %dma_start3A_412 = arith.constant 0 : i32
        %dma_start3A_413 = arith.constant 0 : i32
        %dma_start3A_414 = tpu.memref_slice %arg4[%add3A, %add3A_290, %dma_start3A_412, %dma_start3A_413] : memref<32x125x1x80xi32, #tpu.memory_space<hbm>> -> memref<1x1x1x80xi32, #tpu.memory_space<hbm>>
        %dma_start3A_415 = tpu.memref_squeeze %dma_start3A_414 : memref<1x1x1x80xi32, #tpu.memory_space<hbm>> -> memref<1x80xi32, #tpu.memory_space<hbm>>
        %dma_start3A_416 = arith.constant 0 : i32
        %dma_start3A_417 = arith.constant 0 : i32
        %dma_start3A_418 = tpu.memref_slice %arg8[%dma_start3A_407, %dma_start3A_416, %dma_start3A_417] : memref<3x1x80xi32, #tpu.memory_space<vmem>> -> memref<1x1x80xi32, #tpu.memory_space<vmem>>
        %dma_start3A_419 = tpu.memref_squeeze %dma_start3A_418 : memref<1x1x80xi32, #tpu.memory_space<vmem>> -> memref<1x80xi32, #tpu.memory_space<vmem>>
        %dma_start3A_420 = arith.constant 0 : i32
        %dma_start3A_421 = arith.constant 0 : i32
        %dma_start3A_422 = tpu.memref_slice %arg4[%add3A, %add3A_290, %dma_start3A_420, %dma_start3A_421] : memref<32x125x1x80xi32, #tpu.memory_space<hbm>> -> memref<1x1x1x80xi32, #tpu.memory_space<hbm>>
        %dma_start3A_423 = tpu.memref_squeeze %dma_start3A_422 : memref<1x1x1x80xi32, #tpu.memory_space<hbm>> -> memref<1x80xi32, #tpu.memory_space<hbm>>
        tpu.enqueue_dma source(%dma_start3A_423 : memref<1x80xi32, #tpu.memory_space<hbm>>) target(%dma_start3A_419 : memref<1x80xi32, #tpu.memory_space<vmem>>) target_semaphore(%arg14 : memref<!tpu.dma_semaphore, #tpu.memory_space<semaphore_mem>>)
        %dma_start3A_424 = arith.constant 0 : i32
        %dma_start3A_425 = arith.constant 0 : i32
        %dma_start3A_426 = arith.constant 0 : i32
        %dma_start3A_427 = tpu.memref_slice %arg7[%dma_start3A_424, %dma_start3A_425, %dma_start3A_426] : memref<3x1x80xi32, #tpu.memory_space<vmem>> -> memref<1x1x80xi32, #tpu.memory_space<vmem>>
        %dma_start3A_428 = tpu.memref_squeeze %dma_start3A_427 : memref<1x1x80xi32, #tpu.memory_space<vmem>> -> memref<1x80xi32, #tpu.memory_space<vmem>>
        %dma_start3A_429 = arith.constant 0 : i32
        %dma_start3A_430 = arith.constant 0 : i32
        %dma_start3A_431 = tpu.memref_slice %arg3[%add3A, %add3A_290, %dma_start3A_429, %dma_start3A_430] : memref<32x125x1x80xi32, #tpu.memory_space<hbm>> -> memref<1x1x1x80xi32, #tpu.memory_space<hbm>>
        %dma_start3A_432 = tpu.memref_squeeze %dma_start3A_431 : memref<1x1x1x80xi32, #tpu.memory_space<hbm>> -> memref<1x80xi32, #tpu.memory_space<hbm>>
        %dma_start3A_433 = arith.constant 0 : i32
        %dma_start3A_434 = arith.constant 0 : i32
        %dma_start3A_435 = tpu.memref_slice %arg7[%dma_start3A_424, %dma_start3A_433, %dma_start3A_434] : memref<3x1x80xi32, #tpu.memory_space<vmem>> -> memref<1x1x80xi32, #tpu.memory_space<vmem>>
        %dma_start3A_436 = tpu.memref_squeeze %dma_start3A_435 : memref<1x1x80xi32, #tpu.memory_space<vmem>> -> memref<1x80xi32, #tpu.memory_space<vmem>>
        %dma_start3A_437 = arith.constant 0 : i32
        %dma_start3A_438 = arith.constant 0 : i32
        %dma_start3A_439 = tpu.memref_slice %arg3[%add3A, %add3A_290, %dma_start3A_437, %dma_start3A_438] : memref<32x125x1x80xi32, #tpu.memory_space<hbm>> -> memref<1x1x1x80xi32, #tpu.memory_space<hbm>>
        %dma_start3A_440 = tpu.memref_squeeze %dma_start3A_439 : memref<1x1x1x80xi32, #tpu.memory_space<hbm>> -> memref<1x80xi32, #tpu.memory_space<hbm>>
        tpu.enqueue_dma source(%dma_start3A_440 : memref<1x80xi32, #tpu.memory_space<hbm>>) target(%dma_start3A_436 : memref<1x80xi32, #tpu.memory_space<vmem>>) target_semaphore(%arg17 : memref<!tpu.dma_semaphore, #tpu.memory_space<semaphore_mem>>)
      } else {
      }
      %add3A_293 = arith.constant 3 : i32
      %add3A_294 = arith.addi %add3A_255, %add3A_293 : i32
      %sub3A = arith.constant 1 : i32
      %sub3A_295 = arith.subi %add3A_294, %sub3A : i32
      %lt3A_296 = arith.constant 125 : i32
      %lt3A_297 = arith.cmpi slt, %sub3A_295, %lt3A_296 : i32
      %convert_element_type3A_298 = arith.extui %lt3A_297 : i1 to i32
      %cond3A_299 = arith.constant 0 : i32
      %cond3A_300 = arith.cmpi ne, %convert_element_type3A_298, %cond3A_299 : i32
      scf.if %cond3A_300 {
        %dma_wait3A_407 = arith.constant 2 : i32
        %dma_wait3A_408 = arith.constant 0 : i32
        %dma_wait3A_409 = arith.constant 0 : i32
        %dma_wait3A_410 = tpu.memref_slice %arg7[%dma_wait3A_407, %dma_wait3A_408, %dma_wait3A_409] : memref<3x1x80xi32, #tpu.memory_space<vmem>> -> memref<1x1x80xi32, #tpu.memory_space<vmem>>
        %dma_wait3A_411 = tpu.memref_squeeze %dma_wait3A_410 : memref<1x1x80xi32, #tpu.memory_space<vmem>> -> memref<1x80xi32, #tpu.memory_space<vmem>>
        %dma_wait3A_412 = arith.constant 0 : i32
        %dma_wait3A_413 = arith.constant 0 : i32
        %dma_wait3A_414 = tpu.memref_slice %arg3[%add3A, %sub3A_295, %dma_wait3A_412, %dma_wait3A_413] : memref<32x125x1x80xi32, #tpu.memory_space<hbm>> -> memref<1x1x1x80xi32, #tpu.memory_space<hbm>>
        %dma_wait3A_415 = tpu.memref_squeeze %dma_wait3A_414 : memref<1x1x1x80xi32, #tpu.memory_space<hbm>> -> memref<1x80xi32, #tpu.memory_space<hbm>>
        %dma_wait3A_416 = arith.constant 0 : i32
        %dma_wait3A_417 = arith.constant 0 : i32
        %dma_wait3A_418 = tpu.memref_slice %arg7[%dma_wait3A_407, %dma_wait3A_416, %dma_wait3A_417] : memref<3x1x80xi32, #tpu.memory_space<vmem>> -> memref<1x1x80xi32, #tpu.memory_space<vmem>>
        %dma_wait3A_419 = tpu.memref_squeeze %dma_wait3A_418 : memref<1x1x80xi32, #tpu.memory_space<vmem>> -> memref<1x80xi32, #tpu.memory_space<vmem>>
        %dma_wait3A_420 = arith.constant 0 : i32
        %dma_wait3A_421 = arith.constant 0 : i32
        %dma_wait3A_422 = tpu.memref_slice %arg3[%add3A, %sub3A_295, %dma_wait3A_420, %dma_wait3A_421] : memref<32x125x1x80xi32, #tpu.memory_space<hbm>> -> memref<1x1x1x80xi32, #tpu.memory_space<hbm>>
        %dma_wait3A_423 = tpu.memref_squeeze %dma_wait3A_422 : memref<1x1x1x80xi32, #tpu.memory_space<hbm>> -> memref<1x80xi32, #tpu.memory_space<hbm>>
        tpu.wait_dma2 semaphore(%arg19 : memref<!tpu.dma_semaphore, #tpu.memory_space<semaphore_mem>>) src(%dma_wait3A_423 : memref<1x80xi32, #tpu.memory_space<hbm>>) dst(%dma_wait3A_419 : memref<1x80xi32, #tpu.memory_space<vmem>>)
        %dma_start3A_424 = arith.constant 2 : i32
        %dma_start3A_425 = arith.constant 0 : i32
        %dma_start3A_426 = arith.constant 2 : i32
        %dma_start3A_427 = arith.constant 0 : i32
        %dma_start3A_428 = arith.constant 0 : i32
        %dma_start3A_429 = tpu.memref_slice %arg9[%dma_start3A_426, %dma_start3A_427, %dma_start3A_428] : memref<3x80x128xf32, #tpu.memory_space<vmem>> -> memref<1x80x128xf32, #tpu.memory_space<vmem>>
        %dma_start3A_430 = tpu.memref_squeeze %dma_start3A_429 : memref<1x80x128xf32, #tpu.memory_space<vmem>> -> memref<80x128xf32, #tpu.memory_space<vmem>>
        %dma_start3A_431 = arith.constant 0 : i32
        %dma_start3A_432 = tpu.memref_slice %arg7[%dma_start3A_424, %dma_start3A_425, %dma_start3A_431] : memref<3x1x80xi32, #tpu.memory_space<vmem>> -> memref<1x1x80xi32, #tpu.memory_space<vmem>>
        %dma_start3A_433 = tpu.memref_squeeze %dma_start3A_432 : memref<1x1x80xi32, #tpu.memory_space<vmem>> -> memref<80xi32, #tpu.memory_space<vmem>>
        %dma_start3A_434 = arith.constant 0 : i32
        %dma_start3A_435 = arith.constant 0 : i32
        %dma_start3A_436 = tpu.memref_slice %arg2[%dma_start3A_434, %dma_start3A_435] : memref<10000x128xf32, #tpu.memory_space<hbm>> -> memref<10000x128xf32, #tpu.memory_space<hbm>>
        tpu.enqueue_indirect_dma source(%dma_start3A_436 : memref<10000x128xf32, #tpu.memory_space<hbm>>) target(%dma_start3A_430 : memref<80x128xf32, #tpu.memory_space<vmem>>) offsets(%dma_start3A_433 : memref<80xi32, #tpu.memory_space<vmem>>) semaphore(%arg13 : memref<!tpu.dma_semaphore, #tpu.memory_space<semaphore_mem>>)
      } else {
      }
      %mul3A_301 = arith.constant 3 : i32
      %mul3A_302 = arith.muli %scan3A_251, %mul3A_301 : i32
      %add3A_303 = arith.constant 1 : i32
      %add3A_304 = arith.addi %mul3A_302, %add3A_303 : i32
      %dma_wait3A_305 = arith.constant 1 : i32
      %dma_wait3A_306 = arith.constant 0 : i32
      %dma_wait3A_307 = arith.constant 0 : i32
      %dma_wait3A_308 = tpu.memref_slice %arg8[%dma_wait3A_305, %dma_wait3A_306, %dma_wait3A_307] : memref<3x1x80xi32, #tpu.memory_space<vmem>> -> memref<1x1x80xi32, #tpu.memory_space<vmem>>
      %dma_wait3A_309 = tpu.memref_squeeze %dma_wait3A_308 : memref<1x1x80xi32, #tpu.memory_space<vmem>> -> memref<1x80xi32, #tpu.memory_space<vmem>>
      %dma_wait3A_310 = arith.constant 0 : i32
      %dma_wait3A_311 = arith.constant 0 : i32
      %dma_wait3A_312 = tpu.memref_slice %arg4[%add3A, %add3A_304, %dma_wait3A_310, %dma_wait3A_311] : memref<32x125x1x80xi32, #tpu.memory_space<hbm>> -> memref<1x1x1x80xi32, #tpu.memory_space<hbm>>
      %dma_wait3A_313 = tpu.memref_squeeze %dma_wait3A_312 : memref<1x1x1x80xi32, #tpu.memory_space<hbm>> -> memref<1x80xi32, #tpu.memory_space<hbm>>
      %dma_wait3A_314 = arith.constant 0 : i32
      %dma_wait3A_315 = arith.constant 0 : i32
      %dma_wait3A_316 = tpu.memref_slice %arg8[%dma_wait3A_305, %dma_wait3A_314, %dma_wait3A_315] : memref<3x1x80xi32, #tpu.memory_space<vmem>> -> memref<1x1x80xi32, #tpu.memory_space<vmem>>
      %dma_wait3A_317 = tpu.memref_squeeze %dma_wait3A_316 : memref<1x1x80xi32, #tpu.memory_space<vmem>> -> memref<1x80xi32, #tpu.memory_space<vmem>>
      %dma_wait3A_318 = arith.constant 0 : i32
      %dma_wait3A_319 = arith.constant 0 : i32
      %dma_wait3A_320 = tpu.memref_slice %arg4[%add3A, %add3A_304, %dma_wait3A_318, %dma_wait3A_319] : memref<32x125x1x80xi32, #tpu.memory_space<hbm>> -> memref<1x1x1x80xi32, #tpu.memory_space<hbm>>
      %dma_wait3A_321 = tpu.memref_squeeze %dma_wait3A_320 : memref<1x1x1x80xi32, #tpu.memory_space<hbm>> -> memref<1x80xi32, #tpu.memory_space<hbm>>
      tpu.wait_dma2 semaphore(%arg15 : memref<!tpu.dma_semaphore, #tpu.memory_space<semaphore_mem>>) src(%dma_wait3A_321 : memref<1x80xi32, #tpu.memory_space<hbm>>) dst(%dma_wait3A_317 : memref<1x80xi32, #tpu.memory_space<vmem>>)
      %dma_wait3A_322 = arith.constant 1 : i32
      %dma_wait3A_323 = arith.constant 0 : i32
      %dma_wait3A_324 = arith.constant 1 : i32
      %dma_wait3A_325 = arith.constant 0 : i32
      %dma_wait3A_326 = arith.constant 0 : i32
      %dma_wait3A_327 = tpu.memref_slice %arg9[%dma_wait3A_324, %dma_wait3A_325, %dma_wait3A_326] : memref<3x80x128xf32, #tpu.memory_space<vmem>> -> memref<1x80x128xf32, #tpu.memory_space<vmem>>
      %dma_wait3A_328 = tpu.memref_squeeze %dma_wait3A_327 : memref<1x80x128xf32, #tpu.memory_space<vmem>> -> memref<80x128xf32, #tpu.memory_space<vmem>>
      %dma_wait3A_329 = arith.constant 0 : i32
      %dma_wait3A_330 = tpu.memref_slice %arg7[%dma_wait3A_322, %dma_wait3A_323, %dma_wait3A_329] : memref<3x1x80xi32, #tpu.memory_space<vmem>> -> memref<1x1x80xi32, #tpu.memory_space<vmem>>
      %dma_wait3A_331 = tpu.memref_squeeze %dma_wait3A_330 : memref<1x1x80xi32, #tpu.memory_space<vmem>> -> memref<80xi32, #tpu.memory_space<vmem>>
      %dma_wait3A_332 = arith.constant 0 : i32
      %dma_wait3A_333 = arith.constant 0 : i32
      %dma_wait3A_334 = tpu.memref_slice %arg2[%dma_wait3A_332, %dma_wait3A_333] : memref<10000x128xf32, #tpu.memory_space<hbm>> -> memref<10000x128xf32, #tpu.memory_space<hbm>>
      tpu.wait_indirect_dma semaphore(%arg12 : memref<!tpu.dma_semaphore, #tpu.memory_space<semaphore_mem>>) src(%dma_wait3A_334 : memref<10000x128xf32, #tpu.memory_space<hbm>>) dst(%dma_wait3A_328 : memref<80x128xf32, #tpu.memory_space<vmem>>)
      %run_scoped3A_335 = arith.constant 1 : i32
      %run_scoped3A_336 = arith.constant 1 : i32
      %run_scoped3A_337 = arith.constant 0 : i32
      "tpu.region"() ({
        %run_scoped3A_407 = tpu.sem_alloc : memref<!tpu.dma_semaphore, #tpu.memory_space<semaphore_mem>>
        %dma_start3A_408 = arith.constant 0 : i32
        %dma_start3A_409 = arith.constant 0 : i32
        %dma_start3A_410 = tpu.memref_slice %arg9[%run_scoped3A_335, %dma_start3A_408, %dma_start3A_409] : memref<3x80x128xf32, #tpu.memory_space<vmem>> -> memref<1x80x128xf32, #tpu.memory_space<vmem>>
        %dma_start3A_411 = tpu.memref_squeeze %dma_start3A_410 : memref<1x80x128xf32, #tpu.memory_space<vmem>> -> memref<80x128xf32, #tpu.memory_space<vmem>>
        %dma_start3A_412 = arith.constant 0 : i32
        %dma_start3A_413 = tpu.memref_slice %arg8[%run_scoped3A_336, %run_scoped3A_337, %dma_start3A_412] : memref<3x1x80xi32, #tpu.memory_space<vmem>> -> memref<1x1x80xi32, #tpu.memory_space<vmem>>
        %dma_start3A_414 = tpu.memref_squeeze %dma_start3A_413 : memref<1x1x80xi32, #tpu.memory_space<vmem>> -> memref<80xi32, #tpu.memory_space<vmem>>
        %dma_start3A_415 = arith.constant 0 : i32
        %dma_start3A_416 = arith.constant 0 : i32
        %dma_start3A_417 = tpu.memref_slice %arg10[%dma_start3A_415, %dma_start3A_416] : memref<10112x128xf32, #tpu.memory_space<vmem_shared>> -> memref<10112x128xf32, #tpu.memory_space<vmem_shared>>
        tpu.enqueue_indirect_dma source(%dma_start3A_411 : memref<80x128xf32, #tpu.memory_space<vmem>>) target(%dma_start3A_417 : memref<10112x128xf32, #tpu.memory_space<vmem_shared>>) offsets(%dma_start3A_414 : memref<80xi32, #tpu.memory_space<vmem>>) semaphore(%run_scoped3A_407 : memref<!tpu.dma_semaphore, #tpu.memory_space<semaphore_mem>>) {add = true}
        %dma_wait3A_418 = arith.constant 0 : i32
        %dma_wait3A_419 = arith.constant 0 : i32
        %dma_wait3A_420 = tpu.memref_slice %arg9[%run_scoped3A_335, %dma_wait3A_418, %dma_wait3A_419] : memref<3x80x128xf32, #tpu.memory_space<vmem>> -> memref<1x80x128xf32, #tpu.memory_space<vmem>>
        %dma_wait3A_421 = tpu.memref_squeeze %dma_wait3A_420 : memref<1x80x128xf32, #tpu.memory_space<vmem>> -> memref<80x128xf32, #tpu.memory_space<vmem>>
        %dma_wait3A_422 = arith.constant 0 : i32
        %dma_wait3A_423 = tpu.memref_slice %arg8[%run_scoped3A_336, %run_scoped3A_337, %dma_wait3A_422] : memref<3x1x80xi32, #tpu.memory_space<vmem>> -> memref<1x1x80xi32, #tpu.memory_space<vmem>>
        %dma_wait3A_424 = tpu.memref_squeeze %dma_wait3A_423 : memref<1x1x80xi32, #tpu.memory_space<vmem>> -> memref<80xi32, #tpu.memory_space<vmem>>
        %dma_wait3A_425 = arith.constant 0 : i32
        %dma_wait3A_426 = arith.constant 0 : i32
        %dma_wait3A_427 = tpu.memref_slice %arg10[%dma_wait3A_425, %dma_wait3A_426] : memref<10112x128xf32, #tpu.memory_space<vmem_shared>> -> memref<10112x128xf32, #tpu.memory_space<vmem_shared>>
        tpu.wait_indirect_dma semaphore(%run_scoped3A_407 : memref<!tpu.dma_semaphore, #tpu.memory_space<semaphore_mem>>) src(%dma_wait3A_421 : memref<80x128xf32, #tpu.memory_space<vmem>>) dst(%dma_wait3A_427 : memref<10112x128xf32, #tpu.memory_space<vmem_shared>>)
        tpu.yield
      }) : () -> ()
      %add3A_338 = arith.constant 3 : i32
      %add3A_339 = arith.addi %add3A_304, %add3A_338 : i32
      %lt3A_340 = arith.constant 125 : i32
      %lt3A_341 = arith.cmpi slt, %add3A_339, %lt3A_340 : i32
      %convert_element_type3A_342 = arith.extui %lt3A_341 : i1 to i32
      %cond3A_343 = arith.constant 0 : i32
      %cond3A_344 = arith.cmpi ne, %convert_element_type3A_342, %cond3A_343 : i32
      scf.if %cond3A_344 {
        %dma_start3A_407 = arith.constant 1 : i32
        %dma_start3A_408 = arith.constant 0 : i32
        %dma_start3A_409 = arith.constant 0 : i32
        %dma_start3A_410 = tpu.memref_slice %arg8[%dma_start3A_407, %dma_start3A_408, %dma_start3A_409] : memref<3x1x80xi32, #tpu.memory_space<vmem>> -> memref<1x1x80xi32, #tpu.memory_space<vmem>>
        %dma_start3A_411 = tpu.memref_squeeze %dma_start3A_410 : memref<1x1x80xi32, #tpu.memory_space<vmem>> -> memref<1x80xi32, #tpu.memory_space<vmem>>
        %dma_start3A_412 = arith.constant 0 : i32
        %dma_start3A_413 = arith.constant 0 : i32
        %dma_start3A_414 = tpu.memref_slice %arg4[%add3A, %add3A_339, %dma_start3A_412, %dma_start3A_413] : memref<32x125x1x80xi32, #tpu.memory_space<hbm>> -> memref<1x1x1x80xi32, #tpu.memory_space<hbm>>
        %dma_start3A_415 = tpu.memref_squeeze %dma_start3A_414 : memref<1x1x1x80xi32, #tpu.memory_space<hbm>> -> memref<1x80xi32, #tpu.memory_space<hbm>>
        %dma_start3A_416 = arith.constant 0 : i32
        %dma_start3A_417 = arith.constant 0 : i32
        %dma_start3A_418 = tpu.memref_slice %arg8[%dma_start3A_407, %dma_start3A_416, %dma_start3A_417] : memref<3x1x80xi32, #tpu.memory_space<vmem>> -> memref<1x1x80xi32, #tpu.memory_space<vmem>>
        %dma_start3A_419 = tpu.memref_squeeze %dma_start3A_418 : memref<1x1x80xi32, #tpu.memory_space<vmem>> -> memref<1x80xi32, #tpu.memory_space<vmem>>
        %dma_start3A_420 = arith.constant 0 : i32
        %dma_start3A_421 = arith.constant 0 : i32
        %dma_start3A_422 = tpu.memref_slice %arg4[%add3A, %add3A_339, %dma_start3A_420, %dma_start3A_421] : memref<32x125x1x80xi32, #tpu.memory_space<hbm>> -> memref<1x1x1x80xi32, #tpu.memory_space<hbm>>
        %dma_start3A_423 = tpu.memref_squeeze %dma_start3A_422 : memref<1x1x1x80xi32, #tpu.memory_space<hbm>> -> memref<1x80xi32, #tpu.memory_space<hbm>>
        tpu.enqueue_dma source(%dma_start3A_423 : memref<1x80xi32, #tpu.memory_space<hbm>>) target(%dma_start3A_419 : memref<1x80xi32, #tpu.memory_space<vmem>>) target_semaphore(%arg15 : memref<!tpu.dma_semaphore, #tpu.memory_space<semaphore_mem>>)
        %dma_start3A_424 = arith.constant 1 : i32
        %dma_start3A_425 = arith.constant 0 : i32
        %dma_start3A_426 = arith.constant 0 : i32
        %dma_start3A_427 = tpu.memref_slice %arg7[%dma_start3A_424, %dma_start3A_425, %dma_start3A_426] : memref<3x1x80xi32, #tpu.memory_space<vmem>> -> memref<1x1x80xi32, #tpu.memory_space<vmem>>
        %dma_start3A_428 = tpu.memref_squeeze %dma_start3A_427 : memref<1x1x80xi32, #tpu.memory_space<vmem>> -> memref<1x80xi32, #tpu.memory_space<vmem>>
        %dma_start3A_429 = arith.constant 0 : i32
        %dma_start3A_430 = arith.constant 0 : i32
        %dma_start3A_431 = tpu.memref_slice %arg3[%add3A, %add3A_339, %dma_start3A_429, %dma_start3A_430] : memref<32x125x1x80xi32, #tpu.memory_space<hbm>> -> memref<1x1x1x80xi32, #tpu.memory_space<hbm>>
        %dma_start3A_432 = tpu.memref_squeeze %dma_start3A_431 : memref<1x1x1x80xi32, #tpu.memory_space<hbm>> -> memref<1x80xi32, #tpu.memory_space<hbm>>
        %dma_start3A_433 = arith.constant 0 : i32
        %dma_start3A_434 = arith.constant 0 : i32
        %dma_start3A_435 = tpu.memref_slice %arg7[%dma_start3A_424, %dma_start3A_433, %dma_start3A_434] : memref<3x1x80xi32, #tpu.memory_space<vmem>> -> memref<1x1x80xi32, #tpu.memory_space<vmem>>
        %dma_start3A_436 = tpu.memref_squeeze %dma_start3A_435 : memref<1x1x80xi32, #tpu.memory_space<vmem>> -> memref<1x80xi32, #tpu.memory_space<vmem>>
        %dma_start3A_437 = arith.constant 0 : i32
        %dma_start3A_438 = arith.constant 0 : i32
        %dma_start3A_439 = tpu.memref_slice %arg3[%add3A, %add3A_339, %dma_start3A_437, %dma_start3A_438] : memref<32x125x1x80xi32, #tpu.memory_space<hbm>> -> memref<1x1x1x80xi32, #tpu.memory_space<hbm>>
        %dma_start3A_440 = tpu.memref_squeeze %dma_start3A_439 : memref<1x1x1x80xi32, #tpu.memory_space<hbm>> -> memref<1x80xi32, #tpu.memory_space<hbm>>
        tpu.enqueue_dma source(%dma_start3A_440 : memref<1x80xi32, #tpu.memory_space<hbm>>) target(%dma_start3A_436 : memref<1x80xi32, #tpu.memory_space<vmem>>) target_semaphore(%arg18 : memref<!tpu.dma_semaphore, #tpu.memory_space<semaphore_mem>>)
      } else {
      }
      %add3A_345 = arith.constant 3 : i32
      %add3A_346 = arith.addi %add3A_304, %add3A_345 : i32
      %sub3A_347 = arith.constant 1 : i32
      %sub3A_348 = arith.subi %add3A_346, %sub3A_347 : i32
      %lt3A_349 = arith.constant 125 : i32
      %lt3A_350 = arith.cmpi slt, %sub3A_348, %lt3A_349 : i32
      %convert_element_type3A_351 = arith.extui %lt3A_350 : i1 to i32
      %cond3A_352 = arith.constant 0 : i32
      %cond3A_353 = arith.cmpi ne, %convert_element_type3A_351, %cond3A_352 : i32
      scf.if %cond3A_353 {
        %dma_wait3A_407 = arith.constant 0 : i32
        %dma_wait3A_408 = arith.constant 0 : i32
        %dma_wait3A_409 = arith.constant 0 : i32
        %dma_wait3A_410 = tpu.memref_slice %arg7[%dma_wait3A_407, %dma_wait3A_408, %dma_wait3A_409] : memref<3x1x80xi32, #tpu.memory_space<vmem>> -> memref<1x1x80xi32, #tpu.memory_space<vmem>>
        %dma_wait3A_411 = tpu.memref_squeeze %dma_wait3A_410 : memref<1x1x80xi32, #tpu.memory_space<vmem>> -> memref<1x80xi32, #tpu.memory_space<vmem>>
        %dma_wait3A_412 = arith.constant 0 : i32
        %dma_wait3A_413 = arith.constant 0 : i32
        %dma_wait3A_414 = tpu.memref_slice %arg3[%add3A, %sub3A_348, %dma_wait3A_412, %dma_wait3A_413] : memref<32x125x1x80xi32, #tpu.memory_space<hbm>> -> memref<1x1x1x80xi32, #tpu.memory_space<hbm>>
        %dma_wait3A_415 = tpu.memref_squeeze %dma_wait3A_414 : memref<1x1x1x80xi32, #tpu.memory_space<hbm>> -> memref<1x80xi32, #tpu.memory_space<hbm>>
        %dma_wait3A_416 = arith.constant 0 : i32
        %dma_wait3A_417 = arith.constant 0 : i32
        %dma_wait3A_418 = tpu.memref_slice %arg7[%dma_wait3A_407, %dma_wait3A_416, %dma_wait3A_417] : memref<3x1x80xi32, #tpu.memory_space<vmem>> -> memref<1x1x80xi32, #tpu.memory_space<vmem>>
        %dma_wait3A_419 = tpu.memref_squeeze %dma_wait3A_418 : memref<1x1x80xi32, #tpu.memory_space<vmem>> -> memref<1x80xi32, #tpu.memory_space<vmem>>
        %dma_wait3A_420 = arith.constant 0 : i32
        %dma_wait3A_421 = arith.constant 0 : i32
        %dma_wait3A_422 = tpu.memref_slice %arg3[%add3A, %sub3A_348, %dma_wait3A_420, %dma_wait3A_421] : memref<32x125x1x80xi32, #tpu.memory_space<hbm>> -> memref<1x1x1x80xi32, #tpu.memory_space<hbm>>
        %dma_wait3A_423 = tpu.memref_squeeze %dma_wait3A_422 : memref<1x1x1x80xi32, #tpu.memory_space<hbm>> -> memref<1x80xi32, #tpu.memory_space<hbm>>
        tpu.wait_dma2 semaphore(%arg17 : memref<!tpu.dma_semaphore, #tpu.memory_space<semaphore_mem>>) src(%dma_wait3A_423 : memref<1x80xi32, #tpu.memory_space<hbm>>) dst(%dma_wait3A_419 : memref<1x80xi32, #tpu.memory_space<vmem>>)
        %dma_start3A_424 = arith.constant 0 : i32
        %dma_start3A_425 = arith.constant 0 : i32
        %dma_start3A_426 = arith.constant 0 : i32
        %dma_start3A_427 = arith.constant 0 : i32
        %dma_start3A_428 = arith.constant 0 : i32
        %dma_start3A_429 = tpu.memref_slice %arg9[%dma_start3A_426, %dma_start3A_427, %dma_start3A_428] : memref<3x80x128xf32, #tpu.memory_space<vmem>> -> memref<1x80x128xf32, #tpu.memory_space<vmem>>
        %dma_start3A_430 = tpu.memref_squeeze %dma_start3A_429 : memref<1x80x128xf32, #tpu.memory_space<vmem>> -> memref<80x128xf32, #tpu.memory_space<vmem>>
        %dma_start3A_431 = arith.constant 0 : i32
        %dma_start3A_432 = tpu.memref_slice %arg7[%dma_start3A_424, %dma_start3A_425, %dma_start3A_431] : memref<3x1x80xi32, #tpu.memory_space<vmem>> -> memref<1x1x80xi32, #tpu.memory_space<vmem>>
        %dma_start3A_433 = tpu.memref_squeeze %dma_start3A_432 : memref<1x1x80xi32, #tpu.memory_space<vmem>> -> memref<80xi32, #tpu.memory_space<vmem>>
        %dma_start3A_434 = arith.constant 0 : i32
        %dma_start3A_435 = arith.constant 0 : i32
        %dma_start3A_436 = tpu.memref_slice %arg2[%dma_start3A_434, %dma_start3A_435] : memref<10000x128xf32, #tpu.memory_space<hbm>> -> memref<10000x128xf32, #tpu.memory_space<hbm>>
        tpu.enqueue_indirect_dma source(%dma_start3A_436 : memref<10000x128xf32, #tpu.memory_space<hbm>>) target(%dma_start3A_430 : memref<80x128xf32, #tpu.memory_space<vmem>>) offsets(%dma_start3A_433 : memref<80xi32, #tpu.memory_space<vmem>>) semaphore(%arg11 : memref<!tpu.dma_semaphore, #tpu.memory_space<semaphore_mem>>)
      } else {
      }
      %mul3A_354 = arith.constant 3 : i32
      %mul3A_355 = arith.muli %scan3A_251, %mul3A_354 : i32
      %add3A_356 = arith.constant 2 : i32
      %add3A_357 = arith.addi %mul3A_355, %add3A_356 : i32
      %dma_wait3A_358 = arith.constant 2 : i32
      %dma_wait3A_359 = arith.constant 0 : i32
      %dma_wait3A_360 = arith.constant 0 : i32
      %dma_wait3A_361 = tpu.memref_slice %arg8[%dma_wait3A_358, %dma_wait3A_359, %dma_wait3A_360] : memref<3x1x80xi32, #tpu.memory_space<vmem>> -> memref<1x1x80xi32, #tpu.memory_space<vmem>>
      %dma_wait3A_362 = tpu.memref_squeeze %dma_wait3A_361 : memref<1x1x80xi32, #tpu.memory_space<vmem>> -> memref<1x80xi32, #tpu.memory_space<vmem>>
      %dma_wait3A_363 = arith.constant 0 : i32
      %dma_wait3A_364 = arith.constant 0 : i32
      %dma_wait3A_365 = tpu.memref_slice %arg4[%add3A, %add3A_357, %dma_wait3A_363, %dma_wait3A_364] : memref<32x125x1x80xi32, #tpu.memory_space<hbm>> -> memref<1x1x1x80xi32, #tpu.memory_space<hbm>>
      %dma_wait3A_366 = tpu.memref_squeeze %dma_wait3A_365 : memref<1x1x1x80xi32, #tpu.memory_space<hbm>> -> memref<1x80xi32, #tpu.memory_space<hbm>>
      %dma_wait3A_367 = arith.constant 0 : i32
      %dma_wait3A_368 = arith.constant 0 : i32
      %dma_wait3A_369 = tpu.memref_slice %arg8[%dma_wait3A_358, %dma_wait3A_367, %dma_wait3A_368] : memref<3x1x80xi32, #tpu.memory_space<vmem>> -> memref<1x1x80xi32, #tpu.memory_space<vmem>>
      %dma_wait3A_370 = tpu.memref_squeeze %dma_wait3A_369 : memref<1x1x80xi32, #tpu.memory_space<vmem>> -> memref<1x80xi32, #tpu.memory_space<vmem>>
      %dma_wait3A_371 = arith.constant 0 : i32
      %dma_wait3A_372 = arith.constant 0 : i32
      %dma_wait3A_373 = tpu.memref_slice %arg4[%add3A, %add3A_357, %dma_wait3A_371, %dma_wait3A_372] : memref<32x125x1x80xi32, #tpu.memory_space<hbm>> -> memref<1x1x1x80xi32, #tpu.memory_space<hbm>>
      %dma_wait3A_374 = tpu.memref_squeeze %dma_wait3A_373 : memref<1x1x1x80xi32, #tpu.memory_space<hbm>> -> memref<1x80xi32, #tpu.memory_space<hbm>>
      tpu.wait_dma2 semaphore(%arg16 : memref<!tpu.dma_semaphore, #tpu.memory_space<semaphore_mem>>) src(%dma_wait3A_374 : memref<1x80xi32, #tpu.memory_space<hbm>>) dst(%dma_wait3A_370 : memref<1x80xi32, #tpu.memory_space<vmem>>)
      %dma_wait3A_375 = arith.constant 2 : i32
      %dma_wait3A_376 = arith.constant 0 : i32
      %dma_wait3A_377 = arith.constant 2 : i32
      %dma_wait3A_378 = arith.constant 0 : i32
      %dma_wait3A_379 = arith.constant 0 : i32
      %dma_wait3A_380 = tpu.memref_slice %arg9[%dma_wait3A_377, %dma_wait3A_378, %dma_wait3A_379] : memref<3x80x128xf32, #tpu.memory_space<vmem>> -> memref<1x80x128xf32, #tpu.memory_space<vmem>>
      %dma_wait3A_381 = tpu.memref_squeeze %dma_wait3A_380 : memref<1x80x128xf32, #tpu.memory_space<vmem>> -> memref<80x128xf32, #tpu.memory_space<vmem>>
      %dma_wait3A_382 = arith.constant 0 : i32
      %dma_wait3A_383 = tpu.memref_slice %arg7[%dma_wait3A_375, %dma_wait3A_376, %dma_wait3A_382] : memref<3x1x80xi32, #tpu.memory_space<vmem>> -> memref<1x1x80xi32, #tpu.memory_space<vmem>>
      %dma_wait3A_384 = tpu.memref_squeeze %dma_wait3A_383 : memref<1x1x80xi32, #tpu.memory_space<vmem>> -> memref<80xi32, #tpu.memory_space<vmem>>
      %dma_wait3A_385 = arith.constant 0 : i32
      %dma_wait3A_386 = arith.constant 0 : i32
      %dma_wait3A_387 = tpu.memref_slice %arg2[%dma_wait3A_385, %dma_wait3A_386] : memref<10000x128xf32, #tpu.memory_space<hbm>> -> memref<10000x128xf32, #tpu.memory_space<hbm>>
      tpu.wait_indirect_dma semaphore(%arg13 : memref<!tpu.dma_semaphore, #tpu.memory_space<semaphore_mem>>) src(%dma_wait3A_387 : memref<10000x128xf32, #tpu.memory_space<hbm>>) dst(%dma_wait3A_381 : memref<80x128xf32, #tpu.memory_space<vmem>>)
      %run_scoped3A_388 = arith.constant 2 : i32
      %run_scoped3A_389 = arith.constant 2 : i32
      %run_scoped3A_390 = arith.constant 0 : i32
      "tpu.region"() ({
        %run_scoped3A_407 = tpu.sem_alloc : memref<!tpu.dma_semaphore, #tpu.memory_space<semaphore_mem>>
        %dma_start3A_408 = arith.constant 0 : i32
        %dma_start3A_409 = arith.constant 0 : i32
        %dma_start3A_410 = tpu.memref_slice %arg9[%run_scoped3A_388, %dma_start3A_408, %dma_start3A_409] : memref<3x80x128xf32, #tpu.memory_space<vmem>> -> memref<1x80x128xf32, #tpu.memory_space<vmem>>
        %dma_start3A_411 = tpu.memref_squeeze %dma_start3A_410 : memref<1x80x128xf32, #tpu.memory_space<vmem>> -> memref<80x128xf32, #tpu.memory_space<vmem>>
        %dma_start3A_412 = arith.constant 0 : i32
        %dma_start3A_413 = tpu.memref_slice %arg8[%run_scoped3A_389, %run_scoped3A_390, %dma_start3A_412] : memref<3x1x80xi32, #tpu.memory_space<vmem>> -> memref<1x1x80xi32, #tpu.memory_space<vmem>>
        %dma_start3A_414 = tpu.memref_squeeze %dma_start3A_413 : memref<1x1x80xi32, #tpu.memory_space<vmem>> -> memref<80xi32, #tpu.memory_space<vmem>>
        %dma_start3A_415 = arith.constant 0 : i32
        %dma_start3A_416 = arith.constant 0 : i32
        %dma_start3A_417 = tpu.memref_slice %arg10[%dma_start3A_415, %dma_start3A_416] : memref<10112x128xf32, #tpu.memory_space<vmem_shared>> -> memref<10112x128xf32, #tpu.memory_space<vmem_shared>>
        tpu.enqueue_indirect_dma source(%dma_start3A_411 : memref<80x128xf32, #tpu.memory_space<vmem>>) target(%dma_start3A_417 : memref<10112x128xf32, #tpu.memory_space<vmem_shared>>) offsets(%dma_start3A_414 : memref<80xi32, #tpu.memory_space<vmem>>) semaphore(%run_scoped3A_407 : memref<!tpu.dma_semaphore, #tpu.memory_space<semaphore_mem>>) {add = true}
        %dma_wait3A_418 = arith.constant 0 : i32
        %dma_wait3A_419 = arith.constant 0 : i32
        %dma_wait3A_420 = tpu.memref_slice %arg9[%run_scoped3A_388, %dma_wait3A_418, %dma_wait3A_419] : memref<3x80x128xf32, #tpu.memory_space<vmem>> -> memref<1x80x128xf32, #tpu.memory_space<vmem>>
        %dma_wait3A_421 = tpu.memref_squeeze %dma_wait3A_420 : memref<1x80x128xf32, #tpu.memory_space<vmem>> -> memref<80x128xf32, #tpu.memory_space<vmem>>
        %dma_wait3A_422 = arith.constant 0 : i32
        %dma_wait3A_423 = tpu.memref_slice %arg8[%run_scoped3A_389, %run_scoped3A_390, %dma_wait3A_422] : memref<3x1x80xi32, #tpu.memory_space<vmem>> -> memref<1x1x80xi32, #tpu.memory_space<vmem>>
        %dma_wait3A_424 = tpu.memref_squeeze %dma_wait3A_423 : memref<1x1x80xi32, #tpu.memory_space<vmem>> -> memref<80xi32, #tpu.memory_space<vmem>>
        %dma_wait3A_425 = arith.constant 0 : i32
        %dma_wait3A_426 = arith.constant 0 : i32
        %dma_wait3A_427 = tpu.memref_slice %arg10[%dma_wait3A_425, %dma_wait3A_426] : memref<10112x128xf32, #tpu.memory_space<vmem_shared>> -> memref<10112x128xf32, #tpu.memory_space<vmem_shared>>
        tpu.wait_indirect_dma semaphore(%run_scoped3A_407 : memref<!tpu.dma_semaphore, #tpu.memory_space<semaphore_mem>>) src(%dma_wait3A_421 : memref<80x128xf32, #tpu.memory_space<vmem>>) dst(%dma_wait3A_427 : memref<10112x128xf32, #tpu.memory_space<vmem_shared>>)
        tpu.yield
      }) : () -> ()
      %add3A_391 = arith.constant 3 : i32
      %add3A_392 = arith.addi %add3A_357, %add3A_391 : i32
      %lt3A_393 = arith.constant 125 : i32
      %lt3A_394 = arith.cmpi slt, %add3A_392, %lt3A_393 : i32
      %convert_element_type3A_395 = arith.extui %lt3A_394 : i1 to i32
      %cond3A_396 = arith.constant 0 : i32
      %cond3A_397 = arith.cmpi ne, %convert_element_type3A_395, %cond3A_396 : i32
      scf.if %cond3A_397 {
        %dma_start3A_407 = arith.constant 2 : i32
        %dma_start3A_408 = arith.constant 0 : i32
        %dma_start3A_409 = arith.constant 0 : i32
        %dma_start3A_410 = tpu.memref_slice %arg8[%dma_start3A_407, %dma_start3A_408, %dma_start3A_409] : memref<3x1x80xi32, #tpu.memory_space<vmem>> -> memref<1x1x80xi32, #tpu.memory_space<vmem>>
        %dma_start3A_411 = tpu.memref_squeeze %dma_start3A_410 : memref<1x1x80xi32, #tpu.memory_space<vmem>> -> memref<1x80xi32, #tpu.memory_space<vmem>>
        %dma_start3A_412 = arith.constant 0 : i32
        %dma_start3A_413 = arith.constant 0 : i32
        %dma_start3A_414 = tpu.memref_slice %arg4[%add3A, %add3A_392, %dma_start3A_412, %dma_start3A_413] : memref<32x125x1x80xi32, #tpu.memory_space<hbm>> -> memref<1x1x1x80xi32, #tpu.memory_space<hbm>>
        %dma_start3A_415 = tpu.memref_squeeze %dma_start3A_414 : memref<1x1x1x80xi32, #tpu.memory_space<hbm>> -> memref<1x80xi32, #tpu.memory_space<hbm>>
        %dma_start3A_416 = arith.constant 0 : i32
        %dma_start3A_417 = arith.constant 0 : i32
        %dma_start3A_418 = tpu.memref_slice %arg8[%dma_start3A_407, %dma_start3A_416, %dma_start3A_417] : memref<3x1x80xi32, #tpu.memory_space<vmem>> -> memref<1x1x80xi32, #tpu.memory_space<vmem>>
        %dma_start3A_419 = tpu.memref_squeeze %dma_start3A_418 : memref<1x1x80xi32, #tpu.memory_space<vmem>> -> memref<1x80xi32, #tpu.memory_space<vmem>>
        %dma_start3A_420 = arith.constant 0 : i32
        %dma_start3A_421 = arith.constant 0 : i32
        %dma_start3A_422 = tpu.memref_slice %arg4[%add3A, %add3A_392, %dma_start3A_420, %dma_start3A_421] : memref<32x125x1x80xi32, #tpu.memory_space<hbm>> -> memref<1x1x1x80xi32, #tpu.memory_space<hbm>>
        %dma_start3A_423 = tpu.memref_squeeze %dma_start3A_422 : memref<1x1x1x80xi32, #tpu.memory_space<hbm>> -> memref<1x80xi32, #tpu.memory_space<hbm>>
        tpu.enqueue_dma source(%dma_start3A_423 : memref<1x80xi32, #tpu.memory_space<hbm>>) target(%dma_start3A_419 : memref<1x80xi32, #tpu.memory_space<vmem>>) target_semaphore(%arg16 : memref<!tpu.dma_semaphore, #tpu.memory_space<semaphore_mem>>)
        %dma_start3A_424 = arith.constant 2 : i32
        %dma_start3A_425 = arith.constant 0 : i32
        %dma_start3A_426 = arith.constant 0 : i32
        %dma_start3A_427 = tpu.memref_slice %arg7[%dma_start3A_424, %dma_start3A_425, %dma_start3A_426] : memref<3x1x80xi32, #tpu.memory_space<vmem>> -> memref<1x1x80xi32, #tpu.memory_space<vmem>>
        %dma_start3A_428 = tpu.memref_squeeze %dma_start3A_427 : memref<1x1x80xi32, #tpu.memory_space<vmem>> -> memref<1x80xi32, #tpu.memory_space<vmem>>
        %dma_start3A_429 = arith.constant 0 : i32
        %dma_start3A_430 = arith.constant 0 : i32
        %dma_start3A_431 = tpu.memref_slice %arg3[%add3A, %add3A_392, %dma_start3A_429, %dma_start3A_430] : memref<32x125x1x80xi32, #tpu.memory_space<hbm>> -> memref<1x1x1x80xi32, #tpu.memory_space<hbm>>
        %dma_start3A_432 = tpu.memref_squeeze %dma_start3A_431 : memref<1x1x1x80xi32, #tpu.memory_space<hbm>> -> memref<1x80xi32, #tpu.memory_space<hbm>>
        %dma_start3A_433 = arith.constant 0 : i32
        %dma_start3A_434 = arith.constant 0 : i32
        %dma_start3A_435 = tpu.memref_slice %arg7[%dma_start3A_424, %dma_start3A_433, %dma_start3A_434] : memref<3x1x80xi32, #tpu.memory_space<vmem>> -> memref<1x1x80xi32, #tpu.memory_space<vmem>>
        %dma_start3A_436 = tpu.memref_squeeze %dma_start3A_435 : memref<1x1x80xi32, #tpu.memory_space<vmem>> -> memref<1x80xi32, #tpu.memory_space<vmem>>
        %dma_start3A_437 = arith.constant 0 : i32
        %dma_start3A_438 = arith.constant 0 : i32
        %dma_start3A_439 = tpu.memref_slice %arg3[%add3A, %add3A_392, %dma_start3A_437, %dma_start3A_438] : memref<32x125x1x80xi32, #tpu.memory_space<hbm>> -> memref<1x1x1x80xi32, #tpu.memory_space<hbm>>
        %dma_start3A_440 = tpu.memref_squeeze %dma_start3A_439 : memref<1x1x1x80xi32, #tpu.memory_space<hbm>> -> memref<1x80xi32, #tpu.memory_space<hbm>>
        tpu.enqueue_dma source(%dma_start3A_440 : memref<1x80xi32, #tpu.memory_space<hbm>>) target(%dma_start3A_436 : memref<1x80xi32, #tpu.memory_space<vmem>>) target_semaphore(%arg19 : memref<!tpu.dma_semaphore, #tpu.memory_space<semaphore_mem>>)
      } else {
      }
      %add3A_398 = arith.constant 3 : i32
      %add3A_399 = arith.addi %add3A_357, %add3A_398 : i32
      %sub3A_400 = arith.constant 1 : i32
      %sub3A_401 = arith.subi %add3A_399, %sub3A_400 : i32
      %lt3A_402 = arith.constant 125 : i32
      %lt3A_403 = arith.cmpi slt, %sub3A_401, %lt3A_402 : i32
      %convert_element_type3A_404 = arith.extui %lt3A_403 : i1 to i32
      %cond3A_405 = arith.constant 0 : i32
      %cond3A_406 = arith.cmpi ne, %convert_element_type3A_404, %cond3A_405 : i32
      scf.if %cond3A_406 {
        %dma_wait3A_407 = arith.constant 1 : i32
        %dma_wait3A_408 = arith.constant 0 : i32
        %dma_wait3A_409 = arith.constant 0 : i32
        %dma_wait3A_410 = tpu.memref_slice %arg7[%dma_wait3A_407, %dma_wait3A_408, %dma_wait3A_409] : memref<3x1x80xi32, #tpu.memory_space<vmem>> -> memref<1x1x80xi32, #tpu.memory_space<vmem>>
        %dma_wait3A_411 = tpu.memref_squeeze %dma_wait3A_410 : memref<1x1x80xi32, #tpu.memory_space<vmem>> -> memref<1x80xi32, #tpu.memory_space<vmem>>
        %dma_wait3A_412 = arith.constant 0 : i32
        %dma_wait3A_413 = arith.constant 0 : i32
        %dma_wait3A_414 = tpu.memref_slice %arg3[%add3A, %sub3A_401, %dma_wait3A_412, %dma_wait3A_413] : memref<32x125x1x80xi32, #tpu.memory_space<hbm>> -> memref<1x1x1x80xi32, #tpu.memory_space<hbm>>
        %dma_wait3A_415 = tpu.memref_squeeze %dma_wait3A_414 : memref<1x1x1x80xi32, #tpu.memory_space<hbm>> -> memref<1x80xi32, #tpu.memory_space<hbm>>
        %dma_wait3A_416 = arith.constant 0 : i32
        %dma_wait3A_417 = arith.constant 0 : i32
        %dma_wait3A_418 = tpu.memref_slice %arg7[%dma_wait3A_407, %dma_wait3A_416, %dma_wait3A_417] : memref<3x1x80xi32, #tpu.memory_space<vmem>> -> memref<1x1x80xi32, #tpu.memory_space<vmem>>
        %dma_wait3A_419 = tpu.memref_squeeze %dma_wait3A_418 : memref<1x1x80xi32, #tpu.memory_space<vmem>> -> memref<1x80xi32, #tpu.memory_space<vmem>>
        %dma_wait3A_420 = arith.constant 0 : i32
        %dma_wait3A_421 = arith.constant 0 : i32
        %dma_wait3A_422 = tpu.memref_slice %arg3[%add3A, %sub3A_401, %dma_wait3A_420, %dma_wait3A_421] : memref<32x125x1x80xi32, #tpu.memory_space<hbm>> -> memref<1x1x1x80xi32, #tpu.memory_space<hbm>>
        %dma_wait3A_423 = tpu.memref_squeeze %dma_wait3A_422 : memref<1x1x1x80xi32, #tpu.memory_space<hbm>> -> memref<1x80xi32, #tpu.memory_space<hbm>>
        tpu.wait_dma2 semaphore(%arg18 : memref<!tpu.dma_semaphore, #tpu.memory_space<semaphore_mem>>) src(%dma_wait3A_423 : memref<1x80xi32, #tpu.memory_space<hbm>>) dst(%dma_wait3A_419 : memref<1x80xi32, #tpu.memory_space<vmem>>)
        %dma_start3A_424 = arith.constant 1 : i32
        %dma_start3A_425 = arith.constant 0 : i32
        %dma_start3A_426 = arith.constant 1 : i32
        %dma_start3A_427 = arith.constant 0 : i32
        %dma_start3A_428 = arith.constant 0 : i32
        %dma_start3A_429 = tpu.memref_slice %arg9[%dma_start3A_426, %dma_start3A_427, %dma_start3A_428] : memref<3x80x128xf32, #tpu.memory_space<vmem>> -> memref<1x80x128xf32, #tpu.memory_space<vmem>>
        %dma_start3A_430 = tpu.memref_squeeze %dma_start3A_429 : memref<1x80x128xf32, #tpu.memory_space<vmem>> -> memref<80x128xf32, #tpu.memory_space<vmem>>
        %dma_start3A_431 = arith.constant 0 : i32
        %dma_start3A_432 = tpu.memref_slice %arg7[%dma_start3A_424, %dma_start3A_425, %dma_start3A_431] : memref<3x1x80xi32, #tpu.memory_space<vmem>> -> memref<1x1x80xi32, #tpu.memory_space<vmem>>
        %dma_start3A_433 = tpu.memref_squeeze %dma_start3A_432 : memref<1x1x80xi32, #tpu.memory_space<vmem>> -> memref<80xi32, #tpu.memory_space<vmem>>
        %dma_start3A_434 = arith.constant 0 : i32
        %dma_start3A_435 = arith.constant 0 : i32
        %dma_start3A_436 = tpu.memref_slice %arg2[%dma_start3A_434, %dma_start3A_435] : memref<10000x128xf32, #tpu.memory_space<hbm>> -> memref<10000x128xf32, #tpu.memory_space<hbm>>
        tpu.enqueue_indirect_dma source(%dma_start3A_436 : memref<10000x128xf32, #tpu.memory_space<hbm>>) target(%dma_start3A_430 : memref<80x128xf32, #tpu.memory_space<vmem>>) offsets(%dma_start3A_433 : memref<80xi32, #tpu.memory_space<vmem>>) semaphore(%arg12 : memref<!tpu.dma_semaphore, #tpu.memory_space<semaphore_mem>>)
      } else {
      }
    }
    %scan3A_175 = arith.constant 41 : i32
    %dma_wait3A_176 = arith.constant 123 : i32
    %dma_wait3A_177 = arith.constant 0 : i32
    %dma_wait3A_178 = arith.constant 0 : i32
    %dma_wait3A_179 = arith.constant 0 : i32
    %dma_wait3A_180 = tpu.memref_slice %arg8[%dma_wait3A_177, %dma_wait3A_178, %dma_wait3A_179] : memref<3x1x80xi32, #tpu.memory_space<vmem>> -> memref<1x1x80xi32, #tpu.memory_space<vmem>>
    %dma_wait3A_181 = tpu.memref_squeeze %dma_wait3A_180 : memref<1x1x80xi32, #tpu.memory_space<vmem>> -> memref<1x80xi32, #tpu.memory_space<vmem>>
    %dma_wait3A_182 = arith.constant 0 : i32
    %dma_wait3A_183 = arith.constant 0 : i32
    %dma_wait3A_184 = tpu.memref_slice %arg4[%add3A, %dma_wait3A_176, %dma_wait3A_182, %dma_wait3A_183] : memref<32x125x1x80xi32, #tpu.memory_space<hbm>> -> memref<1x1x1x80xi32, #tpu.memory_space<hbm>>
    %dma_wait3A_185 = tpu.memref_squeeze %dma_wait3A_184 : memref<1x1x1x80xi32, #tpu.memory_space<hbm>> -> memref<1x80xi32, #tpu.memory_space<hbm>>
    %dma_wait3A_186 = arith.constant 0 : i32
    %dma_wait3A_187 = arith.constant 0 : i32
    %dma_wait3A_188 = tpu.memref_slice %arg8[%dma_wait3A_177, %dma_wait3A_186, %dma_wait3A_187] : memref<3x1x80xi32, #tpu.memory_space<vmem>> -> memref<1x1x80xi32, #tpu.memory_space<vmem>>
    %dma_wait3A_189 = tpu.memref_squeeze %dma_wait3A_188 : memref<1x1x80xi32, #tpu.memory_space<vmem>> -> memref<1x80xi32, #tpu.memory_space<vmem>>
    %dma_wait3A_190 = arith.constant 0 : i32
    %dma_wait3A_191 = arith.constant 0 : i32
    %dma_wait3A_192 = tpu.memref_slice %arg4[%add3A, %dma_wait3A_176, %dma_wait3A_190, %dma_wait3A_191] : memref<32x125x1x80xi32, #tpu.memory_space<hbm>> -> memref<1x1x1x80xi32, #tpu.memory_space<hbm>>
    %dma_wait3A_193 = tpu.memref_squeeze %dma_wait3A_192 : memref<1x1x1x80xi32, #tpu.memory_space<hbm>> -> memref<1x80xi32, #tpu.memory_space<hbm>>
    tpu.wait_dma2 semaphore(%arg14 : memref<!tpu.dma_semaphore, #tpu.memory_space<semaphore_mem>>) src(%dma_wait3A_193 : memref<1x80xi32, #tpu.memory_space<hbm>>) dst(%dma_wait3A_189 : memref<1x80xi32, #tpu.memory_space<vmem>>)
    %dma_wait3A_194 = arith.constant 0 : i32
    %dma_wait3A_195 = arith.constant 0 : i32
    %dma_wait3A_196 = arith.constant 0 : i32
    %dma_wait3A_197 = arith.constant 0 : i32
    %dma_wait3A_198 = arith.constant 0 : i32
    %dma_wait3A_199 = tpu.memref_slice %arg9[%dma_wait3A_196, %dma_wait3A_197, %dma_wait3A_198] : memref<3x80x128xf32, #tpu.memory_space<vmem>> -> memref<1x80x128xf32, #tpu.memory_space<vmem>>
    %dma_wait3A_200 = tpu.memref_squeeze %dma_wait3A_199 : memref<1x80x128xf32, #tpu.memory_space<vmem>> -> memref<80x128xf32, #tpu.memory_space<vmem>>
    %dma_wait3A_201 = arith.constant 0 : i32
    %dma_wait3A_202 = tpu.memref_slice %arg7[%dma_wait3A_194, %dma_wait3A_195, %dma_wait3A_201] : memref<3x1x80xi32, #tpu.memory_space<vmem>> -> memref<1x1x80xi32, #tpu.memory_space<vmem>>
    %dma_wait3A_203 = tpu.memref_squeeze %dma_wait3A_202 : memref<1x1x80xi32, #tpu.memory_space<vmem>> -> memref<80xi32, #tpu.memory_space<vmem>>
    %dma_wait3A_204 = arith.constant 0 : i32
    %dma_wait3A_205 = arith.constant 0 : i32
    %dma_wait3A_206 = tpu.memref_slice %arg2[%dma_wait3A_204, %dma_wait3A_205] : memref<10000x128xf32, #tpu.memory_space<hbm>> -> memref<10000x128xf32, #tpu.memory_space<hbm>>
    tpu.wait_indirect_dma semaphore(%arg11 : memref<!tpu.dma_semaphore, #tpu.memory_space<semaphore_mem>>) src(%dma_wait3A_206 : memref<10000x128xf32, #tpu.memory_space<hbm>>) dst(%dma_wait3A_200 : memref<80x128xf32, #tpu.memory_space<vmem>>)
    %run_scoped3A = arith.constant 0 : i32
    %run_scoped3A_207 = arith.constant 0 : i32
    %run_scoped3A_208 = arith.constant 0 : i32
    "tpu.region"() ({
      %run_scoped3A_251 = tpu.sem_alloc : memref<!tpu.dma_semaphore, #tpu.memory_space<semaphore_mem>>
      %dma_start3A_252 = arith.constant 0 : i32
      %dma_start3A_253 = arith.constant 0 : i32
      %dma_start3A_254 = tpu.memref_slice %arg9[%run_scoped3A, %dma_start3A_252, %dma_start3A_253] : memref<3x80x128xf32, #tpu.memory_space<vmem>> -> memref<1x80x128xf32, #tpu.memory_space<vmem>>
      %dma_start3A_255 = tpu.memref_squeeze %dma_start3A_254 : memref<1x80x128xf32, #tpu.memory_space<vmem>> -> memref<80x128xf32, #tpu.memory_space<vmem>>
      %dma_start3A_256 = arith.constant 0 : i32
      %dma_start3A_257 = tpu.memref_slice %arg8[%run_scoped3A_207, %run_scoped3A_208, %dma_start3A_256] : memref<3x1x80xi32, #tpu.memory_space<vmem>> -> memref<1x1x80xi32, #tpu.memory_space<vmem>>
      %dma_start3A_258 = tpu.memref_squeeze %dma_start3A_257 : memref<1x1x80xi32, #tpu.memory_space<vmem>> -> memref<80xi32, #tpu.memory_space<vmem>>
      %dma_start3A_259 = arith.constant 0 : i32
      %dma_start3A_260 = arith.constant 0 : i32
      %dma_start3A_261 = tpu.memref_slice %arg10[%dma_start3A_259, %dma_start3A_260] : memref<10112x128xf32, #tpu.memory_space<vmem_shared>> -> memref<10112x128xf32, #tpu.memory_space<vmem_shared>>
      tpu.enqueue_indirect_dma source(%dma_start3A_255 : memref<80x128xf32, #tpu.memory_space<vmem>>) target(%dma_start3A_261 : memref<10112x128xf32, #tpu.memory_space<vmem_shared>>) offsets(%dma_start3A_258 : memref<80xi32, #tpu.memory_space<vmem>>) semaphore(%run_scoped3A_251 : memref<!tpu.dma_semaphore, #tpu.memory_space<semaphore_mem>>) {add = true}
      %dma_wait3A_262 = arith.constant 0 : i32
      %dma_wait3A_263 = arith.constant 0 : i32
      %dma_wait3A_264 = tpu.memref_slice %arg9[%run_scoped3A, %dma_wait3A_262, %dma_wait3A_263] : memref<3x80x128xf32, #tpu.memory_space<vmem>> -> memref<1x80x128xf32, #tpu.memory_space<vmem>>
      %dma_wait3A_265 = tpu.memref_squeeze %dma_wait3A_264 : memref<1x80x128xf32, #tpu.memory_space<vmem>> -> memref<80x128xf32, #tpu.memory_space<vmem>>
      %dma_wait3A_266 = arith.constant 0 : i32
      %dma_wait3A_267 = tpu.memref_slice %arg8[%run_scoped3A_207, %run_scoped3A_208, %dma_wait3A_266] : memref<3x1x80xi32, #tpu.memory_space<vmem>> -> memref<1x1x80xi32, #tpu.memory_space<vmem>>
      %dma_wait3A_268 = tpu.memref_squeeze %dma_wait3A_267 : memref<1x1x80xi32, #tpu.memory_space<vmem>> -> memref<80xi32, #tpu.memory_space<vmem>>
      %dma_wait3A_269 = arith.constant 0 : i32
      %dma_wait3A_270 = arith.constant 0 : i32
      %dma_wait3A_271 = tpu.memref_slice %arg10[%dma_wait3A_269, %dma_wait3A_270] : memref<10112x128xf32, #tpu.memory_space<vmem_shared>> -> memref<10112x128xf32, #tpu.memory_space<vmem_shared>>
      tpu.wait_indirect_dma semaphore(%run_scoped3A_251 : memref<!tpu.dma_semaphore, #tpu.memory_space<semaphore_mem>>) src(%dma_wait3A_265 : memref<80x128xf32, #tpu.memory_space<vmem>>) dst(%dma_wait3A_271 : memref<10112x128xf32, #tpu.memory_space<vmem_shared>>)
      tpu.yield
    }) : () -> ()
    %dma_wait3A_209 = arith.constant 124 : i32
    %dma_wait3A_210 = arith.constant 1 : i32
    %dma_wait3A_211 = arith.constant 0 : i32
    %dma_wait3A_212 = arith.constant 0 : i32
    %dma_wait3A_213 = tpu.memref_slice %arg8[%dma_wait3A_210, %dma_wait3A_211, %dma_wait3A_212] : memref<3x1x80xi32, #tpu.memory_space<vmem>> -> memref<1x1x80xi32, #tpu.memory_space<vmem>>
    %dma_wait3A_214 = tpu.memref_squeeze %dma_wait3A_213 : memref<1x1x80xi32, #tpu.memory_space<vmem>> -> memref<1x80xi32, #tpu.memory_space<vmem>>
    %dma_wait3A_215 = arith.constant 0 : i32
    %dma_wait3A_216 = arith.constant 0 : i32
    %dma_wait3A_217 = tpu.memref_slice %arg4[%add3A, %dma_wait3A_209, %dma_wait3A_215, %dma_wait3A_216] : memref<32x125x1x80xi32, #tpu.memory_space<hbm>> -> memref<1x1x1x80xi32, #tpu.memory_space<hbm>>
    %dma_wait3A_218 = tpu.memref_squeeze %dma_wait3A_217 : memref<1x1x1x80xi32, #tpu.memory_space<hbm>> -> memref<1x80xi32, #tpu.memory_space<hbm>>
    %dma_wait3A_219 = arith.constant 0 : i32
    %dma_wait3A_220 = arith.constant 0 : i32
    %dma_wait3A_221 = tpu.memref_slice %arg8[%dma_wait3A_210, %dma_wait3A_219, %dma_wait3A_220] : memref<3x1x80xi32, #tpu.memory_space<vmem>> -> memref<1x1x80xi32, #tpu.memory_space<vmem>>
    %dma_wait3A_222 = tpu.memref_squeeze %dma_wait3A_221 : memref<1x1x80xi32, #tpu.memory_space<vmem>> -> memref<1x80xi32, #tpu.memory_space<vmem>>
    %dma_wait3A_223 = arith.constant 0 : i32
    %dma_wait3A_224 = arith.constant 0 : i32
    %dma_wait3A_225 = tpu.memref_slice %arg4[%add3A, %dma_wait3A_209, %dma_wait3A_223, %dma_wait3A_224] : memref<32x125x1x80xi32, #tpu.memory_space<hbm>> -> memref<1x1x1x80xi32, #tpu.memory_space<hbm>>
    %dma_wait3A_226 = tpu.memref_squeeze %dma_wait3A_225 : memref<1x1x1x80xi32, #tpu.memory_space<hbm>> -> memref<1x80xi32, #tpu.memory_space<hbm>>
    tpu.wait_dma2 semaphore(%arg15 : memref<!tpu.dma_semaphore, #tpu.memory_space<semaphore_mem>>) src(%dma_wait3A_226 : memref<1x80xi32, #tpu.memory_space<hbm>>) dst(%dma_wait3A_222 : memref<1x80xi32, #tpu.memory_space<vmem>>)
    %dma_wait3A_227 = arith.constant 1 : i32
    %dma_wait3A_228 = arith.constant 0 : i32
    %dma_wait3A_229 = arith.constant 1 : i32
    %dma_wait3A_230 = arith.constant 0 : i32
    %dma_wait3A_231 = arith.constant 0 : i32
    %dma_wait3A_232 = tpu.memref_slice %arg9[%dma_wait3A_229, %dma_wait3A_230, %dma_wait3A_231] : memref<3x80x128xf32, #tpu.memory_space<vmem>> -> memref<1x80x128xf32, #tpu.memory_space<vmem>>
    %dma_wait3A_233 = tpu.memref_squeeze %dma_wait3A_232 : memref<1x80x128xf32, #tpu.memory_space<vmem>> -> memref<80x128xf32, #tpu.memory_space<vmem>>
    %dma_wait3A_234 = arith.constant 0 : i32
    %dma_wait3A_235 = tpu.memref_slice %arg7[%dma_wait3A_227, %dma_wait3A_228, %dma_wait3A_234] : memref<3x1x80xi32, #tpu.memory_space<vmem>> -> memref<1x1x80xi32, #tpu.memory_space<vmem>>
    %dma_wait3A_236 = tpu.memref_squeeze %dma_wait3A_235 : memref<1x1x80xi32, #tpu.memory_space<vmem>> -> memref<80xi32, #tpu.memory_space<vmem>>
    %dma_wait3A_237 = arith.constant 0 : i32
    %dma_wait3A_238 = arith.constant 0 : i32
    %dma_wait3A_239 = tpu.memref_slice %arg2[%dma_wait3A_237, %dma_wait3A_238] : memref<10000x128xf32, #tpu.memory_space<hbm>> -> memref<10000x128xf32, #tpu.memory_space<hbm>>
    tpu.wait_indirect_dma semaphore(%arg12 : memref<!tpu.dma_semaphore, #tpu.memory_space<semaphore_mem>>) src(%dma_wait3A_239 : memref<10000x128xf32, #tpu.memory_space<hbm>>) dst(%dma_wait3A_233 : memref<80x128xf32, #tpu.memory_space<vmem>>)
    %run_scoped3A_240 = arith.constant 1 : i32
    %run_scoped3A_241 = arith.constant 1 : i32
    %run_scoped3A_242 = arith.constant 0 : i32
    "tpu.region"() ({
      %run_scoped3A_251 = tpu.sem_alloc : memref<!tpu.dma_semaphore, #tpu.memory_space<semaphore_mem>>
      %dma_start3A_252 = arith.constant 0 : i32
      %dma_start3A_253 = arith.constant 0 : i32
      %dma_start3A_254 = tpu.memref_slice %arg9[%run_scoped3A_240, %dma_start3A_252, %dma_start3A_253] : memref<3x80x128xf32, #tpu.memory_space<vmem>> -> memref<1x80x128xf32, #tpu.memory_space<vmem>>
      %dma_start3A_255 = tpu.memref_squeeze %dma_start3A_254 : memref<1x80x128xf32, #tpu.memory_space<vmem>> -> memref<80x128xf32, #tpu.memory_space<vmem>>
      %dma_start3A_256 = arith.constant 0 : i32
      %dma_start3A_257 = tpu.memref_slice %arg8[%run_scoped3A_241, %run_scoped3A_242, %dma_start3A_256] : memref<3x1x80xi32, #tpu.memory_space<vmem>> -> memref<1x1x80xi32, #tpu.memory_space<vmem>>
      %dma_start3A_258 = tpu.memref_squeeze %dma_start3A_257 : memref<1x1x80xi32, #tpu.memory_space<vmem>> -> memref<80xi32, #tpu.memory_space<vmem>>
      %dma_start3A_259 = arith.constant 0 : i32
      %dma_start3A_260 = arith.constant 0 : i32
      %dma_start3A_261 = tpu.memref_slice %arg10[%dma_start3A_259, %dma_start3A_260] : memref<10112x128xf32, #tpu.memory_space<vmem_shared>> -> memref<10112x128xf32, #tpu.memory_space<vmem_shared>>
      tpu.enqueue_indirect_dma source(%dma_start3A_255 : memref<80x128xf32, #tpu.memory_space<vmem>>) target(%dma_start3A_261 : memref<10112x128xf32, #tpu.memory_space<vmem_shared>>) offsets(%dma_start3A_258 : memref<80xi32, #tpu.memory_space<vmem>>) semaphore(%run_scoped3A_251 : memref<!tpu.dma_semaphore, #tpu.memory_space<semaphore_mem>>) {add = true}
      %dma_wait3A_262 = arith.constant 0 : i32
      %dma_wait3A_263 = arith.constant 0 : i32
      %dma_wait3A_264 = tpu.memref_slice %arg9[%run_scoped3A_240, %dma_wait3A_262, %dma_wait3A_263] : memref<3x80x128xf32, #tpu.memory_space<vmem>> -> memref<1x80x128xf32, #tpu.memory_space<vmem>>
      %dma_wait3A_265 = tpu.memref_squeeze %dma_wait3A_264 : memref<1x80x128xf32, #tpu.memory_space<vmem>> -> memref<80x128xf32, #tpu.memory_space<vmem>>
      %dma_wait3A_266 = arith.constant 0 : i32
      %dma_wait3A_267 = tpu.memref_slice %arg8[%run_scoped3A_241, %run_scoped3A_242, %dma_wait3A_266] : memref<3x1x80xi32, #tpu.memory_space<vmem>> -> memref<1x1x80xi32, #tpu.memory_space<vmem>>
      %dma_wait3A_268 = tpu.memref_squeeze %dma_wait3A_267 : memref<1x1x80xi32, #tpu.memory_space<vmem>> -> memref<80xi32, #tpu.memory_space<vmem>>
      %dma_wait3A_269 = arith.constant 0 : i32
      %dma_wait3A_270 = arith.constant 0 : i32
      %dma_wait3A_271 = tpu.memref_slice %arg10[%dma_wait3A_269, %dma_wait3A_270] : memref<10112x128xf32, #tpu.memory_space<vmem_shared>> -> memref<10112x128xf32, #tpu.memory_space<vmem_shared>>
      tpu.wait_indirect_dma semaphore(%run_scoped3A_251 : memref<!tpu.dma_semaphore, #tpu.memory_space<semaphore_mem>>) src(%dma_wait3A_265 : memref<80x128xf32, #tpu.memory_space<vmem>>) dst(%dma_wait3A_271 : memref<10112x128xf32, #tpu.memory_space<vmem_shared>>)
      tpu.yield
    }) : () -> ()
    %barrier3A_243 = arith.constant 0 : index
    tpu.barrier barrier_id(%barrier3A_243)
    %mul3A_244 = arith.constant 632 : i32
    %mul3A_245 = arith.muli %arg1, %mul3A_244 : i32
    %mul3A_246 = arith.constant 10112 : i32
    %mul3A_247 = arith.muli %arg0, %mul3A_246 : i32
    %mul3A_248 = arith.constant 632 : i32
    %mul3A_249 = arith.muli %arg1, %mul3A_248 : i32
    %add3A_250 = arith.addi %mul3A_247, %mul3A_249 : i32
    "tpu.region"() ({
      %run_scoped3A_251 = tpu.sem_alloc : memref<!tpu.dma_semaphore, #tpu.memory_space<semaphore_mem>>
      %dma_start3A_252 = arith.constant 0 : i32
      %dma_start3A_253 = tpu.memref_slice %arg6[%add3A_250, %dma_start3A_252] : memref<20224x128xf32, #tpu.memory_space<hbm>> -> memref<632x128xf32, #tpu.memory_space<hbm>>
      %dma_start3A_254 = arith.constant 0 : i32
      %dma_start3A_255 = tpu.memref_slice %arg10[%mul3A_245, %dma_start3A_254] : memref<10112x128xf32, #tpu.memory_space<vmem_shared>> -> memref<632x128xf32, #tpu.memory_space<vmem_shared>>
      tpu.enqueue_dma source(%dma_start3A_255 : memref<632x128xf32, #tpu.memory_space<vmem_shared>>) target(%dma_start3A_253 : memref<632x128xf32, #tpu.memory_space<hbm>>) target_semaphore(%run_scoped3A_251 : memref<!tpu.dma_semaphore, #tpu.memory_space<semaphore_mem>>)
      %dma_wait3A_256 = arith.constant 0 : i32
      %dma_wait3A_257 = tpu.memref_slice %arg6[%add3A_250, %dma_wait3A_256] : memref<20224x128xf32, #tpu.memory_space<hbm>> -> memref<632x128xf32, #tpu.memory_space<hbm>>
      %dma_wait3A_258 = arith.constant 0 : i32
      %dma_wait3A_259 = tpu.memref_slice %arg10[%mul3A_245, %dma_wait3A_258] : memref<10112x128xf32, #tpu.memory_space<vmem_shared>> -> memref<632x128xf32, #tpu.memory_space<vmem_shared>>
      tpu.wait_dma2 semaphore(%run_scoped3A_251 : memref<!tpu.dma_semaphore, #tpu.memory_space<semaphore_mem>>) src(%dma_wait3A_259 : memref<632x128xf32, #tpu.memory_space<vmem_shared>>) dst(%dma_wait3A_257 : memref<632x128xf32, #tpu.memory_space<hbm>>)
      tpu.yield
    }) : () -> ()
    return
  }
}

#map = affine_map<(d0, d1) -> (0, 0)>
#map1 = affine_map<(d0, d1) -> (0, 0, 0, 0)>
module attributes {stable_mosaic.version = 14 : i64} {
  func.func @_sc_aggr_body(%arg0: i32, %arg1: i32, %arg2: memref<10000x128xf32, #tpu.memory_space<hbm>>, %arg3: memref<32x125x1x80xi32, #tpu.memory_space<hbm>>, %arg4: memref<32x125x1x80xi32, #tpu.memory_space<hbm>>, %arg5: memref<632x128xf32, #tpu.memory_space<hbm>>, %arg6: memref<20224x128xf32, #tpu.memory_space<hbm>>, %arg7: memref<3x1x80xi32, #tpu.memory_space<vmem>>, %arg8: memref<3x1x80xi32, #tpu.memory_space<vmem>>, %arg9: memref<3x80x128xf32, #tpu.memory_space<vmem>>, %arg10: memref<10112x128xf32, #tpu.memory_space<vmem_shared>>, %arg11: memref<!tpu.dma_semaphore, #tpu.memory_space<semaphore_mem>>, %arg12: memref<!tpu.dma_semaphore, #tpu.memory_space<semaphore_mem>>, %arg13: memref<!tpu.dma_semaphore, #tpu.memory_space<semaphore_mem>>, %arg14: memref<!tpu.dma_semaphore, #tpu.memory_space<semaphore_mem>>, %arg15: memref<!tpu.dma_semaphore, #tpu.memory_space<semaphore_mem>>, %arg16: memref<!tpu.dma_semaphore, #tpu.memory_space<semaphore_mem>>, %arg17: memref<!tpu.dma_semaphore, #tpu.memory_space<semaphore_mem>>, %arg18: memref<!tpu.dma_semaphore, #tpu.memory_space<semaphore_mem>>, %arg19: memref<!tpu.dma_semaphore, #tpu.memory_space<semaphore_mem>>) attributes {dimension_semantics = [#tpu.dimension_semantics<core_parallel>, #tpu.dimension_semantics<subcore_parallel>], iteration_bounds = array<i64: 2, 16>, scalar_prefetch = 0 : i64, scratch_operands = 13 : i64, tpu.core_type = #tpu.core_type<sc_vector_subcore>, window_params = [{transform_indices = #map}, {transform_indices = #map1}, {transform_indices = #map1}, {transform_indices = #map}, {transform_indices = #map}]} {
    %mul3A = arith.constant 16 : i32
    %mul3A_0 = arith.muli %arg0, %mul3A : i32
    %add3A = arith.addi %mul3A_0, %arg1 : i32
    %mul3A_1 = arith.constant 632 : i32
    %mul3A_2 = arith.muli %arg1, %mul3A_1 : i32
    "tpu.region"() ({
      %run_scoped3A_251 = tpu.sem_alloc : memref<!tpu.dma_semaphore, #tpu.memory_space<semaphore_mem>>
      %dma_start3A_252 = arith.constant 0 : i32
      %dma_start3A_253 = tpu.memref_slice %arg10[%mul3A_2, %dma_start3A_252] : memref<10112x128xf32, #tpu.memory_space<vmem_shared>> -> memref<632x128xf32, #tpu.memory_space<vmem_shared>>
      tpu.enqueue_dma source(%arg5 : memref<632x128xf32, #tpu.memory_space<hbm>>) target(%dma_start3A_253 : memref<632x128xf32, #tpu.memory_space<vmem_shared>>) target_semaphore(%run_scoped3A_251 : memref<!tpu.dma_semaphore, #tpu.memory_space<semaphore_mem>>)
      %dma_wait3A_254 = arith.constant 0 : i32
      %dma_wait3A_255 = tpu.memref_slice %arg10[%mul3A_2, %dma_wait3A_254] : memref<10112x128xf32, #tpu.memory_space<vmem_shared>> -> memref<632x128xf32, #tpu.memory_space<vmem_shared>>
      tpu.wait_dma2 semaphore(%run_scoped3A_251 : memref<!tpu.dma_semaphore, #tpu.memory_space<semaphore_mem>>) src(%arg5 : memref<632x128xf32, #tpu.memory_space<hbm>>) dst(%dma_wait3A_255 : memref<632x128xf32, #tpu.memory_space<vmem_shared>>)
      tpu.yield
    }) : () -> ()
    %barrier3A = arith.constant 0 : index
    tpu.barrier barrier_id(%barrier3A)
    %dma_start3A = arith.constant 0 : i32
    %dma_start3A_3 = arith.constant 0 : i32
    %dma_start3A_4 = arith.constant 0 : i32
    %dma_start3A_5 = arith.constant 0 : i32
    %dma_start3A_6 = tpu.memref_slice %arg8[%dma_start3A_3, %dma_start3A_4, %dma_start3A_5] : memref<3x1x80xi32, #tpu.memory_space<vmem>> -> memref<1x1x80xi32, #tpu.memory_space<vmem>>
    %dma_start3A_7 = tpu.memref_squeeze %dma_start3A_6 : memref<1x1x80xi32, #tpu.memory_space<vmem>> -> memref<1x80xi32, #tpu.memory_space<vmem>>
    %dma_start3A_8 = arith.constant 0 : i32
    %dma_start3A_9 = arith.constant 0 : i32
    %dma_start3A_10 = tpu.memref_slice %arg4[%add3A, %dma_start3A, %dma_start3A_8, %dma_start3A_9] : memref<32x125x1x80xi32, #tpu.memory_space<hbm>> -> memref<1x1x1x80xi32, #tpu.memory_space<hbm>>
    %dma_start3A_11 = tpu.memref_squeeze %dma_start3A_10 : memref<1x1x1x80xi32, #tpu.memory_space<hbm>> -> memref<1x80xi32, #tpu.memory_space<hbm>>
    %dma_start3A_12 = arith.constant 0 : i32
    %dma_start3A_13 = arith.constant 0 : i32
    %dma_start3A_14 = tpu.memref_slice %arg8[%dma_start3A_3, %dma_start3A_12, %dma_start3A_13] : memref<3x1x80xi32, #tpu.memory_space<vmem>> -> memref<1x1x80xi32, #tpu.memory_space<vmem>>
    %dma_start3A_15 = tpu.memref_squeeze %dma_start3A_14 : memref<1x1x80xi32, #tpu.memory_space<vmem>> -> memref<1x80xi32, #tpu.memory_space<vmem>>
    %dma_start3A_16 = arith.constant 0 : i32
    %dma_start3A_17 = arith.constant 0 : i32
    %dma_start3A_18 = tpu.memref_slice %arg4[%add3A, %dma_start3A, %dma_start3A_16, %dma_start3A_17] : memref<32x125x1x80xi32, #tpu.memory_space<hbm>> -> memref<1x1x1x80xi32, #tpu.memory_space<hbm>>
    %dma_start3A_19 = tpu.memref_squeeze %dma_start3A_18 : memref<1x1x1x80xi32, #tpu.memory_space<hbm>> -> memref<1x80xi32, #tpu.memory_space<hbm>>
    tpu.enqueue_dma source(%dma_start3A_19 : memref<1x80xi32, #tpu.memory_space<hbm>>) target(%dma_start3A_15 : memref<1x80xi32, #tpu.memory_space<vmem>>) target_semaphore(%arg14 : memref<!tpu.dma_semaphore, #tpu.memory_space<semaphore_mem>>)
    %dma_start3A_20 = arith.constant 0 : i32
    %dma_start3A_21 = arith.constant 0 : i32
    %dma_start3A_22 = arith.constant 0 : i32
    %dma_start3A_23 = arith.constant 0 : i32
    %dma_start3A_24 = tpu.memref_slice %arg7[%dma_start3A_21, %dma_start3A_22, %dma_start3A_23] : memref<3x1x80xi32, #tpu.memory_space<vmem>> -> memref<1x1x80xi32, #tpu.memory_space<vmem>>
    %dma_start3A_25 = tpu.memref_squeeze %dma_start3A_24 : memref<1x1x80xi32, #tpu.memory_space<vmem>> -> memref<1x80xi32, #tpu.memory_space<vmem>>
    %dma_start3A_26 = arith.constant 0 : i32
    %dma_start3A_27 = arith.constant 0 : i32
    %dma_start3A_28 = tpu.memref_slice %arg3[%add3A, %dma_start3A_20, %dma_start3A_26, %dma_start3A_27] : memref<32x125x1x80xi32, #tpu.memory_space<hbm>> -> memref<1x1x1x80xi32, #tpu.memory_space<hbm>>
    %dma_start3A_29 = tpu.memref_squeeze %dma_start3A_28 : memref<1x1x1x80xi32, #tpu.memory_space<hbm>> -> memref<1x80xi32, #tpu.memory_space<hbm>>
    %dma_start3A_30 = arith.constant 0 : i32
    %dma_start3A_31 = arith.constant 0 : i32
    %dma_start3A_32 = tpu.memref_slice %arg7[%dma_start3A_21, %dma_start3A_30, %dma_start3A_31] : memref<3x1x80xi32, #tpu.memory_space<vmem>> -> memref<1x1x80xi32, #tpu.memory_space<vmem>>
    %dma_start3A_33 = tpu.memref_squeeze %dma_start3A_32 : memref<1x1x80xi32, #tpu.memory_space<vmem>> -> memref<1x80xi32, #tpu.memory_space<vmem>>
    %dma_start3A_34 = arith.constant 0 : i32
    %dma_start3A_35 = arith.constant 0 : i32
    %dma_start3A_36 = tpu.memref_slice %arg3[%add3A, %dma_start3A_20, %dma_start3A_34, %dma_start3A_35] : memref<32x125x1x80xi32, #tpu.memory_space<hbm>> -> memref<1x1x1x80xi32, #tpu.memory_space<hbm>>
    %dma_start3A_37 = tpu.memref_squeeze %dma_start3A_36 : memref<1x1x1x80xi32, #tpu.memory_space<hbm>> -> memref<1x80xi32, #tpu.memory_space<hbm>>
    tpu.enqueue_dma source(%dma_start3A_37 : memref<1x80xi32, #tpu.memory_space<hbm>>) target(%dma_start3A_33 : memref<1x80xi32, #tpu.memory_space<vmem>>) target_semaphore(%arg17 : memref<!tpu.dma_semaphore, #tpu.memory_space<semaphore_mem>>)
    %dma_start3A_38 = arith.constant 1 : i32
    %dma_start3A_39 = arith.constant 1 : i32
    %dma_start3A_40 = arith.constant 0 : i32
    %dma_start3A_41 = arith.constant 0 : i32
    %dma_start3A_42 = tpu.memref_slice %arg8[%dma_start3A_39, %dma_start3A_40, %dma_start3A_41] : memref<3x1x80xi32, #tpu.memory_space<vmem>> -> memref<1x1x80xi32, #tpu.memory_space<vmem>>
    %dma_start3A_43 = tpu.memref_squeeze %dma_start3A_42 : memref<1x1x80xi32, #tpu.memory_space<vmem>> -> memref<1x80xi32, #tpu.memory_space<vmem>>
    %dma_start3A_44 = arith.constant 0 : i32
    %dma_start3A_45 = arith.constant 0 : i32
    %dma_start3A_46 = tpu.memref_slice %arg4[%add3A, %dma_start3A_38, %dma_start3A_44, %dma_start3A_45] : memref<32x125x1x80xi32, #tpu.memory_space<hbm>> -> memref<1x1x1x80xi32, #tpu.memory_space<hbm>>
    %dma_start3A_47 = tpu.memref_squeeze %dma_start3A_46 : memref<1x1x1x80xi32, #tpu.memory_space<hbm>> -> memref<1x80xi32, #tpu.memory_space<hbm>>
    %dma_start3A_48 = arith.constant 0 : i32
    %dma_start3A_49 = arith.constant 0 : i32
    %dma_start3A_50 = tpu.memref_slice %arg8[%dma_start3A_39, %dma_start3A_48, %dma_start3A_49] : memref<3x1x80xi32, #tpu.memory_space<vmem>> -> memref<1x1x80xi32, #tpu.memory_space<vmem>>
    %dma_start3A_51 = tpu.memref_squeeze %dma_start3A_50 : memref<1x1x80xi32, #tpu.memory_space<vmem>> -> memref<1x80xi32, #tpu.memory_space<vmem>>
    %dma_start3A_52 = arith.constant 0 : i32
    %dma_start3A_53 = arith.constant 0 : i32
    %dma_start3A_54 = tpu.memref_slice %arg4[%add3A, %dma_start3A_38, %dma_start3A_52, %dma_start3A_53] : memref<32x125x1x80xi32, #tpu.memory_space<hbm>> -> memref<1x1x1x80xi32, #tpu.memory_space<hbm>>
    %dma_start3A_55 = tpu.memref_squeeze %dma_start3A_54 : memref<1x1x1x80xi32, #tpu.memory_space<hbm>> -> memref<1x80xi32, #tpu.memory_space<hbm>>
    tpu.enqueue_dma source(%dma_start3A_55 : memref<1x80xi32, #tpu.memory_space<hbm>>) target(%dma_start3A_51 : memref<1x80xi32, #tpu.memory_space<vmem>>) target_semaphore(%arg15 : memref<!tpu.dma_semaphore, #tpu.memory_space<semaphore_mem>>)
    %dma_start3A_56 = arith.constant 1 : i32
    %dma_start3A_57 = arith.constant 1 : i32
    %dma_start3A_58 = arith.constant 0 : i32
    %dma_start3A_59 = arith.constant 0 : i32
    %dma_start3A_60 = tpu.memref_slice %arg7[%dma_start3A_57, %dma_start3A_58, %dma_start3A_59] : memref<3x1x80xi32, #tpu.memory_space<vmem>> -> memref<1x1x80xi32, #tpu.memory_space<vmem>>
    %dma_start3A_61 = tpu.memref_squeeze %dma_start3A_60 : memref<1x1x80xi32, #tpu.memory_space<vmem>> -> memref<1x80xi32, #tpu.memory_space<vmem>>
    %dma_start3A_62 = arith.constant 0 : i32
    %dma_start3A_63 = arith.constant 0 : i32
    %dma_start3A_64 = tpu.memref_slice %arg3[%add3A, %dma_start3A_56, %dma_start3A_62, %dma_start3A_63] : memref<32x125x1x80xi32, #tpu.memory_space<hbm>> -> memref<1x1x1x80xi32, #tpu.memory_space<hbm>>
    %dma_start3A_65 = tpu.memref_squeeze %dma_start3A_64 : memref<1x1x1x80xi32, #tpu.memory_space<hbm>> -> memref<1x80xi32, #tpu.memory_space<hbm>>
    %dma_start3A_66 = arith.constant 0 : i32
    %dma_start3A_67 = arith.constant 0 : i32
    %dma_start3A_68 = tpu.memref_slice %arg7[%dma_start3A_57, %dma_start3A_66, %dma_start3A_67] : memref<3x1x80xi32, #tpu.memory_space<vmem>> -> memref<1x1x80xi32, #tpu.memory_space<vmem>>
    %dma_start3A_69 = tpu.memref_squeeze %dma_start3A_68 : memref<1x1x80xi32, #tpu.memory_space<vmem>> -> memref<1x80xi32, #tpu.memory_space<vmem>>
    %dma_start3A_70 = arith.constant 0 : i32
    %dma_start3A_71 = arith.constant 0 : i32
    %dma_start3A_72 = tpu.memref_slice %arg3[%add3A, %dma_start3A_56, %dma_start3A_70, %dma_start3A_71] : memref<32x125x1x80xi32, #tpu.memory_space<hbm>> -> memref<1x1x1x80xi32, #tpu.memory_space<hbm>>
    %dma_start3A_73 = tpu.memref_squeeze %dma_start3A_72 : memref<1x1x1x80xi32, #tpu.memory_space<hbm>> -> memref<1x80xi32, #tpu.memory_space<hbm>>
    tpu.enqueue_dma source(%dma_start3A_73 : memref<1x80xi32, #tpu.memory_space<hbm>>) target(%dma_start3A_69 : memref<1x80xi32, #tpu.memory_space<vmem>>) target_semaphore(%arg18 : memref<!tpu.dma_semaphore, #tpu.memory_space<semaphore_mem>>)
    %dma_start3A_74 = arith.constant 2 : i32
    %dma_start3A_75 = arith.constant 2 : i32
    %dma_start3A_76 = arith.constant 0 : i32
    %dma_start3A_77 = arith.constant 0 : i32
    %dma_start3A_78 = tpu.memref_slice %arg8[%dma_start3A_75, %dma_start3A_76, %dma_start3A_77] : memref<3x1x80xi32, #tpu.memory_space<vmem>> -> memref<1x1x80xi32, #tpu.memory_space<vmem>>
    %dma_start3A_79 = tpu.memref_squeeze %dma_start3A_78 : memref<1x1x80xi32, #tpu.memory_space<vmem>> -> memref<1x80xi32, #tpu.memory_space<vmem>>
    %dma_start3A_80 = arith.constant 0 : i32
    %dma_start3A_81 = arith.constant 0 : i32
    %dma_start3A_82 = tpu.memref_slice %arg4[%add3A, %dma_start3A_74, %dma_start3A_80, %dma_start3A_81] : memref<32x125x1x80xi32, #tpu.memory_space<hbm>> -> memref<1x1x1x80xi32, #tpu.memory_space<hbm>>
    %dma_start3A_83 = tpu.memref_squeeze %dma_start3A_82 : memref<1x1x1x80xi32, #tpu.memory_space<hbm>> -> memref<1x80xi32, #tpu.memory_space<hbm>>
    %dma_start3A_84 = arith.constant 0 : i32
    %dma_start3A_85 = arith.constant 0 : i32
    %dma_start3A_86 = tpu.memref_slice %arg8[%dma_start3A_75, %dma_start3A_84, %dma_start3A_85] : memref<3x1x80xi32, #tpu.memory_space<vmem>> -> memref<1x1x80xi32, #tpu.memory_space<vmem>>
    %dma_start3A_87 = tpu.memref_squeeze %dma_start3A_86 : memref<1x1x80xi32, #tpu.memory_space<vmem>> -> memref<1x80xi32, #tpu.memory_space<vmem>>
    %dma_start3A_88 = arith.constant 0 : i32
    %dma_start3A_89 = arith.constant 0 : i32
    %dma_start3A_90 = tpu.memref_slice %arg4[%add3A, %dma_start3A_74, %dma_start3A_88, %dma_start3A_89] : memref<32x125x1x80xi32, #tpu.memory_space<hbm>> -> memref<1x1x1x80xi32, #tpu.memory_space<hbm>>
    %dma_start3A_91 = tpu.memref_squeeze %dma_start3A_90 : memref<1x1x1x80xi32, #tpu.memory_space<hbm>> -> memref<1x80xi32, #tpu.memory_space<hbm>>
    tpu.enqueue_dma source(%dma_start3A_91 : memref<1x80xi32, #tpu.memory_space<hbm>>) target(%dma_start3A_87 : memref<1x80xi32, #tpu.memory_space<vmem>>) target_semaphore(%arg16 : memref<!tpu.dma_semaphore, #tpu.memory_space<semaphore_mem>>)
    %dma_start3A_92 = arith.constant 2 : i32
    %dma_start3A_93 = arith.constant 2 : i32
    %dma_start3A_94 = arith.constant 0 : i32
    %dma_start3A_95 = arith.constant 0 : i32
    %dma_start3A_96 = tpu.memref_slice %arg7[%dma_start3A_93, %dma_start3A_94, %dma_start3A_95] : memref<3x1x80xi32, #tpu.memory_space<vmem>> -> memref<1x1x80xi32, #tpu.memory_space<vmem>>
    %dma_start3A_97 = tpu.memref_squeeze %dma_start3A_96 : memref<1x1x80xi32, #tpu.memory_space<vmem>> -> memref<1x80xi32, #tpu.memory_space<vmem>>
    %dma_start3A_98 = arith.constant 0 : i32
    %dma_start3A_99 = arith.constant 0 : i32
    %dma_start3A_100 = tpu.memref_slice %arg3[%add3A, %dma_start3A_92, %dma_start3A_98, %dma_start3A_99] : memref<32x125x1x80xi32, #tpu.memory_space<hbm>> -> memref<1x1x1x80xi32, #tpu.memory_space<hbm>>
    %dma_start3A_101 = tpu.memref_squeeze %dma_start3A_100 : memref<1x1x1x80xi32, #tpu.memory_space<hbm>> -> memref<1x80xi32, #tpu.memory_space<hbm>>
    %dma_start3A_102 = arith.constant 0 : i32
    %dma_start3A_103 = arith.constant 0 : i32
    %dma_start3A_104 = tpu.memref_slice %arg7[%dma_start3A_93, %dma_start3A_102, %dma_start3A_103] : memref<3x1x80xi32, #tpu.memory_space<vmem>> -> memref<1x1x80xi32, #tpu.memory_space<vmem>>
    %dma_start3A_105 = tpu.memref_squeeze %dma_start3A_104 : memref<1x1x80xi32, #tpu.memory_space<vmem>> -> memref<1x80xi32, #tpu.memory_space<vmem>>
    %dma_start3A_106 = arith.constant 0 : i32
    %dma_start3A_107 = arith.constant 0 : i32
    %dma_start3A_108 = tpu.memref_slice %arg3[%add3A, %dma_start3A_92, %dma_start3A_106, %dma_start3A_107] : memref<32x125x1x80xi32, #tpu.memory_space<hbm>> -> memref<1x1x1x80xi32, #tpu.memory_space<hbm>>
    %dma_start3A_109 = tpu.memref_squeeze %dma_start3A_108 : memref<1x1x1x80xi32, #tpu.memory_space<hbm>> -> memref<1x80xi32, #tpu.memory_space<hbm>>
    tpu.enqueue_dma source(%dma_start3A_109 : memref<1x80xi32, #tpu.memory_space<hbm>>) target(%dma_start3A_105 : memref<1x80xi32, #tpu.memory_space<vmem>>) target_semaphore(%arg19 : memref<!tpu.dma_semaphore, #tpu.memory_space<semaphore_mem>>)
    %dma_wait3A = arith.constant 0 : i32
    %dma_wait3A_110 = arith.constant 0 : i32
    %dma_wait3A_111 = arith.constant 0 : i32
    %dma_wait3A_112 = arith.constant 0 : i32
    %dma_wait3A_113 = tpu.memref_slice %arg7[%dma_wait3A_110, %dma_wait3A_111, %dma_wait3A_112] : memref<3x1x80xi32, #tpu.memory_space<vmem>> -> memref<1x1x80xi32, #tpu.memory_space<vmem>>
    %dma_wait3A_114 = tpu.memref_squeeze %dma_wait3A_113 : memref<1x1x80xi32, #tpu.memory_space<vmem>> -> memref<1x80xi32, #tpu.memory_space<vmem>>
    %dma_wait3A_115 = arith.constant 0 : i32
    %dma_wait3A_116 = arith.constant 0 : i32
    %dma_wait3A_117 = tpu.memref_slice %arg3[%add3A, %dma_wait3A, %dma_wait3A_115, %dma_wait3A_116] : memref<32x125x1x80xi32, #tpu.memory_space<hbm>> -> memref<1x1x1x80xi32, #tpu.memory_space<hbm>>
    %dma_wait3A_118 = tpu.memref_squeeze %dma_wait3A_117 : memref<1x1x1x80xi32, #tpu.memory_space<hbm>> -> memref<1x80xi32, #tpu.memory_space<hbm>>
    %dma_wait3A_119 = arith.constant 0 : i32
    %dma_wait3A_120 = arith.constant 0 : i32
    %dma_wait3A_121 = tpu.memref_slice %arg7[%dma_wait3A_110, %dma_wait3A_119, %dma_wait3A_120] : memref<3x1x80xi32, #tpu.memory_space<vmem>> -> memref<1x1x80xi32, #tpu.memory_space<vmem>>
    %dma_wait3A_122 = tpu.memref_squeeze %dma_wait3A_121 : memref<1x1x80xi32, #tpu.memory_space<vmem>> -> memref<1x80xi32, #tpu.memory_space<vmem>>
    %dma_wait3A_123 = arith.constant 0 : i32
    %dma_wait3A_124 = arith.constant 0 : i32
    %dma_wait3A_125 = tpu.memref_slice %arg3[%add3A, %dma_wait3A, %dma_wait3A_123, %dma_wait3A_124] : memref<32x125x1x80xi32, #tpu.memory_space<hbm>> -> memref<1x1x1x80xi32, #tpu.memory_space<hbm>>
    %dma_wait3A_126 = tpu.memref_squeeze %dma_wait3A_125 : memref<1x1x1x80xi32, #tpu.memory_space<hbm>> -> memref<1x80xi32, #tpu.memory_space<hbm>>
    tpu.wait_dma2 semaphore(%arg17 : memref<!tpu.dma_semaphore, #tpu.memory_space<semaphore_mem>>) src(%dma_wait3A_126 : memref<1x80xi32, #tpu.memory_space<hbm>>) dst(%dma_wait3A_122 : memref<1x80xi32, #tpu.memory_space<vmem>>)
    %dma_start3A_127 = arith.constant 0 : i32
    %dma_start3A_128 = arith.constant 0 : i32
    %dma_start3A_129 = arith.constant 0 : i32
    %dma_start3A_130 = arith.constant 0 : i32
    %dma_start3A_131 = arith.constant 0 : i32
    %dma_start3A_132 = tpu.memref_slice %arg9[%dma_start3A_129, %dma_start3A_130, %dma_start3A_131] : memref<3x80x128xf32, #tpu.memory_space<vmem>> -> memref<1x80x128xf32, #tpu.memory_space<vmem>>
    %dma_start3A_133 = tpu.memref_squeeze %dma_start3A_132 : memref<1x80x128xf32, #tpu.memory_space<vmem>> -> memref<80x128xf32, #tpu.memory_space<vmem>>
    %dma_start3A_134 = arith.constant 0 : i32
    %dma_start3A_135 = tpu.memref_slice %arg7[%dma_start3A_127, %dma_start3A_128, %dma_start3A_134] : memref<3x1x80xi32, #tpu.memory_space<vmem>> -> memref<1x1x80xi32, #tpu.memory_space<vmem>>
    %dma_start3A_136 = tpu.memref_squeeze %dma_start3A_135 : memref<1x1x80xi32, #tpu.memory_space<vmem>> -> memref<80xi32, #tpu.memory_space<vmem>>
    %dma_start3A_137 = arith.constant 0 : i32
    %dma_start3A_138 = arith.constant 0 : i32
    %dma_start3A_139 = tpu.memref_slice %arg2[%dma_start3A_137, %dma_start3A_138] : memref<10000x128xf32, #tpu.memory_space<hbm>> -> memref<10000x128xf32, #tpu.memory_space<hbm>>
    tpu.enqueue_indirect_dma source(%dma_start3A_139 : memref<10000x128xf32, #tpu.memory_space<hbm>>) target(%dma_start3A_133 : memref<80x128xf32, #tpu.memory_space<vmem>>) offsets(%dma_start3A_136 : memref<80xi32, #tpu.memory_space<vmem>>) semaphore(%arg11 : memref<!tpu.dma_semaphore, #tpu.memory_space<semaphore_mem>>)
    %dma_wait3A_140 = arith.constant 1 : i32
    %dma_wait3A_141 = arith.constant 1 : i32
    %dma_wait3A_142 = arith.constant 0 : i32
    %dma_wait3A_143 = arith.constant 0 : i32
    %dma_wait3A_144 = tpu.memref_slice %arg7[%dma_wait3A_141, %dma_wait3A_142, %dma_wait3A_143] : memref<3x1x80xi32, #tpu.memory_space<vmem>> -> memref<1x1x80xi32, #tpu.memory_space<vmem>>
    %dma_wait3A_145 = tpu.memref_squeeze %dma_wait3A_144 : memref<1x1x80xi32, #tpu.memory_space<vmem>> -> memref<1x80xi32, #tpu.memory_space<vmem>>
    %dma_wait3A_146 = arith.constant 0 : i32
    %dma_wait3A_147 = arith.constant 0 : i32
    %dma_wait3A_148 = tpu.memref_slice %arg3[%add3A, %dma_wait3A_140, %dma_wait3A_146, %dma_wait3A_147] : memref<32x125x1x80xi32, #tpu.memory_space<hbm>> -> memref<1x1x1x80xi32, #tpu.memory_space<hbm>>
    %dma_wait3A_149 = tpu.memref_squeeze %dma_wait3A_148 : memref<1x1x1x80xi32, #tpu.memory_space<hbm>> -> memref<1x80xi32, #tpu.memory_space<hbm>>
    %dma_wait3A_150 = arith.constant 0 : i32
    %dma_wait3A_151 = arith.constant 0 : i32
    %dma_wait3A_152 = tpu.memref_slice %arg7[%dma_wait3A_141, %dma_wait3A_150, %dma_wait3A_151] : memref<3x1x80xi32, #tpu.memory_space<vmem>> -> memref<1x1x80xi32, #tpu.memory_space<vmem>>
    %dma_wait3A_153 = tpu.memref_squeeze %dma_wait3A_152 : memref<1x1x80xi32, #tpu.memory_space<vmem>> -> memref<1x80xi32, #tpu.memory_space<vmem>>
    %dma_wait3A_154 = arith.constant 0 : i32
    %dma_wait3A_155 = arith.constant 0 : i32
    %dma_wait3A_156 = tpu.memref_slice %arg3[%add3A, %dma_wait3A_140, %dma_wait3A_154, %dma_wait3A_155] : memref<32x125x1x80xi32, #tpu.memory_space<hbm>> -> memref<1x1x1x80xi32, #tpu.memory_space<hbm>>
    %dma_wait3A_157 = tpu.memref_squeeze %dma_wait3A_156 : memref<1x1x1x80xi32, #tpu.memory_space<hbm>> -> memref<1x80xi32, #tpu.memory_space<hbm>>
    tpu.wait_dma2 semaphore(%arg18 : memref<!tpu.dma_semaphore, #tpu.memory_space<semaphore_mem>>) src(%dma_wait3A_157 : memref<1x80xi32, #tpu.memory_space<hbm>>) dst(%dma_wait3A_153 : memref<1x80xi32, #tpu.memory_space<vmem>>)
    %dma_start3A_158 = arith.constant 1 : i32
    %dma_start3A_159 = arith.constant 0 : i32
    %dma_start3A_160 = arith.constant 1 : i32
    %dma_start3A_161 = arith.constant 0 : i32
    %dma_start3A_162 = arith.constant 0 : i32
    %dma_start3A_163 = tpu.memref_slice %arg9[%dma_start3A_160, %dma_start3A_161, %dma_start3A_162] : memref<3x80x128xf32, #tpu.memory_space<vmem>> -> memref<1x80x128xf32, #tpu.memory_space<vmem>>
    %dma_start3A_164 = tpu.memref_squeeze %dma_start3A_163 : memref<1x80x128xf32, #tpu.memory_space<vmem>> -> memref<80x128xf32, #tpu.memory_space<vmem>>
    %dma_start3A_165 = arith.constant 0 : i32
    %dma_start3A_166 = tpu.memref_slice %arg7[%dma_start3A_158, %dma_start3A_159, %dma_start3A_165] : memref<3x1x80xi32, #tpu.memory_space<vmem>> -> memref<1x1x80xi32, #tpu.memory_space<vmem>>
    %dma_start3A_167 = tpu.memref_squeeze %dma_start3A_166 : memref<1x1x80xi32, #tpu.memory_space<vmem>> -> memref<80xi32, #tpu.memory_space<vmem>>
    %dma_start3A_168 = arith.constant 0 : i32
    %dma_start3A_169 = arith.constant 0 : i32
    %dma_start3A_170 = tpu.memref_slice %arg2[%dma_start3A_168, %dma_start3A_169] : memref<10000x128xf32, #tpu.memory_space<hbm>> -> memref<10000x128xf32, #tpu.memory_space<hbm>>
    tpu.enqueue_indirect_dma source(%dma_start3A_170 : memref<10000x128xf32, #tpu.memory_space<hbm>>) target(%dma_start3A_164 : memref<80x128xf32, #tpu.memory_space<vmem>>) offsets(%dma_start3A_167 : memref<80xi32, #tpu.memory_space<vmem>>) semaphore(%arg12 : memref<!tpu.dma_semaphore, #tpu.memory_space<semaphore_mem>>)
    %scan3A = arith.constant 0 : i32
    %scan3A_171 = arith.constant 0 : i32
    %scan3A_172 = arith.constant 41 : i32
    %scan3A_173 = arith.addi %scan3A_171, %scan3A_172 : i32
    %scan3A_174 = arith.constant 1 : i32
    scf.for %scan3A_251 = %scan3A_171 to %scan3A_173 step %scan3A_174  : i32 {
      %mul3A_252 = arith.constant 3 : i32
      %mul3A_253 = arith.muli %scan3A_251, %mul3A_252 : i32
      %add3A_254 = arith.constant 0 : i32
      %add3A_255 = arith.addi %mul3A_253, %add3A_254 : i32
      %dma_wait3A_256 = arith.constant 0 : i32
      %dma_wait3A_257 = arith.constant 0 : i32
      %dma_wait3A_258 = arith.constant 0 : i32
      %dma_wait3A_259 = tpu.memref_slice %arg8[%dma_wait3A_256, %dma_wait3A_257, %dma_wait3A_258] : memref<3x1x80xi32, #tpu.memory_space<vmem>> -> memref<1x1x80xi32, #tpu.memory_space<vmem>>
      %dma_wait3A_260 = tpu.memref_squeeze %dma_wait3A_259 : memref<1x1x80xi32, #tpu.memory_space<vmem>> -> memref<1x80xi32, #tpu.memory_space<vmem>>
      %dma_wait3A_261 = arith.constant 0 : i32
      %dma_wait3A_262 = arith.constant 0 : i32
      %dma_wait3A_263 = tpu.memref_slice %arg4[%add3A, %add3A_255, %dma_wait3A_261, %dma_wait3A_262] : memref<32x125x1x80xi32, #tpu.memory_space<hbm>> -> memref<1x1x1x80xi32, #tpu.memory_space<hbm>>
      %dma_wait3A_264 = tpu.memref_squeeze %dma_wait3A_263 : memref<1x1x1x80xi32, #tpu.memory_space<hbm>> -> memref<1x80xi32, #tpu.memory_space<hbm>>
      %dma_wait3A_265 = arith.constant 0 : i32
      %dma_wait3A_266 = arith.constant 0 : i32
      %dma_wait3A_267 = tpu.memref_slice %arg8[%dma_wait3A_256, %dma_wait3A_265, %dma_wait3A_266] : memref<3x1x80xi32, #tpu.memory_space<vmem>> -> memref<1x1x80xi32, #tpu.memory_space<vmem>>
      %dma_wait3A_268 = tpu.memref_squeeze %dma_wait3A_267 : memref<1x1x80xi32, #tpu.memory_space<vmem>> -> memref<1x80xi32, #tpu.memory_space<vmem>>
      %dma_wait3A_269 = arith.constant 0 : i32
      %dma_wait3A_270 = arith.constant 0 : i32
      %dma_wait3A_271 = tpu.memref_slice %arg4[%add3A, %add3A_255, %dma_wait3A_269, %dma_wait3A_270] : memref<32x125x1x80xi32, #tpu.memory_space<hbm>> -> memref<1x1x1x80xi32, #tpu.memory_space<hbm>>
      %dma_wait3A_272 = tpu.memref_squeeze %dma_wait3A_271 : memref<1x1x1x80xi32, #tpu.memory_space<hbm>> -> memref<1x80xi32, #tpu.memory_space<hbm>>
      tpu.wait_dma2 semaphore(%arg14 : memref<!tpu.dma_semaphore, #tpu.memory_space<semaphore_mem>>) src(%dma_wait3A_272 : memref<1x80xi32, #tpu.memory_space<hbm>>) dst(%dma_wait3A_268 : memref<1x80xi32, #tpu.memory_space<vmem>>)
      %dma_wait3A_273 = arith.constant 0 : i32
      %dma_wait3A_274 = arith.constant 0 : i32
      %dma_wait3A_275 = arith.constant 0 : i32
      %dma_wait3A_276 = arith.constant 0 : i32
      %dma_wait3A_277 = arith.constant 0 : i32
      %dma_wait3A_278 = tpu.memref_slice %arg9[%dma_wait3A_275, %dma_wait3A_276, %dma_wait3A_277] : memref<3x80x128xf32, #tpu.memory_space<vmem>> -> memref<1x80x128xf32, #tpu.memory_space<vmem>>
      %dma_wait3A_279 = tpu.memref_squeeze %dma_wait3A_278 : memref<1x80x128xf32, #tpu.memory_space<vmem>> -> memref<80x128xf32, #tpu.memory_space<vmem>>
      %dma_wait3A_280 = arith.constant 0 : i32
      %dma_wait3A_281 = tpu.memref_slice %arg7[%dma_wait3A_273, %dma_wait3A_274, %dma_wait3A_280] : memref<3x1x80xi32, #tpu.memory_space<vmem>> -> memref<1x1x80xi32, #tpu.memory_space<vmem>>
      %dma_wait3A_282 = tpu.memref_squeeze %dma_wait3A_281 : memref<1x1x80xi32, #tpu.memory_space<vmem>> -> memref<80xi32, #tpu.memory_space<vmem>>
      %dma_wait3A_283 = arith.constant 0 : i32
      %dma_wait3A_284 = arith.constant 0 : i32
      %dma_wait3A_285 = tpu.memref_slice %arg2[%dma_wait3A_283, %dma_wait3A_284] : memref<10000x128xf32, #tpu.memory_space<hbm>> -> memref<10000x128xf32, #tpu.memory_space<hbm>>
      tpu.wait_indirect_dma semaphore(%arg11 : memref<!tpu.dma_semaphore, #tpu.memory_space<semaphore_mem>>) src(%dma_wait3A_285 : memref<10000x128xf32, #tpu.memory_space<hbm>>) dst(%dma_wait3A_279 : memref<80x128xf32, #tpu.memory_space<vmem>>)
      %run_scoped3A_286 = arith.constant 0 : i32
      %run_scoped3A_287 = arith.constant 0 : i32
      %run_scoped3A_288 = arith.constant 0 : i32
      "tpu.region"() ({
        %run_scoped3A_407 = tpu.sem_alloc : memref<!tpu.dma_semaphore, #tpu.memory_space<semaphore_mem>>
        %dma_start3A_408 = arith.constant 0 : i32
        %dma_start3A_409 = arith.constant 0 : i32
        %dma_start3A_410 = tpu.memref_slice %arg9[%run_scoped3A_286, %dma_start3A_408, %dma_start3A_409] : memref<3x80x128xf32, #tpu.memory_space<vmem>> -> memref<1x80x128xf32, #tpu.memory_space<vmem>>
        %dma_start3A_411 = tpu.memref_squeeze %dma_start3A_410 : memref<1x80x128xf32, #tpu.memory_space<vmem>> -> memref<80x128xf32, #tpu.memory_space<vmem>>
        %dma_start3A_412 = arith.constant 0 : i32
        %dma_start3A_413 = tpu.memref_slice %arg8[%run_scoped3A_287, %run_scoped3A_288, %dma_start3A_412] : memref<3x1x80xi32, #tpu.memory_space<vmem>> -> memref<1x1x80xi32, #tpu.memory_space<vmem>>
        %dma_start3A_414 = tpu.memref_squeeze %dma_start3A_413 : memref<1x1x80xi32, #tpu.memory_space<vmem>> -> memref<80xi32, #tpu.memory_space<vmem>>
        %dma_start3A_415 = arith.constant 0 : i32
        %dma_start3A_416 = arith.constant 0 : i32
        %dma_start3A_417 = tpu.memref_slice %arg10[%dma_start3A_415, %dma_start3A_416] : memref<10112x128xf32, #tpu.memory_space<vmem_shared>> -> memref<10112x128xf32, #tpu.memory_space<vmem_shared>>
        tpu.enqueue_indirect_dma source(%dma_start3A_411 : memref<80x128xf32, #tpu.memory_space<vmem>>) target(%dma_start3A_417 : memref<10112x128xf32, #tpu.memory_space<vmem_shared>>) offsets(%dma_start3A_414 : memref<80xi32, #tpu.memory_space<vmem>>) semaphore(%run_scoped3A_407 : memref<!tpu.dma_semaphore, #tpu.memory_space<semaphore_mem>>) {add = true}
        %dma_wait3A_418 = arith.constant 0 : i32
        %dma_wait3A_419 = arith.constant 0 : i32
        %dma_wait3A_420 = tpu.memref_slice %arg9[%run_scoped3A_286, %dma_wait3A_418, %dma_wait3A_419] : memref<3x80x128xf32, #tpu.memory_space<vmem>> -> memref<1x80x128xf32, #tpu.memory_space<vmem>>
        %dma_wait3A_421 = tpu.memref_squeeze %dma_wait3A_420 : memref<1x80x128xf32, #tpu.memory_space<vmem>> -> memref<80x128xf32, #tpu.memory_space<vmem>>
        %dma_wait3A_422 = arith.constant 0 : i32
        %dma_wait3A_423 = tpu.memref_slice %arg8[%run_scoped3A_287, %run_scoped3A_288, %dma_wait3A_422] : memref<3x1x80xi32, #tpu.memory_space<vmem>> -> memref<1x1x80xi32, #tpu.memory_space<vmem>>
        %dma_wait3A_424 = tpu.memref_squeeze %dma_wait3A_423 : memref<1x1x80xi32, #tpu.memory_space<vmem>> -> memref<80xi32, #tpu.memory_space<vmem>>
        %dma_wait3A_425 = arith.constant 0 : i32
        %dma_wait3A_426 = arith.constant 0 : i32
        %dma_wait3A_427 = tpu.memref_slice %arg10[%dma_wait3A_425, %dma_wait3A_426] : memref<10112x128xf32, #tpu.memory_space<vmem_shared>> -> memref<10112x128xf32, #tpu.memory_space<vmem_shared>>
        tpu.wait_indirect_dma semaphore(%run_scoped3A_407 : memref<!tpu.dma_semaphore, #tpu.memory_space<semaphore_mem>>) src(%dma_wait3A_421 : memref<80x128xf32, #tpu.memory_space<vmem>>) dst(%dma_wait3A_427 : memref<10112x128xf32, #tpu.memory_space<vmem_shared>>)
        tpu.yield
      }) : () -> ()
      %add3A_289 = arith.constant 3 : i32
      %add3A_290 = arith.addi %add3A_255, %add3A_289 : i32
      %lt3A = arith.constant 125 : i32
      %lt3A_291 = arith.cmpi slt, %add3A_290, %lt3A : i32
      %convert_element_type3A = arith.extui %lt3A_291 : i1 to i32
      %cond3A = arith.constant 0 : i32
      %cond3A_292 = arith.cmpi ne, %convert_element_type3A, %cond3A : i32
      scf.if %cond3A_292 {
        %dma_start3A_407 = arith.constant 0 : i32
        %dma_start3A_408 = arith.constant 0 : i32
        %dma_start3A_409 = arith.constant 0 : i32
        %dma_start3A_410 = tpu.memref_slice %arg8[%dma_start3A_407, %dma_start3A_408, %dma_start3A_409] : memref<3x1x80xi32, #tpu.memory_space<vmem>> -> memref<1x1x80xi32, #tpu.memory_space<vmem>>
        %dma_start3A_411 = tpu.memref_squeeze %dma_start3A_410 : memref<1x1x80xi32, #tpu.memory_space<vmem>> -> memref<1x80xi32, #tpu.memory_space<vmem>>
        %dma_start3A_412 = arith.constant 0 : i32
        %dma_start3A_413 = arith.constant 0 : i32
        %dma_start3A_414 = tpu.memref_slice %arg4[%add3A, %add3A_290, %dma_start3A_412, %dma_start3A_413] : memref<32x125x1x80xi32, #tpu.memory_space<hbm>> -> memref<1x1x1x80xi32, #tpu.memory_space<hbm>>
        %dma_start3A_415 = tpu.memref_squeeze %dma_start3A_414 : memref<1x1x1x80xi32, #tpu.memory_space<hbm>> -> memref<1x80xi32, #tpu.memory_space<hbm>>
        %dma_start3A_416 = arith.constant 0 : i32
        %dma_start3A_417 = arith.constant 0 : i32
        %dma_start3A_418 = tpu.memref_slice %arg8[%dma_start3A_407, %dma_start3A_416, %dma_start3A_417] : memref<3x1x80xi32, #tpu.memory_space<vmem>> -> memref<1x1x80xi32, #tpu.memory_space<vmem>>
        %dma_start3A_419 = tpu.memref_squeeze %dma_start3A_418 : memref<1x1x80xi32, #tpu.memory_space<vmem>> -> memref<1x80xi32, #tpu.memory_space<vmem>>
        %dma_start3A_420 = arith.constant 0 : i32
        %dma_start3A_421 = arith.constant 0 : i32
        %dma_start3A_422 = tpu.memref_slice %arg4[%add3A, %add3A_290, %dma_start3A_420, %dma_start3A_421] : memref<32x125x1x80xi32, #tpu.memory_space<hbm>> -> memref<1x1x1x80xi32, #tpu.memory_space<hbm>>
        %dma_start3A_423 = tpu.memref_squeeze %dma_start3A_422 : memref<1x1x1x80xi32, #tpu.memory_space<hbm>> -> memref<1x80xi32, #tpu.memory_space<hbm>>
        tpu.enqueue_dma source(%dma_start3A_423 : memref<1x80xi32, #tpu.memory_space<hbm>>) target(%dma_start3A_419 : memref<1x80xi32, #tpu.memory_space<vmem>>) target_semaphore(%arg14 : memref<!tpu.dma_semaphore, #tpu.memory_space<semaphore_mem>>)
        %dma_start3A_424 = arith.constant 0 : i32
        %dma_start3A_425 = arith.constant 0 : i32
        %dma_start3A_426 = arith.constant 0 : i32
        %dma_start3A_427 = tpu.memref_slice %arg7[%dma_start3A_424, %dma_start3A_425, %dma_start3A_426] : memref<3x1x80xi32, #tpu.memory_space<vmem>> -> memref<1x1x80xi32, #tpu.memory_space<vmem>>
        %dma_start3A_428 = tpu.memref_squeeze %dma_start3A_427 : memref<1x1x80xi32, #tpu.memory_space<vmem>> -> memref<1x80xi32, #tpu.memory_space<vmem>>
        %dma_start3A_429 = arith.constant 0 : i32
        %dma_start3A_430 = arith.constant 0 : i32
        %dma_start3A_431 = tpu.memref_slice %arg3[%add3A, %add3A_290, %dma_start3A_429, %dma_start3A_430] : memref<32x125x1x80xi32, #tpu.memory_space<hbm>> -> memref<1x1x1x80xi32, #tpu.memory_space<hbm>>
        %dma_start3A_432 = tpu.memref_squeeze %dma_start3A_431 : memref<1x1x1x80xi32, #tpu.memory_space<hbm>> -> memref<1x80xi32, #tpu.memory_space<hbm>>
        %dma_start3A_433 = arith.constant 0 : i32
        %dma_start3A_434 = arith.constant 0 : i32
        %dma_start3A_435 = tpu.memref_slice %arg7[%dma_start3A_424, %dma_start3A_433, %dma_start3A_434] : memref<3x1x80xi32, #tpu.memory_space<vmem>> -> memref<1x1x80xi32, #tpu.memory_space<vmem>>
        %dma_start3A_436 = tpu.memref_squeeze %dma_start3A_435 : memref<1x1x80xi32, #tpu.memory_space<vmem>> -> memref<1x80xi32, #tpu.memory_space<vmem>>
        %dma_start3A_437 = arith.constant 0 : i32
        %dma_start3A_438 = arith.constant 0 : i32
        %dma_start3A_439 = tpu.memref_slice %arg3[%add3A, %add3A_290, %dma_start3A_437, %dma_start3A_438] : memref<32x125x1x80xi32, #tpu.memory_space<hbm>> -> memref<1x1x1x80xi32, #tpu.memory_space<hbm>>
        %dma_start3A_440 = tpu.memref_squeeze %dma_start3A_439 : memref<1x1x1x80xi32, #tpu.memory_space<hbm>> -> memref<1x80xi32, #tpu.memory_space<hbm>>
        tpu.enqueue_dma source(%dma_start3A_440 : memref<1x80xi32, #tpu.memory_space<hbm>>) target(%dma_start3A_436 : memref<1x80xi32, #tpu.memory_space<vmem>>) target_semaphore(%arg17 : memref<!tpu.dma_semaphore, #tpu.memory_space<semaphore_mem>>)
      } else {
      }
      %add3A_293 = arith.constant 3 : i32
      %add3A_294 = arith.addi %add3A_255, %add3A_293 : i32
      %sub3A = arith.constant 1 : i32
      %sub3A_295 = arith.subi %add3A_294, %sub3A : i32
      %lt3A_296 = arith.constant 125 : i32
      %lt3A_297 = arith.cmpi slt, %sub3A_295, %lt3A_296 : i32
      %convert_element_type3A_298 = arith.extui %lt3A_297 : i1 to i32
      %cond3A_299 = arith.constant 0 : i32
      %cond3A_300 = arith.cmpi ne, %convert_element_type3A_298, %cond3A_299 : i32
      scf.if %cond3A_300 {
        %dma_wait3A_407 = arith.constant 2 : i32
        %dma_wait3A_408 = arith.constant 0 : i32
        %dma_wait3A_409 = arith.constant 0 : i32
        %dma_wait3A_410 = tpu.memref_slice %arg7[%dma_wait3A_407, %dma_wait3A_408, %dma_wait3A_409] : memref<3x1x80xi32, #tpu.memory_space<vmem>> -> memref<1x1x80xi32, #tpu.memory_space<vmem>>
        %dma_wait3A_411 = tpu.memref_squeeze %dma_wait3A_410 : memref<1x1x80xi32, #tpu.memory_space<vmem>> -> memref<1x80xi32, #tpu.memory_space<vmem>>
        %dma_wait3A_412 = arith.constant 0 : i32
        %dma_wait3A_413 = arith.constant 0 : i32
        %dma_wait3A_414 = tpu.memref_slice %arg3[%add3A, %sub3A_295, %dma_wait3A_412, %dma_wait3A_413] : memref<32x125x1x80xi32, #tpu.memory_space<hbm>> -> memref<1x1x1x80xi32, #tpu.memory_space<hbm>>
        %dma_wait3A_415 = tpu.memref_squeeze %dma_wait3A_414 : memref<1x1x1x80xi32, #tpu.memory_space<hbm>> -> memref<1x80xi32, #tpu.memory_space<hbm>>
        %dma_wait3A_416 = arith.constant 0 : i32
        %dma_wait3A_417 = arith.constant 0 : i32
        %dma_wait3A_418 = tpu.memref_slice %arg7[%dma_wait3A_407, %dma_wait3A_416, %dma_wait3A_417] : memref<3x1x80xi32, #tpu.memory_space<vmem>> -> memref<1x1x80xi32, #tpu.memory_space<vmem>>
        %dma_wait3A_419 = tpu.memref_squeeze %dma_wait3A_418 : memref<1x1x80xi32, #tpu.memory_space<vmem>> -> memref<1x80xi32, #tpu.memory_space<vmem>>
        %dma_wait3A_420 = arith.constant 0 : i32
        %dma_wait3A_421 = arith.constant 0 : i32
        %dma_wait3A_422 = tpu.memref_slice %arg3[%add3A, %sub3A_295, %dma_wait3A_420, %dma_wait3A_421] : memref<32x125x1x80xi32, #tpu.memory_space<hbm>> -> memref<1x1x1x80xi32, #tpu.memory_space<hbm>>
        %dma_wait3A_423 = tpu.memref_squeeze %dma_wait3A_422 : memref<1x1x1x80xi32, #tpu.memory_space<hbm>> -> memref<1x80xi32, #tpu.memory_space<hbm>>
        tpu.wait_dma2 semaphore(%arg19 : memref<!tpu.dma_semaphore, #tpu.memory_space<semaphore_mem>>) src(%dma_wait3A_423 : memref<1x80xi32, #tpu.memory_space<hbm>>) dst(%dma_wait3A_419 : memref<1x80xi32, #tpu.memory_space<vmem>>)
        %dma_start3A_424 = arith.constant 2 : i32
        %dma_start3A_425 = arith.constant 0 : i32
        %dma_start3A_426 = arith.constant 2 : i32
        %dma_start3A_427 = arith.constant 0 : i32
        %dma_start3A_428 = arith.constant 0 : i32
        %dma_start3A_429 = tpu.memref_slice %arg9[%dma_start3A_426, %dma_start3A_427, %dma_start3A_428] : memref<3x80x128xf32, #tpu.memory_space<vmem>> -> memref<1x80x128xf32, #tpu.memory_space<vmem>>
        %dma_start3A_430 = tpu.memref_squeeze %dma_start3A_429 : memref<1x80x128xf32, #tpu.memory_space<vmem>> -> memref<80x128xf32, #tpu.memory_space<vmem>>
        %dma_start3A_431 = arith.constant 0 : i32
        %dma_start3A_432 = tpu.memref_slice %arg7[%dma_start3A_424, %dma_start3A_425, %dma_start3A_431] : memref<3x1x80xi32, #tpu.memory_space<vmem>> -> memref<1x1x80xi32, #tpu.memory_space<vmem>>
        %dma_start3A_433 = tpu.memref_squeeze %dma_start3A_432 : memref<1x1x80xi32, #tpu.memory_space<vmem>> -> memref<80xi32, #tpu.memory_space<vmem>>
        %dma_start3A_434 = arith.constant 0 : i32
        %dma_start3A_435 = arith.constant 0 : i32
        %dma_start3A_436 = tpu.memref_slice %arg2[%dma_start3A_434, %dma_start3A_435] : memref<10000x128xf32, #tpu.memory_space<hbm>> -> memref<10000x128xf32, #tpu.memory_space<hbm>>
        tpu.enqueue_indirect_dma source(%dma_start3A_436 : memref<10000x128xf32, #tpu.memory_space<hbm>>) target(%dma_start3A_430 : memref<80x128xf32, #tpu.memory_space<vmem>>) offsets(%dma_start3A_433 : memref<80xi32, #tpu.memory_space<vmem>>) semaphore(%arg13 : memref<!tpu.dma_semaphore, #tpu.memory_space<semaphore_mem>>)
      } else {
      }
      %mul3A_301 = arith.constant 3 : i32
      %mul3A_302 = arith.muli %scan3A_251, %mul3A_301 : i32
      %add3A_303 = arith.constant 1 : i32
      %add3A_304 = arith.addi %mul3A_302, %add3A_303 : i32
      %dma_wait3A_305 = arith.constant 1 : i32
      %dma_wait3A_306 = arith.constant 0 : i32
      %dma_wait3A_307 = arith.constant 0 : i32
      %dma_wait3A_308 = tpu.memref_slice %arg8[%dma_wait3A_305, %dma_wait3A_306, %dma_wait3A_307] : memref<3x1x80xi32, #tpu.memory_space<vmem>> -> memref<1x1x80xi32, #tpu.memory_space<vmem>>
      %dma_wait3A_309 = tpu.memref_squeeze %dma_wait3A_308 : memref<1x1x80xi32, #tpu.memory_space<vmem>> -> memref<1x80xi32, #tpu.memory_space<vmem>>
      %dma_wait3A_310 = arith.constant 0 : i32
      %dma_wait3A_311 = arith.constant 0 : i32
      %dma_wait3A_312 = tpu.memref_slice %arg4[%add3A, %add3A_304, %dma_wait3A_310, %dma_wait3A_311] : memref<32x125x1x80xi32, #tpu.memory_space<hbm>> -> memref<1x1x1x80xi32, #tpu.memory_space<hbm>>
      %dma_wait3A_313 = tpu.memref_squeeze %dma_wait3A_312 : memref<1x1x1x80xi32, #tpu.memory_space<hbm>> -> memref<1x80xi32, #tpu.memory_space<hbm>>
      %dma_wait3A_314 = arith.constant 0 : i32
      %dma_wait3A_315 = arith.constant 0 : i32
      %dma_wait3A_316 = tpu.memref_slice %arg8[%dma_wait3A_305, %dma_wait3A_314, %dma_wait3A_315] : memref<3x1x80xi32, #tpu.memory_space<vmem>> -> memref<1x1x80xi32, #tpu.memory_space<vmem>>
      %dma_wait3A_317 = tpu.memref_squeeze %dma_wait3A_316 : memref<1x1x80xi32, #tpu.memory_space<vmem>> -> memref<1x80xi32, #tpu.memory_space<vmem>>
      %dma_wait3A_318 = arith.constant 0 : i32
      %dma_wait3A_319 = arith.constant 0 : i32
      %dma_wait3A_320 = tpu.memref_slice %arg4[%add3A, %add3A_304, %dma_wait3A_318, %dma_wait3A_319] : memref<32x125x1x80xi32, #tpu.memory_space<hbm>> -> memref<1x1x1x80xi32, #tpu.memory_space<hbm>>
      %dma_wait3A_321 = tpu.memref_squeeze %dma_wait3A_320 : memref<1x1x1x80xi32, #tpu.memory_space<hbm>> -> memref<1x80xi32, #tpu.memory_space<hbm>>
      tpu.wait_dma2 semaphore(%arg15 : memref<!tpu.dma_semaphore, #tpu.memory_space<semaphore_mem>>) src(%dma_wait3A_321 : memref<1x80xi32, #tpu.memory_space<hbm>>) dst(%dma_wait3A_317 : memref<1x80xi32, #tpu.memory_space<vmem>>)
      %dma_wait3A_322 = arith.constant 1 : i32
      %dma_wait3A_323 = arith.constant 0 : i32
      %dma_wait3A_324 = arith.constant 1 : i32
      %dma_wait3A_325 = arith.constant 0 : i32
      %dma_wait3A_326 = arith.constant 0 : i32
      %dma_wait3A_327 = tpu.memref_slice %arg9[%dma_wait3A_324, %dma_wait3A_325, %dma_wait3A_326] : memref<3x80x128xf32, #tpu.memory_space<vmem>> -> memref<1x80x128xf32, #tpu.memory_space<vmem>>
      %dma_wait3A_328 = tpu.memref_squeeze %dma_wait3A_327 : memref<1x80x128xf32, #tpu.memory_space<vmem>> -> memref<80x128xf32, #tpu.memory_space<vmem>>
      %dma_wait3A_329 = arith.constant 0 : i32
      %dma_wait3A_330 = tpu.memref_slice %arg7[%dma_wait3A_322, %dma_wait3A_323, %dma_wait3A_329] : memref<3x1x80xi32, #tpu.memory_space<vmem>> -> memref<1x1x80xi32, #tpu.memory_space<vmem>>
      %dma_wait3A_331 = tpu.memref_squeeze %dma_wait3A_330 : memref<1x1x80xi32, #tpu.memory_space<vmem>> -> memref<80xi32, #tpu.memory_space<vmem>>
      %dma_wait3A_332 = arith.constant 0 : i32
      %dma_wait3A_333 = arith.constant 0 : i32
      %dma_wait3A_334 = tpu.memref_slice %arg2[%dma_wait3A_332, %dma_wait3A_333] : memref<10000x128xf32, #tpu.memory_space<hbm>> -> memref<10000x128xf32, #tpu.memory_space<hbm>>
      tpu.wait_indirect_dma semaphore(%arg12 : memref<!tpu.dma_semaphore, #tpu.memory_space<semaphore_mem>>) src(%dma_wait3A_334 : memref<10000x128xf32, #tpu.memory_space<hbm>>) dst(%dma_wait3A_328 : memref<80x128xf32, #tpu.memory_space<vmem>>)
      %run_scoped3A_335 = arith.constant 1 : i32
      %run_scoped3A_336 = arith.constant 1 : i32
      %run_scoped3A_337 = arith.constant 0 : i32
      "tpu.region"() ({
        %run_scoped3A_407 = tpu.sem_alloc : memref<!tpu.dma_semaphore, #tpu.memory_space<semaphore_mem>>
        %dma_start3A_408 = arith.constant 0 : i32
        %dma_start3A_409 = arith.constant 0 : i32
        %dma_start3A_410 = tpu.memref_slice %arg9[%run_scoped3A_335, %dma_start3A_408, %dma_start3A_409] : memref<3x80x128xf32, #tpu.memory_space<vmem>> -> memref<1x80x128xf32, #tpu.memory_space<vmem>>
        %dma_start3A_411 = tpu.memref_squeeze %dma_start3A_410 : memref<1x80x128xf32, #tpu.memory_space<vmem>> -> memref<80x128xf32, #tpu.memory_space<vmem>>
        %dma_start3A_412 = arith.constant 0 : i32
        %dma_start3A_413 = tpu.memref_slice %arg8[%run_scoped3A_336, %run_scoped3A_337, %dma_start3A_412] : memref<3x1x80xi32, #tpu.memory_space<vmem>> -> memref<1x1x80xi32, #tpu.memory_space<vmem>>
        %dma_start3A_414 = tpu.memref_squeeze %dma_start3A_413 : memref<1x1x80xi32, #tpu.memory_space<vmem>> -> memref<80xi32, #tpu.memory_space<vmem>>
        %dma_start3A_415 = arith.constant 0 : i32
        %dma_start3A_416 = arith.constant 0 : i32
        %dma_start3A_417 = tpu.memref_slice %arg10[%dma_start3A_415, %dma_start3A_416] : memref<10112x128xf32, #tpu.memory_space<vmem_shared>> -> memref<10112x128xf32, #tpu.memory_space<vmem_shared>>
        tpu.enqueue_indirect_dma source(%dma_start3A_411 : memref<80x128xf32, #tpu.memory_space<vmem>>) target(%dma_start3A_417 : memref<10112x128xf32, #tpu.memory_space<vmem_shared>>) offsets(%dma_start3A_414 : memref<80xi32, #tpu.memory_space<vmem>>) semaphore(%run_scoped3A_407 : memref<!tpu.dma_semaphore, #tpu.memory_space<semaphore_mem>>) {add = true}
        %dma_wait3A_418 = arith.constant 0 : i32
        %dma_wait3A_419 = arith.constant 0 : i32
        %dma_wait3A_420 = tpu.memref_slice %arg9[%run_scoped3A_335, %dma_wait3A_418, %dma_wait3A_419] : memref<3x80x128xf32, #tpu.memory_space<vmem>> -> memref<1x80x128xf32, #tpu.memory_space<vmem>>
        %dma_wait3A_421 = tpu.memref_squeeze %dma_wait3A_420 : memref<1x80x128xf32, #tpu.memory_space<vmem>> -> memref<80x128xf32, #tpu.memory_space<vmem>>
        %dma_wait3A_422 = arith.constant 0 : i32
        %dma_wait3A_423 = tpu.memref_slice %arg8[%run_scoped3A_336, %run_scoped3A_337, %dma_wait3A_422] : memref<3x1x80xi32, #tpu.memory_space<vmem>> -> memref<1x1x80xi32, #tpu.memory_space<vmem>>
        %dma_wait3A_424 = tpu.memref_squeeze %dma_wait3A_423 : memref<1x1x80xi32, #tpu.memory_space<vmem>> -> memref<80xi32, #tpu.memory_space<vmem>>
        %dma_wait3A_425 = arith.constant 0 : i32
        %dma_wait3A_426 = arith.constant 0 : i32
        %dma_wait3A_427 = tpu.memref_slice %arg10[%dma_wait3A_425, %dma_wait3A_426] : memref<10112x128xf32, #tpu.memory_space<vmem_shared>> -> memref<10112x128xf32, #tpu.memory_space<vmem_shared>>
        tpu.wait_indirect_dma semaphore(%run_scoped3A_407 : memref<!tpu.dma_semaphore, #tpu.memory_space<semaphore_mem>>) src(%dma_wait3A_421 : memref<80x128xf32, #tpu.memory_space<vmem>>) dst(%dma_wait3A_427 : memref<10112x128xf32, #tpu.memory_space<vmem_shared>>)
        tpu.yield
      }) : () -> ()
      %add3A_338 = arith.constant 3 : i32
      %add3A_339 = arith.addi %add3A_304, %add3A_338 : i32
      %lt3A_340 = arith.constant 125 : i32
      %lt3A_341 = arith.cmpi slt, %add3A_339, %lt3A_340 : i32
      %convert_element_type3A_342 = arith.extui %lt3A_341 : i1 to i32
      %cond3A_343 = arith.constant 0 : i32
      %cond3A_344 = arith.cmpi ne, %convert_element_type3A_342, %cond3A_343 : i32
      scf.if %cond3A_344 {
        %dma_start3A_407 = arith.constant 1 : i32
        %dma_start3A_408 = arith.constant 0 : i32
        %dma_start3A_409 = arith.constant 0 : i32
        %dma_start3A_410 = tpu.memref_slice %arg8[%dma_start3A_407, %dma_start3A_408, %dma_start3A_409] : memref<3x1x80xi32, #tpu.memory_space<vmem>> -> memref<1x1x80xi32, #tpu.memory_space<vmem>>
        %dma_start3A_411 = tpu.memref_squeeze %dma_start3A_410 : memref<1x1x80xi32, #tpu.memory_space<vmem>> -> memref<1x80xi32, #tpu.memory_space<vmem>>
        %dma_start3A_412 = arith.constant 0 : i32
        %dma_start3A_413 = arith.constant 0 : i32
        %dma_start3A_414 = tpu.memref_slice %arg4[%add3A, %add3A_339, %dma_start3A_412, %dma_start3A_413] : memref<32x125x1x80xi32, #tpu.memory_space<hbm>> -> memref<1x1x1x80xi32, #tpu.memory_space<hbm>>
        %dma_start3A_415 = tpu.memref_squeeze %dma_start3A_414 : memref<1x1x1x80xi32, #tpu.memory_space<hbm>> -> memref<1x80xi32, #tpu.memory_space<hbm>>
        %dma_start3A_416 = arith.constant 0 : i32
        %dma_start3A_417 = arith.constant 0 : i32
        %dma_start3A_418 = tpu.memref_slice %arg8[%dma_start3A_407, %dma_start3A_416, %dma_start3A_417] : memref<3x1x80xi32, #tpu.memory_space<vmem>> -> memref<1x1x80xi32, #tpu.memory_space<vmem>>
        %dma_start3A_419 = tpu.memref_squeeze %dma_start3A_418 : memref<1x1x80xi32, #tpu.memory_space<vmem>> -> memref<1x80xi32, #tpu.memory_space<vmem>>
        %dma_start3A_420 = arith.constant 0 : i32
        %dma_start3A_421 = arith.constant 0 : i32
        %dma_start3A_422 = tpu.memref_slice %arg4[%add3A, %add3A_339, %dma_start3A_420, %dma_start3A_421] : memref<32x125x1x80xi32, #tpu.memory_space<hbm>> -> memref<1x1x1x80xi32, #tpu.memory_space<hbm>>
        %dma_start3A_423 = tpu.memref_squeeze %dma_start3A_422 : memref<1x1x1x80xi32, #tpu.memory_space<hbm>> -> memref<1x80xi32, #tpu.memory_space<hbm>>
        tpu.enqueue_dma source(%dma_start3A_423 : memref<1x80xi32, #tpu.memory_space<hbm>>) target(%dma_start3A_419 : memref<1x80xi32, #tpu.memory_space<vmem>>) target_semaphore(%arg15 : memref<!tpu.dma_semaphore, #tpu.memory_space<semaphore_mem>>)
        %dma_start3A_424 = arith.constant 1 : i32
        %dma_start3A_425 = arith.constant 0 : i32
        %dma_start3A_426 = arith.constant 0 : i32
        %dma_start3A_427 = tpu.memref_slice %arg7[%dma_start3A_424, %dma_start3A_425, %dma_start3A_426] : memref<3x1x80xi32, #tpu.memory_space<vmem>> -> memref<1x1x80xi32, #tpu.memory_space<vmem>>
        %dma_start3A_428 = tpu.memref_squeeze %dma_start3A_427 : memref<1x1x80xi32, #tpu.memory_space<vmem>> -> memref<1x80xi32, #tpu.memory_space<vmem>>
        %dma_start3A_429 = arith.constant 0 : i32
        %dma_start3A_430 = arith.constant 0 : i32
        %dma_start3A_431 = tpu.memref_slice %arg3[%add3A, %add3A_339, %dma_start3A_429, %dma_start3A_430] : memref<32x125x1x80xi32, #tpu.memory_space<hbm>> -> memref<1x1x1x80xi32, #tpu.memory_space<hbm>>
        %dma_start3A_432 = tpu.memref_squeeze %dma_start3A_431 : memref<1x1x1x80xi32, #tpu.memory_space<hbm>> -> memref<1x80xi32, #tpu.memory_space<hbm>>
        %dma_start3A_433 = arith.constant 0 : i32
        %dma_start3A_434 = arith.constant 0 : i32
        %dma_start3A_435 = tpu.memref_slice %arg7[%dma_start3A_424, %dma_start3A_433, %dma_start3A_434] : memref<3x1x80xi32, #tpu.memory_space<vmem>> -> memref<1x1x80xi32, #tpu.memory_space<vmem>>
        %dma_start3A_436 = tpu.memref_squeeze %dma_start3A_435 : memref<1x1x80xi32, #tpu.memory_space<vmem>> -> memref<1x80xi32, #tpu.memory_space<vmem>>
        %dma_start3A_437 = arith.constant 0 : i32
        %dma_start3A_438 = arith.constant 0 : i32
        %dma_start3A_439 = tpu.memref_slice %arg3[%add3A, %add3A_339, %dma_start3A_437, %dma_start3A_438] : memref<32x125x1x80xi32, #tpu.memory_space<hbm>> -> memref<1x1x1x80xi32, #tpu.memory_space<hbm>>
        %dma_start3A_440 = tpu.memref_squeeze %dma_start3A_439 : memref<1x1x1x80xi32, #tpu.memory_space<hbm>> -> memref<1x80xi32, #tpu.memory_space<hbm>>
        tpu.enqueue_dma source(%dma_start3A_440 : memref<1x80xi32, #tpu.memory_space<hbm>>) target(%dma_start3A_436 : memref<1x80xi32, #tpu.memory_space<vmem>>) target_semaphore(%arg18 : memref<!tpu.dma_semaphore, #tpu.memory_space<semaphore_mem>>)
      } else {
      }
      %add3A_345 = arith.constant 3 : i32
      %add3A_346 = arith.addi %add3A_304, %add3A_345 : i32
      %sub3A_347 = arith.constant 1 : i32
      %sub3A_348 = arith.subi %add3A_346, %sub3A_347 : i32
      %lt3A_349 = arith.constant 125 : i32
      %lt3A_350 = arith.cmpi slt, %sub3A_348, %lt3A_349 : i32
      %convert_element_type3A_351 = arith.extui %lt3A_350 : i1 to i32
      %cond3A_352 = arith.constant 0 : i32
      %cond3A_353 = arith.cmpi ne, %convert_element_type3A_351, %cond3A_352 : i32
      scf.if %cond3A_353 {
        %dma_wait3A_407 = arith.constant 0 : i32
        %dma_wait3A_408 = arith.constant 0 : i32
        %dma_wait3A_409 = arith.constant 0 : i32
        %dma_wait3A_410 = tpu.memref_slice %arg7[%dma_wait3A_407, %dma_wait3A_408, %dma_wait3A_409] : memref<3x1x80xi32, #tpu.memory_space<vmem>> -> memref<1x1x80xi32, #tpu.memory_space<vmem>>
        %dma_wait3A_411 = tpu.memref_squeeze %dma_wait3A_410 : memref<1x1x80xi32, #tpu.memory_space<vmem>> -> memref<1x80xi32, #tpu.memory_space<vmem>>
        %dma_wait3A_412 = arith.constant 0 : i32
        %dma_wait3A_413 = arith.constant 0 : i32
        %dma_wait3A_414 = tpu.memref_slice %arg3[%add3A, %sub3A_348, %dma_wait3A_412, %dma_wait3A_413] : memref<32x125x1x80xi32, #tpu.memory_space<hbm>> -> memref<1x1x1x80xi32, #tpu.memory_space<hbm>>
        %dma_wait3A_415 = tpu.memref_squeeze %dma_wait3A_414 : memref<1x1x1x80xi32, #tpu.memory_space<hbm>> -> memref<1x80xi32, #tpu.memory_space<hbm>>
        %dma_wait3A_416 = arith.constant 0 : i32
        %dma_wait3A_417 = arith.constant 0 : i32
        %dma_wait3A_418 = tpu.memref_slice %arg7[%dma_wait3A_407, %dma_wait3A_416, %dma_wait3A_417] : memref<3x1x80xi32, #tpu.memory_space<vmem>> -> memref<1x1x80xi32, #tpu.memory_space<vmem>>
        %dma_wait3A_419 = tpu.memref_squeeze %dma_wait3A_418 : memref<1x1x80xi32, #tpu.memory_space<vmem>> -> memref<1x80xi32, #tpu.memory_space<vmem>>
        %dma_wait3A_420 = arith.constant 0 : i32
        %dma_wait3A_421 = arith.constant 0 : i32
        %dma_wait3A_422 = tpu.memref_slice %arg3[%add3A, %sub3A_348, %dma_wait3A_420, %dma_wait3A_421] : memref<32x125x1x80xi32, #tpu.memory_space<hbm>> -> memref<1x1x1x80xi32, #tpu.memory_space<hbm>>
        %dma_wait3A_423 = tpu.memref_squeeze %dma_wait3A_422 : memref<1x1x1x80xi32, #tpu.memory_space<hbm>> -> memref<1x80xi32, #tpu.memory_space<hbm>>
        tpu.wait_dma2 semaphore(%arg17 : memref<!tpu.dma_semaphore, #tpu.memory_space<semaphore_mem>>) src(%dma_wait3A_423 : memref<1x80xi32, #tpu.memory_space<hbm>>) dst(%dma_wait3A_419 : memref<1x80xi32, #tpu.memory_space<vmem>>)
        %dma_start3A_424 = arith.constant 0 : i32
        %dma_start3A_425 = arith.constant 0 : i32
        %dma_start3A_426 = arith.constant 0 : i32
        %dma_start3A_427 = arith.constant 0 : i32
        %dma_start3A_428 = arith.constant 0 : i32
        %dma_start3A_429 = tpu.memref_slice %arg9[%dma_start3A_426, %dma_start3A_427, %dma_start3A_428] : memref<3x80x128xf32, #tpu.memory_space<vmem>> -> memref<1x80x128xf32, #tpu.memory_space<vmem>>
        %dma_start3A_430 = tpu.memref_squeeze %dma_start3A_429 : memref<1x80x128xf32, #tpu.memory_space<vmem>> -> memref<80x128xf32, #tpu.memory_space<vmem>>
        %dma_start3A_431 = arith.constant 0 : i32
        %dma_start3A_432 = tpu.memref_slice %arg7[%dma_start3A_424, %dma_start3A_425, %dma_start3A_431] : memref<3x1x80xi32, #tpu.memory_space<vmem>> -> memref<1x1x80xi32, #tpu.memory_space<vmem>>
        %dma_start3A_433 = tpu.memref_squeeze %dma_start3A_432 : memref<1x1x80xi32, #tpu.memory_space<vmem>> -> memref<80xi32, #tpu.memory_space<vmem>>
        %dma_start3A_434 = arith.constant 0 : i32
        %dma_start3A_435 = arith.constant 0 : i32
        %dma_start3A_436 = tpu.memref_slice %arg2[%dma_start3A_434, %dma_start3A_435] : memref<10000x128xf32, #tpu.memory_space<hbm>> -> memref<10000x128xf32, #tpu.memory_space<hbm>>
        tpu.enqueue_indirect_dma source(%dma_start3A_436 : memref<10000x128xf32, #tpu.memory_space<hbm>>) target(%dma_start3A_430 : memref<80x128xf32, #tpu.memory_space<vmem>>) offsets(%dma_start3A_433 : memref<80xi32, #tpu.memory_space<vmem>>) semaphore(%arg11 : memref<!tpu.dma_semaphore, #tpu.memory_space<semaphore_mem>>)
      } else {
      }
      %mul3A_354 = arith.constant 3 : i32
      %mul3A_355 = arith.muli %scan3A_251, %mul3A_354 : i32
      %add3A_356 = arith.constant 2 : i32
      %add3A_357 = arith.addi %mul3A_355, %add3A_356 : i32
      %dma_wait3A_358 = arith.constant 2 : i32
      %dma_wait3A_359 = arith.constant 0 : i32
      %dma_wait3A_360 = arith.constant 0 : i32
      %dma_wait3A_361 = tpu.memref_slice %arg8[%dma_wait3A_358, %dma_wait3A_359, %dma_wait3A_360] : memref<3x1x80xi32, #tpu.memory_space<vmem>> -> memref<1x1x80xi32, #tpu.memory_space<vmem>>
      %dma_wait3A_362 = tpu.memref_squeeze %dma_wait3A_361 : memref<1x1x80xi32, #tpu.memory_space<vmem>> -> memref<1x80xi32, #tpu.memory_space<vmem>>
      %dma_wait3A_363 = arith.constant 0 : i32
      %dma_wait3A_364 = arith.constant 0 : i32
      %dma_wait3A_365 = tpu.memref_slice %arg4[%add3A, %add3A_357, %dma_wait3A_363, %dma_wait3A_364] : memref<32x125x1x80xi32, #tpu.memory_space<hbm>> -> memref<1x1x1x80xi32, #tpu.memory_space<hbm>>
      %dma_wait3A_366 = tpu.memref_squeeze %dma_wait3A_365 : memref<1x1x1x80xi32, #tpu.memory_space<hbm>> -> memref<1x80xi32, #tpu.memory_space<hbm>>
      %dma_wait3A_367 = arith.constant 0 : i32
      %dma_wait3A_368 = arith.constant 0 : i32
      %dma_wait3A_369 = tpu.memref_slice %arg8[%dma_wait3A_358, %dma_wait3A_367, %dma_wait3A_368] : memref<3x1x80xi32, #tpu.memory_space<vmem>> -> memref<1x1x80xi32, #tpu.memory_space<vmem>>
      %dma_wait3A_370 = tpu.memref_squeeze %dma_wait3A_369 : memref<1x1x80xi32, #tpu.memory_space<vmem>> -> memref<1x80xi32, #tpu.memory_space<vmem>>
      %dma_wait3A_371 = arith.constant 0 : i32
      %dma_wait3A_372 = arith.constant 0 : i32
      %dma_wait3A_373 = tpu.memref_slice %arg4[%add3A, %add3A_357, %dma_wait3A_371, %dma_wait3A_372] : memref<32x125x1x80xi32, #tpu.memory_space<hbm>> -> memref<1x1x1x80xi32, #tpu.memory_space<hbm>>
      %dma_wait3A_374 = tpu.memref_squeeze %dma_wait3A_373 : memref<1x1x1x80xi32, #tpu.memory_space<hbm>> -> memref<1x80xi32, #tpu.memory_space<hbm>>
      tpu.wait_dma2 semaphore(%arg16 : memref<!tpu.dma_semaphore, #tpu.memory_space<semaphore_mem>>) src(%dma_wait3A_374 : memref<1x80xi32, #tpu.memory_space<hbm>>) dst(%dma_wait3A_370 : memref<1x80xi32, #tpu.memory_space<vmem>>)
      %dma_wait3A_375 = arith.constant 2 : i32
      %dma_wait3A_376 = arith.constant 0 : i32
      %dma_wait3A_377 = arith.constant 2 : i32
      %dma_wait3A_378 = arith.constant 0 : i32
      %dma_wait3A_379 = arith.constant 0 : i32
      %dma_wait3A_380 = tpu.memref_slice %arg9[%dma_wait3A_377, %dma_wait3A_378, %dma_wait3A_379] : memref<3x80x128xf32, #tpu.memory_space<vmem>> -> memref<1x80x128xf32, #tpu.memory_space<vmem>>
      %dma_wait3A_381 = tpu.memref_squeeze %dma_wait3A_380 : memref<1x80x128xf32, #tpu.memory_space<vmem>> -> memref<80x128xf32, #tpu.memory_space<vmem>>
      %dma_wait3A_382 = arith.constant 0 : i32
      %dma_wait3A_383 = tpu.memref_slice %arg7[%dma_wait3A_375, %dma_wait3A_376, %dma_wait3A_382] : memref<3x1x80xi32, #tpu.memory_space<vmem>> -> memref<1x1x80xi32, #tpu.memory_space<vmem>>
      %dma_wait3A_384 = tpu.memref_squeeze %dma_wait3A_383 : memref<1x1x80xi32, #tpu.memory_space<vmem>> -> memref<80xi32, #tpu.memory_space<vmem>>
      %dma_wait3A_385 = arith.constant 0 : i32
      %dma_wait3A_386 = arith.constant 0 : i32
      %dma_wait3A_387 = tpu.memref_slice %arg2[%dma_wait3A_385, %dma_wait3A_386] : memref<10000x128xf32, #tpu.memory_space<hbm>> -> memref<10000x128xf32, #tpu.memory_space<hbm>>
      tpu.wait_indirect_dma semaphore(%arg13 : memref<!tpu.dma_semaphore, #tpu.memory_space<semaphore_mem>>) src(%dma_wait3A_387 : memref<10000x128xf32, #tpu.memory_space<hbm>>) dst(%dma_wait3A_381 : memref<80x128xf32, #tpu.memory_space<vmem>>)
      %run_scoped3A_388 = arith.constant 2 : i32
      %run_scoped3A_389 = arith.constant 2 : i32
      %run_scoped3A_390 = arith.constant 0 : i32
      "tpu.region"() ({
        %run_scoped3A_407 = tpu.sem_alloc : memref<!tpu.dma_semaphore, #tpu.memory_space<semaphore_mem>>
        %dma_start3A_408 = arith.constant 0 : i32
        %dma_start3A_409 = arith.constant 0 : i32
        %dma_start3A_410 = tpu.memref_slice %arg9[%run_scoped3A_388, %dma_start3A_408, %dma_start3A_409] : memref<3x80x128xf32, #tpu.memory_space<vmem>> -> memref<1x80x128xf32, #tpu.memory_space<vmem>>
        %dma_start3A_411 = tpu.memref_squeeze %dma_start3A_410 : memref<1x80x128xf32, #tpu.memory_space<vmem>> -> memref<80x128xf32, #tpu.memory_space<vmem>>
        %dma_start3A_412 = arith.constant 0 : i32
        %dma_start3A_413 = tpu.memref_slice %arg8[%run_scoped3A_389, %run_scoped3A_390, %dma_start3A_412] : memref<3x1x80xi32, #tpu.memory_space<vmem>> -> memref<1x1x80xi32, #tpu.memory_space<vmem>>
        %dma_start3A_414 = tpu.memref_squeeze %dma_start3A_413 : memref<1x1x80xi32, #tpu.memory_space<vmem>> -> memref<80xi32, #tpu.memory_space<vmem>>
        %dma_start3A_415 = arith.constant 0 : i32
        %dma_start3A_416 = arith.constant 0 : i32
        %dma_start3A_417 = tpu.memref_slice %arg10[%dma_start3A_415, %dma_start3A_416] : memref<10112x128xf32, #tpu.memory_space<vmem_shared>> -> memref<10112x128xf32, #tpu.memory_space<vmem_shared>>
        tpu.enqueue_indirect_dma source(%dma_start3A_411 : memref<80x128xf32, #tpu.memory_space<vmem>>) target(%dma_start3A_417 : memref<10112x128xf32, #tpu.memory_space<vmem_shared>>) offsets(%dma_start3A_414 : memref<80xi32, #tpu.memory_space<vmem>>) semaphore(%run_scoped3A_407 : memref<!tpu.dma_semaphore, #tpu.memory_space<semaphore_mem>>) {add = true}
        %dma_wait3A_418 = arith.constant 0 : i32
        %dma_wait3A_419 = arith.constant 0 : i32
        %dma_wait3A_420 = tpu.memref_slice %arg9[%run_scoped3A_388, %dma_wait3A_418, %dma_wait3A_419] : memref<3x80x128xf32, #tpu.memory_space<vmem>> -> memref<1x80x128xf32, #tpu.memory_space<vmem>>
        %dma_wait3A_421 = tpu.memref_squeeze %dma_wait3A_420 : memref<1x80x128xf32, #tpu.memory_space<vmem>> -> memref<80x128xf32, #tpu.memory_space<vmem>>
        %dma_wait3A_422 = arith.constant 0 : i32
        %dma_wait3A_423 = tpu.memref_slice %arg8[%run_scoped3A_389, %run_scoped3A_390, %dma_wait3A_422] : memref<3x1x80xi32, #tpu.memory_space<vmem>> -> memref<1x1x80xi32, #tpu.memory_space<vmem>>
        %dma_wait3A_424 = tpu.memref_squeeze %dma_wait3A_423 : memref<1x1x80xi32, #tpu.memory_space<vmem>> -> memref<80xi32, #tpu.memory_space<vmem>>
        %dma_wait3A_425 = arith.constant 0 : i32
        %dma_wait3A_426 = arith.constant 0 : i32
        %dma_wait3A_427 = tpu.memref_slice %arg10[%dma_wait3A_425, %dma_wait3A_426] : memref<10112x128xf32, #tpu.memory_space<vmem_shared>> -> memref<10112x128xf32, #tpu.memory_space<vmem_shared>>
        tpu.wait_indirect_dma semaphore(%run_scoped3A_407 : memref<!tpu.dma_semaphore, #tpu.memory_space<semaphore_mem>>) src(%dma_wait3A_421 : memref<80x128xf32, #tpu.memory_space<vmem>>) dst(%dma_wait3A_427 : memref<10112x128xf32, #tpu.memory_space<vmem_shared>>)
        tpu.yield
      }) : () -> ()
      %add3A_391 = arith.constant 3 : i32
      %add3A_392 = arith.addi %add3A_357, %add3A_391 : i32
      %lt3A_393 = arith.constant 125 : i32
      %lt3A_394 = arith.cmpi slt, %add3A_392, %lt3A_393 : i32
      %convert_element_type3A_395 = arith.extui %lt3A_394 : i1 to i32
      %cond3A_396 = arith.constant 0 : i32
      %cond3A_397 = arith.cmpi ne, %convert_element_type3A_395, %cond3A_396 : i32
      scf.if %cond3A_397 {
        %dma_start3A_407 = arith.constant 2 : i32
        %dma_start3A_408 = arith.constant 0 : i32
        %dma_start3A_409 = arith.constant 0 : i32
        %dma_start3A_410 = tpu.memref_slice %arg8[%dma_start3A_407, %dma_start3A_408, %dma_start3A_409] : memref<3x1x80xi32, #tpu.memory_space<vmem>> -> memref<1x1x80xi32, #tpu.memory_space<vmem>>
        %dma_start3A_411 = tpu.memref_squeeze %dma_start3A_410 : memref<1x1x80xi32, #tpu.memory_space<vmem>> -> memref<1x80xi32, #tpu.memory_space<vmem>>
        %dma_start3A_412 = arith.constant 0 : i32
        %dma_start3A_413 = arith.constant 0 : i32
        %dma_start3A_414 = tpu.memref_slice %arg4[%add3A, %add3A_392, %dma_start3A_412, %dma_start3A_413] : memref<32x125x1x80xi32, #tpu.memory_space<hbm>> -> memref<1x1x1x80xi32, #tpu.memory_space<hbm>>
        %dma_start3A_415 = tpu.memref_squeeze %dma_start3A_414 : memref<1x1x1x80xi32, #tpu.memory_space<hbm>> -> memref<1x80xi32, #tpu.memory_space<hbm>>
        %dma_start3A_416 = arith.constant 0 : i32
        %dma_start3A_417 = arith.constant 0 : i32
        %dma_start3A_418 = tpu.memref_slice %arg8[%dma_start3A_407, %dma_start3A_416, %dma_start3A_417] : memref<3x1x80xi32, #tpu.memory_space<vmem>> -> memref<1x1x80xi32, #tpu.memory_space<vmem>>
        %dma_start3A_419 = tpu.memref_squeeze %dma_start3A_418 : memref<1x1x80xi32, #tpu.memory_space<vmem>> -> memref<1x80xi32, #tpu.memory_space<vmem>>
        %dma_start3A_420 = arith.constant 0 : i32
        %dma_start3A_421 = arith.constant 0 : i32
        %dma_start3A_422 = tpu.memref_slice %arg4[%add3A, %add3A_392, %dma_start3A_420, %dma_start3A_421] : memref<32x125x1x80xi32, #tpu.memory_space<hbm>> -> memref<1x1x1x80xi32, #tpu.memory_space<hbm>>
        %dma_start3A_423 = tpu.memref_squeeze %dma_start3A_422 : memref<1x1x1x80xi32, #tpu.memory_space<hbm>> -> memref<1x80xi32, #tpu.memory_space<hbm>>
        tpu.enqueue_dma source(%dma_start3A_423 : memref<1x80xi32, #tpu.memory_space<hbm>>) target(%dma_start3A_419 : memref<1x80xi32, #tpu.memory_space<vmem>>) target_semaphore(%arg16 : memref<!tpu.dma_semaphore, #tpu.memory_space<semaphore_mem>>)
        %dma_start3A_424 = arith.constant 2 : i32
        %dma_start3A_425 = arith.constant 0 : i32
        %dma_start3A_426 = arith.constant 0 : i32
        %dma_start3A_427 = tpu.memref_slice %arg7[%dma_start3A_424, %dma_start3A_425, %dma_start3A_426] : memref<3x1x80xi32, #tpu.memory_space<vmem>> -> memref<1x1x80xi32, #tpu.memory_space<vmem>>
        %dma_start3A_428 = tpu.memref_squeeze %dma_start3A_427 : memref<1x1x80xi32, #tpu.memory_space<vmem>> -> memref<1x80xi32, #tpu.memory_space<vmem>>
        %dma_start3A_429 = arith.constant 0 : i32
        %dma_start3A_430 = arith.constant 0 : i32
        %dma_start3A_431 = tpu.memref_slice %arg3[%add3A, %add3A_392, %dma_start3A_429, %dma_start3A_430] : memref<32x125x1x80xi32, #tpu.memory_space<hbm>> -> memref<1x1x1x80xi32, #tpu.memory_space<hbm>>
        %dma_start3A_432 = tpu.memref_squeeze %dma_start3A_431 : memref<1x1x1x80xi32, #tpu.memory_space<hbm>> -> memref<1x80xi32, #tpu.memory_space<hbm>>
        %dma_start3A_433 = arith.constant 0 : i32
        %dma_start3A_434 = arith.constant 0 : i32
        %dma_start3A_435 = tpu.memref_slice %arg7[%dma_start3A_424, %dma_start3A_433, %dma_start3A_434] : memref<3x1x80xi32, #tpu.memory_space<vmem>> -> memref<1x1x80xi32, #tpu.memory_space<vmem>>
        %dma_start3A_436 = tpu.memref_squeeze %dma_start3A_435 : memref<1x1x80xi32, #tpu.memory_space<vmem>> -> memref<1x80xi32, #tpu.memory_space<vmem>>
        %dma_start3A_437 = arith.constant 0 : i32
        %dma_start3A_438 = arith.constant 0 : i32
        %dma_start3A_439 = tpu.memref_slice %arg3[%add3A, %add3A_392, %dma_start3A_437, %dma_start3A_438] : memref<32x125x1x80xi32, #tpu.memory_space<hbm>> -> memref<1x1x1x80xi32, #tpu.memory_space<hbm>>
        %dma_start3A_440 = tpu.memref_squeeze %dma_start3A_439 : memref<1x1x1x80xi32, #tpu.memory_space<hbm>> -> memref<1x80xi32, #tpu.memory_space<hbm>>
        tpu.enqueue_dma source(%dma_start3A_440 : memref<1x80xi32, #tpu.memory_space<hbm>>) target(%dma_start3A_436 : memref<1x80xi32, #tpu.memory_space<vmem>>) target_semaphore(%arg19 : memref<!tpu.dma_semaphore, #tpu.memory_space<semaphore_mem>>)
      } else {
      }
      %add3A_398 = arith.constant 3 : i32
      %add3A_399 = arith.addi %add3A_357, %add3A_398 : i32
      %sub3A_400 = arith.constant 1 : i32
      %sub3A_401 = arith.subi %add3A_399, %sub3A_400 : i32
      %lt3A_402 = arith.constant 125 : i32
      %lt3A_403 = arith.cmpi slt, %sub3A_401, %lt3A_402 : i32
      %convert_element_type3A_404 = arith.extui %lt3A_403 : i1 to i32
      %cond3A_405 = arith.constant 0 : i32
      %cond3A_406 = arith.cmpi ne, %convert_element_type3A_404, %cond3A_405 : i32
      scf.if %cond3A_406 {
        %dma_wait3A_407 = arith.constant 1 : i32
        %dma_wait3A_408 = arith.constant 0 : i32
        %dma_wait3A_409 = arith.constant 0 : i32
        %dma_wait3A_410 = tpu.memref_slice %arg7[%dma_wait3A_407, %dma_wait3A_408, %dma_wait3A_409] : memref<3x1x80xi32, #tpu.memory_space<vmem>> -> memref<1x1x80xi32, #tpu.memory_space<vmem>>
        %dma_wait3A_411 = tpu.memref_squeeze %dma_wait3A_410 : memref<1x1x80xi32, #tpu.memory_space<vmem>> -> memref<1x80xi32, #tpu.memory_space<vmem>>
        %dma_wait3A_412 = arith.constant 0 : i32
        %dma_wait3A_413 = arith.constant 0 : i32
        %dma_wait3A_414 = tpu.memref_slice %arg3[%add3A, %sub3A_401, %dma_wait3A_412, %dma_wait3A_413] : memref<32x125x1x80xi32, #tpu.memory_space<hbm>> -> memref<1x1x1x80xi32, #tpu.memory_space<hbm>>
        %dma_wait3A_415 = tpu.memref_squeeze %dma_wait3A_414 : memref<1x1x1x80xi32, #tpu.memory_space<hbm>> -> memref<1x80xi32, #tpu.memory_space<hbm>>
        %dma_wait3A_416 = arith.constant 0 : i32
        %dma_wait3A_417 = arith.constant 0 : i32
        %dma_wait3A_418 = tpu.memref_slice %arg7[%dma_wait3A_407, %dma_wait3A_416, %dma_wait3A_417] : memref<3x1x80xi32, #tpu.memory_space<vmem>> -> memref<1x1x80xi32, #tpu.memory_space<vmem>>
        %dma_wait3A_419 = tpu.memref_squeeze %dma_wait3A_418 : memref<1x1x80xi32, #tpu.memory_space<vmem>> -> memref<1x80xi32, #tpu.memory_space<vmem>>
        %dma_wait3A_420 = arith.constant 0 : i32
        %dma_wait3A_421 = arith.constant 0 : i32
        %dma_wait3A_422 = tpu.memref_slice %arg3[%add3A, %sub3A_401, %dma_wait3A_420, %dma_wait3A_421] : memref<32x125x1x80xi32, #tpu.memory_space<hbm>> -> memref<1x1x1x80xi32, #tpu.memory_space<hbm>>
        %dma_wait3A_423 = tpu.memref_squeeze %dma_wait3A_422 : memref<1x1x1x80xi32, #tpu.memory_space<hbm>> -> memref<1x80xi32, #tpu.memory_space<hbm>>
        tpu.wait_dma2 semaphore(%arg18 : memref<!tpu.dma_semaphore, #tpu.memory_space<semaphore_mem>>) src(%dma_wait3A_423 : memref<1x80xi32, #tpu.memory_space<hbm>>) dst(%dma_wait3A_419 : memref<1x80xi32, #tpu.memory_space<vmem>>)
        %dma_start3A_424 = arith.constant 1 : i32
        %dma_start3A_425 = arith.constant 0 : i32
        %dma_start3A_426 = arith.constant 1 : i32
        %dma_start3A_427 = arith.constant 0 : i32
        %dma_start3A_428 = arith.constant 0 : i32
        %dma_start3A_429 = tpu.memref_slice %arg9[%dma_start3A_426, %dma_start3A_427, %dma_start3A_428] : memref<3x80x128xf32, #tpu.memory_space<vmem>> -> memref<1x80x128xf32, #tpu.memory_space<vmem>>
        %dma_start3A_430 = tpu.memref_squeeze %dma_start3A_429 : memref<1x80x128xf32, #tpu.memory_space<vmem>> -> memref<80x128xf32, #tpu.memory_space<vmem>>
        %dma_start3A_431 = arith.constant 0 : i32
        %dma_start3A_432 = tpu.memref_slice %arg7[%dma_start3A_424, %dma_start3A_425, %dma_start3A_431] : memref<3x1x80xi32, #tpu.memory_space<vmem>> -> memref<1x1x80xi32, #tpu.memory_space<vmem>>
        %dma_start3A_433 = tpu.memref_squeeze %dma_start3A_432 : memref<1x1x80xi32, #tpu.memory_space<vmem>> -> memref<80xi32, #tpu.memory_space<vmem>>
        %dma_start3A_434 = arith.constant 0 : i32
        %dma_start3A_435 = arith.constant 0 : i32
        %dma_start3A_436 = tpu.memref_slice %arg2[%dma_start3A_434, %dma_start3A_435] : memref<10000x128xf32, #tpu.memory_space<hbm>> -> memref<10000x128xf32, #tpu.memory_space<hbm>>
        tpu.enqueue_indirect_dma source(%dma_start3A_436 : memref<10000x128xf32, #tpu.memory_space<hbm>>) target(%dma_start3A_430 : memref<80x128xf32, #tpu.memory_space<vmem>>) offsets(%dma_start3A_433 : memref<80xi32, #tpu.memory_space<vmem>>) semaphore(%arg12 : memref<!tpu.dma_semaphore, #tpu.memory_space<semaphore_mem>>)
      } else {
      }
    }
    %scan3A_175 = arith.constant 41 : i32
    %dma_wait3A_176 = arith.constant 123 : i32
    %dma_wait3A_177 = arith.constant 0 : i32
    %dma_wait3A_178 = arith.constant 0 : i32
    %dma_wait3A_179 = arith.constant 0 : i32
    %dma_wait3A_180 = tpu.memref_slice %arg8[%dma_wait3A_177, %dma_wait3A_178, %dma_wait3A_179] : memref<3x1x80xi32, #tpu.memory_space<vmem>> -> memref<1x1x80xi32, #tpu.memory_space<vmem>>
    %dma_wait3A_181 = tpu.memref_squeeze %dma_wait3A_180 : memref<1x1x80xi32, #tpu.memory_space<vmem>> -> memref<1x80xi32, #tpu.memory_space<vmem>>
    %dma_wait3A_182 = arith.constant 0 : i32
    %dma_wait3A_183 = arith.constant 0 : i32
    %dma_wait3A_184 = tpu.memref_slice %arg4[%add3A, %dma_wait3A_176, %dma_wait3A_182, %dma_wait3A_183] : memref<32x125x1x80xi32, #tpu.memory_space<hbm>> -> memref<1x1x1x80xi32, #tpu.memory_space<hbm>>
    %dma_wait3A_185 = tpu.memref_squeeze %dma_wait3A_184 : memref<1x1x1x80xi32, #tpu.memory_space<hbm>> -> memref<1x80xi32, #tpu.memory_space<hbm>>
    %dma_wait3A_186 = arith.constant 0 : i32
    %dma_wait3A_187 = arith.constant 0 : i32
    %dma_wait3A_188 = tpu.memref_slice %arg8[%dma_wait3A_177, %dma_wait3A_186, %dma_wait3A_187] : memref<3x1x80xi32, #tpu.memory_space<vmem>> -> memref<1x1x80xi32, #tpu.memory_space<vmem>>
    %dma_wait3A_189 = tpu.memref_squeeze %dma_wait3A_188 : memref<1x1x80xi32, #tpu.memory_space<vmem>> -> memref<1x80xi32, #tpu.memory_space<vmem>>
    %dma_wait3A_190 = arith.constant 0 : i32
    %dma_wait3A_191 = arith.constant 0 : i32
    %dma_wait3A_192 = tpu.memref_slice %arg4[%add3A, %dma_wait3A_176, %dma_wait3A_190, %dma_wait3A_191] : memref<32x125x1x80xi32, #tpu.memory_space<hbm>> -> memref<1x1x1x80xi32, #tpu.memory_space<hbm>>
    %dma_wait3A_193 = tpu.memref_squeeze %dma_wait3A_192 : memref<1x1x1x80xi32, #tpu.memory_space<hbm>> -> memref<1x80xi32, #tpu.memory_space<hbm>>
    tpu.wait_dma2 semaphore(%arg14 : memref<!tpu.dma_semaphore, #tpu.memory_space<semaphore_mem>>) src(%dma_wait3A_193 : memref<1x80xi32, #tpu.memory_space<hbm>>) dst(%dma_wait3A_189 : memref<1x80xi32, #tpu.memory_space<vmem>>)
    %dma_wait3A_194 = arith.constant 0 : i32
    %dma_wait3A_195 = arith.constant 0 : i32
    %dma_wait3A_196 = arith.constant 0 : i32
    %dma_wait3A_197 = arith.constant 0 : i32
    %dma_wait3A_198 = arith.constant 0 : i32
    %dma_wait3A_199 = tpu.memref_slice %arg9[%dma_wait3A_196, %dma_wait3A_197, %dma_wait3A_198] : memref<3x80x128xf32, #tpu.memory_space<vmem>> -> memref<1x80x128xf32, #tpu.memory_space<vmem>>
    %dma_wait3A_200 = tpu.memref_squeeze %dma_wait3A_199 : memref<1x80x128xf32, #tpu.memory_space<vmem>> -> memref<80x128xf32, #tpu.memory_space<vmem>>
    %dma_wait3A_201 = arith.constant 0 : i32
    %dma_wait3A_202 = tpu.memref_slice %arg7[%dma_wait3A_194, %dma_wait3A_195, %dma_wait3A_201] : memref<3x1x80xi32, #tpu.memory_space<vmem>> -> memref<1x1x80xi32, #tpu.memory_space<vmem>>
    %dma_wait3A_203 = tpu.memref_squeeze %dma_wait3A_202 : memref<1x1x80xi32, #tpu.memory_space<vmem>> -> memref<80xi32, #tpu.memory_space<vmem>>
    %dma_wait3A_204 = arith.constant 0 : i32
    %dma_wait3A_205 = arith.constant 0 : i32
    %dma_wait3A_206 = tpu.memref_slice %arg2[%dma_wait3A_204, %dma_wait3A_205] : memref<10000x128xf32, #tpu.memory_space<hbm>> -> memref<10000x128xf32, #tpu.memory_space<hbm>>
    tpu.wait_indirect_dma semaphore(%arg11 : memref<!tpu.dma_semaphore, #tpu.memory_space<semaphore_mem>>) src(%dma_wait3A_206 : memref<10000x128xf32, #tpu.memory_space<hbm>>) dst(%dma_wait3A_200 : memref<80x128xf32, #tpu.memory_space<vmem>>)
    %run_scoped3A = arith.constant 0 : i32
    %run_scoped3A_207 = arith.constant 0 : i32
    %run_scoped3A_208 = arith.constant 0 : i32
    "tpu.region"() ({
      %run_scoped3A_251 = tpu.sem_alloc : memref<!tpu.dma_semaphore, #tpu.memory_space<semaphore_mem>>
      %dma_start3A_252 = arith.constant 0 : i32
      %dma_start3A_253 = arith.constant 0 : i32
      %dma_start3A_254 = tpu.memref_slice %arg9[%run_scoped3A, %dma_start3A_252, %dma_start3A_253] : memref<3x80x128xf32, #tpu.memory_space<vmem>> -> memref<1x80x128xf32, #tpu.memory_space<vmem>>
      %dma_start3A_255 = tpu.memref_squeeze %dma_start3A_254 : memref<1x80x128xf32, #tpu.memory_space<vmem>> -> memref<80x128xf32, #tpu.memory_space<vmem>>
      %dma_start3A_256 = arith.constant 0 : i32
      %dma_start3A_257 = tpu.memref_slice %arg8[%run_scoped3A_207, %run_scoped3A_208, %dma_start3A_256] : memref<3x1x80xi32, #tpu.memory_space<vmem>> -> memref<1x1x80xi32, #tpu.memory_space<vmem>>
      %dma_start3A_258 = tpu.memref_squeeze %dma_start3A_257 : memref<1x1x80xi32, #tpu.memory_space<vmem>> -> memref<80xi32, #tpu.memory_space<vmem>>
      %dma_start3A_259 = arith.constant 0 : i32
      %dma_start3A_260 = arith.constant 0 : i32
      %dma_start3A_261 = tpu.memref_slice %arg10[%dma_start3A_259, %dma_start3A_260] : memref<10112x128xf32, #tpu.memory_space<vmem_shared>> -> memref<10112x128xf32, #tpu.memory_space<vmem_shared>>
      tpu.enqueue_indirect_dma source(%dma_start3A_255 : memref<80x128xf32, #tpu.memory_space<vmem>>) target(%dma_start3A_261 : memref<10112x128xf32, #tpu.memory_space<vmem_shared>>) offsets(%dma_start3A_258 : memref<80xi32, #tpu.memory_space<vmem>>) semaphore(%run_scoped3A_251 : memref<!tpu.dma_semaphore, #tpu.memory_space<semaphore_mem>>) {add = true}
      %dma_wait3A_262 = arith.constant 0 : i32
      %dma_wait3A_263 = arith.constant 0 : i32
      %dma_wait3A_264 = tpu.memref_slice %arg9[%run_scoped3A, %dma_wait3A_262, %dma_wait3A_263] : memref<3x80x128xf32, #tpu.memory_space<vmem>> -> memref<1x80x128xf32, #tpu.memory_space<vmem>>
      %dma_wait3A_265 = tpu.memref_squeeze %dma_wait3A_264 : memref<1x80x128xf32, #tpu.memory_space<vmem>> -> memref<80x128xf32, #tpu.memory_space<vmem>>
      %dma_wait3A_266 = arith.constant 0 : i32
      %dma_wait3A_267 = tpu.memref_slice %arg8[%run_scoped3A_207, %run_scoped3A_208, %dma_wait3A_266] : memref<3x1x80xi32, #tpu.memory_space<vmem>> -> memref<1x1x80xi32, #tpu.memory_space<vmem>>
      %dma_wait3A_268 = tpu.memref_squeeze %dma_wait3A_267 : memref<1x1x80xi32, #tpu.memory_space<vmem>> -> memref<80xi32, #tpu.memory_space<vmem>>
      %dma_wait3A_269 = arith.constant 0 : i32
      %dma_wait3A_270 = arith.constant 0 : i32
      %dma_wait3A_271 = tpu.memref_slice %arg10[%dma_wait3A_269, %dma_wait3A_270] : memref<10112x128xf32, #tpu.memory_space<vmem_shared>> -> memref<10112x128xf32, #tpu.memory_space<vmem_shared>>
      tpu.wait_indirect_dma semaphore(%run_scoped3A_251 : memref<!tpu.dma_semaphore, #tpu.memory_space<semaphore_mem>>) src(%dma_wait3A_265 : memref<80x128xf32, #tpu.memory_space<vmem>>) dst(%dma_wait3A_271 : memref<10112x128xf32, #tpu.memory_space<vmem_shared>>)
      tpu.yield
    }) : () -> ()
    %dma_wait3A_209 = arith.constant 124 : i32
    %dma_wait3A_210 = arith.constant 1 : i32
    %dma_wait3A_211 = arith.constant 0 : i32
    %dma_wait3A_212 = arith.constant 0 : i32
    %dma_wait3A_213 = tpu.memref_slice %arg8[%dma_wait3A_210, %dma_wait3A_211, %dma_wait3A_212] : memref<3x1x80xi32, #tpu.memory_space<vmem>> -> memref<1x1x80xi32, #tpu.memory_space<vmem>>
    %dma_wait3A_214 = tpu.memref_squeeze %dma_wait3A_213 : memref<1x1x80xi32, #tpu.memory_space<vmem>> -> memref<1x80xi32, #tpu.memory_space<vmem>>
    %dma_wait3A_215 = arith.constant 0 : i32
    %dma_wait3A_216 = arith.constant 0 : i32
    %dma_wait3A_217 = tpu.memref_slice %arg4[%add3A, %dma_wait3A_209, %dma_wait3A_215, %dma_wait3A_216] : memref<32x125x1x80xi32, #tpu.memory_space<hbm>> -> memref<1x1x1x80xi32, #tpu.memory_space<hbm>>
    %dma_wait3A_218 = tpu.memref_squeeze %dma_wait3A_217 : memref<1x1x1x80xi32, #tpu.memory_space<hbm>> -> memref<1x80xi32, #tpu.memory_space<hbm>>
    %dma_wait3A_219 = arith.constant 0 : i32
    %dma_wait3A_220 = arith.constant 0 : i32
    %dma_wait3A_221 = tpu.memref_slice %arg8[%dma_wait3A_210, %dma_wait3A_219, %dma_wait3A_220] : memref<3x1x80xi32, #tpu.memory_space<vmem>> -> memref<1x1x80xi32, #tpu.memory_space<vmem>>
    %dma_wait3A_222 = tpu.memref_squeeze %dma_wait3A_221 : memref<1x1x80xi32, #tpu.memory_space<vmem>> -> memref<1x80xi32, #tpu.memory_space<vmem>>
    %dma_wait3A_223 = arith.constant 0 : i32
    %dma_wait3A_224 = arith.constant 0 : i32
    %dma_wait3A_225 = tpu.memref_slice %arg4[%add3A, %dma_wait3A_209, %dma_wait3A_223, %dma_wait3A_224] : memref<32x125x1x80xi32, #tpu.memory_space<hbm>> -> memref<1x1x1x80xi32, #tpu.memory_space<hbm>>
    %dma_wait3A_226 = tpu.memref_squeeze %dma_wait3A_225 : memref<1x1x1x80xi32, #tpu.memory_space<hbm>> -> memref<1x80xi32, #tpu.memory_space<hbm>>
    tpu.wait_dma2 semaphore(%arg15 : memref<!tpu.dma_semaphore, #tpu.memory_space<semaphore_mem>>) src(%dma_wait3A_226 : memref<1x80xi32, #tpu.memory_space<hbm>>) dst(%dma_wait3A_222 : memref<1x80xi32, #tpu.memory_space<vmem>>)
    %dma_wait3A_227 = arith.constant 1 : i32
    %dma_wait3A_228 = arith.constant 0 : i32
    %dma_wait3A_229 = arith.constant 1 : i32
    %dma_wait3A_230 = arith.constant 0 : i32
    %dma_wait3A_231 = arith.constant 0 : i32
    %dma_wait3A_232 = tpu.memref_slice %arg9[%dma_wait3A_229, %dma_wait3A_230, %dma_wait3A_231] : memref<3x80x128xf32, #tpu.memory_space<vmem>> -> memref<1x80x128xf32, #tpu.memory_space<vmem>>
    %dma_wait3A_233 = tpu.memref_squeeze %dma_wait3A_232 : memref<1x80x128xf32, #tpu.memory_space<vmem>> -> memref<80x128xf32, #tpu.memory_space<vmem>>
    %dma_wait3A_234 = arith.constant 0 : i32
    %dma_wait3A_235 = tpu.memref_slice %arg7[%dma_wait3A_227, %dma_wait3A_228, %dma_wait3A_234] : memref<3x1x80xi32, #tpu.memory_space<vmem>> -> memref<1x1x80xi32, #tpu.memory_space<vmem>>
    %dma_wait3A_236 = tpu.memref_squeeze %dma_wait3A_235 : memref<1x1x80xi32, #tpu.memory_space<vmem>> -> memref<80xi32, #tpu.memory_space<vmem>>
    %dma_wait3A_237 = arith.constant 0 : i32
    %dma_wait3A_238 = arith.constant 0 : i32
    %dma_wait3A_239 = tpu.memref_slice %arg2[%dma_wait3A_237, %dma_wait3A_238] : memref<10000x128xf32, #tpu.memory_space<hbm>> -> memref<10000x128xf32, #tpu.memory_space<hbm>>
    tpu.wait_indirect_dma semaphore(%arg12 : memref<!tpu.dma_semaphore, #tpu.memory_space<semaphore_mem>>) src(%dma_wait3A_239 : memref<10000x128xf32, #tpu.memory_space<hbm>>) dst(%dma_wait3A_233 : memref<80x128xf32, #tpu.memory_space<vmem>>)
    %run_scoped3A_240 = arith.constant 1 : i32
    %run_scoped3A_241 = arith.constant 1 : i32
    %run_scoped3A_242 = arith.constant 0 : i32
    "tpu.region"() ({
      %run_scoped3A_251 = tpu.sem_alloc : memref<!tpu.dma_semaphore, #tpu.memory_space<semaphore_mem>>
      %dma_start3A_252 = arith.constant 0 : i32
      %dma_start3A_253 = arith.constant 0 : i32
      %dma_start3A_254 = tpu.memref_slice %arg9[%run_scoped3A_240, %dma_start3A_252, %dma_start3A_253] : memref<3x80x128xf32, #tpu.memory_space<vmem>> -> memref<1x80x128xf32, #tpu.memory_space<vmem>>
      %dma_start3A_255 = tpu.memref_squeeze %dma_start3A_254 : memref<1x80x128xf32, #tpu.memory_space<vmem>> -> memref<80x128xf32, #tpu.memory_space<vmem>>
      %dma_start3A_256 = arith.constant 0 : i32
      %dma_start3A_257 = tpu.memref_slice %arg8[%run_scoped3A_241, %run_scoped3A_242, %dma_start3A_256] : memref<3x1x80xi32, #tpu.memory_space<vmem>> -> memref<1x1x80xi32, #tpu.memory_space<vmem>>
      %dma_start3A_258 = tpu.memref_squeeze %dma_start3A_257 : memref<1x1x80xi32, #tpu.memory_space<vmem>> -> memref<80xi32, #tpu.memory_space<vmem>>
      %dma_start3A_259 = arith.constant 0 : i32
      %dma_start3A_260 = arith.constant 0 : i32
      %dma_start3A_261 = tpu.memref_slice %arg10[%dma_start3A_259, %dma_start3A_260] : memref<10112x128xf32, #tpu.memory_space<vmem_shared>> -> memref<10112x128xf32, #tpu.memory_space<vmem_shared>>
      tpu.enqueue_indirect_dma source(%dma_start3A_255 : memref<80x128xf32, #tpu.memory_space<vmem>>) target(%dma_start3A_261 : memref<10112x128xf32, #tpu.memory_space<vmem_shared>>) offsets(%dma_start3A_258 : memref<80xi32, #tpu.memory_space<vmem>>) semaphore(%run_scoped3A_251 : memref<!tpu.dma_semaphore, #tpu.memory_space<semaphore_mem>>) {add = true}
      %dma_wait3A_262 = arith.constant 0 : i32
      %dma_wait3A_263 = arith.constant 0 : i32
      %dma_wait3A_264 = tpu.memref_slice %arg9[%run_scoped3A_240, %dma_wait3A_262, %dma_wait3A_263] : memref<3x80x128xf32, #tpu.memory_space<vmem>> -> memref<1x80x128xf32, #tpu.memory_space<vmem>>
      %dma_wait3A_265 = tpu.memref_squeeze %dma_wait3A_264 : memref<1x80x128xf32, #tpu.memory_space<vmem>> -> memref<80x128xf32, #tpu.memory_space<vmem>>
      %dma_wait3A_266 = arith.constant 0 : i32
      %dma_wait3A_267 = tpu.memref_slice %arg8[%run_scoped3A_241, %run_scoped3A_242, %dma_wait3A_266] : memref<3x1x80xi32, #tpu.memory_space<vmem>> -> memref<1x1x80xi32, #tpu.memory_space<vmem>>
      %dma_wait3A_268 = tpu.memref_squeeze %dma_wait3A_267 : memref<1x1x80xi32, #tpu.memory_space<vmem>> -> memref<80xi32, #tpu.memory_space<vmem>>
      %dma_wait3A_269 = arith.constant 0 : i32
      %dma_wait3A_270 = arith.constant 0 : i32
      %dma_wait3A_271 = tpu.memref_slice %arg10[%dma_wait3A_269, %dma_wait3A_270] : memref<10112x128xf32, #tpu.memory_space<vmem_shared>> -> memref<10112x128xf32, #tpu.memory_space<vmem_shared>>
      tpu.wait_indirect_dma semaphore(%run_scoped3A_251 : memref<!tpu.dma_semaphore, #tpu.memory_space<semaphore_mem>>) src(%dma_wait3A_265 : memref<80x128xf32, #tpu.memory_space<vmem>>) dst(%dma_wait3A_271 : memref<10112x128xf32, #tpu.memory_space<vmem_shared>>)
      tpu.yield
    }) : () -> ()
    %barrier3A_243 = arith.constant 0 : index
    tpu.barrier barrier_id(%barrier3A_243)
    %mul3A_244 = arith.constant 632 : i32
    %mul3A_245 = arith.muli %arg1, %mul3A_244 : i32
    %mul3A_246 = arith.constant 10112 : i32
    %mul3A_247 = arith.muli %arg0, %mul3A_246 : i32
    %mul3A_248 = arith.constant 632 : i32
    %mul3A_249 = arith.muli %arg1, %mul3A_248 : i32
    %add3A_250 = arith.addi %mul3A_247, %mul3A_249 : i32
    "tpu.region"() ({
      %run_scoped3A_251 = tpu.sem_alloc : memref<!tpu.dma_semaphore, #tpu.memory_space<semaphore_mem>>
      %dma_start3A_252 = arith.constant 0 : i32
      %dma_start3A_253 = tpu.memref_slice %arg6[%add3A_250, %dma_start3A_252] : memref<20224x128xf32, #tpu.memory_space<hbm>> -> memref<632x128xf32, #tpu.memory_space<hbm>>
      %dma_start3A_254 = arith.constant 0 : i32
      %dma_start3A_255 = tpu.memref_slice %arg10[%mul3A_245, %dma_start3A_254] : memref<10112x128xf32, #tpu.memory_space<vmem_shared>> -> memref<632x128xf32, #tpu.memory_space<vmem_shared>>
      tpu.enqueue_dma source(%dma_start3A_255 : memref<632x128xf32, #tpu.memory_space<vmem_shared>>) target(%dma_start3A_253 : memref<632x128xf32, #tpu.memory_space<hbm>>) target_semaphore(%run_scoped3A_251 : memref<!tpu.dma_semaphore, #tpu.memory_space<semaphore_mem>>)
      %dma_wait3A_256 = arith.constant 0 : i32
      %dma_wait3A_257 = tpu.memref_slice %arg6[%add3A_250, %dma_wait3A_256] : memref<20224x128xf32, #tpu.memory_space<hbm>> -> memref<632x128xf32, #tpu.memory_space<hbm>>
      %dma_wait3A_258 = arith.constant 0 : i32
      %dma_wait3A_259 = tpu.memref_slice %arg10[%mul3A_245, %dma_wait3A_258] : memref<10112x128xf32, #tpu.memory_space<vmem_shared>> -> memref<632x128xf32, #tpu.memory_space<vmem_shared>>
      tpu.wait_dma2 semaphore(%run_scoped3A_251 : memref<!tpu.dma_semaphore, #tpu.memory_space<semaphore_mem>>) src(%dma_wait3A_259 : memref<632x128xf32, #tpu.memory_space<vmem_shared>>) dst(%dma_wait3A_257 : memref<632x128xf32, #tpu.memory_space<hbm>>)
      tpu.yield
    }) : () -> ()
    return
  }
}

#map = affine_map<(d0, d1) -> (0, 0)>
#map1 = affine_map<(d0, d1) -> (0, 0, 0, 0)>
module attributes {stable_mosaic.version = 14 : i64} {
  func.func @_sc_aggr_body(%arg0: i32, %arg1: i32, %arg2: memref<10000x128xf32, #tpu.memory_space<hbm>>, %arg3: memref<32x125x1x80xi32, #tpu.memory_space<hbm>>, %arg4: memref<32x125x1x80xi32, #tpu.memory_space<hbm>>, %arg5: memref<632x128xf32, #tpu.memory_space<hbm>>, %arg6: memref<20224x128xf32, #tpu.memory_space<hbm>>, %arg7: memref<3x1x80xi32, #tpu.memory_space<vmem>>, %arg8: memref<3x1x80xi32, #tpu.memory_space<vmem>>, %arg9: memref<3x80x128xf32, #tpu.memory_space<vmem>>, %arg10: memref<10112x128xf32, #tpu.memory_space<vmem_shared>>, %arg11: memref<!tpu.dma_semaphore, #tpu.memory_space<semaphore_mem>>, %arg12: memref<!tpu.dma_semaphore, #tpu.memory_space<semaphore_mem>>, %arg13: memref<!tpu.dma_semaphore, #tpu.memory_space<semaphore_mem>>, %arg14: memref<!tpu.dma_semaphore, #tpu.memory_space<semaphore_mem>>, %arg15: memref<!tpu.dma_semaphore, #tpu.memory_space<semaphore_mem>>, %arg16: memref<!tpu.dma_semaphore, #tpu.memory_space<semaphore_mem>>, %arg17: memref<!tpu.dma_semaphore, #tpu.memory_space<semaphore_mem>>, %arg18: memref<!tpu.dma_semaphore, #tpu.memory_space<semaphore_mem>>, %arg19: memref<!tpu.dma_semaphore, #tpu.memory_space<semaphore_mem>>) attributes {dimension_semantics = [#tpu.dimension_semantics<core_parallel>, #tpu.dimension_semantics<subcore_parallel>], iteration_bounds = array<i64: 2, 16>, scalar_prefetch = 0 : i64, scratch_operands = 13 : i64, tpu.core_type = #tpu.core_type<sc_vector_subcore>, window_params = [{transform_indices = #map}, {transform_indices = #map1}, {transform_indices = #map1}, {transform_indices = #map}, {transform_indices = #map}]} {
    %mul3A = arith.constant 16 : i32
    %mul3A_0 = arith.muli %arg0, %mul3A : i32
    %add3A = arith.addi %mul3A_0, %arg1 : i32
    %mul3A_1 = arith.constant 632 : i32
    %mul3A_2 = arith.muli %arg1, %mul3A_1 : i32
    "tpu.region"() ({
      %run_scoped3A_251 = tpu.sem_alloc : memref<!tpu.dma_semaphore, #tpu.memory_space<semaphore_mem>>
      %dma_start3A_252 = arith.constant 0 : i32
      %dma_start3A_253 = tpu.memref_slice %arg10[%mul3A_2, %dma_start3A_252] : memref<10112x128xf32, #tpu.memory_space<vmem_shared>> -> memref<632x128xf32, #tpu.memory_space<vmem_shared>>
      tpu.enqueue_dma source(%arg5 : memref<632x128xf32, #tpu.memory_space<hbm>>) target(%dma_start3A_253 : memref<632x128xf32, #tpu.memory_space<vmem_shared>>) target_semaphore(%run_scoped3A_251 : memref<!tpu.dma_semaphore, #tpu.memory_space<semaphore_mem>>)
      %dma_wait3A_254 = arith.constant 0 : i32
      %dma_wait3A_255 = tpu.memref_slice %arg10[%mul3A_2, %dma_wait3A_254] : memref<10112x128xf32, #tpu.memory_space<vmem_shared>> -> memref<632x128xf32, #tpu.memory_space<vmem_shared>>
      tpu.wait_dma2 semaphore(%run_scoped3A_251 : memref<!tpu.dma_semaphore, #tpu.memory_space<semaphore_mem>>) src(%arg5 : memref<632x128xf32, #tpu.memory_space<hbm>>) dst(%dma_wait3A_255 : memref<632x128xf32, #tpu.memory_space<vmem_shared>>)
      tpu.yield
    }) : () -> ()
    %barrier3A = arith.constant 0 : index
    tpu.barrier barrier_id(%barrier3A)
    %dma_start3A = arith.constant 0 : i32
    %dma_start3A_3 = arith.constant 0 : i32
    %dma_start3A_4 = arith.constant 0 : i32
    %dma_start3A_5 = arith.constant 0 : i32
    %dma_start3A_6 = tpu.memref_slice %arg8[%dma_start3A_3, %dma_start3A_4, %dma_start3A_5] : memref<3x1x80xi32, #tpu.memory_space<vmem>> -> memref<1x1x80xi32, #tpu.memory_space<vmem>>
    %dma_start3A_7 = tpu.memref_squeeze %dma_start3A_6 : memref<1x1x80xi32, #tpu.memory_space<vmem>> -> memref<1x80xi32, #tpu.memory_space<vmem>>
    %dma_start3A_8 = arith.constant 0 : i32
    %dma_start3A_9 = arith.constant 0 : i32
    %dma_start3A_10 = tpu.memref_slice %arg4[%add3A, %dma_start3A, %dma_start3A_8, %dma_start3A_9] : memref<32x125x1x80xi32, #tpu.memory_space<hbm>> -> memref<1x1x1x80xi32, #tpu.memory_space<hbm>>
    %dma_start3A_11 = tpu.memref_squeeze %dma_start3A_10 : memref<1x1x1x80xi32, #tpu.memory_space<hbm>> -> memref<1x80xi32, #tpu.memory_space<hbm>>
    %dma_start3A_12 = arith.constant 0 : i32
    %dma_start3A_13 = arith.constant 0 : i32
    %dma_start3A_14 = tpu.memref_slice %arg8[%dma_start3A_3, %dma_start3A_12, %dma_start3A_13] : memref<3x1x80xi32, #tpu.memory_space<vmem>> -> memref<1x1x80xi32, #tpu.memory_space<vmem>>
    %dma_start3A_15 = tpu.memref_squeeze %dma_start3A_14 : memref<1x1x80xi32, #tpu.memory_space<vmem>> -> memref<1x80xi32, #tpu.memory_space<vmem>>
    %dma_start3A_16 = arith.constant 0 : i32
    %dma_start3A_17 = arith.constant 0 : i32
    %dma_start3A_18 = tpu.memref_slice %arg4[%add3A, %dma_start3A, %dma_start3A_16, %dma_start3A_17] : memref<32x125x1x80xi32, #tpu.memory_space<hbm>> -> memref<1x1x1x80xi32, #tpu.memory_space<hbm>>
    %dma_start3A_19 = tpu.memref_squeeze %dma_start3A_18 : memref<1x1x1x80xi32, #tpu.memory_space<hbm>> -> memref<1x80xi32, #tpu.memory_space<hbm>>
    tpu.enqueue_dma source(%dma_start3A_19 : memref<1x80xi32, #tpu.memory_space<hbm>>) target(%dma_start3A_15 : memref<1x80xi32, #tpu.memory_space<vmem>>) target_semaphore(%arg14 : memref<!tpu.dma_semaphore, #tpu.memory_space<semaphore_mem>>)
    %dma_start3A_20 = arith.constant 0 : i32
    %dma_start3A_21 = arith.constant 0 : i32
    %dma_start3A_22 = arith.constant 0 : i32
    %dma_start3A_23 = arith.constant 0 : i32
    %dma_start3A_24 = tpu.memref_slice %arg7[%dma_start3A_21, %dma_start3A_22, %dma_start3A_23] : memref<3x1x80xi32, #tpu.memory_space<vmem>> -> memref<1x1x80xi32, #tpu.memory_space<vmem>>
    %dma_start3A_25 = tpu.memref_squeeze %dma_start3A_24 : memref<1x1x80xi32, #tpu.memory_space<vmem>> -> memref<1x80xi32, #tpu.memory_space<vmem>>
    %dma_start3A_26 = arith.constant 0 : i32
    %dma_start3A_27 = arith.constant 0 : i32
    %dma_start3A_28 = tpu.memref_slice %arg3[%add3A, %dma_start3A_20, %dma_start3A_26, %dma_start3A_27] : memref<32x125x1x80xi32, #tpu.memory_space<hbm>> -> memref<1x1x1x80xi32, #tpu.memory_space<hbm>>
    %dma_start3A_29 = tpu.memref_squeeze %dma_start3A_28 : memref<1x1x1x80xi32, #tpu.memory_space<hbm>> -> memref<1x80xi32, #tpu.memory_space<hbm>>
    %dma_start3A_30 = arith.constant 0 : i32
    %dma_start3A_31 = arith.constant 0 : i32
    %dma_start3A_32 = tpu.memref_slice %arg7[%dma_start3A_21, %dma_start3A_30, %dma_start3A_31] : memref<3x1x80xi32, #tpu.memory_space<vmem>> -> memref<1x1x80xi32, #tpu.memory_space<vmem>>
    %dma_start3A_33 = tpu.memref_squeeze %dma_start3A_32 : memref<1x1x80xi32, #tpu.memory_space<vmem>> -> memref<1x80xi32, #tpu.memory_space<vmem>>
    %dma_start3A_34 = arith.constant 0 : i32
    %dma_start3A_35 = arith.constant 0 : i32
    %dma_start3A_36 = tpu.memref_slice %arg3[%add3A, %dma_start3A_20, %dma_start3A_34, %dma_start3A_35] : memref<32x125x1x80xi32, #tpu.memory_space<hbm>> -> memref<1x1x1x80xi32, #tpu.memory_space<hbm>>
    %dma_start3A_37 = tpu.memref_squeeze %dma_start3A_36 : memref<1x1x1x80xi32, #tpu.memory_space<hbm>> -> memref<1x80xi32, #tpu.memory_space<hbm>>
    tpu.enqueue_dma source(%dma_start3A_37 : memref<1x80xi32, #tpu.memory_space<hbm>>) target(%dma_start3A_33 : memref<1x80xi32, #tpu.memory_space<vmem>>) target_semaphore(%arg17 : memref<!tpu.dma_semaphore, #tpu.memory_space<semaphore_mem>>)
    %dma_start3A_38 = arith.constant 1 : i32
    %dma_start3A_39 = arith.constant 1 : i32
    %dma_start3A_40 = arith.constant 0 : i32
    %dma_start3A_41 = arith.constant 0 : i32
    %dma_start3A_42 = tpu.memref_slice %arg8[%dma_start3A_39, %dma_start3A_40, %dma_start3A_41] : memref<3x1x80xi32, #tpu.memory_space<vmem>> -> memref<1x1x80xi32, #tpu.memory_space<vmem>>
    %dma_start3A_43 = tpu.memref_squeeze %dma_start3A_42 : memref<1x1x80xi32, #tpu.memory_space<vmem>> -> memref<1x80xi32, #tpu.memory_space<vmem>>
    %dma_start3A_44 = arith.constant 0 : i32
    %dma_start3A_45 = arith.constant 0 : i32
    %dma_start3A_46 = tpu.memref_slice %arg4[%add3A, %dma_start3A_38, %dma_start3A_44, %dma_start3A_45] : memref<32x125x1x80xi32, #tpu.memory_space<hbm>> -> memref<1x1x1x80xi32, #tpu.memory_space<hbm>>
    %dma_start3A_47 = tpu.memref_squeeze %dma_start3A_46 : memref<1x1x1x80xi32, #tpu.memory_space<hbm>> -> memref<1x80xi32, #tpu.memory_space<hbm>>
    %dma_start3A_48 = arith.constant 0 : i32
    %dma_start3A_49 = arith.constant 0 : i32
    %dma_start3A_50 = tpu.memref_slice %arg8[%dma_start3A_39, %dma_start3A_48, %dma_start3A_49] : memref<3x1x80xi32, #tpu.memory_space<vmem>> -> memref<1x1x80xi32, #tpu.memory_space<vmem>>
    %dma_start3A_51 = tpu.memref_squeeze %dma_start3A_50 : memref<1x1x80xi32, #tpu.memory_space<vmem>> -> memref<1x80xi32, #tpu.memory_space<vmem>>
    %dma_start3A_52 = arith.constant 0 : i32
    %dma_start3A_53 = arith.constant 0 : i32
    %dma_start3A_54 = tpu.memref_slice %arg4[%add3A, %dma_start3A_38, %dma_start3A_52, %dma_start3A_53] : memref<32x125x1x80xi32, #tpu.memory_space<hbm>> -> memref<1x1x1x80xi32, #tpu.memory_space<hbm>>
    %dma_start3A_55 = tpu.memref_squeeze %dma_start3A_54 : memref<1x1x1x80xi32, #tpu.memory_space<hbm>> -> memref<1x80xi32, #tpu.memory_space<hbm>>
    tpu.enqueue_dma source(%dma_start3A_55 : memref<1x80xi32, #tpu.memory_space<hbm>>) target(%dma_start3A_51 : memref<1x80xi32, #tpu.memory_space<vmem>>) target_semaphore(%arg15 : memref<!tpu.dma_semaphore, #tpu.memory_space<semaphore_mem>>)
    %dma_start3A_56 = arith.constant 1 : i32
    %dma_start3A_57 = arith.constant 1 : i32
    %dma_start3A_58 = arith.constant 0 : i32
    %dma_start3A_59 = arith.constant 0 : i32
    %dma_start3A_60 = tpu.memref_slice %arg7[%dma_start3A_57, %dma_start3A_58, %dma_start3A_59] : memref<3x1x80xi32, #tpu.memory_space<vmem>> -> memref<1x1x80xi32, #tpu.memory_space<vmem>>
    %dma_start3A_61 = tpu.memref_squeeze %dma_start3A_60 : memref<1x1x80xi32, #tpu.memory_space<vmem>> -> memref<1x80xi32, #tpu.memory_space<vmem>>
    %dma_start3A_62 = arith.constant 0 : i32
    %dma_start3A_63 = arith.constant 0 : i32
    %dma_start3A_64 = tpu.memref_slice %arg3[%add3A, %dma_start3A_56, %dma_start3A_62, %dma_start3A_63] : memref<32x125x1x80xi32, #tpu.memory_space<hbm>> -> memref<1x1x1x80xi32, #tpu.memory_space<hbm>>
    %dma_start3A_65 = tpu.memref_squeeze %dma_start3A_64 : memref<1x1x1x80xi32, #tpu.memory_space<hbm>> -> memref<1x80xi32, #tpu.memory_space<hbm>>
    %dma_start3A_66 = arith.constant 0 : i32
    %dma_start3A_67 = arith.constant 0 : i32
    %dma_start3A_68 = tpu.memref_slice %arg7[%dma_start3A_57, %dma_start3A_66, %dma_start3A_67] : memref<3x1x80xi32, #tpu.memory_space<vmem>> -> memref<1x1x80xi32, #tpu.memory_space<vmem>>
    %dma_start3A_69 = tpu.memref_squeeze %dma_start3A_68 : memref<1x1x80xi32, #tpu.memory_space<vmem>> -> memref<1x80xi32, #tpu.memory_space<vmem>>
    %dma_start3A_70 = arith.constant 0 : i32
    %dma_start3A_71 = arith.constant 0 : i32
    %dma_start3A_72 = tpu.memref_slice %arg3[%add3A, %dma_start3A_56, %dma_start3A_70, %dma_start3A_71] : memref<32x125x1x80xi32, #tpu.memory_space<hbm>> -> memref<1x1x1x80xi32, #tpu.memory_space<hbm>>
    %dma_start3A_73 = tpu.memref_squeeze %dma_start3A_72 : memref<1x1x1x80xi32, #tpu.memory_space<hbm>> -> memref<1x80xi32, #tpu.memory_space<hbm>>
    tpu.enqueue_dma source(%dma_start3A_73 : memref<1x80xi32, #tpu.memory_space<hbm>>) target(%dma_start3A_69 : memref<1x80xi32, #tpu.memory_space<vmem>>) target_semaphore(%arg18 : memref<!tpu.dma_semaphore, #tpu.memory_space<semaphore_mem>>)
    %dma_start3A_74 = arith.constant 2 : i32
    %dma_start3A_75 = arith.constant 2 : i32
    %dma_start3A_76 = arith.constant 0 : i32
    %dma_start3A_77 = arith.constant 0 : i32
    %dma_start3A_78 = tpu.memref_slice %arg8[%dma_start3A_75, %dma_start3A_76, %dma_start3A_77] : memref<3x1x80xi32, #tpu.memory_space<vmem>> -> memref<1x1x80xi32, #tpu.memory_space<vmem>>
    %dma_start3A_79 = tpu.memref_squeeze %dma_start3A_78 : memref<1x1x80xi32, #tpu.memory_space<vmem>> -> memref<1x80xi32, #tpu.memory_space<vmem>>
    %dma_start3A_80 = arith.constant 0 : i32
    %dma_start3A_81 = arith.constant 0 : i32
    %dma_start3A_82 = tpu.memref_slice %arg4[%add3A, %dma_start3A_74, %dma_start3A_80, %dma_start3A_81] : memref<32x125x1x80xi32, #tpu.memory_space<hbm>> -> memref<1x1x1x80xi32, #tpu.memory_space<hbm>>
    %dma_start3A_83 = tpu.memref_squeeze %dma_start3A_82 : memref<1x1x1x80xi32, #tpu.memory_space<hbm>> -> memref<1x80xi32, #tpu.memory_space<hbm>>
    %dma_start3A_84 = arith.constant 0 : i32
    %dma_start3A_85 = arith.constant 0 : i32
    %dma_start3A_86 = tpu.memref_slice %arg8[%dma_start3A_75, %dma_start3A_84, %dma_start3A_85] : memref<3x1x80xi32, #tpu.memory_space<vmem>> -> memref<1x1x80xi32, #tpu.memory_space<vmem>>
    %dma_start3A_87 = tpu.memref_squeeze %dma_start3A_86 : memref<1x1x80xi32, #tpu.memory_space<vmem>> -> memref<1x80xi32, #tpu.memory_space<vmem>>
    %dma_start3A_88 = arith.constant 0 : i32
    %dma_start3A_89 = arith.constant 0 : i32
    %dma_start3A_90 = tpu.memref_slice %arg4[%add3A, %dma_start3A_74, %dma_start3A_88, %dma_start3A_89] : memref<32x125x1x80xi32, #tpu.memory_space<hbm>> -> memref<1x1x1x80xi32, #tpu.memory_space<hbm>>
    %dma_start3A_91 = tpu.memref_squeeze %dma_start3A_90 : memref<1x1x1x80xi32, #tpu.memory_space<hbm>> -> memref<1x80xi32, #tpu.memory_space<hbm>>
    tpu.enqueue_dma source(%dma_start3A_91 : memref<1x80xi32, #tpu.memory_space<hbm>>) target(%dma_start3A_87 : memref<1x80xi32, #tpu.memory_space<vmem>>) target_semaphore(%arg16 : memref<!tpu.dma_semaphore, #tpu.memory_space<semaphore_mem>>)
    %dma_start3A_92 = arith.constant 2 : i32
    %dma_start3A_93 = arith.constant 2 : i32
    %dma_start3A_94 = arith.constant 0 : i32
    %dma_start3A_95 = arith.constant 0 : i32
    %dma_start3A_96 = tpu.memref_slice %arg7[%dma_start3A_93, %dma_start3A_94, %dma_start3A_95] : memref<3x1x80xi32, #tpu.memory_space<vmem>> -> memref<1x1x80xi32, #tpu.memory_space<vmem>>
    %dma_start3A_97 = tpu.memref_squeeze %dma_start3A_96 : memref<1x1x80xi32, #tpu.memory_space<vmem>> -> memref<1x80xi32, #tpu.memory_space<vmem>>
    %dma_start3A_98 = arith.constant 0 : i32
    %dma_start3A_99 = arith.constant 0 : i32
    %dma_start3A_100 = tpu.memref_slice %arg3[%add3A, %dma_start3A_92, %dma_start3A_98, %dma_start3A_99] : memref<32x125x1x80xi32, #tpu.memory_space<hbm>> -> memref<1x1x1x80xi32, #tpu.memory_space<hbm>>
    %dma_start3A_101 = tpu.memref_squeeze %dma_start3A_100 : memref<1x1x1x80xi32, #tpu.memory_space<hbm>> -> memref<1x80xi32, #tpu.memory_space<hbm>>
    %dma_start3A_102 = arith.constant 0 : i32
    %dma_start3A_103 = arith.constant 0 : i32
    %dma_start3A_104 = tpu.memref_slice %arg7[%dma_start3A_93, %dma_start3A_102, %dma_start3A_103] : memref<3x1x80xi32, #tpu.memory_space<vmem>> -> memref<1x1x80xi32, #tpu.memory_space<vmem>>
    %dma_start3A_105 = tpu.memref_squeeze %dma_start3A_104 : memref<1x1x80xi32, #tpu.memory_space<vmem>> -> memref<1x80xi32, #tpu.memory_space<vmem>>
    %dma_start3A_106 = arith.constant 0 : i32
    %dma_start3A_107 = arith.constant 0 : i32
    %dma_start3A_108 = tpu.memref_slice %arg3[%add3A, %dma_start3A_92, %dma_start3A_106, %dma_start3A_107] : memref<32x125x1x80xi32, #tpu.memory_space<hbm>> -> memref<1x1x1x80xi32, #tpu.memory_space<hbm>>
    %dma_start3A_109 = tpu.memref_squeeze %dma_start3A_108 : memref<1x1x1x80xi32, #tpu.memory_space<hbm>> -> memref<1x80xi32, #tpu.memory_space<hbm>>
    tpu.enqueue_dma source(%dma_start3A_109 : memref<1x80xi32, #tpu.memory_space<hbm>>) target(%dma_start3A_105 : memref<1x80xi32, #tpu.memory_space<vmem>>) target_semaphore(%arg19 : memref<!tpu.dma_semaphore, #tpu.memory_space<semaphore_mem>>)
    %dma_wait3A = arith.constant 0 : i32
    %dma_wait3A_110 = arith.constant 0 : i32
    %dma_wait3A_111 = arith.constant 0 : i32
    %dma_wait3A_112 = arith.constant 0 : i32
    %dma_wait3A_113 = tpu.memref_slice %arg7[%dma_wait3A_110, %dma_wait3A_111, %dma_wait3A_112] : memref<3x1x80xi32, #tpu.memory_space<vmem>> -> memref<1x1x80xi32, #tpu.memory_space<vmem>>
    %dma_wait3A_114 = tpu.memref_squeeze %dma_wait3A_113 : memref<1x1x80xi32, #tpu.memory_space<vmem>> -> memref<1x80xi32, #tpu.memory_space<vmem>>
    %dma_wait3A_115 = arith.constant 0 : i32
    %dma_wait3A_116 = arith.constant 0 : i32
    %dma_wait3A_117 = tpu.memref_slice %arg3[%add3A, %dma_wait3A, %dma_wait3A_115, %dma_wait3A_116] : memref<32x125x1x80xi32, #tpu.memory_space<hbm>> -> memref<1x1x1x80xi32, #tpu.memory_space<hbm>>
    %dma_wait3A_118 = tpu.memref_squeeze %dma_wait3A_117 : memref<1x1x1x80xi32, #tpu.memory_space<hbm>> -> memref<1x80xi32, #tpu.memory_space<hbm>>
    %dma_wait3A_119 = arith.constant 0 : i32
    %dma_wait3A_120 = arith.constant 0 : i32
    %dma_wait3A_121 = tpu.memref_slice %arg7[%dma_wait3A_110, %dma_wait3A_119, %dma_wait3A_120] : memref<3x1x80xi32, #tpu.memory_space<vmem>> -> memref<1x1x80xi32, #tpu.memory_space<vmem>>
    %dma_wait3A_122 = tpu.memref_squeeze %dma_wait3A_121 : memref<1x1x80xi32, #tpu.memory_space<vmem>> -> memref<1x80xi32, #tpu.memory_space<vmem>>
    %dma_wait3A_123 = arith.constant 0 : i32
    %dma_wait3A_124 = arith.constant 0 : i32
    %dma_wait3A_125 = tpu.memref_slice %arg3[%add3A, %dma_wait3A, %dma_wait3A_123, %dma_wait3A_124] : memref<32x125x1x80xi32, #tpu.memory_space<hbm>> -> memref<1x1x1x80xi32, #tpu.memory_space<hbm>>
    %dma_wait3A_126 = tpu.memref_squeeze %dma_wait3A_125 : memref<1x1x1x80xi32, #tpu.memory_space<hbm>> -> memref<1x80xi32, #tpu.memory_space<hbm>>
    tpu.wait_dma2 semaphore(%arg17 : memref<!tpu.dma_semaphore, #tpu.memory_space<semaphore_mem>>) src(%dma_wait3A_126 : memref<1x80xi32, #tpu.memory_space<hbm>>) dst(%dma_wait3A_122 : memref<1x80xi32, #tpu.memory_space<vmem>>)
    %dma_start3A_127 = arith.constant 0 : i32
    %dma_start3A_128 = arith.constant 0 : i32
    %dma_start3A_129 = arith.constant 0 : i32
    %dma_start3A_130 = arith.constant 0 : i32
    %dma_start3A_131 = arith.constant 0 : i32
    %dma_start3A_132 = tpu.memref_slice %arg9[%dma_start3A_129, %dma_start3A_130, %dma_start3A_131] : memref<3x80x128xf32, #tpu.memory_space<vmem>> -> memref<1x80x128xf32, #tpu.memory_space<vmem>>
    %dma_start3A_133 = tpu.memref_squeeze %dma_start3A_132 : memref<1x80x128xf32, #tpu.memory_space<vmem>> -> memref<80x128xf32, #tpu.memory_space<vmem>>
    %dma_start3A_134 = arith.constant 0 : i32
    %dma_start3A_135 = tpu.memref_slice %arg7[%dma_start3A_127, %dma_start3A_128, %dma_start3A_134] : memref<3x1x80xi32, #tpu.memory_space<vmem>> -> memref<1x1x80xi32, #tpu.memory_space<vmem>>
    %dma_start3A_136 = tpu.memref_squeeze %dma_start3A_135 : memref<1x1x80xi32, #tpu.memory_space<vmem>> -> memref<80xi32, #tpu.memory_space<vmem>>
    %dma_start3A_137 = arith.constant 0 : i32
    %dma_start3A_138 = arith.constant 0 : i32
    %dma_start3A_139 = tpu.memref_slice %arg2[%dma_start3A_137, %dma_start3A_138] : memref<10000x128xf32, #tpu.memory_space<hbm>> -> memref<10000x128xf32, #tpu.memory_space<hbm>>
    tpu.enqueue_indirect_dma source(%dma_start3A_139 : memref<10000x128xf32, #tpu.memory_space<hbm>>) target(%dma_start3A_133 : memref<80x128xf32, #tpu.memory_space<vmem>>) offsets(%dma_start3A_136 : memref<80xi32, #tpu.memory_space<vmem>>) semaphore(%arg11 : memref<!tpu.dma_semaphore, #tpu.memory_space<semaphore_mem>>)
    %dma_wait3A_140 = arith.constant 1 : i32
    %dma_wait3A_141 = arith.constant 1 : i32
    %dma_wait3A_142 = arith.constant 0 : i32
    %dma_wait3A_143 = arith.constant 0 : i32
    %dma_wait3A_144 = tpu.memref_slice %arg7[%dma_wait3A_141, %dma_wait3A_142, %dma_wait3A_143] : memref<3x1x80xi32, #tpu.memory_space<vmem>> -> memref<1x1x80xi32, #tpu.memory_space<vmem>>
    %dma_wait3A_145 = tpu.memref_squeeze %dma_wait3A_144 : memref<1x1x80xi32, #tpu.memory_space<vmem>> -> memref<1x80xi32, #tpu.memory_space<vmem>>
    %dma_wait3A_146 = arith.constant 0 : i32
    %dma_wait3A_147 = arith.constant 0 : i32
    %dma_wait3A_148 = tpu.memref_slice %arg3[%add3A, %dma_wait3A_140, %dma_wait3A_146, %dma_wait3A_147] : memref<32x125x1x80xi32, #tpu.memory_space<hbm>> -> memref<1x1x1x80xi32, #tpu.memory_space<hbm>>
    %dma_wait3A_149 = tpu.memref_squeeze %dma_wait3A_148 : memref<1x1x1x80xi32, #tpu.memory_space<hbm>> -> memref<1x80xi32, #tpu.memory_space<hbm>>
    %dma_wait3A_150 = arith.constant 0 : i32
    %dma_wait3A_151 = arith.constant 0 : i32
    %dma_wait3A_152 = tpu.memref_slice %arg7[%dma_wait3A_141, %dma_wait3A_150, %dma_wait3A_151] : memref<3x1x80xi32, #tpu.memory_space<vmem>> -> memref<1x1x80xi32, #tpu.memory_space<vmem>>
    %dma_wait3A_153 = tpu.memref_squeeze %dma_wait3A_152 : memref<1x1x80xi32, #tpu.memory_space<vmem>> -> memref<1x80xi32, #tpu.memory_space<vmem>>
    %dma_wait3A_154 = arith.constant 0 : i32
    %dma_wait3A_155 = arith.constant 0 : i32
    %dma_wait3A_156 = tpu.memref_slice %arg3[%add3A, %dma_wait3A_140, %dma_wait3A_154, %dma_wait3A_155] : memref<32x125x1x80xi32, #tpu.memory_space<hbm>> -> memref<1x1x1x80xi32, #tpu.memory_space<hbm>>
    %dma_wait3A_157 = tpu.memref_squeeze %dma_wait3A_156 : memref<1x1x1x80xi32, #tpu.memory_space<hbm>> -> memref<1x80xi32, #tpu.memory_space<hbm>>
    tpu.wait_dma2 semaphore(%arg18 : memref<!tpu.dma_semaphore, #tpu.memory_space<semaphore_mem>>) src(%dma_wait3A_157 : memref<1x80xi32, #tpu.memory_space<hbm>>) dst(%dma_wait3A_153 : memref<1x80xi32, #tpu.memory_space<vmem>>)
    %dma_start3A_158 = arith.constant 1 : i32
    %dma_start3A_159 = arith.constant 0 : i32
    %dma_start3A_160 = arith.constant 1 : i32
    %dma_start3A_161 = arith.constant 0 : i32
    %dma_start3A_162 = arith.constant 0 : i32
    %dma_start3A_163 = tpu.memref_slice %arg9[%dma_start3A_160, %dma_start3A_161, %dma_start3A_162] : memref<3x80x128xf32, #tpu.memory_space<vmem>> -> memref<1x80x128xf32, #tpu.memory_space<vmem>>
    %dma_start3A_164 = tpu.memref_squeeze %dma_start3A_163 : memref<1x80x128xf32, #tpu.memory_space<vmem>> -> memref<80x128xf32, #tpu.memory_space<vmem>>
    %dma_start3A_165 = arith.constant 0 : i32
    %dma_start3A_166 = tpu.memref_slice %arg7[%dma_start3A_158, %dma_start3A_159, %dma_start3A_165] : memref<3x1x80xi32, #tpu.memory_space<vmem>> -> memref<1x1x80xi32, #tpu.memory_space<vmem>>
    %dma_start3A_167 = tpu.memref_squeeze %dma_start3A_166 : memref<1x1x80xi32, #tpu.memory_space<vmem>> -> memref<80xi32, #tpu.memory_space<vmem>>
    %dma_start3A_168 = arith.constant 0 : i32
    %dma_start3A_169 = arith.constant 0 : i32
    %dma_start3A_170 = tpu.memref_slice %arg2[%dma_start3A_168, %dma_start3A_169] : memref<10000x128xf32, #tpu.memory_space<hbm>> -> memref<10000x128xf32, #tpu.memory_space<hbm>>
    tpu.enqueue_indirect_dma source(%dma_start3A_170 : memref<10000x128xf32, #tpu.memory_space<hbm>>) target(%dma_start3A_164 : memref<80x128xf32, #tpu.memory_space<vmem>>) offsets(%dma_start3A_167 : memref<80xi32, #tpu.memory_space<vmem>>) semaphore(%arg12 : memref<!tpu.dma_semaphore, #tpu.memory_space<semaphore_mem>>)
    %scan3A = arith.constant 0 : i32
    %scan3A_171 = arith.constant 0 : i32
    %scan3A_172 = arith.constant 41 : i32
    %scan3A_173 = arith.addi %scan3A_171, %scan3A_172 : i32
    %scan3A_174 = arith.constant 1 : i32
    scf.for %scan3A_251 = %scan3A_171 to %scan3A_173 step %scan3A_174  : i32 {
      %mul3A_252 = arith.constant 3 : i32
      %mul3A_253 = arith.muli %scan3A_251, %mul3A_252 : i32
      %add3A_254 = arith.constant 0 : i32
      %add3A_255 = arith.addi %mul3A_253, %add3A_254 : i32
      %dma_wait3A_256 = arith.constant 0 : i32
      %dma_wait3A_257 = arith.constant 0 : i32
      %dma_wait3A_258 = arith.constant 0 : i32
      %dma_wait3A_259 = tpu.memref_slice %arg8[%dma_wait3A_256, %dma_wait3A_257, %dma_wait3A_258] : memref<3x1x80xi32, #tpu.memory_space<vmem>> -> memref<1x1x80xi32, #tpu.memory_space<vmem>>
      %dma_wait3A_260 = tpu.memref_squeeze %dma_wait3A_259 : memref<1x1x80xi32, #tpu.memory_space<vmem>> -> memref<1x80xi32, #tpu.memory_space<vmem>>
      %dma_wait3A_261 = arith.constant 0 : i32
      %dma_wait3A_262 = arith.constant 0 : i32
      %dma_wait3A_263 = tpu.memref_slice %arg4[%add3A, %add3A_255, %dma_wait3A_261, %dma_wait3A_262] : memref<32x125x1x80xi32, #tpu.memory_space<hbm>> -> memref<1x1x1x80xi32, #tpu.memory_space<hbm>>
      %dma_wait3A_264 = tpu.memref_squeeze %dma_wait3A_263 : memref<1x1x1x80xi32, #tpu.memory_space<hbm>> -> memref<1x80xi32, #tpu.memory_space<hbm>>
      %dma_wait3A_265 = arith.constant 0 : i32
      %dma_wait3A_266 = arith.constant 0 : i32
      %dma_wait3A_267 = tpu.memref_slice %arg8[%dma_wait3A_256, %dma_wait3A_265, %dma_wait3A_266] : memref<3x1x80xi32, #tpu.memory_space<vmem>> -> memref<1x1x80xi32, #tpu.memory_space<vmem>>
      %dma_wait3A_268 = tpu.memref_squeeze %dma_wait3A_267 : memref<1x1x80xi32, #tpu.memory_space<vmem>> -> memref<1x80xi32, #tpu.memory_space<vmem>>
      %dma_wait3A_269 = arith.constant 0 : i32
      %dma_wait3A_270 = arith.constant 0 : i32
      %dma_wait3A_271 = tpu.memref_slice %arg4[%add3A, %add3A_255, %dma_wait3A_269, %dma_wait3A_270] : memref<32x125x1x80xi32, #tpu.memory_space<hbm>> -> memref<1x1x1x80xi32, #tpu.memory_space<hbm>>
      %dma_wait3A_272 = tpu.memref_squeeze %dma_wait3A_271 : memref<1x1x1x80xi32, #tpu.memory_space<hbm>> -> memref<1x80xi32, #tpu.memory_space<hbm>>
      tpu.wait_dma2 semaphore(%arg14 : memref<!tpu.dma_semaphore, #tpu.memory_space<semaphore_mem>>) src(%dma_wait3A_272 : memref<1x80xi32, #tpu.memory_space<hbm>>) dst(%dma_wait3A_268 : memref<1x80xi32, #tpu.memory_space<vmem>>)
      %dma_wait3A_273 = arith.constant 0 : i32
      %dma_wait3A_274 = arith.constant 0 : i32
      %dma_wait3A_275 = arith.constant 0 : i32
      %dma_wait3A_276 = arith.constant 0 : i32
      %dma_wait3A_277 = arith.constant 0 : i32
      %dma_wait3A_278 = tpu.memref_slice %arg9[%dma_wait3A_275, %dma_wait3A_276, %dma_wait3A_277] : memref<3x80x128xf32, #tpu.memory_space<vmem>> -> memref<1x80x128xf32, #tpu.memory_space<vmem>>
      %dma_wait3A_279 = tpu.memref_squeeze %dma_wait3A_278 : memref<1x80x128xf32, #tpu.memory_space<vmem>> -> memref<80x128xf32, #tpu.memory_space<vmem>>
      %dma_wait3A_280 = arith.constant 0 : i32
      %dma_wait3A_281 = tpu.memref_slice %arg7[%dma_wait3A_273, %dma_wait3A_274, %dma_wait3A_280] : memref<3x1x80xi32, #tpu.memory_space<vmem>> -> memref<1x1x80xi32, #tpu.memory_space<vmem>>
      %dma_wait3A_282 = tpu.memref_squeeze %dma_wait3A_281 : memref<1x1x80xi32, #tpu.memory_space<vmem>> -> memref<80xi32, #tpu.memory_space<vmem>>
      %dma_wait3A_283 = arith.constant 0 : i32
      %dma_wait3A_284 = arith.constant 0 : i32
      %dma_wait3A_285 = tpu.memref_slice %arg2[%dma_wait3A_283, %dma_wait3A_284] : memref<10000x128xf32, #tpu.memory_space<hbm>> -> memref<10000x128xf32, #tpu.memory_space<hbm>>
      tpu.wait_indirect_dma semaphore(%arg11 : memref<!tpu.dma_semaphore, #tpu.memory_space<semaphore_mem>>) src(%dma_wait3A_285 : memref<10000x128xf32, #tpu.memory_space<hbm>>) dst(%dma_wait3A_279 : memref<80x128xf32, #tpu.memory_space<vmem>>)
      %run_scoped3A_286 = arith.constant 0 : i32
      %run_scoped3A_287 = arith.constant 0 : i32
      %run_scoped3A_288 = arith.constant 0 : i32
      "tpu.region"() ({
        %run_scoped3A_407 = tpu.sem_alloc : memref<!tpu.dma_semaphore, #tpu.memory_space<semaphore_mem>>
        %dma_start3A_408 = arith.constant 0 : i32
        %dma_start3A_409 = arith.constant 0 : i32
        %dma_start3A_410 = tpu.memref_slice %arg9[%run_scoped3A_286, %dma_start3A_408, %dma_start3A_409] : memref<3x80x128xf32, #tpu.memory_space<vmem>> -> memref<1x80x128xf32, #tpu.memory_space<vmem>>
        %dma_start3A_411 = tpu.memref_squeeze %dma_start3A_410 : memref<1x80x128xf32, #tpu.memory_space<vmem>> -> memref<80x128xf32, #tpu.memory_space<vmem>>
        %dma_start3A_412 = arith.constant 0 : i32
        %dma_start3A_413 = tpu.memref_slice %arg8[%run_scoped3A_287, %run_scoped3A_288, %dma_start3A_412] : memref<3x1x80xi32, #tpu.memory_space<vmem>> -> memref<1x1x80xi32, #tpu.memory_space<vmem>>
        %dma_start3A_414 = tpu.memref_squeeze %dma_start3A_413 : memref<1x1x80xi32, #tpu.memory_space<vmem>> -> memref<80xi32, #tpu.memory_space<vmem>>
        %dma_start3A_415 = arith.constant 0 : i32
        %dma_start3A_416 = arith.constant 0 : i32
        %dma_start3A_417 = tpu.memref_slice %arg10[%dma_start3A_415, %dma_start3A_416] : memref<10112x128xf32, #tpu.memory_space<vmem_shared>> -> memref<10112x128xf32, #tpu.memory_space<vmem_shared>>
        tpu.enqueue_indirect_dma source(%dma_start3A_411 : memref<80x128xf32, #tpu.memory_space<vmem>>) target(%dma_start3A_417 : memref<10112x128xf32, #tpu.memory_space<vmem_shared>>) offsets(%dma_start3A_414 : memref<80xi32, #tpu.memory_space<vmem>>) semaphore(%run_scoped3A_407 : memref<!tpu.dma_semaphore, #tpu.memory_space<semaphore_mem>>) {add = true}
        %dma_wait3A_418 = arith.constant 0 : i32
        %dma_wait3A_419 = arith.constant 0 : i32
        %dma_wait3A_420 = tpu.memref_slice %arg9[%run_scoped3A_286, %dma_wait3A_418, %dma_wait3A_419] : memref<3x80x128xf32, #tpu.memory_space<vmem>> -> memref<1x80x128xf32, #tpu.memory_space<vmem>>
        %dma_wait3A_421 = tpu.memref_squeeze %dma_wait3A_420 : memref<1x80x128xf32, #tpu.memory_space<vmem>> -> memref<80x128xf32, #tpu.memory_space<vmem>>
        %dma_wait3A_422 = arith.constant 0 : i32
        %dma_wait3A_423 = tpu.memref_slice %arg8[%run_scoped3A_287, %run_scoped3A_288, %dma_wait3A_422] : memref<3x1x80xi32, #tpu.memory_space<vmem>> -> memref<1x1x80xi32, #tpu.memory_space<vmem>>
        %dma_wait3A_424 = tpu.memref_squeeze %dma_wait3A_423 : memref<1x1x80xi32, #tpu.memory_space<vmem>> -> memref<80xi32, #tpu.memory_space<vmem>>
        %dma_wait3A_425 = arith.constant 0 : i32
        %dma_wait3A_426 = arith.constant 0 : i32
        %dma_wait3A_427 = tpu.memref_slice %arg10[%dma_wait3A_425, %dma_wait3A_426] : memref<10112x128xf32, #tpu.memory_space<vmem_shared>> -> memref<10112x128xf32, #tpu.memory_space<vmem_shared>>
        tpu.wait_indirect_dma semaphore(%run_scoped3A_407 : memref<!tpu.dma_semaphore, #tpu.memory_space<semaphore_mem>>) src(%dma_wait3A_421 : memref<80x128xf32, #tpu.memory_space<vmem>>) dst(%dma_wait3A_427 : memref<10112x128xf32, #tpu.memory_space<vmem_shared>>)
        tpu.yield
      }) : () -> ()
      %add3A_289 = arith.constant 3 : i32
      %add3A_290 = arith.addi %add3A_255, %add3A_289 : i32
      %lt3A = arith.constant 125 : i32
      %lt3A_291 = arith.cmpi slt, %add3A_290, %lt3A : i32
      %convert_element_type3A = arith.extui %lt3A_291 : i1 to i32
      %cond3A = arith.constant 0 : i32
      %cond3A_292 = arith.cmpi ne, %convert_element_type3A, %cond3A : i32
      scf.if %cond3A_292 {
        %dma_start3A_407 = arith.constant 0 : i32
        %dma_start3A_408 = arith.constant 0 : i32
        %dma_start3A_409 = arith.constant 0 : i32
        %dma_start3A_410 = tpu.memref_slice %arg8[%dma_start3A_407, %dma_start3A_408, %dma_start3A_409] : memref<3x1x80xi32, #tpu.memory_space<vmem>> -> memref<1x1x80xi32, #tpu.memory_space<vmem>>
        %dma_start3A_411 = tpu.memref_squeeze %dma_start3A_410 : memref<1x1x80xi32, #tpu.memory_space<vmem>> -> memref<1x80xi32, #tpu.memory_space<vmem>>
        %dma_start3A_412 = arith.constant 0 : i32
        %dma_start3A_413 = arith.constant 0 : i32
        %dma_start3A_414 = tpu.memref_slice %arg4[%add3A, %add3A_290, %dma_start3A_412, %dma_start3A_413] : memref<32x125x1x80xi32, #tpu.memory_space<hbm>> -> memref<1x1x1x80xi32, #tpu.memory_space<hbm>>
        %dma_start3A_415 = tpu.memref_squeeze %dma_start3A_414 : memref<1x1x1x80xi32, #tpu.memory_space<hbm>> -> memref<1x80xi32, #tpu.memory_space<hbm>>
        %dma_start3A_416 = arith.constant 0 : i32
        %dma_start3A_417 = arith.constant 0 : i32
        %dma_start3A_418 = tpu.memref_slice %arg8[%dma_start3A_407, %dma_start3A_416, %dma_start3A_417] : memref<3x1x80xi32, #tpu.memory_space<vmem>> -> memref<1x1x80xi32, #tpu.memory_space<vmem>>
        %dma_start3A_419 = tpu.memref_squeeze %dma_start3A_418 : memref<1x1x80xi32, #tpu.memory_space<vmem>> -> memref<1x80xi32, #tpu.memory_space<vmem>>
        %dma_start3A_420 = arith.constant 0 : i32
        %dma_start3A_421 = arith.constant 0 : i32
        %dma_start3A_422 = tpu.memref_slice %arg4[%add3A, %add3A_290, %dma_start3A_420, %dma_start3A_421] : memref<32x125x1x80xi32, #tpu.memory_space<hbm>> -> memref<1x1x1x80xi32, #tpu.memory_space<hbm>>
        %dma_start3A_423 = tpu.memref_squeeze %dma_start3A_422 : memref<1x1x1x80xi32, #tpu.memory_space<hbm>> -> memref<1x80xi32, #tpu.memory_space<hbm>>
        tpu.enqueue_dma source(%dma_start3A_423 : memref<1x80xi32, #tpu.memory_space<hbm>>) target(%dma_start3A_419 : memref<1x80xi32, #tpu.memory_space<vmem>>) target_semaphore(%arg14 : memref<!tpu.dma_semaphore, #tpu.memory_space<semaphore_mem>>)
        %dma_start3A_424 = arith.constant 0 : i32
        %dma_start3A_425 = arith.constant 0 : i32
        %dma_start3A_426 = arith.constant 0 : i32
        %dma_start3A_427 = tpu.memref_slice %arg7[%dma_start3A_424, %dma_start3A_425, %dma_start3A_426] : memref<3x1x80xi32, #tpu.memory_space<vmem>> -> memref<1x1x80xi32, #tpu.memory_space<vmem>>
        %dma_start3A_428 = tpu.memref_squeeze %dma_start3A_427 : memref<1x1x80xi32, #tpu.memory_space<vmem>> -> memref<1x80xi32, #tpu.memory_space<vmem>>
        %dma_start3A_429 = arith.constant 0 : i32
        %dma_start3A_430 = arith.constant 0 : i32
        %dma_start3A_431 = tpu.memref_slice %arg3[%add3A, %add3A_290, %dma_start3A_429, %dma_start3A_430] : memref<32x125x1x80xi32, #tpu.memory_space<hbm>> -> memref<1x1x1x80xi32, #tpu.memory_space<hbm>>
        %dma_start3A_432 = tpu.memref_squeeze %dma_start3A_431 : memref<1x1x1x80xi32, #tpu.memory_space<hbm>> -> memref<1x80xi32, #tpu.memory_space<hbm>>
        %dma_start3A_433 = arith.constant 0 : i32
        %dma_start3A_434 = arith.constant 0 : i32
        %dma_start3A_435 = tpu.memref_slice %arg7[%dma_start3A_424, %dma_start3A_433, %dma_start3A_434] : memref<3x1x80xi32, #tpu.memory_space<vmem>> -> memref<1x1x80xi32, #tpu.memory_space<vmem>>
        %dma_start3A_436 = tpu.memref_squeeze %dma_start3A_435 : memref<1x1x80xi32, #tpu.memory_space<vmem>> -> memref<1x80xi32, #tpu.memory_space<vmem>>
        %dma_start3A_437 = arith.constant 0 : i32
        %dma_start3A_438 = arith.constant 0 : i32
        %dma_start3A_439 = tpu.memref_slice %arg3[%add3A, %add3A_290, %dma_start3A_437, %dma_start3A_438] : memref<32x125x1x80xi32, #tpu.memory_space<hbm>> -> memref<1x1x1x80xi32, #tpu.memory_space<hbm>>
        %dma_start3A_440 = tpu.memref_squeeze %dma_start3A_439 : memref<1x1x1x80xi32, #tpu.memory_space<hbm>> -> memref<1x80xi32, #tpu.memory_space<hbm>>
        tpu.enqueue_dma source(%dma_start3A_440 : memref<1x80xi32, #tpu.memory_space<hbm>>) target(%dma_start3A_436 : memref<1x80xi32, #tpu.memory_space<vmem>>) target_semaphore(%arg17 : memref<!tpu.dma_semaphore, #tpu.memory_space<semaphore_mem>>)
      } else {
      }
      %add3A_293 = arith.constant 3 : i32
      %add3A_294 = arith.addi %add3A_255, %add3A_293 : i32
      %sub3A = arith.constant 1 : i32
      %sub3A_295 = arith.subi %add3A_294, %sub3A : i32
      %lt3A_296 = arith.constant 125 : i32
      %lt3A_297 = arith.cmpi slt, %sub3A_295, %lt3A_296 : i32
      %convert_element_type3A_298 = arith.extui %lt3A_297 : i1 to i32
      %cond3A_299 = arith.constant 0 : i32
      %cond3A_300 = arith.cmpi ne, %convert_element_type3A_298, %cond3A_299 : i32
      scf.if %cond3A_300 {
        %dma_wait3A_407 = arith.constant 2 : i32
        %dma_wait3A_408 = arith.constant 0 : i32
        %dma_wait3A_409 = arith.constant 0 : i32
        %dma_wait3A_410 = tpu.memref_slice %arg7[%dma_wait3A_407, %dma_wait3A_408, %dma_wait3A_409] : memref<3x1x80xi32, #tpu.memory_space<vmem>> -> memref<1x1x80xi32, #tpu.memory_space<vmem>>
        %dma_wait3A_411 = tpu.memref_squeeze %dma_wait3A_410 : memref<1x1x80xi32, #tpu.memory_space<vmem>> -> memref<1x80xi32, #tpu.memory_space<vmem>>
        %dma_wait3A_412 = arith.constant 0 : i32
        %dma_wait3A_413 = arith.constant 0 : i32
        %dma_wait3A_414 = tpu.memref_slice %arg3[%add3A, %sub3A_295, %dma_wait3A_412, %dma_wait3A_413] : memref<32x125x1x80xi32, #tpu.memory_space<hbm>> -> memref<1x1x1x80xi32, #tpu.memory_space<hbm>>
        %dma_wait3A_415 = tpu.memref_squeeze %dma_wait3A_414 : memref<1x1x1x80xi32, #tpu.memory_space<hbm>> -> memref<1x80xi32, #tpu.memory_space<hbm>>
        %dma_wait3A_416 = arith.constant 0 : i32
        %dma_wait3A_417 = arith.constant 0 : i32
        %dma_wait3A_418 = tpu.memref_slice %arg7[%dma_wait3A_407, %dma_wait3A_416, %dma_wait3A_417] : memref<3x1x80xi32, #tpu.memory_space<vmem>> -> memref<1x1x80xi32, #tpu.memory_space<vmem>>
        %dma_wait3A_419 = tpu.memref_squeeze %dma_wait3A_418 : memref<1x1x80xi32, #tpu.memory_space<vmem>> -> memref<1x80xi32, #tpu.memory_space<vmem>>
        %dma_wait3A_420 = arith.constant 0 : i32
        %dma_wait3A_421 = arith.constant 0 : i32
        %dma_wait3A_422 = tpu.memref_slice %arg3[%add3A, %sub3A_295, %dma_wait3A_420, %dma_wait3A_421] : memref<32x125x1x80xi32, #tpu.memory_space<hbm>> -> memref<1x1x1x80xi32, #tpu.memory_space<hbm>>
        %dma_wait3A_423 = tpu.memref_squeeze %dma_wait3A_422 : memref<1x1x1x80xi32, #tpu.memory_space<hbm>> -> memref<1x80xi32, #tpu.memory_space<hbm>>
        tpu.wait_dma2 semaphore(%arg19 : memref<!tpu.dma_semaphore, #tpu.memory_space<semaphore_mem>>) src(%dma_wait3A_423 : memref<1x80xi32, #tpu.memory_space<hbm>>) dst(%dma_wait3A_419 : memref<1x80xi32, #tpu.memory_space<vmem>>)
        %dma_start3A_424 = arith.constant 2 : i32
        %dma_start3A_425 = arith.constant 0 : i32
        %dma_start3A_426 = arith.constant 2 : i32
        %dma_start3A_427 = arith.constant 0 : i32
        %dma_start3A_428 = arith.constant 0 : i32
        %dma_start3A_429 = tpu.memref_slice %arg9[%dma_start3A_426, %dma_start3A_427, %dma_start3A_428] : memref<3x80x128xf32, #tpu.memory_space<vmem>> -> memref<1x80x128xf32, #tpu.memory_space<vmem>>
        %dma_start3A_430 = tpu.memref_squeeze %dma_start3A_429 : memref<1x80x128xf32, #tpu.memory_space<vmem>> -> memref<80x128xf32, #tpu.memory_space<vmem>>
        %dma_start3A_431 = arith.constant 0 : i32
        %dma_start3A_432 = tpu.memref_slice %arg7[%dma_start3A_424, %dma_start3A_425, %dma_start3A_431] : memref<3x1x80xi32, #tpu.memory_space<vmem>> -> memref<1x1x80xi32, #tpu.memory_space<vmem>>
        %dma_start3A_433 = tpu.memref_squeeze %dma_start3A_432 : memref<1x1x80xi32, #tpu.memory_space<vmem>> -> memref<80xi32, #tpu.memory_space<vmem>>
        %dma_start3A_434 = arith.constant 0 : i32
        %dma_start3A_435 = arith.constant 0 : i32
        %dma_start3A_436 = tpu.memref_slice %arg2[%dma_start3A_434, %dma_start3A_435] : memref<10000x128xf32, #tpu.memory_space<hbm>> -> memref<10000x128xf32, #tpu.memory_space<hbm>>
        tpu.enqueue_indirect_dma source(%dma_start3A_436 : memref<10000x128xf32, #tpu.memory_space<hbm>>) target(%dma_start3A_430 : memref<80x128xf32, #tpu.memory_space<vmem>>) offsets(%dma_start3A_433 : memref<80xi32, #tpu.memory_space<vmem>>) semaphore(%arg13 : memref<!tpu.dma_semaphore, #tpu.memory_space<semaphore_mem>>)
      } else {
      }
      %mul3A_301 = arith.constant 3 : i32
      %mul3A_302 = arith.muli %scan3A_251, %mul3A_301 : i32
      %add3A_303 = arith.constant 1 : i32
      %add3A_304 = arith.addi %mul3A_302, %add3A_303 : i32
      %dma_wait3A_305 = arith.constant 1 : i32
      %dma_wait3A_306 = arith.constant 0 : i32
      %dma_wait3A_307 = arith.constant 0 : i32
      %dma_wait3A_308 = tpu.memref_slice %arg8[%dma_wait3A_305, %dma_wait3A_306, %dma_wait3A_307] : memref<3x1x80xi32, #tpu.memory_space<vmem>> -> memref<1x1x80xi32, #tpu.memory_space<vmem>>
      %dma_wait3A_309 = tpu.memref_squeeze %dma_wait3A_308 : memref<1x1x80xi32, #tpu.memory_space<vmem>> -> memref<1x80xi32, #tpu.memory_space<vmem>>
      %dma_wait3A_310 = arith.constant 0 : i32
      %dma_wait3A_311 = arith.constant 0 : i32
      %dma_wait3A_312 = tpu.memref_slice %arg4[%add3A, %add3A_304, %dma_wait3A_310, %dma_wait3A_311] : memref<32x125x1x80xi32, #tpu.memory_space<hbm>> -> memref<1x1x1x80xi32, #tpu.memory_space<hbm>>
      %dma_wait3A_313 = tpu.memref_squeeze %dma_wait3A_312 : memref<1x1x1x80xi32, #tpu.memory_space<hbm>> -> memref<1x80xi32, #tpu.memory_space<hbm>>
      %dma_wait3A_314 = arith.constant 0 : i32
      %dma_wait3A_315 = arith.constant 0 : i32
      %dma_wait3A_316 = tpu.memref_slice %arg8[%dma_wait3A_305, %dma_wait3A_314, %dma_wait3A_315] : memref<3x1x80xi32, #tpu.memory_space<vmem>> -> memref<1x1x80xi32, #tpu.memory_space<vmem>>
      %dma_wait3A_317 = tpu.memref_squeeze %dma_wait3A_316 : memref<1x1x80xi32, #tpu.memory_space<vmem>> -> memref<1x80xi32, #tpu.memory_space<vmem>>
      %dma_wait3A_318 = arith.constant 0 : i32
      %dma_wait3A_319 = arith.constant 0 : i32
      %dma_wait3A_320 = tpu.memref_slice %arg4[%add3A, %add3A_304, %dma_wait3A_318, %dma_wait3A_319] : memref<32x125x1x80xi32, #tpu.memory_space<hbm>> -> memref<1x1x1x80xi32, #tpu.memory_space<hbm>>
      %dma_wait3A_321 = tpu.memref_squeeze %dma_wait3A_320 : memref<1x1x1x80xi32, #tpu.memory_space<hbm>> -> memref<1x80xi32, #tpu.memory_space<hbm>>
      tpu.wait_dma2 semaphore(%arg15 : memref<!tpu.dma_semaphore, #tpu.memory_space<semaphore_mem>>) src(%dma_wait3A_321 : memref<1x80xi32, #tpu.memory_space<hbm>>) dst(%dma_wait3A_317 : memref<1x80xi32, #tpu.memory_space<vmem>>)
      %dma_wait3A_322 = arith.constant 1 : i32
      %dma_wait3A_323 = arith.constant 0 : i32
      %dma_wait3A_324 = arith.constant 1 : i32
      %dma_wait3A_325 = arith.constant 0 : i32
      %dma_wait3A_326 = arith.constant 0 : i32
      %dma_wait3A_327 = tpu.memref_slice %arg9[%dma_wait3A_324, %dma_wait3A_325, %dma_wait3A_326] : memref<3x80x128xf32, #tpu.memory_space<vmem>> -> memref<1x80x128xf32, #tpu.memory_space<vmem>>
      %dma_wait3A_328 = tpu.memref_squeeze %dma_wait3A_327 : memref<1x80x128xf32, #tpu.memory_space<vmem>> -> memref<80x128xf32, #tpu.memory_space<vmem>>
      %dma_wait3A_329 = arith.constant 0 : i32
      %dma_wait3A_330 = tpu.memref_slice %arg7[%dma_wait3A_322, %dma_wait3A_323, %dma_wait3A_329] : memref<3x1x80xi32, #tpu.memory_space<vmem>> -> memref<1x1x80xi32, #tpu.memory_space<vmem>>
      %dma_wait3A_331 = tpu.memref_squeeze %dma_wait3A_330 : memref<1x1x80xi32, #tpu.memory_space<vmem>> -> memref<80xi32, #tpu.memory_space<vmem>>
      %dma_wait3A_332 = arith.constant 0 : i32
      %dma_wait3A_333 = arith.constant 0 : i32
      %dma_wait3A_334 = tpu.memref_slice %arg2[%dma_wait3A_332, %dma_wait3A_333] : memref<10000x128xf32, #tpu.memory_space<hbm>> -> memref<10000x128xf32, #tpu.memory_space<hbm>>
      tpu.wait_indirect_dma semaphore(%arg12 : memref<!tpu.dma_semaphore, #tpu.memory_space<semaphore_mem>>) src(%dma_wait3A_334 : memref<10000x128xf32, #tpu.memory_space<hbm>>) dst(%dma_wait3A_328 : memref<80x128xf32, #tpu.memory_space<vmem>>)
      %run_scoped3A_335 = arith.constant 1 : i32
      %run_scoped3A_336 = arith.constant 1 : i32
      %run_scoped3A_337 = arith.constant 0 : i32
      "tpu.region"() ({
        %run_scoped3A_407 = tpu.sem_alloc : memref<!tpu.dma_semaphore, #tpu.memory_space<semaphore_mem>>
        %dma_start3A_408 = arith.constant 0 : i32
        %dma_start3A_409 = arith.constant 0 : i32
        %dma_start3A_410 = tpu.memref_slice %arg9[%run_scoped3A_335, %dma_start3A_408, %dma_start3A_409] : memref<3x80x128xf32, #tpu.memory_space<vmem>> -> memref<1x80x128xf32, #tpu.memory_space<vmem>>
        %dma_start3A_411 = tpu.memref_squeeze %dma_start3A_410 : memref<1x80x128xf32, #tpu.memory_space<vmem>> -> memref<80x128xf32, #tpu.memory_space<vmem>>
        %dma_start3A_412 = arith.constant 0 : i32
        %dma_start3A_413 = tpu.memref_slice %arg8[%run_scoped3A_336, %run_scoped3A_337, %dma_start3A_412] : memref<3x1x80xi32, #tpu.memory_space<vmem>> -> memref<1x1x80xi32, #tpu.memory_space<vmem>>
        %dma_start3A_414 = tpu.memref_squeeze %dma_start3A_413 : memref<1x1x80xi32, #tpu.memory_space<vmem>> -> memref<80xi32, #tpu.memory_space<vmem>>
        %dma_start3A_415 = arith.constant 0 : i32
        %dma_start3A_416 = arith.constant 0 : i32
        %dma_start3A_417 = tpu.memref_slice %arg10[%dma_start3A_415, %dma_start3A_416] : memref<10112x128xf32, #tpu.memory_space<vmem_shared>> -> memref<10112x128xf32, #tpu.memory_space<vmem_shared>>
        tpu.enqueue_indirect_dma source(%dma_start3A_411 : memref<80x128xf32, #tpu.memory_space<vmem>>) target(%dma_start3A_417 : memref<10112x128xf32, #tpu.memory_space<vmem_shared>>) offsets(%dma_start3A_414 : memref<80xi32, #tpu.memory_space<vmem>>) semaphore(%run_scoped3A_407 : memref<!tpu.dma_semaphore, #tpu.memory_space<semaphore_mem>>) {add = true}
        %dma_wait3A_418 = arith.constant 0 : i32
        %dma_wait3A_419 = arith.constant 0 : i32
        %dma_wait3A_420 = tpu.memref_slice %arg9[%run_scoped3A_335, %dma_wait3A_418, %dma_wait3A_419] : memref<3x80x128xf32, #tpu.memory_space<vmem>> -> memref<1x80x128xf32, #tpu.memory_space<vmem>>
        %dma_wait3A_421 = tpu.memref_squeeze %dma_wait3A_420 : memref<1x80x128xf32, #tpu.memory_space<vmem>> -> memref<80x128xf32, #tpu.memory_space<vmem>>
        %dma_wait3A_422 = arith.constant 0 : i32
        %dma_wait3A_423 = tpu.memref_slice %arg8[%run_scoped3A_336, %run_scoped3A_337, %dma_wait3A_422] : memref<3x1x80xi32, #tpu.memory_space<vmem>> -> memref<1x1x80xi32, #tpu.memory_space<vmem>>
        %dma_wait3A_424 = tpu.memref_squeeze %dma_wait3A_423 : memref<1x1x80xi32, #tpu.memory_space<vmem>> -> memref<80xi32, #tpu.memory_space<vmem>>
        %dma_wait3A_425 = arith.constant 0 : i32
        %dma_wait3A_426 = arith.constant 0 : i32
        %dma_wait3A_427 = tpu.memref_slice %arg10[%dma_wait3A_425, %dma_wait3A_426] : memref<10112x128xf32, #tpu.memory_space<vmem_shared>> -> memref<10112x128xf32, #tpu.memory_space<vmem_shared>>
        tpu.wait_indirect_dma semaphore(%run_scoped3A_407 : memref<!tpu.dma_semaphore, #tpu.memory_space<semaphore_mem>>) src(%dma_wait3A_421 : memref<80x128xf32, #tpu.memory_space<vmem>>) dst(%dma_wait3A_427 : memref<10112x128xf32, #tpu.memory_space<vmem_shared>>)
        tpu.yield
      }) : () -> ()
      %add3A_338 = arith.constant 3 : i32
      %add3A_339 = arith.addi %add3A_304, %add3A_338 : i32
      %lt3A_340 = arith.constant 125 : i32
      %lt3A_341 = arith.cmpi slt, %add3A_339, %lt3A_340 : i32
      %convert_element_type3A_342 = arith.extui %lt3A_341 : i1 to i32
      %cond3A_343 = arith.constant 0 : i32
      %cond3A_344 = arith.cmpi ne, %convert_element_type3A_342, %cond3A_343 : i32
      scf.if %cond3A_344 {
        %dma_start3A_407 = arith.constant 1 : i32
        %dma_start3A_408 = arith.constant 0 : i32
        %dma_start3A_409 = arith.constant 0 : i32
        %dma_start3A_410 = tpu.memref_slice %arg8[%dma_start3A_407, %dma_start3A_408, %dma_start3A_409] : memref<3x1x80xi32, #tpu.memory_space<vmem>> -> memref<1x1x80xi32, #tpu.memory_space<vmem>>
        %dma_start3A_411 = tpu.memref_squeeze %dma_start3A_410 : memref<1x1x80xi32, #tpu.memory_space<vmem>> -> memref<1x80xi32, #tpu.memory_space<vmem>>
        %dma_start3A_412 = arith.constant 0 : i32
        %dma_start3A_413 = arith.constant 0 : i32
        %dma_start3A_414 = tpu.memref_slice %arg4[%add3A, %add3A_339, %dma_start3A_412, %dma_start3A_413] : memref<32x125x1x80xi32, #tpu.memory_space<hbm>> -> memref<1x1x1x80xi32, #tpu.memory_space<hbm>>
        %dma_start3A_415 = tpu.memref_squeeze %dma_start3A_414 : memref<1x1x1x80xi32, #tpu.memory_space<hbm>> -> memref<1x80xi32, #tpu.memory_space<hbm>>
        %dma_start3A_416 = arith.constant 0 : i32
        %dma_start3A_417 = arith.constant 0 : i32
        %dma_start3A_418 = tpu.memref_slice %arg8[%dma_start3A_407, %dma_start3A_416, %dma_start3A_417] : memref<3x1x80xi32, #tpu.memory_space<vmem>> -> memref<1x1x80xi32, #tpu.memory_space<vmem>>
        %dma_start3A_419 = tpu.memref_squeeze %dma_start3A_418 : memref<1x1x80xi32, #tpu.memory_space<vmem>> -> memref<1x80xi32, #tpu.memory_space<vmem>>
        %dma_start3A_420 = arith.constant 0 : i32
        %dma_start3A_421 = arith.constant 0 : i32
        %dma_start3A_422 = tpu.memref_slice %arg4[%add3A, %add3A_339, %dma_start3A_420, %dma_start3A_421] : memref<32x125x1x80xi32, #tpu.memory_space<hbm>> -> memref<1x1x1x80xi32, #tpu.memory_space<hbm>>
        %dma_start3A_423 = tpu.memref_squeeze %dma_start3A_422 : memref<1x1x1x80xi32, #tpu.memory_space<hbm>> -> memref<1x80xi32, #tpu.memory_space<hbm>>
        tpu.enqueue_dma source(%dma_start3A_423 : memref<1x80xi32, #tpu.memory_space<hbm>>) target(%dma_start3A_419 : memref<1x80xi32, #tpu.memory_space<vmem>>) target_semaphore(%arg15 : memref<!tpu.dma_semaphore, #tpu.memory_space<semaphore_mem>>)
        %dma_start3A_424 = arith.constant 1 : i32
        %dma_start3A_425 = arith.constant 0 : i32
        %dma_start3A_426 = arith.constant 0 : i32
        %dma_start3A_427 = tpu.memref_slice %arg7[%dma_start3A_424, %dma_start3A_425, %dma_start3A_426] : memref<3x1x80xi32, #tpu.memory_space<vmem>> -> memref<1x1x80xi32, #tpu.memory_space<vmem>>
        %dma_start3A_428 = tpu.memref_squeeze %dma_start3A_427 : memref<1x1x80xi32, #tpu.memory_space<vmem>> -> memref<1x80xi32, #tpu.memory_space<vmem>>
        %dma_start3A_429 = arith.constant 0 : i32
        %dma_start3A_430 = arith.constant 0 : i32
        %dma_start3A_431 = tpu.memref_slice %arg3[%add3A, %add3A_339, %dma_start3A_429, %dma_start3A_430] : memref<32x125x1x80xi32, #tpu.memory_space<hbm>> -> memref<1x1x1x80xi32, #tpu.memory_space<hbm>>
        %dma_start3A_432 = tpu.memref_squeeze %dma_start3A_431 : memref<1x1x1x80xi32, #tpu.memory_space<hbm>> -> memref<1x80xi32, #tpu.memory_space<hbm>>
        %dma_start3A_433 = arith.constant 0 : i32
        %dma_start3A_434 = arith.constant 0 : i32
        %dma_start3A_435 = tpu.memref_slice %arg7[%dma_start3A_424, %dma_start3A_433, %dma_start3A_434] : memref<3x1x80xi32, #tpu.memory_space<vmem>> -> memref<1x1x80xi32, #tpu.memory_space<vmem>>
        %dma_start3A_436 = tpu.memref_squeeze %dma_start3A_435 : memref<1x1x80xi32, #tpu.memory_space<vmem>> -> memref<1x80xi32, #tpu.memory_space<vmem>>
        %dma_start3A_437 = arith.constant 0 : i32
        %dma_start3A_438 = arith.constant 0 : i32
        %dma_start3A_439 = tpu.memref_slice %arg3[%add3A, %add3A_339, %dma_start3A_437, %dma_start3A_438] : memref<32x125x1x80xi32, #tpu.memory_space<hbm>> -> memref<1x1x1x80xi32, #tpu.memory_space<hbm>>
        %dma_start3A_440 = tpu.memref_squeeze %dma_start3A_439 : memref<1x1x1x80xi32, #tpu.memory_space<hbm>> -> memref<1x80xi32, #tpu.memory_space<hbm>>
        tpu.enqueue_dma source(%dma_start3A_440 : memref<1x80xi32, #tpu.memory_space<hbm>>) target(%dma_start3A_436 : memref<1x80xi32, #tpu.memory_space<vmem>>) target_semaphore(%arg18 : memref<!tpu.dma_semaphore, #tpu.memory_space<semaphore_mem>>)
      } else {
      }
      %add3A_345 = arith.constant 3 : i32
      %add3A_346 = arith.addi %add3A_304, %add3A_345 : i32
      %sub3A_347 = arith.constant 1 : i32
      %sub3A_348 = arith.subi %add3A_346, %sub3A_347 : i32
      %lt3A_349 = arith.constant 125 : i32
      %lt3A_350 = arith.cmpi slt, %sub3A_348, %lt3A_349 : i32
      %convert_element_type3A_351 = arith.extui %lt3A_350 : i1 to i32
      %cond3A_352 = arith.constant 0 : i32
      %cond3A_353 = arith.cmpi ne, %convert_element_type3A_351, %cond3A_352 : i32
      scf.if %cond3A_353 {
        %dma_wait3A_407 = arith.constant 0 : i32
        %dma_wait3A_408 = arith.constant 0 : i32
        %dma_wait3A_409 = arith.constant 0 : i32
        %dma_wait3A_410 = tpu.memref_slice %arg7[%dma_wait3A_407, %dma_wait3A_408, %dma_wait3A_409] : memref<3x1x80xi32, #tpu.memory_space<vmem>> -> memref<1x1x80xi32, #tpu.memory_space<vmem>>
        %dma_wait3A_411 = tpu.memref_squeeze %dma_wait3A_410 : memref<1x1x80xi32, #tpu.memory_space<vmem>> -> memref<1x80xi32, #tpu.memory_space<vmem>>
        %dma_wait3A_412 = arith.constant 0 : i32
        %dma_wait3A_413 = arith.constant 0 : i32
        %dma_wait3A_414 = tpu.memref_slice %arg3[%add3A, %sub3A_348, %dma_wait3A_412, %dma_wait3A_413] : memref<32x125x1x80xi32, #tpu.memory_space<hbm>> -> memref<1x1x1x80xi32, #tpu.memory_space<hbm>>
        %dma_wait3A_415 = tpu.memref_squeeze %dma_wait3A_414 : memref<1x1x1x80xi32, #tpu.memory_space<hbm>> -> memref<1x80xi32, #tpu.memory_space<hbm>>
        %dma_wait3A_416 = arith.constant 0 : i32
        %dma_wait3A_417 = arith.constant 0 : i32
        %dma_wait3A_418 = tpu.memref_slice %arg7[%dma_wait3A_407, %dma_wait3A_416, %dma_wait3A_417] : memref<3x1x80xi32, #tpu.memory_space<vmem>> -> memref<1x1x80xi32, #tpu.memory_space<vmem>>
        %dma_wait3A_419 = tpu.memref_squeeze %dma_wait3A_418 : memref<1x1x80xi32, #tpu.memory_space<vmem>> -> memref<1x80xi32, #tpu.memory_space<vmem>>
        %dma_wait3A_420 = arith.constant 0 : i32
        %dma_wait3A_421 = arith.constant 0 : i32
        %dma_wait3A_422 = tpu.memref_slice %arg3[%add3A, %sub3A_348, %dma_wait3A_420, %dma_wait3A_421] : memref<32x125x1x80xi32, #tpu.memory_space<hbm>> -> memref<1x1x1x80xi32, #tpu.memory_space<hbm>>
        %dma_wait3A_423 = tpu.memref_squeeze %dma_wait3A_422 : memref<1x1x1x80xi32, #tpu.memory_space<hbm>> -> memref<1x80xi32, #tpu.memory_space<hbm>>
        tpu.wait_dma2 semaphore(%arg17 : memref<!tpu.dma_semaphore, #tpu.memory_space<semaphore_mem>>) src(%dma_wait3A_423 : memref<1x80xi32, #tpu.memory_space<hbm>>) dst(%dma_wait3A_419 : memref<1x80xi32, #tpu.memory_space<vmem>>)
        %dma_start3A_424 = arith.constant 0 : i32
        %dma_start3A_425 = arith.constant 0 : i32
        %dma_start3A_426 = arith.constant 0 : i32
        %dma_start3A_427 = arith.constant 0 : i32
        %dma_start3A_428 = arith.constant 0 : i32
        %dma_start3A_429 = tpu.memref_slice %arg9[%dma_start3A_426, %dma_start3A_427, %dma_start3A_428] : memref<3x80x128xf32, #tpu.memory_space<vmem>> -> memref<1x80x128xf32, #tpu.memory_space<vmem>>
        %dma_start3A_430 = tpu.memref_squeeze %dma_start3A_429 : memref<1x80x128xf32, #tpu.memory_space<vmem>> -> memref<80x128xf32, #tpu.memory_space<vmem>>
        %dma_start3A_431 = arith.constant 0 : i32
        %dma_start3A_432 = tpu.memref_slice %arg7[%dma_start3A_424, %dma_start3A_425, %dma_start3A_431] : memref<3x1x80xi32, #tpu.memory_space<vmem>> -> memref<1x1x80xi32, #tpu.memory_space<vmem>>
        %dma_start3A_433 = tpu.memref_squeeze %dma_start3A_432 : memref<1x1x80xi32, #tpu.memory_space<vmem>> -> memref<80xi32, #tpu.memory_space<vmem>>
        %dma_start3A_434 = arith.constant 0 : i32
        %dma_start3A_435 = arith.constant 0 : i32
        %dma_start3A_436 = tpu.memref_slice %arg2[%dma_start3A_434, %dma_start3A_435] : memref<10000x128xf32, #tpu.memory_space<hbm>> -> memref<10000x128xf32, #tpu.memory_space<hbm>>
        tpu.enqueue_indirect_dma source(%dma_start3A_436 : memref<10000x128xf32, #tpu.memory_space<hbm>>) target(%dma_start3A_430 : memref<80x128xf32, #tpu.memory_space<vmem>>) offsets(%dma_start3A_433 : memref<80xi32, #tpu.memory_space<vmem>>) semaphore(%arg11 : memref<!tpu.dma_semaphore, #tpu.memory_space<semaphore_mem>>)
      } else {
      }
      %mul3A_354 = arith.constant 3 : i32
      %mul3A_355 = arith.muli %scan3A_251, %mul3A_354 : i32
      %add3A_356 = arith.constant 2 : i32
      %add3A_357 = arith.addi %mul3A_355, %add3A_356 : i32
      %dma_wait3A_358 = arith.constant 2 : i32
      %dma_wait3A_359 = arith.constant 0 : i32
      %dma_wait3A_360 = arith.constant 0 : i32
      %dma_wait3A_361 = tpu.memref_slice %arg8[%dma_wait3A_358, %dma_wait3A_359, %dma_wait3A_360] : memref<3x1x80xi32, #tpu.memory_space<vmem>> -> memref<1x1x80xi32, #tpu.memory_space<vmem>>
      %dma_wait3A_362 = tpu.memref_squeeze %dma_wait3A_361 : memref<1x1x80xi32, #tpu.memory_space<vmem>> -> memref<1x80xi32, #tpu.memory_space<vmem>>
      %dma_wait3A_363 = arith.constant 0 : i32
      %dma_wait3A_364 = arith.constant 0 : i32
      %dma_wait3A_365 = tpu.memref_slice %arg4[%add3A, %add3A_357, %dma_wait3A_363, %dma_wait3A_364] : memref<32x125x1x80xi32, #tpu.memory_space<hbm>> -> memref<1x1x1x80xi32, #tpu.memory_space<hbm>>
      %dma_wait3A_366 = tpu.memref_squeeze %dma_wait3A_365 : memref<1x1x1x80xi32, #tpu.memory_space<hbm>> -> memref<1x80xi32, #tpu.memory_space<hbm>>
      %dma_wait3A_367 = arith.constant 0 : i32
      %dma_wait3A_368 = arith.constant 0 : i32
      %dma_wait3A_369 = tpu.memref_slice %arg8[%dma_wait3A_358, %dma_wait3A_367, %dma_wait3A_368] : memref<3x1x80xi32, #tpu.memory_space<vmem>> -> memref<1x1x80xi32, #tpu.memory_space<vmem>>
      %dma_wait3A_370 = tpu.memref_squeeze %dma_wait3A_369 : memref<1x1x80xi32, #tpu.memory_space<vmem>> -> memref<1x80xi32, #tpu.memory_space<vmem>>
      %dma_wait3A_371 = arith.constant 0 : i32
      %dma_wait3A_372 = arith.constant 0 : i32
      %dma_wait3A_373 = tpu.memref_slice %arg4[%add3A, %add3A_357, %dma_wait3A_371, %dma_wait3A_372] : memref<32x125x1x80xi32, #tpu.memory_space<hbm>> -> memref<1x1x1x80xi32, #tpu.memory_space<hbm>>
      %dma_wait3A_374 = tpu.memref_squeeze %dma_wait3A_373 : memref<1x1x1x80xi32, #tpu.memory_space<hbm>> -> memref<1x80xi32, #tpu.memory_space<hbm>>
      tpu.wait_dma2 semaphore(%arg16 : memref<!tpu.dma_semaphore, #tpu.memory_space<semaphore_mem>>) src(%dma_wait3A_374 : memref<1x80xi32, #tpu.memory_space<hbm>>) dst(%dma_wait3A_370 : memref<1x80xi32, #tpu.memory_space<vmem>>)
      %dma_wait3A_375 = arith.constant 2 : i32
      %dma_wait3A_376 = arith.constant 0 : i32
      %dma_wait3A_377 = arith.constant 2 : i32
      %dma_wait3A_378 = arith.constant 0 : i32
      %dma_wait3A_379 = arith.constant 0 : i32
      %dma_wait3A_380 = tpu.memref_slice %arg9[%dma_wait3A_377, %dma_wait3A_378, %dma_wait3A_379] : memref<3x80x128xf32, #tpu.memory_space<vmem>> -> memref<1x80x128xf32, #tpu.memory_space<vmem>>
      %dma_wait3A_381 = tpu.memref_squeeze %dma_wait3A_380 : memref<1x80x128xf32, #tpu.memory_space<vmem>> -> memref<80x128xf32, #tpu.memory_space<vmem>>
      %dma_wait3A_382 = arith.constant 0 : i32
      %dma_wait3A_383 = tpu.memref_slice %arg7[%dma_wait3A_375, %dma_wait3A_376, %dma_wait3A_382] : memref<3x1x80xi32, #tpu.memory_space<vmem>> -> memref<1x1x80xi32, #tpu.memory_space<vmem>>
      %dma_wait3A_384 = tpu.memref_squeeze %dma_wait3A_383 : memref<1x1x80xi32, #tpu.memory_space<vmem>> -> memref<80xi32, #tpu.memory_space<vmem>>
      %dma_wait3A_385 = arith.constant 0 : i32
      %dma_wait3A_386 = arith.constant 0 : i32
      %dma_wait3A_387 = tpu.memref_slice %arg2[%dma_wait3A_385, %dma_wait3A_386] : memref<10000x128xf32, #tpu.memory_space<hbm>> -> memref<10000x128xf32, #tpu.memory_space<hbm>>
      tpu.wait_indirect_dma semaphore(%arg13 : memref<!tpu.dma_semaphore, #tpu.memory_space<semaphore_mem>>) src(%dma_wait3A_387 : memref<10000x128xf32, #tpu.memory_space<hbm>>) dst(%dma_wait3A_381 : memref<80x128xf32, #tpu.memory_space<vmem>>)
      %run_scoped3A_388 = arith.constant 2 : i32
      %run_scoped3A_389 = arith.constant 2 : i32
      %run_scoped3A_390 = arith.constant 0 : i32
      "tpu.region"() ({
        %run_scoped3A_407 = tpu.sem_alloc : memref<!tpu.dma_semaphore, #tpu.memory_space<semaphore_mem>>
        %dma_start3A_408 = arith.constant 0 : i32
        %dma_start3A_409 = arith.constant 0 : i32
        %dma_start3A_410 = tpu.memref_slice %arg9[%run_scoped3A_388, %dma_start3A_408, %dma_start3A_409] : memref<3x80x128xf32, #tpu.memory_space<vmem>> -> memref<1x80x128xf32, #tpu.memory_space<vmem>>
        %dma_start3A_411 = tpu.memref_squeeze %dma_start3A_410 : memref<1x80x128xf32, #tpu.memory_space<vmem>> -> memref<80x128xf32, #tpu.memory_space<vmem>>
        %dma_start3A_412 = arith.constant 0 : i32
        %dma_start3A_413 = tpu.memref_slice %arg8[%run_scoped3A_389, %run_scoped3A_390, %dma_start3A_412] : memref<3x1x80xi32, #tpu.memory_space<vmem>> -> memref<1x1x80xi32, #tpu.memory_space<vmem>>
        %dma_start3A_414 = tpu.memref_squeeze %dma_start3A_413 : memref<1x1x80xi32, #tpu.memory_space<vmem>> -> memref<80xi32, #tpu.memory_space<vmem>>
        %dma_start3A_415 = arith.constant 0 : i32
        %dma_start3A_416 = arith.constant 0 : i32
        %dma_start3A_417 = tpu.memref_slice %arg10[%dma_start3A_415, %dma_start3A_416] : memref<10112x128xf32, #tpu.memory_space<vmem_shared>> -> memref<10112x128xf32, #tpu.memory_space<vmem_shared>>
        tpu.enqueue_indirect_dma source(%dma_start3A_411 : memref<80x128xf32, #tpu.memory_space<vmem>>) target(%dma_start3A_417 : memref<10112x128xf32, #tpu.memory_space<vmem_shared>>) offsets(%dma_start3A_414 : memref<80xi32, #tpu.memory_space<vmem>>) semaphore(%run_scoped3A_407 : memref<!tpu.dma_semaphore, #tpu.memory_space<semaphore_mem>>) {add = true}
        %dma_wait3A_418 = arith.constant 0 : i32
        %dma_wait3A_419 = arith.constant 0 : i32
        %dma_wait3A_420 = tpu.memref_slice %arg9[%run_scoped3A_388, %dma_wait3A_418, %dma_wait3A_419] : memref<3x80x128xf32, #tpu.memory_space<vmem>> -> memref<1x80x128xf32, #tpu.memory_space<vmem>>
        %dma_wait3A_421 = tpu.memref_squeeze %dma_wait3A_420 : memref<1x80x128xf32, #tpu.memory_space<vmem>> -> memref<80x128xf32, #tpu.memory_space<vmem>>
        %dma_wait3A_422 = arith.constant 0 : i32
        %dma_wait3A_423 = tpu.memref_slice %arg8[%run_scoped3A_389, %run_scoped3A_390, %dma_wait3A_422] : memref<3x1x80xi32, #tpu.memory_space<vmem>> -> memref<1x1x80xi32, #tpu.memory_space<vmem>>
        %dma_wait3A_424 = tpu.memref_squeeze %dma_wait3A_423 : memref<1x1x80xi32, #tpu.memory_space<vmem>> -> memref<80xi32, #tpu.memory_space<vmem>>
        %dma_wait3A_425 = arith.constant 0 : i32
        %dma_wait3A_426 = arith.constant 0 : i32
        %dma_wait3A_427 = tpu.memref_slice %arg10[%dma_wait3A_425, %dma_wait3A_426] : memref<10112x128xf32, #tpu.memory_space<vmem_shared>> -> memref<10112x128xf32, #tpu.memory_space<vmem_shared>>
        tpu.wait_indirect_dma semaphore(%run_scoped3A_407 : memref<!tpu.dma_semaphore, #tpu.memory_space<semaphore_mem>>) src(%dma_wait3A_421 : memref<80x128xf32, #tpu.memory_space<vmem>>) dst(%dma_wait3A_427 : memref<10112x128xf32, #tpu.memory_space<vmem_shared>>)
        tpu.yield
      }) : () -> ()
      %add3A_391 = arith.constant 3 : i32
      %add3A_392 = arith.addi %add3A_357, %add3A_391 : i32
      %lt3A_393 = arith.constant 125 : i32
      %lt3A_394 = arith.cmpi slt, %add3A_392, %lt3A_393 : i32
      %convert_element_type3A_395 = arith.extui %lt3A_394 : i1 to i32
      %cond3A_396 = arith.constant 0 : i32
      %cond3A_397 = arith.cmpi ne, %convert_element_type3A_395, %cond3A_396 : i32
      scf.if %cond3A_397 {
        %dma_start3A_407 = arith.constant 2 : i32
        %dma_start3A_408 = arith.constant 0 : i32
        %dma_start3A_409 = arith.constant 0 : i32
        %dma_start3A_410 = tpu.memref_slice %arg8[%dma_start3A_407, %dma_start3A_408, %dma_start3A_409] : memref<3x1x80xi32, #tpu.memory_space<vmem>> -> memref<1x1x80xi32, #tpu.memory_space<vmem>>
        %dma_start3A_411 = tpu.memref_squeeze %dma_start3A_410 : memref<1x1x80xi32, #tpu.memory_space<vmem>> -> memref<1x80xi32, #tpu.memory_space<vmem>>
        %dma_start3A_412 = arith.constant 0 : i32
        %dma_start3A_413 = arith.constant 0 : i32
        %dma_start3A_414 = tpu.memref_slice %arg4[%add3A, %add3A_392, %dma_start3A_412, %dma_start3A_413] : memref<32x125x1x80xi32, #tpu.memory_space<hbm>> -> memref<1x1x1x80xi32, #tpu.memory_space<hbm>>
        %dma_start3A_415 = tpu.memref_squeeze %dma_start3A_414 : memref<1x1x1x80xi32, #tpu.memory_space<hbm>> -> memref<1x80xi32, #tpu.memory_space<hbm>>
        %dma_start3A_416 = arith.constant 0 : i32
        %dma_start3A_417 = arith.constant 0 : i32
        %dma_start3A_418 = tpu.memref_slice %arg8[%dma_start3A_407, %dma_start3A_416, %dma_start3A_417] : memref<3x1x80xi32, #tpu.memory_space<vmem>> -> memref<1x1x80xi32, #tpu.memory_space<vmem>>
        %dma_start3A_419 = tpu.memref_squeeze %dma_start3A_418 : memref<1x1x80xi32, #tpu.memory_space<vmem>> -> memref<1x80xi32, #tpu.memory_space<vmem>>
        %dma_start3A_420 = arith.constant 0 : i32
        %dma_start3A_421 = arith.constant 0 : i32
        %dma_start3A_422 = tpu.memref_slice %arg4[%add3A, %add3A_392, %dma_start3A_420, %dma_start3A_421] : memref<32x125x1x80xi32, #tpu.memory_space<hbm>> -> memref<1x1x1x80xi32, #tpu.memory_space<hbm>>
        %dma_start3A_423 = tpu.memref_squeeze %dma_start3A_422 : memref<1x1x1x80xi32, #tpu.memory_space<hbm>> -> memref<1x80xi32, #tpu.memory_space<hbm>>
        tpu.enqueue_dma source(%dma_start3A_423 : memref<1x80xi32, #tpu.memory_space<hbm>>) target(%dma_start3A_419 : memref<1x80xi32, #tpu.memory_space<vmem>>) target_semaphore(%arg16 : memref<!tpu.dma_semaphore, #tpu.memory_space<semaphore_mem>>)
        %dma_start3A_424 = arith.constant 2 : i32
        %dma_start3A_425 = arith.constant 0 : i32
        %dma_start3A_426 = arith.constant 0 : i32
        %dma_start3A_427 = tpu.memref_slice %arg7[%dma_start3A_424, %dma_start3A_425, %dma_start3A_426] : memref<3x1x80xi32, #tpu.memory_space<vmem>> -> memref<1x1x80xi32, #tpu.memory_space<vmem>>
        %dma_start3A_428 = tpu.memref_squeeze %dma_start3A_427 : memref<1x1x80xi32, #tpu.memory_space<vmem>> -> memref<1x80xi32, #tpu.memory_space<vmem>>
        %dma_start3A_429 = arith.constant 0 : i32
        %dma_start3A_430 = arith.constant 0 : i32
        %dma_start3A_431 = tpu.memref_slice %arg3[%add3A, %add3A_392, %dma_start3A_429, %dma_start3A_430] : memref<32x125x1x80xi32, #tpu.memory_space<hbm>> -> memref<1x1x1x80xi32, #tpu.memory_space<hbm>>
        %dma_start3A_432 = tpu.memref_squeeze %dma_start3A_431 : memref<1x1x1x80xi32, #tpu.memory_space<hbm>> -> memref<1x80xi32, #tpu.memory_space<hbm>>
        %dma_start3A_433 = arith.constant 0 : i32
        %dma_start3A_434 = arith.constant 0 : i32
        %dma_start3A_435 = tpu.memref_slice %arg7[%dma_start3A_424, %dma_start3A_433, %dma_start3A_434] : memref<3x1x80xi32, #tpu.memory_space<vmem>> -> memref<1x1x80xi32, #tpu.memory_space<vmem>>
        %dma_start3A_436 = tpu.memref_squeeze %dma_start3A_435 : memref<1x1x80xi32, #tpu.memory_space<vmem>> -> memref<1x80xi32, #tpu.memory_space<vmem>>
        %dma_start3A_437 = arith.constant 0 : i32
        %dma_start3A_438 = arith.constant 0 : i32
        %dma_start3A_439 = tpu.memref_slice %arg3[%add3A, %add3A_392, %dma_start3A_437, %dma_start3A_438] : memref<32x125x1x80xi32, #tpu.memory_space<hbm>> -> memref<1x1x1x80xi32, #tpu.memory_space<hbm>>
        %dma_start3A_440 = tpu.memref_squeeze %dma_start3A_439 : memref<1x1x1x80xi32, #tpu.memory_space<hbm>> -> memref<1x80xi32, #tpu.memory_space<hbm>>
        tpu.enqueue_dma source(%dma_start3A_440 : memref<1x80xi32, #tpu.memory_space<hbm>>) target(%dma_start3A_436 : memref<1x80xi32, #tpu.memory_space<vmem>>) target_semaphore(%arg19 : memref<!tpu.dma_semaphore, #tpu.memory_space<semaphore_mem>>)
      } else {
      }
      %add3A_398 = arith.constant 3 : i32
      %add3A_399 = arith.addi %add3A_357, %add3A_398 : i32
      %sub3A_400 = arith.constant 1 : i32
      %sub3A_401 = arith.subi %add3A_399, %sub3A_400 : i32
      %lt3A_402 = arith.constant 125 : i32
      %lt3A_403 = arith.cmpi slt, %sub3A_401, %lt3A_402 : i32
      %convert_element_type3A_404 = arith.extui %lt3A_403 : i1 to i32
      %cond3A_405 = arith.constant 0 : i32
      %cond3A_406 = arith.cmpi ne, %convert_element_type3A_404, %cond3A_405 : i32
      scf.if %cond3A_406 {
        %dma_wait3A_407 = arith.constant 1 : i32
        %dma_wait3A_408 = arith.constant 0 : i32
        %dma_wait3A_409 = arith.constant 0 : i32
        %dma_wait3A_410 = tpu.memref_slice %arg7[%dma_wait3A_407, %dma_wait3A_408, %dma_wait3A_409] : memref<3x1x80xi32, #tpu.memory_space<vmem>> -> memref<1x1x80xi32, #tpu.memory_space<vmem>>
        %dma_wait3A_411 = tpu.memref_squeeze %dma_wait3A_410 : memref<1x1x80xi32, #tpu.memory_space<vmem>> -> memref<1x80xi32, #tpu.memory_space<vmem>>
        %dma_wait3A_412 = arith.constant 0 : i32
        %dma_wait3A_413 = arith.constant 0 : i32
        %dma_wait3A_414 = tpu.memref_slice %arg3[%add3A, %sub3A_401, %dma_wait3A_412, %dma_wait3A_413] : memref<32x125x1x80xi32, #tpu.memory_space<hbm>> -> memref<1x1x1x80xi32, #tpu.memory_space<hbm>>
        %dma_wait3A_415 = tpu.memref_squeeze %dma_wait3A_414 : memref<1x1x1x80xi32, #tpu.memory_space<hbm>> -> memref<1x80xi32, #tpu.memory_space<hbm>>
        %dma_wait3A_416 = arith.constant 0 : i32
        %dma_wait3A_417 = arith.constant 0 : i32
        %dma_wait3A_418 = tpu.memref_slice %arg7[%dma_wait3A_407, %dma_wait3A_416, %dma_wait3A_417] : memref<3x1x80xi32, #tpu.memory_space<vmem>> -> memref<1x1x80xi32, #tpu.memory_space<vmem>>
        %dma_wait3A_419 = tpu.memref_squeeze %dma_wait3A_418 : memref<1x1x80xi32, #tpu.memory_space<vmem>> -> memref<1x80xi32, #tpu.memory_space<vmem>>
        %dma_wait3A_420 = arith.constant 0 : i32
        %dma_wait3A_421 = arith.constant 0 : i32
        %dma_wait3A_422 = tpu.memref_slice %arg3[%add3A, %sub3A_401, %dma_wait3A_420, %dma_wait3A_421] : memref<32x125x1x80xi32, #tpu.memory_space<hbm>> -> memref<1x1x1x80xi32, #tpu.memory_space<hbm>>
        %dma_wait3A_423 = tpu.memref_squeeze %dma_wait3A_422 : memref<1x1x1x80xi32, #tpu.memory_space<hbm>> -> memref<1x80xi32, #tpu.memory_space<hbm>>
        tpu.wait_dma2 semaphore(%arg18 : memref<!tpu.dma_semaphore, #tpu.memory_space<semaphore_mem>>) src(%dma_wait3A_423 : memref<1x80xi32, #tpu.memory_space<hbm>>) dst(%dma_wait3A_419 : memref<1x80xi32, #tpu.memory_space<vmem>>)
        %dma_start3A_424 = arith.constant 1 : i32
        %dma_start3A_425 = arith.constant 0 : i32
        %dma_start3A_426 = arith.constant 1 : i32
        %dma_start3A_427 = arith.constant 0 : i32
        %dma_start3A_428 = arith.constant 0 : i32
        %dma_start3A_429 = tpu.memref_slice %arg9[%dma_start3A_426, %dma_start3A_427, %dma_start3A_428] : memref<3x80x128xf32, #tpu.memory_space<vmem>> -> memref<1x80x128xf32, #tpu.memory_space<vmem>>
        %dma_start3A_430 = tpu.memref_squeeze %dma_start3A_429 : memref<1x80x128xf32, #tpu.memory_space<vmem>> -> memref<80x128xf32, #tpu.memory_space<vmem>>
        %dma_start3A_431 = arith.constant 0 : i32
        %dma_start3A_432 = tpu.memref_slice %arg7[%dma_start3A_424, %dma_start3A_425, %dma_start3A_431] : memref<3x1x80xi32, #tpu.memory_space<vmem>> -> memref<1x1x80xi32, #tpu.memory_space<vmem>>
        %dma_start3A_433 = tpu.memref_squeeze %dma_start3A_432 : memref<1x1x80xi32, #tpu.memory_space<vmem>> -> memref<80xi32, #tpu.memory_space<vmem>>
        %dma_start3A_434 = arith.constant 0 : i32
        %dma_start3A_435 = arith.constant 0 : i32
        %dma_start3A_436 = tpu.memref_slice %arg2[%dma_start3A_434, %dma_start3A_435] : memref<10000x128xf32, #tpu.memory_space<hbm>> -> memref<10000x128xf32, #tpu.memory_space<hbm>>
        tpu.enqueue_indirect_dma source(%dma_start3A_436 : memref<10000x128xf32, #tpu.memory_space<hbm>>) target(%dma_start3A_430 : memref<80x128xf32, #tpu.memory_space<vmem>>) offsets(%dma_start3A_433 : memref<80xi32, #tpu.memory_space<vmem>>) semaphore(%arg12 : memref<!tpu.dma_semaphore, #tpu.memory_space<semaphore_mem>>)
      } else {
      }
    }
    %scan3A_175 = arith.constant 41 : i32
    %dma_wait3A_176 = arith.constant 123 : i32
    %dma_wait3A_177 = arith.constant 0 : i32
    %dma_wait3A_178 = arith.constant 0 : i32
    %dma_wait3A_179 = arith.constant 0 : i32
    %dma_wait3A_180 = tpu.memref_slice %arg8[%dma_wait3A_177, %dma_wait3A_178, %dma_wait3A_179] : memref<3x1x80xi32, #tpu.memory_space<vmem>> -> memref<1x1x80xi32, #tpu.memory_space<vmem>>
    %dma_wait3A_181 = tpu.memref_squeeze %dma_wait3A_180 : memref<1x1x80xi32, #tpu.memory_space<vmem>> -> memref<1x80xi32, #tpu.memory_space<vmem>>
    %dma_wait3A_182 = arith.constant 0 : i32
    %dma_wait3A_183 = arith.constant 0 : i32
    %dma_wait3A_184 = tpu.memref_slice %arg4[%add3A, %dma_wait3A_176, %dma_wait3A_182, %dma_wait3A_183] : memref<32x125x1x80xi32, #tpu.memory_space<hbm>> -> memref<1x1x1x80xi32, #tpu.memory_space<hbm>>
    %dma_wait3A_185 = tpu.memref_squeeze %dma_wait3A_184 : memref<1x1x1x80xi32, #tpu.memory_space<hbm>> -> memref<1x80xi32, #tpu.memory_space<hbm>>
    %dma_wait3A_186 = arith.constant 0 : i32
    %dma_wait3A_187 = arith.constant 0 : i32
    %dma_wait3A_188 = tpu.memref_slice %arg8[%dma_wait3A_177, %dma_wait3A_186, %dma_wait3A_187] : memref<3x1x80xi32, #tpu.memory_space<vmem>> -> memref<1x1x80xi32, #tpu.memory_space<vmem>>
    %dma_wait3A_189 = tpu.memref_squeeze %dma_wait3A_188 : memref<1x1x80xi32, #tpu.memory_space<vmem>> -> memref<1x80xi32, #tpu.memory_space<vmem>>
    %dma_wait3A_190 = arith.constant 0 : i32
    %dma_wait3A_191 = arith.constant 0 : i32
    %dma_wait3A_192 = tpu.memref_slice %arg4[%add3A, %dma_wait3A_176, %dma_wait3A_190, %dma_wait3A_191] : memref<32x125x1x80xi32, #tpu.memory_space<hbm>> -> memref<1x1x1x80xi32, #tpu.memory_space<hbm>>
    %dma_wait3A_193 = tpu.memref_squeeze %dma_wait3A_192 : memref<1x1x1x80xi32, #tpu.memory_space<hbm>> -> memref<1x80xi32, #tpu.memory_space<hbm>>
    tpu.wait_dma2 semaphore(%arg14 : memref<!tpu.dma_semaphore, #tpu.memory_space<semaphore_mem>>) src(%dma_wait3A_193 : memref<1x80xi32, #tpu.memory_space<hbm>>) dst(%dma_wait3A_189 : memref<1x80xi32, #tpu.memory_space<vmem>>)
    %dma_wait3A_194 = arith.constant 0 : i32
    %dma_wait3A_195 = arith.constant 0 : i32
    %dma_wait3A_196 = arith.constant 0 : i32
    %dma_wait3A_197 = arith.constant 0 : i32
    %dma_wait3A_198 = arith.constant 0 : i32
    %dma_wait3A_199 = tpu.memref_slice %arg9[%dma_wait3A_196, %dma_wait3A_197, %dma_wait3A_198] : memref<3x80x128xf32, #tpu.memory_space<vmem>> -> memref<1x80x128xf32, #tpu.memory_space<vmem>>
    %dma_wait3A_200 = tpu.memref_squeeze %dma_wait3A_199 : memref<1x80x128xf32, #tpu.memory_space<vmem>> -> memref<80x128xf32, #tpu.memory_space<vmem>>
    %dma_wait3A_201 = arith.constant 0 : i32
    %dma_wait3A_202 = tpu.memref_slice %arg7[%dma_wait3A_194, %dma_wait3A_195, %dma_wait3A_201] : memref<3x1x80xi32, #tpu.memory_space<vmem>> -> memref<1x1x80xi32, #tpu.memory_space<vmem>>
    %dma_wait3A_203 = tpu.memref_squeeze %dma_wait3A_202 : memref<1x1x80xi32, #tpu.memory_space<vmem>> -> memref<80xi32, #tpu.memory_space<vmem>>
    %dma_wait3A_204 = arith.constant 0 : i32
    %dma_wait3A_205 = arith.constant 0 : i32
    %dma_wait3A_206 = tpu.memref_slice %arg2[%dma_wait3A_204, %dma_wait3A_205] : memref<10000x128xf32, #tpu.memory_space<hbm>> -> memref<10000x128xf32, #tpu.memory_space<hbm>>
    tpu.wait_indirect_dma semaphore(%arg11 : memref<!tpu.dma_semaphore, #tpu.memory_space<semaphore_mem>>) src(%dma_wait3A_206 : memref<10000x128xf32, #tpu.memory_space<hbm>>) dst(%dma_wait3A_200 : memref<80x128xf32, #tpu.memory_space<vmem>>)
    %run_scoped3A = arith.constant 0 : i32
    %run_scoped3A_207 = arith.constant 0 : i32
    %run_scoped3A_208 = arith.constant 0 : i32
    "tpu.region"() ({
      %run_scoped3A_251 = tpu.sem_alloc : memref<!tpu.dma_semaphore, #tpu.memory_space<semaphore_mem>>
      %dma_start3A_252 = arith.constant 0 : i32
      %dma_start3A_253 = arith.constant 0 : i32
      %dma_start3A_254 = tpu.memref_slice %arg9[%run_scoped3A, %dma_start3A_252, %dma_start3A_253] : memref<3x80x128xf32, #tpu.memory_space<vmem>> -> memref<1x80x128xf32, #tpu.memory_space<vmem>>
      %dma_start3A_255 = tpu.memref_squeeze %dma_start3A_254 : memref<1x80x128xf32, #tpu.memory_space<vmem>> -> memref<80x128xf32, #tpu.memory_space<vmem>>
      %dma_start3A_256 = arith.constant 0 : i32
      %dma_start3A_257 = tpu.memref_slice %arg8[%run_scoped3A_207, %run_scoped3A_208, %dma_start3A_256] : memref<3x1x80xi32, #tpu.memory_space<vmem>> -> memref<1x1x80xi32, #tpu.memory_space<vmem>>
      %dma_start3A_258 = tpu.memref_squeeze %dma_start3A_257 : memref<1x1x80xi32, #tpu.memory_space<vmem>> -> memref<80xi32, #tpu.memory_space<vmem>>
      %dma_start3A_259 = arith.constant 0 : i32
      %dma_start3A_260 = arith.constant 0 : i32
      %dma_start3A_261 = tpu.memref_slice %arg10[%dma_start3A_259, %dma_start3A_260] : memref<10112x128xf32, #tpu.memory_space<vmem_shared>> -> memref<10112x128xf32, #tpu.memory_space<vmem_shared>>
      tpu.enqueue_indirect_dma source(%dma_start3A_255 : memref<80x128xf32, #tpu.memory_space<vmem>>) target(%dma_start3A_261 : memref<10112x128xf32, #tpu.memory_space<vmem_shared>>) offsets(%dma_start3A_258 : memref<80xi32, #tpu.memory_space<vmem>>) semaphore(%run_scoped3A_251 : memref<!tpu.dma_semaphore, #tpu.memory_space<semaphore_mem>>) {add = true}
      %dma_wait3A_262 = arith.constant 0 : i32
      %dma_wait3A_263 = arith.constant 0 : i32
      %dma_wait3A_264 = tpu.memref_slice %arg9[%run_scoped3A, %dma_wait3A_262, %dma_wait3A_263] : memref<3x80x128xf32, #tpu.memory_space<vmem>> -> memref<1x80x128xf32, #tpu.memory_space<vmem>>
      %dma_wait3A_265 = tpu.memref_squeeze %dma_wait3A_264 : memref<1x80x128xf32, #tpu.memory_space<vmem>> -> memref<80x128xf32, #tpu.memory_space<vmem>>
      %dma_wait3A_266 = arith.constant 0 : i32
      %dma_wait3A_267 = tpu.memref_slice %arg8[%run_scoped3A_207, %run_scoped3A_208, %dma_wait3A_266] : memref<3x1x80xi32, #tpu.memory_space<vmem>> -> memref<1x1x80xi32, #tpu.memory_space<vmem>>
      %dma_wait3A_268 = tpu.memref_squeeze %dma_wait3A_267 : memref<1x1x80xi32, #tpu.memory_space<vmem>> -> memref<80xi32, #tpu.memory_space<vmem>>
      %dma_wait3A_269 = arith.constant 0 : i32
      %dma_wait3A_270 = arith.constant 0 : i32
      %dma_wait3A_271 = tpu.memref_slice %arg10[%dma_wait3A_269, %dma_wait3A_270] : memref<10112x128xf32, #tpu.memory_space<vmem_shared>> -> memref<10112x128xf32, #tpu.memory_space<vmem_shared>>
      tpu.wait_indirect_dma semaphore(%run_scoped3A_251 : memref<!tpu.dma_semaphore, #tpu.memory_space<semaphore_mem>>) src(%dma_wait3A_265 : memref<80x128xf32, #tpu.memory_space<vmem>>) dst(%dma_wait3A_271 : memref<10112x128xf32, #tpu.memory_space<vmem_shared>>)
      tpu.yield
    }) : () -> ()
    %dma_wait3A_209 = arith.constant 124 : i32
    %dma_wait3A_210 = arith.constant 1 : i32
    %dma_wait3A_211 = arith.constant 0 : i32
    %dma_wait3A_212 = arith.constant 0 : i32
    %dma_wait3A_213 = tpu.memref_slice %arg8[%dma_wait3A_210, %dma_wait3A_211, %dma_wait3A_212] : memref<3x1x80xi32, #tpu.memory_space<vmem>> -> memref<1x1x80xi32, #tpu.memory_space<vmem>>
    %dma_wait3A_214 = tpu.memref_squeeze %dma_wait3A_213 : memref<1x1x80xi32, #tpu.memory_space<vmem>> -> memref<1x80xi32, #tpu.memory_space<vmem>>
    %dma_wait3A_215 = arith.constant 0 : i32
    %dma_wait3A_216 = arith.constant 0 : i32
    %dma_wait3A_217 = tpu.memref_slice %arg4[%add3A, %dma_wait3A_209, %dma_wait3A_215, %dma_wait3A_216] : memref<32x125x1x80xi32, #tpu.memory_space<hbm>> -> memref<1x1x1x80xi32, #tpu.memory_space<hbm>>
    %dma_wait3A_218 = tpu.memref_squeeze %dma_wait3A_217 : memref<1x1x1x80xi32, #tpu.memory_space<hbm>> -> memref<1x80xi32, #tpu.memory_space<hbm>>
    %dma_wait3A_219 = arith.constant 0 : i32
    %dma_wait3A_220 = arith.constant 0 : i32
    %dma_wait3A_221 = tpu.memref_slice %arg8[%dma_wait3A_210, %dma_wait3A_219, %dma_wait3A_220] : memref<3x1x80xi32, #tpu.memory_space<vmem>> -> memref<1x1x80xi32, #tpu.memory_space<vmem>>
    %dma_wait3A_222 = tpu.memref_squeeze %dma_wait3A_221 : memref<1x1x80xi32, #tpu.memory_space<vmem>> -> memref<1x80xi32, #tpu.memory_space<vmem>>
    %dma_wait3A_223 = arith.constant 0 : i32
    %dma_wait3A_224 = arith.constant 0 : i32
    %dma_wait3A_225 = tpu.memref_slice %arg4[%add3A, %dma_wait3A_209, %dma_wait3A_223, %dma_wait3A_224] : memref<32x125x1x80xi32, #tpu.memory_space<hbm>> -> memref<1x1x1x80xi32, #tpu.memory_space<hbm>>
    %dma_wait3A_226 = tpu.memref_squeeze %dma_wait3A_225 : memref<1x1x1x80xi32, #tpu.memory_space<hbm>> -> memref<1x80xi32, #tpu.memory_space<hbm>>
    tpu.wait_dma2 semaphore(%arg15 : memref<!tpu.dma_semaphore, #tpu.memory_space<semaphore_mem>>) src(%dma_wait3A_226 : memref<1x80xi32, #tpu.memory_space<hbm>>) dst(%dma_wait3A_222 : memref<1x80xi32, #tpu.memory_space<vmem>>)
    %dma_wait3A_227 = arith.constant 1 : i32
    %dma_wait3A_228 = arith.constant 0 : i32
    %dma_wait3A_229 = arith.constant 1 : i32
    %dma_wait3A_230 = arith.constant 0 : i32
    %dma_wait3A_231 = arith.constant 0 : i32
    %dma_wait3A_232 = tpu.memref_slice %arg9[%dma_wait3A_229, %dma_wait3A_230, %dma_wait3A_231] : memref<3x80x128xf32, #tpu.memory_space<vmem>> -> memref<1x80x128xf32, #tpu.memory_space<vmem>>
    %dma_wait3A_233 = tpu.memref_squeeze %dma_wait3A_232 : memref<1x80x128xf32, #tpu.memory_space<vmem>> -> memref<80x128xf32, #tpu.memory_space<vmem>>
    %dma_wait3A_234 = arith.constant 0 : i32
    %dma_wait3A_235 = tpu.memref_slice %arg7[%dma_wait3A_227, %dma_wait3A_228, %dma_wait3A_234] : memref<3x1x80xi32, #tpu.memory_space<vmem>> -> memref<1x1x80xi32, #tpu.memory_space<vmem>>
    %dma_wait3A_236 = tpu.memref_squeeze %dma_wait3A_235 : memref<1x1x80xi32, #tpu.memory_space<vmem>> -> memref<80xi32, #tpu.memory_space<vmem>>
    %dma_wait3A_237 = arith.constant 0 : i32
    %dma_wait3A_238 = arith.constant 0 : i32
    %dma_wait3A_239 = tpu.memref_slice %arg2[%dma_wait3A_237, %dma_wait3A_238] : memref<10000x128xf32, #tpu.memory_space<hbm>> -> memref<10000x128xf32, #tpu.memory_space<hbm>>
    tpu.wait_indirect_dma semaphore(%arg12 : memref<!tpu.dma_semaphore, #tpu.memory_space<semaphore_mem>>) src(%dma_wait3A_239 : memref<10000x128xf32, #tpu.memory_space<hbm>>) dst(%dma_wait3A_233 : memref<80x128xf32, #tpu.memory_space<vmem>>)
    %run_scoped3A_240 = arith.constant 1 : i32
    %run_scoped3A_241 = arith.constant 1 : i32
    %run_scoped3A_242 = arith.constant 0 : i32
    "tpu.region"() ({
      %run_scoped3A_251 = tpu.sem_alloc : memref<!tpu.dma_semaphore, #tpu.memory_space<semaphore_mem>>
      %dma_start3A_252 = arith.constant 0 : i32
      %dma_start3A_253 = arith.constant 0 : i32
      %dma_start3A_254 = tpu.memref_slice %arg9[%run_scoped3A_240, %dma_start3A_252, %dma_start3A_253] : memref<3x80x128xf32, #tpu.memory_space<vmem>> -> memref<1x80x128xf32, #tpu.memory_space<vmem>>
      %dma_start3A_255 = tpu.memref_squeeze %dma_start3A_254 : memref<1x80x128xf32, #tpu.memory_space<vmem>> -> memref<80x128xf32, #tpu.memory_space<vmem>>
      %dma_start3A_256 = arith.constant 0 : i32
      %dma_start3A_257 = tpu.memref_slice %arg8[%run_scoped3A_241, %run_scoped3A_242, %dma_start3A_256] : memref<3x1x80xi32, #tpu.memory_space<vmem>> -> memref<1x1x80xi32, #tpu.memory_space<vmem>>
      %dma_start3A_258 = tpu.memref_squeeze %dma_start3A_257 : memref<1x1x80xi32, #tpu.memory_space<vmem>> -> memref<80xi32, #tpu.memory_space<vmem>>
      %dma_start3A_259 = arith.constant 0 : i32
      %dma_start3A_260 = arith.constant 0 : i32
      %dma_start3A_261 = tpu.memref_slice %arg10[%dma_start3A_259, %dma_start3A_260] : memref<10112x128xf32, #tpu.memory_space<vmem_shared>> -> memref<10112x128xf32, #tpu.memory_space<vmem_shared>>
      tpu.enqueue_indirect_dma source(%dma_start3A_255 : memref<80x128xf32, #tpu.memory_space<vmem>>) target(%dma_start3A_261 : memref<10112x128xf32, #tpu.memory_space<vmem_shared>>) offsets(%dma_start3A_258 : memref<80xi32, #tpu.memory_space<vmem>>) semaphore(%run_scoped3A_251 : memref<!tpu.dma_semaphore, #tpu.memory_space<semaphore_mem>>) {add = true}
      %dma_wait3A_262 = arith.constant 0 : i32
      %dma_wait3A_263 = arith.constant 0 : i32
      %dma_wait3A_264 = tpu.memref_slice %arg9[%run_scoped3A_240, %dma_wait3A_262, %dma_wait3A_263] : memref<3x80x128xf32, #tpu.memory_space<vmem>> -> memref<1x80x128xf32, #tpu.memory_space<vmem>>
      %dma_wait3A_265 = tpu.memref_squeeze %dma_wait3A_264 : memref<1x80x128xf32, #tpu.memory_space<vmem>> -> memref<80x128xf32, #tpu.memory_space<vmem>>
      %dma_wait3A_266 = arith.constant 0 : i32
      %dma_wait3A_267 = tpu.memref_slice %arg8[%run_scoped3A_241, %run_scoped3A_242, %dma_wait3A_266] : memref<3x1x80xi32, #tpu.memory_space<vmem>> -> memref<1x1x80xi32, #tpu.memory_space<vmem>>
      %dma_wait3A_268 = tpu.memref_squeeze %dma_wait3A_267 : memref<1x1x80xi32, #tpu.memory_space<vmem>> -> memref<80xi32, #tpu.memory_space<vmem>>
      %dma_wait3A_269 = arith.constant 0 : i32
      %dma_wait3A_270 = arith.constant 0 : i32
      %dma_wait3A_271 = tpu.memref_slice %arg10[%dma_wait3A_269, %dma_wait3A_270] : memref<10112x128xf32, #tpu.memory_space<vmem_shared>> -> memref<10112x128xf32, #tpu.memory_space<vmem_shared>>
      tpu.wait_indirect_dma semaphore(%run_scoped3A_251 : memref<!tpu.dma_semaphore, #tpu.memory_space<semaphore_mem>>) src(%dma_wait3A_265 : memref<80x128xf32, #tpu.memory_space<vmem>>) dst(%dma_wait3A_271 : memref<10112x128xf32, #tpu.memory_space<vmem_shared>>)
      tpu.yield
    }) : () -> ()
    %barrier3A_243 = arith.constant 0 : index
    tpu.barrier barrier_id(%barrier3A_243)
    %mul3A_244 = arith.constant 632 : i32
    %mul3A_245 = arith.muli %arg1, %mul3A_244 : i32
    %mul3A_246 = arith.constant 10112 : i32
    %mul3A_247 = arith.muli %arg0, %mul3A_246 : i32
    %mul3A_248 = arith.constant 632 : i32
    %mul3A_249 = arith.muli %arg1, %mul3A_248 : i32
    %add3A_250 = arith.addi %mul3A_247, %mul3A_249 : i32
    "tpu.region"() ({
      %run_scoped3A_251 = tpu.sem_alloc : memref<!tpu.dma_semaphore, #tpu.memory_space<semaphore_mem>>
      %dma_start3A_252 = arith.constant 0 : i32
      %dma_start3A_253 = tpu.memref_slice %arg6[%add3A_250, %dma_start3A_252] : memref<20224x128xf32, #tpu.memory_space<hbm>> -> memref<632x128xf32, #tpu.memory_space<hbm>>
      %dma_start3A_254 = arith.constant 0 : i32
      %dma_start3A_255 = tpu.memref_slice %arg10[%mul3A_245, %dma_start3A_254] : memref<10112x128xf32, #tpu.memory_space<vmem_shared>> -> memref<632x128xf32, #tpu.memory_space<vmem_shared>>
      tpu.enqueue_dma source(%dma_start3A_255 : memref<632x128xf32, #tpu.memory_space<vmem_shared>>) target(%dma_start3A_253 : memref<632x128xf32, #tpu.memory_space<hbm>>) target_semaphore(%run_scoped3A_251 : memref<!tpu.dma_semaphore, #tpu.memory_space<semaphore_mem>>)
      %dma_wait3A_256 = arith.constant 0 : i32
      %dma_wait3A_257 = tpu.memref_slice %arg6[%add3A_250, %dma_wait3A_256] : memref<20224x128xf32, #tpu.memory_space<hbm>> -> memref<632x128xf32, #tpu.memory_space<hbm>>
      %dma_wait3A_258 = arith.constant 0 : i32
      %dma_wait3A_259 = tpu.memref_slice %arg10[%mul3A_245, %dma_wait3A_258] : memref<10112x128xf32, #tpu.memory_space<vmem_shared>> -> memref<632x128xf32, #tpu.memory_space<vmem_shared>>
      tpu.wait_dma2 semaphore(%run_scoped3A_251 : memref<!tpu.dma_semaphore, #tpu.memory_space<semaphore_mem>>) src(%dma_wait3A_259 : memref<632x128xf32, #tpu.memory_space<vmem_shared>>) dst(%dma_wait3A_257 : memref<632x128xf32, #tpu.memory_space<hbm>>)
      tpu.yield
    }) : () -> ()
    return
  }
}

module attributes {stable_mosaic.version = 14 : i64} {
  func.func @_prep_body(%arg0: memref<1x10000xi32, #tpu.memory_space<vmem>>, %arg1: memref<10000x64xf32, #tpu.memory_space<vmem>>, %arg2: memref<64x10000xf32, #tpu.memory_space<vmem>>, %arg3: memref<64x1xf32, #tpu.memory_space<vmem>>) attributes {dimension_semantics = [], scalar_prefetch = 0 : i64, scratch_operands = 0 : i64, tpu.core_type = #tpu.core_type<tc>} {
    %iota3A = tpu.iota {dimensions = array<i32: 0>} : vector<64x10000xi32>
    %get3A = arith.constant 0 : index
    %get3A_0 = arith.constant 0 : index
    %get3A_1 = vector.load %arg0[%get3A, %get3A_0] : memref<1x10000xi32, #tpu.memory_space<vmem>>, vector<1x10000xi32>
    %eq3A = vector.broadcast %get3A_1 : vector<1x10000xi32> to vector<64x10000xi32>
    %eq3A_2 = arith.cmpi eq, %iota3A, %eq3A : vector<64x10000xi32>
    %convert_element_type3A = arith.extui %eq3A_2 : vector<64x10000xi1> to vector<64x10000xi32>
    %convert_element_type3A_3 = arith.sitofp %convert_element_type3A : vector<64x10000xi32> to vector<64x10000xf32>
    %swap3A = arith.constant 0 : index
    %swap3A_4 = arith.constant 0 : index
    %swap3A_5 = vector.load %arg2[%swap3A, %swap3A_4] : memref<64x10000xf32, #tpu.memory_space<vmem>>, vector<64x10000xf32>
    tpu.vector_store %arg2[%swap3A, %swap3A_4], %convert_element_type3A_3 {strides = array<i32>} : memref<64x10000xf32, #tpu.memory_space<vmem>>, vector<64x10000xf32>,
    %transpose3A = tpu.transpose %convert_element_type3A_3, [1, 0] : vector<64x10000xf32> -> vector<10000x64xf32>
    %swap3A_6 = arith.constant 0 : index
    %swap3A_7 = arith.constant 0 : index
    %swap3A_8 = vector.load %arg1[%swap3A_6, %swap3A_7] : memref<10000x64xf32, #tpu.memory_space<vmem>>, vector<10000x64xf32>
    tpu.vector_store %arg1[%swap3A_6, %swap3A_7], %transpose3A {strides = array<i32>} : memref<10000x64xf32, #tpu.memory_space<vmem>>, vector<10000x64xf32>,
    %reduce_sum3A = arith.constant dense<0.000000e+00> : vector<64xf32>
    %reduce_sum3A_9 = vector.multi_reduction <add>, %convert_element_type3A_3, %reduce_sum3A [1] : vector<64x10000xf32> to vector<64xf32>
    %broadcast_in_dim3A = vector.shape_cast %reduce_sum3A_9 : vector<64xf32> to vector<64x1xf32>
    %max3A = arith.constant 1.000000e+00 : f32
    %max3A_10 = vector.broadcast %max3A : f32 to vector<64x1xf32>
    %max3A_11 = arith.maximumf %broadcast_in_dim3A, %max3A_10 : vector<64x1xf32>
    %div3A = arith.constant 1.000000e+00 : f32
    %div3A_12 = vector.broadcast %div3A : f32 to vector<64x1xf32>
    %div3A_13 = arith.divf %div3A_12, %max3A_11 : vector<64x1xf32>
    %swap3A_14 = arith.constant 0 : index
    %swap3A_15 = arith.constant 0 : index
    %swap3A_16 = vector.load %arg3[%swap3A_14, %swap3A_15] : memref<64x1xf32, #tpu.memory_space<vmem>>, vector<64x1xf32>
    tpu.vector_store %arg3[%swap3A_14, %swap3A_15], %div3A_13 {strides = array<i32>} : memref<64x1xf32, #tpu.memory_space<vmem>>, vector<64x1xf32>,
    return
  }
}

module attributes {stable_mosaic.version = 14 : i64} {
  func.func @_gnorm_body(%arg0: memref<10000x128xf32, #tpu.memory_space<vmem>>, %arg1: memref<2x10112x128xf32, #tpu.memory_space<vmem>>, %arg2: memref<128x128xf32, #tpu.memory_space<vmem>>, %arg3: memref<1x128xf32, #tpu.memory_space<vmem>>, %arg4: memref<128x128xf32, #tpu.memory_space<vmem>>, %arg5: memref<1x128xf32, #tpu.memory_space<vmem>>, %arg6: memref<1x1xf32, #tpu.memory_space<vmem>>, %arg7: memref<10000x64xf32, #tpu.memory_space<vmem>>, %arg8: memref<64x10000xf32, #tpu.memory_space<vmem>>, %arg9: memref<64x1xf32, #tpu.memory_space<vmem>>, %arg10: memref<1x128xf32, #tpu.memory_space<vmem>>, %arg11: memref<1x128xf32, #tpu.memory_space<vmem>>, %arg12: memref<1x128xf32, #tpu.memory_space<vmem>>, %arg13: memref<128x128xf32, #tpu.memory_space<vmem>>, %arg14: memref<1x128xf32, #tpu.memory_space<vmem>>, %arg15: memref<128x64xf32, #tpu.memory_space<vmem>>, %arg16: memref<1x64xf32, #tpu.memory_space<vmem>>, %arg17: memref<10000x128xf32, #tpu.memory_space<vmem>>, %arg18: memref<64x64xf32, #tpu.memory_space<vmem>>) attributes {dimension_semantics = [], scalar_prefetch = 0 : i64, scratch_operands = 0 : i64, tpu.core_type = #tpu.core_type<tc>} {
    %get3A = arith.constant 0 : index
    %get3A_0 = arith.constant 0 : index
    %get3A_1 = vector.load %arg6[%get3A, %get3A_0] : memref<1x1xf32, #tpu.memory_space<vmem>>, vector<1x1xf32>
    %get3A_2 = vector.extract %get3A_1[0, 0] : f32 from vector<1x1xf32>
    %add3A = arith.constant 1.000000e+00 : f32
    %add3A_3 = arith.addf %add3A, %get3A_2 : f32
    %get3A_4 = arith.constant 0 : index
    %get3A_5 = arith.constant 0 : index
    %get3A_6 = vector.load %arg0[%get3A_4, %get3A_5] : memref<10000x128xf32, #tpu.memory_space<vmem>>, vector<10000x128xf32>
    %mul3A = vector.broadcast %add3A_3 : f32 to vector<10000x128xf32>
    %mul3A_7 = arith.mulf %mul3A, %get3A_6 : vector<10000x128xf32>
    %get3A_8 = arith.constant 0 : index
    %get3A_9 = arith.constant 0 : index
    %get3A_10 = arith.constant 0 : index
    %get3A_11 = vector.load %arg1[%get3A_8, %get3A_9, %get3A_10] : memref<2x10112x128xf32, #tpu.memory_space<vmem>>, vector<1x10000x128xf32>
    %get3A_12 = vector.shape_cast %get3A_11 : vector<1x10000x128xf32> to vector<10000x128xf32>
    %add3A_13 = arith.addf %mul3A_7, %get3A_12 : vector<10000x128xf32>
    %get3A_14 = arith.constant 1 : index
    %get3A_15 = arith.constant 0 : index
    %get3A_16 = arith.constant 0 : index
    %get3A_17 = vector.load %arg1[%get3A_14, %get3A_15, %get3A_16] : memref<2x10112x128xf32, #tpu.memory_space<vmem>>, vector<1x10000x128xf32>
    %get3A_18 = vector.shape_cast %get3A_17 : vector<1x10000x128xf32> to vector<10000x128xf32>
    %add3A_19 = arith.addf %add3A_13, %get3A_18 : vector<10000x128xf32>
    %get3A_20 = arith.constant 0 : index
    %get3A_21 = arith.constant 0 : index
    %get3A_22 = vector.load %arg2[%get3A_20, %get3A_21] : memref<128x128xf32, #tpu.memory_space<vmem>>, vector<128x128xf32>
    %dot_general3A = arith.constant dense<0.000000e+00> : vector<10000x128xf32>
    %dot_general3A_23 = tpu.matmul %add3A_19, %get3A_22, %dot_general3A {dimension_numbers = #tpu.dot_dimension_numbers<[1], [0], [0], [1], [0, 0, 1, 1], [], []>, transpose_lhs_hint = false} : vector<10000x128xf32>, vector<128x128xf32>, vector<10000x128xf32> -> vector<10000x128xf32>
    %get3A_24 = arith.constant 0 : index
    %get3A_25 = arith.constant 0 : index
    %get3A_26 = vector.load %arg3[%get3A_24, %get3A_25] : memref<1x128xf32, #tpu.memory_space<vmem>>, vector<1x128xf32>
    %add3A_27 = vector.broadcast %get3A_26 : vector<1x128xf32> to vector<10000x128xf32>
    %add3A_28 = arith.addf %dot_general3A_23, %add3A_27 : vector<10000x128xf32>
    %max3A = arith.constant 0.000000e+00 : f32
    %max3A_29 = vector.broadcast %max3A : f32 to vector<10000x128xf32>
    %max3A_30 = arith.maximumf %add3A_28, %max3A_29 : vector<10000x128xf32>
    %get3A_31 = arith.constant 0 : index
    %get3A_32 = arith.constant 0 : index
    %get3A_33 = vector.load %arg4[%get3A_31, %get3A_32] : memref<128x128xf32, #tpu.memory_space<vmem>>, vector<128x128xf32>
    %dot_general3A_34 = arith.constant dense<0.000000e+00> : vector<10000x128xf32>
    %dot_general3A_35 = tpu.matmul %max3A_30, %get3A_33, %dot_general3A_34 {dimension_numbers = #tpu.dot_dimension_numbers<[1], [0], [0], [1], [0, 0, 1, 1], [], []>, transpose_lhs_hint = false} : vector<10000x128xf32>, vector<128x128xf32>, vector<10000x128xf32> -> vector<10000x128xf32>
    %get3A_36 = arith.constant 0 : index
    %get3A_37 = arith.constant 0 : index
    %get3A_38 = vector.load %arg5[%get3A_36, %get3A_37] : memref<1x128xf32, #tpu.memory_space<vmem>>, vector<1x128xf32>
    %add3A_39 = vector.broadcast %get3A_38 : vector<1x128xf32> to vector<10000x128xf32>
    %add3A_40 = arith.addf %dot_general3A_35, %add3A_39 : vector<10000x128xf32>
    %get3A_41 = arith.constant 0 : index
    %get3A_42 = arith.constant 0 : index
    %get3A_43 = vector.load %arg7[%get3A_41, %get3A_42] : memref<10000x64xf32, #tpu.memory_space<vmem>>, vector<10000x64xf32>
    %get3A_44 = arith.constant 0 : index
    %get3A_45 = arith.constant 0 : index
    %get3A_46 = vector.load %arg8[%get3A_44, %get3A_45] : memref<64x10000xf32, #tpu.memory_space<vmem>>, vector<64x10000xf32>
    %get3A_47 = arith.constant 0 : index
    %get3A_48 = arith.constant 0 : index
    %get3A_49 = vector.load %arg9[%get3A_47, %get3A_48] : memref<64x1xf32, #tpu.memory_space<vmem>>, vector<64x1xf32>
    %dot_general3A_50 = arith.constant dense<0.000000e+00> : vector<64x128xf32>
    %dot_general3A_51 = tpu.matmul %get3A_46, %add3A_40, %dot_general3A_50 {dimension_numbers = #tpu.dot_dimension_numbers<[1], [0], [0], [1], [0, 0, 1, 1], [], []>, transpose_lhs_hint = false} : vector<64x10000xf32>, vector<10000x128xf32>, vector<64x128xf32> -> vector<64x128xf32>
    %mul3A_52 = vector.broadcast %get3A_49 : vector<64x1xf32> to vector<64x128xf32>
    %mul3A_53 = arith.mulf %dot_general3A_51, %mul3A_52 : vector<64x128xf32>
    %dot_general3A_54 = arith.constant dense<0.000000e+00> : vector<10000x128xf32>
    %dot_general3A_55 = tpu.matmul %get3A_43, %mul3A_53, %dot_general3A_54 {dimension_numbers = #tpu.dot_dimension_numbers<[1], [0], [0], [1], [0, 0, 1, 1], [], []>, transpose_lhs_hint = false} : vector<10000x64xf32>, vector<64x128xf32>, vector<10000x128xf32> -> vector<10000x128xf32>
    %get3A_56 = arith.constant 0 : index
    %get3A_57 = arith.constant 0 : index
    %get3A_58 = vector.load %arg12[%get3A_56, %get3A_57] : memref<1x128xf32, #tpu.memory_space<vmem>>, vector<1x128xf32>
    %mul3A_59 = vector.broadcast %get3A_58 : vector<1x128xf32> to vector<10000x128xf32>
    %mul3A_60 = arith.mulf %dot_general3A_55, %mul3A_59 : vector<10000x128xf32>
    %sub3A = arith.subf %add3A_40, %mul3A_60 : vector<10000x128xf32>
    %mul3A_61 = arith.mulf %sub3A, %sub3A : vector<10000x128xf32>
    %dot_general3A_62 = arith.constant dense<0.000000e+00> : vector<64x128xf32>
    %dot_general3A_63 = tpu.matmul %get3A_46, %mul3A_61, %dot_general3A_62 {dimension_numbers = #tpu.dot_dimension_numbers<[1], [0], [0], [1], [0, 0, 1, 1], [], []>, transpose_lhs_hint = false} : vector<64x10000xf32>, vector<10000x128xf32>, vector<64x128xf32> -> vector<64x128xf32>
    %mul3A_64 = vector.broadcast %get3A_49 : vector<64x1xf32> to vector<64x128xf32>
    %mul3A_65 = arith.mulf %dot_general3A_63, %mul3A_64 : vector<64x128xf32>
    %add3A_66 = arith.constant 9.99999993E-9 : f32
    %add3A_67 = vector.broadcast %add3A_66 : f32 to vector<64x128xf32>
    %add3A_68 = arith.addf %mul3A_65, %add3A_67 : vector<64x128xf32>
    %sqrt3A = math.sqrt %add3A_68 : vector<64x128xf32>
    %div3A = arith.constant 1.000000e+00 : f32
    %div3A_69 = vector.broadcast %div3A : f32 to vector<64x128xf32>
    %div3A_70 = arith.divf %div3A_69, %sqrt3A : vector<64x128xf32>
    %get3A_71 = arith.constant 0 : index
    %get3A_72 = arith.constant 0 : index
    %get3A_73 = vector.load %arg10[%get3A_71, %get3A_72] : memref<1x128xf32, #tpu.memory_space<vmem>>, vector<1x128xf32>
    %mul3A_74 = vector.broadcast %get3A_73 : vector<1x128xf32> to vector<10000x128xf32>
    %mul3A_75 = arith.mulf %mul3A_74, %sub3A : vector<10000x128xf32>
    %dot_general3A_76 = arith.constant dense<0.000000e+00> : vector<10000x128xf32>
    %dot_general3A_77 = tpu.matmul %get3A_43, %div3A_70, %dot_general3A_76 {dimension_numbers = #tpu.dot_dimension_numbers<[1], [0], [0], [1], [0, 0, 1, 1], [], []>, transpose_lhs_hint = false} : vector<10000x64xf32>, vector<64x128xf32>, vector<10000x128xf32> -> vector<10000x128xf32>
    %mul3A_78 = arith.mulf %mul3A_75, %dot_general3A_77 : vector<10000x128xf32>
    %get3A_79 = arith.constant 0 : index
    %get3A_80 = arith.constant 0 : index
    %get3A_81 = vector.load %arg11[%get3A_79, %get3A_80] : memref<1x128xf32, #tpu.memory_space<vmem>>, vector<1x128xf32>
    %add3A_82 = vector.broadcast %get3A_81 : vector<1x128xf32> to vector<10000x128xf32>
    %add3A_83 = arith.addf %mul3A_78, %add3A_82 : vector<10000x128xf32>
    %max3A_84 = arith.constant 0.000000e+00 : f32
    %max3A_85 = vector.broadcast %max3A_84 : f32 to vector<10000x128xf32>
    %max3A_86 = arith.maximumf %add3A_83, %max3A_85 : vector<10000x128xf32>
    %swap3A = arith.constant 0 : index
    %swap3A_87 = arith.constant 0 : index
    %swap3A_88 = vector.load %arg17[%swap3A, %swap3A_87] : memref<10000x128xf32, #tpu.memory_space<vmem>>, vector<10000x128xf32>
    tpu.vector_store %arg17[%swap3A, %swap3A_87], %max3A_86 {strides = array<i32>} : memref<10000x128xf32, #tpu.memory_space<vmem>>, vector<10000x128xf32>,
    %get3A_89 = arith.constant 0 : index
    %get3A_90 = arith.constant 0 : index
    %get3A_91 = vector.load %arg13[%get3A_89, %get3A_90] : memref<128x128xf32, #tpu.memory_space<vmem>>, vector<128x128xf32>
    %dot_general3A_92 = arith.constant dense<0.000000e+00> : vector<10000x128xf32>
    %dot_general3A_93 = tpu.matmul %max3A_86, %get3A_91, %dot_general3A_92 {dimension_numbers = #tpu.dot_dimension_numbers<[1], [0], [0], [1], [0, 0, 1, 1], [], []>, transpose_lhs_hint = false} : vector<10000x128xf32>, vector<128x128xf32>, vector<10000x128xf32> -> vector<10000x128xf32>
    %get3A_94 = arith.constant 0 : index
    %get3A_95 = arith.constant 0 : index
    %get3A_96 = vector.load %arg14[%get3A_94, %get3A_95] : memref<1x128xf32, #tpu.memory_space<vmem>>, vector<1x128xf32>
    %add3A_97 = vector.broadcast %get3A_96 : vector<1x128xf32> to vector<10000x128xf32>
    %add3A_98 = arith.addf %dot_general3A_93, %add3A_97 : vector<10000x128xf32>
    %max3A_99 = arith.constant 0.000000e+00 : f32
    %max3A_100 = vector.broadcast %max3A_99 : f32 to vector<10000x128xf32>
    %max3A_101 = arith.maximumf %add3A_98, %max3A_100 : vector<10000x128xf32>
    %get3A_102 = arith.constant 0 : index
    %get3A_103 = arith.constant 0 : index
    %get3A_104 = vector.load %arg15[%get3A_102, %get3A_103] : memref<128x64xf32, #tpu.memory_space<vmem>>, vector<128x64xf32>
    %dot_general3A_105 = arith.constant dense<0.000000e+00> : vector<10000x64xf32>
    %dot_general3A_106 = tpu.matmul %max3A_101, %get3A_104, %dot_general3A_105 {dimension_numbers = #tpu.dot_dimension_numbers<[1], [0], [0], [1], [0, 0, 1, 1], [], []>, transpose_lhs_hint = false} : vector<10000x128xf32>, vector<128x64xf32>, vector<10000x64xf32> -> vector<10000x64xf32>
    %get3A_107 = arith.constant 0 : index
    %get3A_108 = arith.constant 0 : index
    %get3A_109 = vector.load %arg16[%get3A_107, %get3A_108] : memref<1x64xf32, #tpu.memory_space<vmem>>, vector<1x64xf32>
    %add3A_110 = vector.broadcast %get3A_109 : vector<1x64xf32> to vector<10000x64xf32>
    %add3A_111 = arith.addf %dot_general3A_106, %add3A_110 : vector<10000x64xf32>
    %dot_general3A_112 = arith.constant dense<0.000000e+00> : vector<64x64xf32>
    %dot_general3A_113 = tpu.matmul %get3A_46, %add3A_111, %dot_general3A_112 {dimension_numbers = #tpu.dot_dimension_numbers<[1], [0], [0], [1], [0, 0, 1, 1], [], []>, transpose_lhs_hint = false} : vector<64x10000xf32>, vector<10000x64xf32>, vector<64x64xf32> -> vector<64x64xf32>
    %swap3A_114 = arith.constant 0 : index
    %swap3A_115 = arith.constant 0 : index
    %swap3A_116 = vector.load %arg18[%swap3A_114, %swap3A_115] : memref<64x64xf32, #tpu.memory_space<vmem>>, vector<64x64xf32>
    tpu.vector_store %arg18[%swap3A_114, %swap3A_115], %dot_general3A_113 {strides = array<i32>} : memref<64x64xf32, #tpu.memory_space<vmem>>, vector<64x64xf32>,
    return
  }
}

module attributes {stable_mosaic.version = 14 : i64} {
  func.func @_gnorm_body(%arg0: memref<10000x128xf32, #tpu.memory_space<vmem>>, %arg1: memref<2x10112x128xf32, #tpu.memory_space<vmem>>, %arg2: memref<128x128xf32, #tpu.memory_space<vmem>>, %arg3: memref<1x128xf32, #tpu.memory_space<vmem>>, %arg4: memref<128x128xf32, #tpu.memory_space<vmem>>, %arg5: memref<1x128xf32, #tpu.memory_space<vmem>>, %arg6: memref<1x1xf32, #tpu.memory_space<vmem>>, %arg7: memref<10000x64xf32, #tpu.memory_space<vmem>>, %arg8: memref<64x10000xf32, #tpu.memory_space<vmem>>, %arg9: memref<64x1xf32, #tpu.memory_space<vmem>>, %arg10: memref<1x128xf32, #tpu.memory_space<vmem>>, %arg11: memref<1x128xf32, #tpu.memory_space<vmem>>, %arg12: memref<1x128xf32, #tpu.memory_space<vmem>>, %arg13: memref<128x128xf32, #tpu.memory_space<vmem>>, %arg14: memref<1x128xf32, #tpu.memory_space<vmem>>, %arg15: memref<128x64xf32, #tpu.memory_space<vmem>>, %arg16: memref<1x64xf32, #tpu.memory_space<vmem>>, %arg17: memref<10000x128xf32, #tpu.memory_space<vmem>>, %arg18: memref<64x64xf32, #tpu.memory_space<vmem>>) attributes {dimension_semantics = [], scalar_prefetch = 0 : i64, scratch_operands = 0 : i64, tpu.core_type = #tpu.core_type<tc>} {
    %get3A = arith.constant 0 : index
    %get3A_0 = arith.constant 0 : index
    %get3A_1 = vector.load %arg6[%get3A, %get3A_0] : memref<1x1xf32, #tpu.memory_space<vmem>>, vector<1x1xf32>
    %get3A_2 = vector.extract %get3A_1[0, 0] : f32 from vector<1x1xf32>
    %add3A = arith.constant 1.000000e+00 : f32
    %add3A_3 = arith.addf %add3A, %get3A_2 : f32
    %get3A_4 = arith.constant 0 : index
    %get3A_5 = arith.constant 0 : index
    %get3A_6 = vector.load %arg0[%get3A_4, %get3A_5] : memref<10000x128xf32, #tpu.memory_space<vmem>>, vector<10000x128xf32>
    %mul3A = vector.broadcast %add3A_3 : f32 to vector<10000x128xf32>
    %mul3A_7 = arith.mulf %mul3A, %get3A_6 : vector<10000x128xf32>
    %get3A_8 = arith.constant 0 : index
    %get3A_9 = arith.constant 0 : index
    %get3A_10 = arith.constant 0 : index
    %get3A_11 = vector.load %arg1[%get3A_8, %get3A_9, %get3A_10] : memref<2x10112x128xf32, #tpu.memory_space<vmem>>, vector<1x10000x128xf32>
    %get3A_12 = vector.shape_cast %get3A_11 : vector<1x10000x128xf32> to vector<10000x128xf32>
    %add3A_13 = arith.addf %mul3A_7, %get3A_12 : vector<10000x128xf32>
    %get3A_14 = arith.constant 1 : index
    %get3A_15 = arith.constant 0 : index
    %get3A_16 = arith.constant 0 : index
    %get3A_17 = vector.load %arg1[%get3A_14, %get3A_15, %get3A_16] : memref<2x10112x128xf32, #tpu.memory_space<vmem>>, vector<1x10000x128xf32>
    %get3A_18 = vector.shape_cast %get3A_17 : vector<1x10000x128xf32> to vector<10000x128xf32>
    %add3A_19 = arith.addf %add3A_13, %get3A_18 : vector<10000x128xf32>
    %get3A_20 = arith.constant 0 : index
    %get3A_21 = arith.constant 0 : index
    %get3A_22 = vector.load %arg2[%get3A_20, %get3A_21] : memref<128x128xf32, #tpu.memory_space<vmem>>, vector<128x128xf32>
    %dot_general3A = arith.constant dense<0.000000e+00> : vector<10000x128xf32>
    %dot_general3A_23 = tpu.matmul %add3A_19, %get3A_22, %dot_general3A {dimension_numbers = #tpu.dot_dimension_numbers<[1], [0], [0], [1], [0, 0, 1, 1], [], []>, transpose_lhs_hint = false} : vector<10000x128xf32>, vector<128x128xf32>, vector<10000x128xf32> -> vector<10000x128xf32>
    %get3A_24 = arith.constant 0 : index
    %get3A_25 = arith.constant 0 : index
    %get3A_26 = vector.load %arg3[%get3A_24, %get3A_25] : memref<1x128xf32, #tpu.memory_space<vmem>>, vector<1x128xf32>
    %add3A_27 = vector.broadcast %get3A_26 : vector<1x128xf32> to vector<10000x128xf32>
    %add3A_28 = arith.addf %dot_general3A_23, %add3A_27 : vector<10000x128xf32>
    %max3A = arith.constant 0.000000e+00 : f32
    %max3A_29 = vector.broadcast %max3A : f32 to vector<10000x128xf32>
    %max3A_30 = arith.maximumf %add3A_28, %max3A_29 : vector<10000x128xf32>
    %get3A_31 = arith.constant 0 : index
    %get3A_32 = arith.constant 0 : index
    %get3A_33 = vector.load %arg4[%get3A_31, %get3A_32] : memref<128x128xf32, #tpu.memory_space<vmem>>, vector<128x128xf32>
    %dot_general3A_34 = arith.constant dense<0.000000e+00> : vector<10000x128xf32>
    %dot_general3A_35 = tpu.matmul %max3A_30, %get3A_33, %dot_general3A_34 {dimension_numbers = #tpu.dot_dimension_numbers<[1], [0], [0], [1], [0, 0, 1, 1], [], []>, transpose_lhs_hint = false} : vector<10000x128xf32>, vector<128x128xf32>, vector<10000x128xf32> -> vector<10000x128xf32>
    %get3A_36 = arith.constant 0 : index
    %get3A_37 = arith.constant 0 : index
    %get3A_38 = vector.load %arg5[%get3A_36, %get3A_37] : memref<1x128xf32, #tpu.memory_space<vmem>>, vector<1x128xf32>
    %add3A_39 = vector.broadcast %get3A_38 : vector<1x128xf32> to vector<10000x128xf32>
    %add3A_40 = arith.addf %dot_general3A_35, %add3A_39 : vector<10000x128xf32>
    %get3A_41 = arith.constant 0 : index
    %get3A_42 = arith.constant 0 : index
    %get3A_43 = vector.load %arg7[%get3A_41, %get3A_42] : memref<10000x64xf32, #tpu.memory_space<vmem>>, vector<10000x64xf32>
    %get3A_44 = arith.constant 0 : index
    %get3A_45 = arith.constant 0 : index
    %get3A_46 = vector.load %arg8[%get3A_44, %get3A_45] : memref<64x10000xf32, #tpu.memory_space<vmem>>, vector<64x10000xf32>
    %get3A_47 = arith.constant 0 : index
    %get3A_48 = arith.constant 0 : index
    %get3A_49 = vector.load %arg9[%get3A_47, %get3A_48] : memref<64x1xf32, #tpu.memory_space<vmem>>, vector<64x1xf32>
    %dot_general3A_50 = arith.constant dense<0.000000e+00> : vector<64x128xf32>
    %dot_general3A_51 = tpu.matmul %get3A_46, %add3A_40, %dot_general3A_50 {dimension_numbers = #tpu.dot_dimension_numbers<[1], [0], [0], [1], [0, 0, 1, 1], [], []>, transpose_lhs_hint = false} : vector<64x10000xf32>, vector<10000x128xf32>, vector<64x128xf32> -> vector<64x128xf32>
    %mul3A_52 = vector.broadcast %get3A_49 : vector<64x1xf32> to vector<64x128xf32>
    %mul3A_53 = arith.mulf %dot_general3A_51, %mul3A_52 : vector<64x128xf32>
    %dot_general3A_54 = arith.constant dense<0.000000e+00> : vector<10000x128xf32>
    %dot_general3A_55 = tpu.matmul %get3A_43, %mul3A_53, %dot_general3A_54 {dimension_numbers = #tpu.dot_dimension_numbers<[1], [0], [0], [1], [0, 0, 1, 1], [], []>, transpose_lhs_hint = false} : vector<10000x64xf32>, vector<64x128xf32>, vector<10000x128xf32> -> vector<10000x128xf32>
    %get3A_56 = arith.constant 0 : index
    %get3A_57 = arith.constant 0 : index
    %get3A_58 = vector.load %arg12[%get3A_56, %get3A_57] : memref<1x128xf32, #tpu.memory_space<vmem>>, vector<1x128xf32>
    %mul3A_59 = vector.broadcast %get3A_58 : vector<1x128xf32> to vector<10000x128xf32>
    %mul3A_60 = arith.mulf %dot_general3A_55, %mul3A_59 : vector<10000x128xf32>
    %sub3A = arith.subf %add3A_40, %mul3A_60 : vector<10000x128xf32>
    %mul3A_61 = arith.mulf %sub3A, %sub3A : vector<10000x128xf32>
    %dot_general3A_62 = arith.constant dense<0.000000e+00> : vector<64x128xf32>
    %dot_general3A_63 = tpu.matmul %get3A_46, %mul3A_61, %dot_general3A_62 {dimension_numbers = #tpu.dot_dimension_numbers<[1], [0], [0], [1], [0, 0, 1, 1], [], []>, transpose_lhs_hint = false} : vector<64x10000xf32>, vector<10000x128xf32>, vector<64x128xf32> -> vector<64x128xf32>
    %mul3A_64 = vector.broadcast %get3A_49 : vector<64x1xf32> to vector<64x128xf32>
    %mul3A_65 = arith.mulf %dot_general3A_63, %mul3A_64 : vector<64x128xf32>
    %add3A_66 = arith.constant 9.99999993E-9 : f32
    %add3A_67 = vector.broadcast %add3A_66 : f32 to vector<64x128xf32>
    %add3A_68 = arith.addf %mul3A_65, %add3A_67 : vector<64x128xf32>
    %sqrt3A = math.sqrt %add3A_68 : vector<64x128xf32>
    %div3A = arith.constant 1.000000e+00 : f32
    %div3A_69 = vector.broadcast %div3A : f32 to vector<64x128xf32>
    %div3A_70 = arith.divf %div3A_69, %sqrt3A : vector<64x128xf32>
    %get3A_71 = arith.constant 0 : index
    %get3A_72 = arith.constant 0 : index
    %get3A_73 = vector.load %arg10[%get3A_71, %get3A_72] : memref<1x128xf32, #tpu.memory_space<vmem>>, vector<1x128xf32>
    %mul3A_74 = vector.broadcast %get3A_73 : vector<1x128xf32> to vector<10000x128xf32>
    %mul3A_75 = arith.mulf %mul3A_74, %sub3A : vector<10000x128xf32>
    %dot_general3A_76 = arith.constant dense<0.000000e+00> : vector<10000x128xf32>
    %dot_general3A_77 = tpu.matmul %get3A_43, %div3A_70, %dot_general3A_76 {dimension_numbers = #tpu.dot_dimension_numbers<[1], [0], [0], [1], [0, 0, 1, 1], [], []>, transpose_lhs_hint = false} : vector<10000x64xf32>, vector<64x128xf32>, vector<10000x128xf32> -> vector<10000x128xf32>
    %mul3A_78 = arith.mulf %mul3A_75, %dot_general3A_77 : vector<10000x128xf32>
    %get3A_79 = arith.constant 0 : index
    %get3A_80 = arith.constant 0 : index
    %get3A_81 = vector.load %arg11[%get3A_79, %get3A_80] : memref<1x128xf32, #tpu.memory_space<vmem>>, vector<1x128xf32>
    %add3A_82 = vector.broadcast %get3A_81 : vector<1x128xf32> to vector<10000x128xf32>
    %add3A_83 = arith.addf %mul3A_78, %add3A_82 : vector<10000x128xf32>
    %max3A_84 = arith.constant 0.000000e+00 : f32
    %max3A_85 = vector.broadcast %max3A_84 : f32 to vector<10000x128xf32>
    %max3A_86 = arith.maximumf %add3A_83, %max3A_85 : vector<10000x128xf32>
    %swap3A = arith.constant 0 : index
    %swap3A_87 = arith.constant 0 : index
    %swap3A_88 = vector.load %arg17[%swap3A, %swap3A_87] : memref<10000x128xf32, #tpu.memory_space<vmem>>, vector<10000x128xf32>
    tpu.vector_store %arg17[%swap3A, %swap3A_87], %max3A_86 {strides = array<i32>} : memref<10000x128xf32, #tpu.memory_space<vmem>>, vector<10000x128xf32>,
    %get3A_89 = arith.constant 0 : index
    %get3A_90 = arith.constant 0 : index
    %get3A_91 = vector.load %arg13[%get3A_89, %get3A_90] : memref<128x128xf32, #tpu.memory_space<vmem>>, vector<128x128xf32>
    %dot_general3A_92 = arith.constant dense<0.000000e+00> : vector<10000x128xf32>
    %dot_general3A_93 = tpu.matmul %max3A_86, %get3A_91, %dot_general3A_92 {dimension_numbers = #tpu.dot_dimension_numbers<[1], [0], [0], [1], [0, 0, 1, 1], [], []>, transpose_lhs_hint = false} : vector<10000x128xf32>, vector<128x128xf32>, vector<10000x128xf32> -> vector<10000x128xf32>
    %get3A_94 = arith.constant 0 : index
    %get3A_95 = arith.constant 0 : index
    %get3A_96 = vector.load %arg14[%get3A_94, %get3A_95] : memref<1x128xf32, #tpu.memory_space<vmem>>, vector<1x128xf32>
    %add3A_97 = vector.broadcast %get3A_96 : vector<1x128xf32> to vector<10000x128xf32>
    %add3A_98 = arith.addf %dot_general3A_93, %add3A_97 : vector<10000x128xf32>
    %max3A_99 = arith.constant 0.000000e+00 : f32
    %max3A_100 = vector.broadcast %max3A_99 : f32 to vector<10000x128xf32>
    %max3A_101 = arith.maximumf %add3A_98, %max3A_100 : vector<10000x128xf32>
    %get3A_102 = arith.constant 0 : index
    %get3A_103 = arith.constant 0 : index
    %get3A_104 = vector.load %arg15[%get3A_102, %get3A_103] : memref<128x64xf32, #tpu.memory_space<vmem>>, vector<128x64xf32>
    %dot_general3A_105 = arith.constant dense<0.000000e+00> : vector<10000x64xf32>
    %dot_general3A_106 = tpu.matmul %max3A_101, %get3A_104, %dot_general3A_105 {dimension_numbers = #tpu.dot_dimension_numbers<[1], [0], [0], [1], [0, 0, 1, 1], [], []>, transpose_lhs_hint = false} : vector<10000x128xf32>, vector<128x64xf32>, vector<10000x64xf32> -> vector<10000x64xf32>
    %get3A_107 = arith.constant 0 : index
    %get3A_108 = arith.constant 0 : index
    %get3A_109 = vector.load %arg16[%get3A_107, %get3A_108] : memref<1x64xf32, #tpu.memory_space<vmem>>, vector<1x64xf32>
    %add3A_110 = vector.broadcast %get3A_109 : vector<1x64xf32> to vector<10000x64xf32>
    %add3A_111 = arith.addf %dot_general3A_106, %add3A_110 : vector<10000x64xf32>
    %dot_general3A_112 = arith.constant dense<0.000000e+00> : vector<64x64xf32>
    %dot_general3A_113 = tpu.matmul %get3A_46, %add3A_111, %dot_general3A_112 {dimension_numbers = #tpu.dot_dimension_numbers<[1], [0], [0], [1], [0, 0, 1, 1], [], []>, transpose_lhs_hint = false} : vector<64x10000xf32>, vector<10000x64xf32>, vector<64x64xf32> -> vector<64x64xf32>
    %swap3A_114 = arith.constant 0 : index
    %swap3A_115 = arith.constant 0 : index
    %swap3A_116 = vector.load %arg18[%swap3A_114, %swap3A_115] : memref<64x64xf32, #tpu.memory_space<vmem>>, vector<64x64xf32>
    tpu.vector_store %arg18[%swap3A_114, %swap3A_115], %dot_general3A_113 {strides = array<i32>} : memref<64x64xf32, #tpu.memory_space<vmem>>, vector<64x64xf32>,
    return
  }
}

</mosaic_0001>

<sc_bundles>
// kernel: kernel.12.cloned.1.call-start
scs
__scs_entry_jumppad:
0x0: {  	(pc) =	sbr.rel $0x88, $3  }
0x1: {  	(tag) =	ssettag $0x0;
	lr =	simm.s32 $0x1  }
0x2: {  	[smem:$0x3F7A] =	sst lr;
	_ =	strace $0xD0000000  }
0x3: {  	_ = 	snop  }
0x4: {  	_ = 	snop  }
0x5: {  	_ = 	snop  }
0x6: {  	_ = 	snop  }
0x7: {  	_ = 	snop  }
__scs_overlays_trampoline_lowered:
0x8: {  	[smem:$0x3F89] =	sst s0  }
0x9: {  	[smem:$0x3F8A] =	sst s1  }
0xa: {  	[smem:$0x3F8B] =	sst s2  }
0xb: {  	[smem:$0x3F8C] =	sst s3  }
0xc: {  	[smem:$0x3F8D] =	sst s4  }
0xd: {  	[smem:$0x3F8E] =	sst s5  }
0xe: {  	[smem:$0x3F8F] =	sst s6  }
0xf: {  	[smem:$0x3F90] =	sst s7  }
0x10: {  	[smem:$0x3F91] =	sst s8  }
0x11: {  	[smem:$0x3F92] =	sst s9;
	s0 =	simm.s32 @!p0 $0x0  }
0x12: {  	s1 =	sld [smem:$0x3F78];
	s0 =	simm.s32 @p0 $0x1  }
0x13: {  	[smem:$0x3F93] =	sst s0;
	s0 =	simm.s32 @!p1 $0x0  }
0x14: {  	s2 =	sld [smem:$0x3F77];
	s0 =	simm.s32 @p1 $0x1  }
0x15: {  	[smem:$0x3F94] =	sst s0;
	s0 =	simm.s32 @!p2 $0x0  }
0x16: {  	s3 =	sld [smem:$0x3FDB];
	s0 =	simm.s32 @p2 $0x1  }
0x17: {  	s4 =	simm.s32 $0x1BF5;
	[smem:$0x3F96] =	sst s0  }
0x18: {  	s0 =	sld [smem:$0x3F79];
	_ =	swait.ge [sflag:s4], $0x0  }
0x19: {  	s7 =	sld [smem:$0x3F7A]  }
0x1a: {  	s8 =	sadd.s32 $0xFFFFE003, lr  }
0x1b: {  	s9 =	sadd.s32 $0xFFFFFEF7, lr;
	s5 =	simm.s32 $0xFFFFFFFF;
	p2 =	slt.u32 s8, $0xFFFFF086  }
0x1c: {  	p1 =	slt.u32 s9, $0xF7A;
	s5 =	simm.s32 @!p2 $0x0  }
0x1d: {  	s5 =	simm.s32 @p1 $0x1;
	p0 =	seq.s32 s7, s2  }
0x1e: {  	s7 =	smul.u32 @!p0 $0xF7A, s2;
	p2 =	seq.s32 @!p0 s5, $0x0  }
0x1f: {  	s9 =	smul.u32 $0xF7A, s1;
	s8 =	simm.s32 @!p0 $0x1BF5;
	p2 =	por !p2, p0  }
0x20: {  	[sflag:s8] =	ssyncset.s32 @!p0 $0xFFFFF086;
	s6 =	sadd.s32 @!p0 s3, s7;
	s7 =	simm.s32 @!p0 $0x108  }
0x21: {  	s3 =	sadd.s32 s3, s9;
	s6 =	sadd.s32 @!p0 $0x88, s6;
	s7 =	simm.s32 @p2 $0x1082  }
0x22: {  	[simem:s7], [sflag:s8] =	dma.local @!p0 [hbm:s6], $0xF7A  }
0x23: {  	s9 =	sor.u32 $0xD0000000, s2;
	s6 =	simm.s32 $0x108;
	_ =	swait.ge @!p0 [sflag:s8], $0x0  }
0x24: {  	s3 =	sadd.s32 $0x88, s3;
	s6 =	simm.s32 @!p1 $0x1082;
	[sflag:s4] =	ssyncset.s32 $0xFFFFF086  }
0x25: {  	[simem:s6], [sflag:s4] =	dma.local [hbm:s3], $0xF7A  }
0x26: {  	[smem:$0x3F7A] =	sst s1;
	(tag) =	ssettag s2;
	_ =	strace s9  }
0x27: {  	s1 =	sld [smem:$0x3F8A]  }
0x28: {  	s2 =	sld [smem:$0x3F8B]  }
0x29: {  	s4 =	sld [smem:$0x3F8D]  }
0x2a: {  	p0 =	seq.s32 s5, $0x0;
	s5 =	sld [smem:$0x3F8E]  }
0x2b: {  	s6 =	sld [smem:$0x3F8F]  }
0x2c: {  	s7 =	sld [smem:$0x3F90]  }
0x2d: {  	s3 =	simm.s32 $0x108;
	s8 =	sld [smem:$0x3F91]  }
0x2e: {  	s3 =	simm.s32 @!p0 $0x1082;
	s9 =	sld [smem:$0x3F92]  }
0x2f: {  	lr =	sadd.s32 s0, s3;
	s0 =	sld [smem:$0x3F89]  }
0x30: {  	s3 =	sld [smem:$0x3F8C]  }
0x31: {  	[smem:$0x3F95] =	sst s10  }
0x32: {  	s10 =	sld [smem:$0x3F93];
	_ =	sdelay $0x3  }
0x33: {  	p0 =	seq.s32 s10, $0x1;
	s10 =	sld [smem:$0x3F95];
	_ =	sdelay $0x3  }
0x34: {  	[smem:$0x3F95] =	sst s10  }
0x35: {  	s10 =	sld [smem:$0x3F94];
	_ =	sdelay $0x3  }
0x36: {  	p1 =	seq.s32 s10, $0x1;
	s10 =	sld [smem:$0x3F95];
	_ =	sdelay $0x3  }
0x37: {  	[smem:$0x3F95] =	sst s10  }
0x38: {  	s10 =	sld [smem:$0x3F96]  }
0x39: {  	_ = 	snop;
	(pc) =	sbr.ind lr, $3  }
0x3a: {  	_ = 	snop  }
0x3b: {  	_ = 	snop  }
0x3c: {  	p2 =	seq.s32 s10, $0x1;
	s10 =	sld [smem:$0x3F95]  }
0x3d: {  	_ =	shalt  }
0x3e: {  	_ =	shalt  }
0x3f: {  	_ =	shalt  }
0x40: {  	_ =	shalt  }
0x41: {  	_ =	shalt  }
0x42: {  	_ =	shalt  }
0x43: {  	_ =	shalt  }
0x44: {  	_ =	shalt  }
0x45: {  	_ =	shalt  }
0x46: {  	_ =	shalt  }
0x47: {  	_ =	shalt  }
0x48: {  	_ =	shalt  }
0x49: {  	_ =	shalt  }
0x4a: {  	_ =	shalt  }
0x4b: {  	_ =	shalt  }
0x4c: {  	_ =	shalt  }
0x4d: {  	_ =	shalt  }
0x4e: {  	_ =	shalt  }
0x4f: {  	_ =	shalt  }
0x50: {  	_ =	shalt  }
0x51: {  	_ =	shalt  }
0x52: {  	_ =	shalt  }
0x53: {  	_ =	shalt  }
0x54: {  	_ =	shalt  }
0x55: {  	_ =	shalt  }
0x56: {  	_ =	shalt  }
0x57: {  	_ =	shalt  }
0x58: {  	_ =	shalt  }
0x59: {  	_ =	shalt  }
0x5a: {  	_ =	shalt  }
0x5b: {  	_ =	shalt  }
0x5c: {  	_ =	shalt  }
0x5d: {  	_ =	shalt  }
0x5e: {  	_ =	shalt  }
0x5f: {  	_ =	shalt  }
0x60: {  	_ =	shalt  }
0x61: {  	_ =	shalt  }
0x62: {  	_ =	shalt  }
0x63: {  	_ =	shalt  }
0x64: {  	_ =	shalt  }
0x65: {  	_ =	shalt  }
0x66: {  	_ =	shalt  }
0x67: {  	_ =	shalt  }
0x68: {  	_ =	shalt  }
0x69: {  	_ =	shalt  }
0x6a: {  	_ =	shalt  }
0x6b: {  	_ =	shalt  }
0x6c: {  	_ =	shalt  }
0x6d: {  	_ =	shalt  }
0x6e: {  	_ =	shalt  }
0x6f: {  	_ =	shalt  }
0x70: {  	_ =	shalt  }
0x71: {  	_ =	shalt  }
0x72: {  	_ =	shalt  }
0x73: {  	_ =	shalt  }
0x74: {  	_ =	shalt  }
0x75: {  	_ =	shalt  }
0x76: {  	_ =	shalt  }
0x77: {  	_ =	shalt  }
0x78: {  	_ =	shalt  }
0x79: {  	_ =	shalt  }
0x7a: {  	_ =	shalt  }
0x7b: {  	_ =	shalt  }
0x7c: {  	_ =	shalt  }
0x7d: {  	_ =	shalt  }
0x7e: {  	_ =	shalt  }
0x7f: {  	_ =	shalt  }
0x80: {  	_ =	shalt  }
0x81: {  	_ =	shalt  }
0x82: {  	_ =	shalt  }
0x83: {  	_ =	shalt  }
0x84: {  	_ =	shalt  }
0x85: {  	_ =	shalt  }
0x86: {  	_ =	shalt  }
0x87: {  	_ =	shalt  }
.Lfunc_end0:
.L_simem_size_0:
called_computation.1_lowered:
.L_overlay_start_0:
0x88: {  	s2 =	sld [smem:$0x3FD9]  }
0x89: {  	s3 =	sld [smem:$0x3FFE];
	_ =	sdelay $0x1  }
0x8a: {  	s1 =	srdreg.scid  }
0x8b: {  	s0 =	sand.u32 $0x1, s1  }
0x8c: {  	s16 =	sshll.u32 s0, $0xA;
	s2 =	sadd.s32 s3, s2  }
0x8d: {  	s2 =	sadd.s32 s2, s16  }
0x8e: {  	[smem:$0x3FA1] =	sst s2  }
0x8f: {  	_ = 	snop  }
0x90: {  	(tm) =	ssettm $0x1  }
0x91: {  	s17 =	sld [smem:$0x3FFB];
	_ =	sdelay $0x3  }
0x92: {  	_ =	strace s17  }
0x93: {  	s2 =	sld [smem:$0x3FFC];
	_ =	sdelay $0x3  }
0x94: {  	_ =	strace s2  }
0x95: {  	s2 =	sld [smem:$0x3FFD];
	_ =	sdelay $0x3  }
0x96: {  	_ =	strace s2  }
0x97: {  	_ =	strace $0x8FFFFFFF  }
0x98: {  	s18 =	sld [smem:$0x3FDB];
	_ =	sdelay $0x1  }
0x99: {  	s19 =	simm.s32 $_scs_section_size  }
0x9a: {  	s4 =	simm.s32 $_size__tile_overlayer_lowered;
	s5 =	simm.s32 $_tile_overlayer_lowered  }
0x9b: {  	s22 =	simm.s32 $0x1BFF;
	s21 =	sshll.u32 s5, $0x1;
	s2 =	sadd.s32 s19, s18  }
0x9c: {  	s6 =	simm.s32 $0x0;
	s20 =	sshll.u32 s4, $0x1;
	s4 =	sadd.s32 s21, s2  }
0x9d: {  	[timem:s6], [sflag:s22] =	dma.local [hbm:s4], s20  }
0x9e: {  	_ =	swait.ge [sflag:s22], s20  }
0x9f: {  	s3 =	ssub.s32 $0x0, s20;
	[sflag:s22] =	ssyncset.done $0x0  }
0xa0: {  	[sflag:s22] =	ssyncadd.s32 s3;
	_ =	sdelay $0x1  }
0xa1: {  	s23 =	simm.s32 $0x1B8B  }
0xa2: {  	_ =	swait.ge [sflag:s23], $0x1  }
0xa3: {  	[sflag:s23] =	ssyncset.done $0x0  }
0xa4: {  	s25 =	simm.s32 $0x1B8E;
	s24 =	sld [smem:$0x3FFE];
	[sflag:s23] =	ssyncadd.s32 $0xFFFFFFFF  }
0xa5: {  	s26 =	simm.s32 $execute0_lowered;
	[smem:$0x3FD2] =	sst s25  }
0xa6: {  	s4 =	sshll.u32 s26, $0x1;
	_ =	strace $0x80000049;
	[dreg:$0x1] =	wrdreg $0xFFFFFFFF  }
0xa7: {  	s28 =	simm.s32 $_size_execute0_lowered;
	s2 =	sadd.s32 s2, s4;
	[dreg:$0x0] =	wrdreg $0x0  }
0xa8: {  	s4 =	sshll.u32 s28, $0x1;
	[dreg:$0x2] =	wrdreg s2  }
0xa9: {  	[dreg:$0x3] =	wrdreg s4  }
0xaa: {  	[dreg:$0x4] =	wrdreg $0xC0  }
0xab: {  	_ =	task [dreg:s6], $0x5FFFF  }
0xac: {  	[dreg:$0x1] =	wrdreg $0xFFFFFFFF  }
0xad: {  	[dreg:$0x0] =	wrdreg $0x60  }
0xae: {  	[dreg:$0x2] =	wrdreg s24  }
0xaf: {  	[dreg:$0x3] =	wrdreg $0x7B000  }
0xb0: {  	[dreg:$0x4] =	wrdreg $0x9  }
0xb1: {  	_ =	task.clear_ibuf [dreg:s6], $0x5FFFF;
	_ =	strace $0x90000049  }
0xb2: {  	s29 =	simm.s32 $0x9;
	_ =	strace $0x8000004B  }
0xb3: {  	_ =	swait.ge [sflag:s29], $0x1  }
0xb4: {  	[sflag:s29] =	ssyncadd.s32 $0xFFFFFFFF  }
0xb5: {  	_ =	strace $0x9000004B  }
0xb6: {  	_ =	sfence  }
0xb7: {  	s30 =	sld [smem:$0x0];
	_ =	sdelay $0x2  }
0xb8: {  	s31 =	sshll.u32 s1, $0xD;
	s1 =	sshrl.u32 s1, $0x2  }
0xb9: {  	s3 =	sand.u32 $0x4000, s31;
	s1 =	sadd.s32 s1, s30  }
0xba: {  	s0 =	sor.u32 s3, s0;
	s1 =	sshll.u32 s1, $0x11  }
0xbb: {  	s0 =	sor.u32 s1, s0  }
0xbc: {  	s0 =	sadd.s32 $0x8F2B, s0  }
0xbd: {  	[sflag:s0] =	ssyncadd.remote.s32 $0x1  }
0xbe: {  	_ =	sfence.sel $0xFFFF  }
0xbf: {  	[dreg:$0x0] =	wrdreg $0xFFFFFFFF;
	(pc) =	sbr.abs _section_cstart, $3  }
0xc0: {  	[dreg:$0x1] =	wrdreg $0xFFFFFFFF  }
0xc1: {  	_ =	task.clear_ibuf [dreg:s6], $0x2FFFF;
	_ =	strace $0x9FFFFFFF  }
0xc2: {  	(tm) =	ssettm $0x7FFFFFFF  }
0xc3: {  	_ =	shalt  }
tec
execute0_lowered:
.L_overlay_start_1:
0x0: {  	(tag) =	ssettag $0x1  }
0x1: {  	s0 =	rddreg [dreg:$0x0]  }
0x2: {  	s1 =	rddreg [dreg:$0x1]  }
0x3: {  	s2 =	simm.s32 $0x0;
	s3 =	srdreg.scid;
	s11 =	stileid.u32  }
0x4: {  	s28 =	simm.s32 $0x300;
	s29 =	simm.s32 $0x8;
	s30 =	simm.s32 $0x2B00  }
0x5: {  	s31 =	simm.s32 $0x4;
	[smem:$0x7FF] =	sst s2;
	s4 =	sadd.s32 $0x28800, s0  }
0x6: {  	s5 =	sadd.s32 $0x6C00, s0;
	s3 =	sand.u32 $0x1, s3;
	s7 =	smul.u32 $0x2780, s11  }
0x7: {  	s6 =	sadd.s32 $0x16600, s0;
	s10 =	sadd.s32 $0x26000, s0;
	s20 =	smul.u32 $0x4F000, s11  }
0x8: {  	s24 =	smul.u32 $0x3E80, s11;
	s25 =	sshll.u32 s11, $0x6;
	_ =	strace $0x8000004A  }
0x9: {  	s8 =	smul.u32 $0x27800, s3;
	s9 =	sshll.u32 s3, $0x4;
	[dreg:$0x7] =	wrdreg s10  }
0xa: {  	s21 =	ssub.s32 $0x2, s3;
	s3 =	smul.u32 $0x3E800, s3;
	s13 =	sor.u32 $0x1C0A, s25  }
0xb: {  	s9 =	sor.u32 s11, s9;
	s22 =	sshrl.u32 s21, $0x1;
	s23 =	sshrl.u32 s20, $0x2  }
0xc: {  	s11 =	simm.s32 $0x6;
	[dreg:$0x9] =	wrdreg s13;
	s7 =	sadd.s32 s7, s8  }
0xd: {  	s9 =	smul.u32 $0x3E80, s9;
	s8 =	sadd.s32 s23, s1;
	s3 =	sadd.s32 s24, s3  }
0xe: {  	s0 =	sadd.s32 s7, s0;
	s7 =	ssub.s32 s21, s22;
	s10 =	sadd.s32 $0x280, s3  }
0xf: {  	[dreg:$0x8] =	wrdreg s8;
	s26 =	sshrl.u32 s9, $0x3;
	s17 =	sshrl.u32 s10, $0x3  }
0x10: {  	s0 =	sadd.s32 $0x4FA00, s0;
	s25 =	smax.u32 s7, $0x1;
	s7 =	simm.s32 $0x5300  }
0x11: {  	s10 =	simm.s32 $0x2;
	s12 =	sadd.s32 s6, s26;
	s14 =	sadd.s32 s5, s26  }
0x12: {  	s15 =	sadd.s32 $0x10, s26;
	s18 =	sadd.s32 $0x20, s26;
	[dreg:$0x10] =	wrdreg s0  }
0x13: {  	s19 =	sadd.s32 s17, s5;
	[dreg:$0x11] =	wrdreg s25;
	s26 =	sadd.s32 $0x180, s3  }
0x14: {  	s25 =	simm.s32 $0x7;
	s0 =	simm.s32 $0x1;
	[dreg:$0xa] =	wrdreg s12  }
0x15: {  	[dreg:$0xb] =	wrdreg s14;
	s16 =	sadd.s32 s6, s15;
	s8 =	sadd.s32 s5, s15  }
0x16: {  	s12 =	sadd.s32 $0x200, s3;
	[dreg:$0x3] =	wrdreg s19;
	s21 =	sadd.s32 s6, s18  }
0x17: {  	s23 =	sadd.s32 s5, s18;
	[dreg:$0x12] =	wrdreg s26;
	s19 =	simm.s32 $0xA  }
0x18: {  	s14 =	simm.s32 $0x280;
	s26 =	simm.s32 $0x50;
	[dreg:$0xc] =	wrdreg s16  }
0x19: {  	s3 =	simm.s32 $0x9;
	s15 =	simm.s32 $0x0;
	[dreg:$0xd] =	wrdreg s8  }
0x1a: {  	s8 =	sadd.s32 s17, s6;
	s20 =	sshrl.u32 s12, $0x3;
	[dreg:$0xe] =	wrdreg s21  }
0x1b: {  	[dreg:$0xf] =	wrdreg s23;
	s21 =	simm.s32 $0x200;
	s12 =	simm.s32 $0x3  }
0x1c: {  	[dreg:$0x4] =	wrdreg s8;
	s22 =	sadd.s32 s20, s5;
	s24 =	sadd.s32 s20, s6  }
0x1d: {  	s20 =	simm.s32 $0x180;
	s8 =	simm.s32 $0x5;
	[dreg:$0x5] =	wrdreg s22  }
0x1e: {  	[dreg:$0x6] =	wrdreg s24;
	s22 =	simm.s32 $0x80;
	s24 =	simm.s32 $0x100  }
.LBB2_1:
0x1f: {  	[dreg:$0x13] =	wrdreg s15  }
0x20: {  	s9 =	rddreg [dreg:$0x8]  }
0x21: {  	s23 =	rddreg [dreg:$0x7];
	s18 =	sshrl.u32 s9, $0x3  }
0x22: {  	[dreg:$0x14] =	wrdreg s18  }
0x23: {  	[spmem:s18], [sflag:s13] =	dma.local [hbm:s23], $0x2780  }
0x24: {  	_ =	swait.ge [sflag:s19], $0x2780  }
0x25: {  	[sflag:s19] =	ssyncset.done $0x0  }
0x26: {  	[sflag:s19] =	ssyncadd.s32 $0xFFFFD880  }
0x27: {  	[bflag:$0x0] =	sbarrier.arrive $0xFFFF  }
0x28: {  	s16 =	rddreg [dreg:$0xa]  }
0x29: {  	[tilespmem:s20], [sflag:$0x4] =	stream.linear.gather [hbm4b:s16+s2], $0x80, $0x38;
	[tilespmem:$0x1B700] =	vst v63  }
0x2a: {  	s17 =	rddreg [dreg:$0xb]  }
0x2b: {  	[tilespmem:s2], [sflag:$0x7] =	stream.linear.gather [hbm4b:s17+s2], $0x80, $0x38;
	[tilespmem:$0x1B700] =	vst v63  }
0x2c: {  	s18 =	rddreg [dreg:$0xc]  }
0x2d: {  	[tilespmem:s21], [sflag:$0x5] =	stream.linear.gather [hbm4b:s18+s2], $0x80, $0x38;
	[tilespmem:$0x1B700] =	vst v63  }
0x2e: {  	s23 =	rddreg [dreg:$0xd]  }
0x2f: {  	[tilespmem:s22], [sflag:$0x8] =	stream.linear.gather [hbm4b:s23+s2], $0x80, $0x38;
	[tilespmem:$0x1B700] =	vst v63  }
0x30: {  	s13 =	rddreg [dreg:$0xe]  }
0x31: {  	[tilespmem:s14], [sflag:$0x6] =	stream.linear.gather [hbm4b:s13+s2], $0x80, $0x38;
	[tilespmem:$0x1B700] =	vst v63  }
0x32: {  	s15 =	rddreg [dreg:$0xf]  }
0x33: {  	[tilespmem:s24], [sflag:$0x9] =	stream.linear.gather [hbm4b:s15+s2], $0x80, $0x38;
	[tilespmem:$0x1B700] =	vst v63  }
0x34: {  	_ =	swait.ge [sflag:s25], $0x80  }
0x35: {  	[sflag:s25] =	ssyncset.done $0x0  }
0x36: {  	[sflag:s25] =	ssyncadd.s32 $0xFFFFFF80  }
0x37: {  	[tilespmem:s28], [sflag:$0x1] =	stream.indirect.gather [hbm4b:s4+s26], $0x80, s2, s26, $0xb8;
	[tilespmem:$0x1B700] =	vst v63  }
0x38: {  	_ =	swait.ge [sflag:s29], $0x80  }
0x39: {  	[sflag:s29] =	ssyncset.done $0x0  }
0x3a: {  	[sflag:s29] =	ssyncadd.s32 $0xFFFFFF80  }
0x3b: {  	[tilespmem:s30], [sflag:$0x2] =	stream.indirect.gather [hbm4b:s4+s26], $0x80, s22, s26, $0xb8;
	[tilespmem:$0x1B700] =	vst v63  }
0x3c: {  	_ =	swait.ge [sflag:s31], $0x80  }
0x3d: {  	[sflag:s31] =	ssyncset.done $0x0  }
0x3e: {  	[sflag:s31] =	ssyncadd.s32 $0xFFFFFF80  }
0x3f: {  	_ =	swait.ge [sflag:s0], $0x2800  }
0x40: {  	[sflag:s0] =	ssyncset.done $0x0  }
0x41: {  	[sflag:s0] =	ssyncadd.s32 $0xFFFFD800  }
0x42: {  	[spmem:s1] =	stream.indirect.scatter.add.f32 [tilespmem:s28], [sflag:$0xA], $0x80, s20, s26, $0xb8;
	[tilespmem:$0x1B700] =	vst v63  }
0x43: {  	_ =	swait.ge [sflag:s19], $0x2800  }
0x44: {  	s13 =	rddreg [dreg:$0x12]  }
0x45: {  	[sflag:s19] =	ssyncset.done $0x0;
	s16 =	sshrl.u32 s13, $0x3  }
0x46: {  	[sflag:s19] =	ssyncadd.s32 $0xFFFFD800;
	s17 =	sadd.s32 s6, s16  }
0x47: {  	[tilespmem:s20], [sflag:$0x4] =	stream.linear.gather [hbm4b:s17+s2], $0x80, $0x38;
	[tilespmem:$0x1B700] =	vst v63  }
0x48: {  	s15 =	sadd.s32 s5, s16  }
0x49: {  	[tilespmem:s2], [sflag:$0x7] =	stream.linear.gather [hbm4b:s15+s2], $0x80, $0x38;
	[tilespmem:$0x1B700] =	vst v63  }
0x4a: {  	_ =	swait.ge [sflag:s3], $0x80  }
0x4b: {  	[sflag:s3] =	ssyncset.done $0x0  }
0x4c: {  	[sflag:s3] =	ssyncadd.s32 $0xFFFFFF80  }
0x4d: {  	[tilespmem:s7], [sflag:$0x3] =	stream.indirect.gather [hbm4b:s4+s26], $0x80, s24, s26, $0xb8;
	[tilespmem:$0x1B700] =	vst v63  }
0x4e: {  	_ =	swait.ge [sflag:s8], $0x80  }
0x4f: {  	[sflag:s8] =	ssyncset.done $0x0  }
0x50: {  	[sflag:s8] =	ssyncadd.s32 $0xFFFFFF80  }
0x51: {  	_ =	swait.ge [sflag:s10], $0x2800  }
0x52: {  	[sflag:s10] =	ssyncset.done $0x0  }
0x53: {  	[sflag:s10] =	ssyncadd.s32 $0xFFFFD800  }
0x54: {  	[spmem:s1] =	stream.indirect.scatter.add.f32 [tilespmem:s30], [sflag:$0xA], $0x80, s21, s26, $0xb8;
	[tilespmem:$0x1B700] =	vst v63  }
0x55: {  	_ =	swait.ge [sflag:s19], $0x2800  }
0x56: {  	s17 =	rddreg [dreg:$0x6];
	[sflag:s19] =	ssyncset.done $0x0  }
0x57: {  	s18 =	rddreg [dreg:$0x5];
	[sflag:s19] =	ssyncadd.s32 $0xFFFFD800;
	s15 =	sadd.s32 $0x0, s17  }
0x58: {  	[tilespmem:s21], [sflag:$0x5] =	stream.linear.gather [hbm4b:s15+s2], $0x80, $0x38;
	[tilespmem:$0x1B700] =	vst v63  }
0x59: {  	s23 =	sadd.s32 $0x0, s18  }
0x5a: {  	[tilespmem:s22], [sflag:$0x8] =	stream.linear.gather [hbm4b:s23+s2], $0x80, $0x38;
	[tilespmem:$0x1B700] =	vst v63  }
0x5b: {  	_ =	swait.ge [sflag:s25], $0x80  }
0x5c: {  	[sflag:s25] =	ssyncset.done $0x0  }
0x5d: {  	[sflag:s25] =	ssyncadd.s32 $0xFFFFFF80  }
0x5e: {  	[tilespmem:s28], [sflag:$0x1] =	stream.indirect.gather [hbm4b:s4+s26], $0x80, s2, s26, $0xb8;
	[tilespmem:$0x1B700] =	vst v63  }
0x5f: {  	_ =	swait.ge [sflag:s11], $0x80  }
0x60: {  	[sflag:s11] =	ssyncset.done $0x0  }
0x61: {  	[sflag:s11] =	ssyncadd.s32 $0xFFFFFF80  }
0x62: {  	_ =	swait.ge [sflag:s12], $0x2800  }
0x63: {  	[sflag:s12] =	ssyncset.done $0x0  }
0x64: {  	p0 =	por $0x0, $0x0;
	[sflag:s12] =	ssyncadd.s32 $0xFFFFD800  }
0x65: {  	[spmem:s1] =	stream.indirect.scatter.add.f32 [tilespmem:s7], [sflag:$0xA], $0x80, s14, s26, $0xb8;
	[tilespmem:$0x1B700] =	vst v63  }
0x66: {  	s9 =	simm.s32 @!p0 $0x280;
	_ =	swait.ge [sflag:s19], $0x2800  }
0x67: {  	s18 =	simm.s32 @!p0 $0x0;
	s15 =	rddreg [dreg:$0x4];
	[sflag:s19] =	ssyncset.done $0x0  }
0x68: {  	s17 =	rddreg [dreg:$0x3];
	[sflag:s19] =	ssyncadd.s32 $0xFFFFD800;
	s15 =	sadd.s32 @!p0 $0x0, s15  }
0x69: {  	[tilespmem:s9], [sflag:$0x6] =	stream.linear.gather @!p0 [hbm4b:s15+s18], $0x80, $0x38;
	[tilespmem:$0x1B700] =	vst v63  }
0x6a: {  	s9 =	simm.s32 @!p0 $0x100;
	s15 =	sadd.s32 @!p0 $0x0, s17  }
0x6b: {  	[tilespmem:s9], [sflag:$0x9] =	stream.linear.gather @!p0 [hbm4b:s15+s18], $0x80, $0x38;
	[tilespmem:$0x1B700] =	vst v63  }
0x6c: {  	_ =	swait.ge [sflag:s29], $0x80  }
0x6d: {  	s15 =	simm.s32 $0x30;
	s18 =	smov.u32 s13;
	[sflag:s29] =	ssyncset.done $0x0  }
.LBB2_2:
0x6e: {  	[sflag:s29] =	ssyncadd.s32 $0xFFFFFF80  }
0x6f: {  	[tilespmem:s30], [sflag:$0x2] =	stream.indirect.gather [hbm4b:s4+s26], $0x80, s22, s26, $0xb8;
	[tilespmem:$0x1B700] =	vst v63  }
0x70: {  	_ =	swait.ge [sflag:s31], $0x80  }
0x71: {  	[sflag:s31] =	ssyncset.done $0x0  }
0x72: {  	[sflag:s31] =	ssyncadd.s32 $0xFFFFFF80  }
0x73: {  	_ =	swait.ge [sflag:s0], $0x2800  }
0x74: {  	[sflag:s0] =	ssyncset.done $0x0  }
0x75: {  	[sflag:s0] =	ssyncadd.s32 $0xFFFFD800  }
0x76: {  	[spmem:s1] =	stream.indirect.scatter.add.f32 [tilespmem:s28], [sflag:$0xA], $0x80, s20, s26, $0xb8;
	[tilespmem:$0x1B700] =	vst v63  }
0x77: {  	s18 =	sadd.s32 $0x180, s18;
	_ =	swait.ge [sflag:s19], $0x2800  }
0x78: {  	s9 =	sshrl.u32 s18, $0x3;
	[sflag:s19] =	ssyncset.done $0x0  }
0x79: {  	s16 =	sadd.s32 s6, s9;
	[sflag:s19] =	ssyncadd.s32 $0xFFFFD800  }
0x7a: {  	[tilespmem:s20], [sflag:$0x4] =	stream.linear.gather [hbm4b:s16+s2], $0x80, $0x38;
	[tilespmem:$0x1B700] =	vst v63  }
0x7b: {  	s9 =	sadd.s32 s5, s9  }
0x7c: {  	[tilespmem:s2], [sflag:$0x7] =	stream.linear.gather [hbm4b:s9+s2], $0x80, $0x38;
	[tilespmem:$0x1B700] =	vst v63  }
0x7d: {  	_ =	swait.ge [sflag:s3], $0x80  }
0x7e: {  	[sflag:s3] =	ssyncset.done $0x0  }
0x7f: {  	[sflag:s3] =	ssyncadd.s32 $0xFFFFFF80  }
0x80: {  	[tilespmem:s7], [sflag:$0x3] =	stream.indirect.gather [hbm4b:s4+s26], $0x80, s24, s26, $0xb8;
	[tilespmem:$0x1B700] =	vst v63  }
0x81: {  	_ =	swait.ge [sflag:s8], $0x80  }
0x82: {  	[sflag:s8] =	ssyncset.done $0x0  }
0x83: {  	[sflag:s8] =	ssyncadd.s32 $0xFFFFFF80  }
0x84: {  	_ =	swait.ge [sflag:s10], $0x2800  }
0x85: {  	[sflag:s10] =	ssyncset.done $0x0  }
0x86: {  	[sflag:s10] =	ssyncadd.s32 $0xFFFFD800  }
0x87: {  	[spmem:s1] =	stream.indirect.scatter.add.f32 [tilespmem:s30], [sflag:$0xA], $0x80, s21, s26, $0xb8;
	[tilespmem:$0x1B700] =	vst v63  }
0x88: {  	_ =	swait.ge [sflag:s19], $0x2800  }
0x89: {  	s17 =	smov.u32 s15;
	s23 =	rddreg [dreg:$0x6];
	[sflag:s19] =	ssyncset.done $0x0  }
0x8a: {  	s13 =	rddreg [dreg:$0x5];
	[sflag:s19] =	ssyncadd.s32 $0xFFFFD800;
	s9 =	sadd.s32 s17, s23  }
0x8b: {  	[tilespmem:s21], [sflag:$0x5] =	stream.linear.gather [hbm4b:s9+s2], $0x80, $0x38;
	[tilespmem:$0x1B700] =	vst v63  }
0x8c: {  	s23 =	sadd.s32 s17, s13  }
0x8d: {  	[tilespmem:s22], [sflag:$0x8] =	stream.linear.gather [hbm4b:s23+s2], $0x80, $0x38;
	[tilespmem:$0x1B700] =	vst v63  }
0x8e: {  	_ =	swait.ge [sflag:s25], $0x80  }
0x8f: {  	[sflag:s25] =	ssyncset.done $0x0  }
0x90: {  	[sflag:s25] =	ssyncadd.s32 $0xFFFFFF80  }
0x91: {  	[tilespmem:s28], [sflag:$0x1] =	stream.indirect.gather [hbm4b:s4+s26], $0x80, s2, s26, $0xb8;
	[tilespmem:$0x1B700] =	vst v63  }
0x92: {  	_ =	swait.ge [sflag:s11], $0x80  }
0x93: {  	[sflag:s11] =	ssyncset.done $0x0  }
0x94: {  	[sflag:s11] =	ssyncadd.s32 $0xFFFFFF80  }
0x95: {  	_ =	swait.ge [sflag:s12], $0x2800  }
0x96: {  	[sflag:s12] =	ssyncset.done $0x0  }
0x97: {  	s15 =	sadd.s32 $0x30, s15;
	[sflag:s12] =	ssyncadd.s32 $0xFFFFD800  }
0x98: {  	[spmem:s1] =	stream.indirect.scatter.add.f32 [tilespmem:s7], [sflag:$0xA], $0x80, s14, s26, $0xb8;
	[tilespmem:$0x1B700] =	vst v63  }
0x99: {  	p0 =	sne.s32 s15, $0x7B0;
	p1 =	seq.s32 s17, $0x780;
	_ =	swait.ge [sflag:s19], $0x2800  }
0x9a: {  	s13 =	simm.s32 @!p1 $0x280;
	s9 =	rddreg [dreg:$0x4];
	[sflag:s19] =	ssyncset.done $0x0  }
0x9b: {  	s14 =	simm.s32 @!p1 $0x0;
	[sflag:s19] =	ssyncadd.s32 $0xFFFFD800;
	s9 =	sadd.s32 @!p1 s17, s9  }
0x9c: {  	[tilespmem:s13], [sflag:$0x6] =	stream.linear.gather @!p1 [hbm4b:s9+s14], $0x80, $0x38;
	[tilespmem:$0x1B700] =	vst v63  }
.Ltmp0:
0x9d: {  	s16 =	rddreg [dreg:$0x3];
	(pc) =	sbr.rel @p0 .LBB2_2-.Ltmp0, $4  }
0x9e: {  	s23 =	simm.s32 @!p1 $0x100;
	s9 =	sadd.s32 @!p1 s17, s16  }
0x9f: {  	[tilespmem:s23], [sflag:$0x9] =	stream.linear.gather @!p1 [hbm4b:s9+s14], $0x80, $0x38;
	[tilespmem:$0x1B700] =	vst v63  }
0xa0: {  	_ =	swait.ge [sflag:s29], $0x80  }
0xa1: {  	s14 =	simm.s32 $0x280;
	[sflag:s29] =	ssyncset.done $0x0  }
0xa2: {  	[sflag:s29] =	ssyncadd.s32 $0xFFFFFF80  }
0xa3: {  	[tilespmem:s30], [sflag:$0x2] =	stream.indirect.gather [hbm4b:s4+s26], $0x80, s22, s26, $0xb8;
	[tilespmem:$0x1B700] =	vst v63  }
0xa4: {  	_ =	swait.ge [sflag:s31], $0x80  }
0xa5: {  	[sflag:s31] =	ssyncset.done $0x0  }
0xa6: {  	[sflag:s31] =	ssyncadd.s32 $0xFFFFFF80  }
0xa7: {  	_ =	swait.ge [sflag:s0], $0x2800  }
0xa8: {  	[sflag:s0] =	ssyncset.done $0x0  }
0xa9: {  	[sflag:s0] =	ssyncadd.s32 $0xFFFFD800  }
0xaa: {  	[spmem:s1] =	stream.indirect.scatter.add.f32 [tilespmem:s28], [sflag:$0xA], $0x80, s20, s26, $0xb8;
	[tilespmem:$0x1B700] =	vst v63  }
0xab: {  	_ =	swait.ge [sflag:s19], $0x2800  }
0xac: {  	[sflag:s19] =	ssyncset.done $0x0  }
0xad: {  	[sflag:s19] =	ssyncadd.s32 $0xFFFFD800  }
0xae: {  	_ =	swait.ge [sflag:s8], $0x80  }
0xaf: {  	[sflag:s8] =	ssyncset.done $0x0  }
0xb0: {  	[sflag:s8] =	ssyncadd.s32 $0xFFFFFF80  }
0xb1: {  	_ =	swait.ge [sflag:s10], $0x2800  }
0xb2: {  	[sflag:s10] =	ssyncset.done $0x0  }
0xb3: {  	[sflag:s10] =	ssyncadd.s32 $0xFFFFD800  }
0xb4: {  	[spmem:s1] =	stream.indirect.scatter.add.f32 [tilespmem:s30], [sflag:$0xA], $0x80, s21, s26, $0xb8;
	[tilespmem:$0x1B700] =	vst v63  }
0xb5: {  	_ =	swait.ge [sflag:s19], $0x2800  }
0xb6: {  	[sflag:s19] =	ssyncset.done $0x0  }
0xb7: {  	[sflag:s19] =	ssyncadd.s32 $0xFFFFD800  }
0xb8: {  	[bflag:$0x0] =	sbarrier.arrive $0xFFFF  }
0xb9: {  	s13 =	rddreg [dreg:$0x9]  }
0xba: {  	s9 =	rddreg [dreg:$0x10]  }
0xbb: {  	s15 =	rddreg [dreg:$0x14]  }
0xbc: {  	[hbm:s9], [sflag:s13] =	dma.local [spmem:s15], $0x2780  }
0xbd: {  	_ =	swait.ge [sflag:s19], $0x2780  }
0xbe: {  	s18 =	rddreg [dreg:$0x13]  }
0xbf: {  	s23 =	rddreg [dreg:$0x11];
	s15 =	sadd.s32 $0x1, s18  }
0xc0: {  	p0 =	sne.s32 s15, s23  }
.Ltmp1:
0xc1: {  	_ = 	snop;
	(pc) =	sbr.rel @p0 .LBB2_1-.Ltmp1, $3  }
0xc2: {  	_ =	sdelay $0x1  }
0xc3: {  	[sflag:s19] =	ssyncset.done $0x0  }
0xc4: {  	[sflag:s19] =	ssyncadd.s32 $0xFFFFD880  }
0xc5: {  	_ =	sfence.sel $0x180000  }
0xc6: {  	[bflag:$0x0] =	sbarrier.arrive $0xFFFF  }
0xc7: {  	_ =	strace $0x9000004A  }
0xc8: {  	s0 =	stileid.u32;
	[bflag:$0x2] =	sbarrier.arrive $0xFFFF  }
0xc9: {  	p0 =	sne.s32 s0, $0x0;
	s0 =	rddreg [dreg:$0x2]  }
0xca: {  	s0 =	sadd.s32 @!p0 $0x100000, s0  }
0xcb: {  	[sflag:s0] =	ssyncadd.tile.s32 @!p0 $0x1;
	_ =	shalt  }
.Lfunc_end2:
_tile_overlayer_lowered:
.L_overlay_start_2:
0xcc: {  	(tag) =	ssettag $0x2  }
0xcd: {  	s0 =	rddreg [dreg:$0x0];
	s2 =	stileid.u32  }
0xce: {  	s1 =	rddreg [dreg:$0x1];
	p0 =	sne.s32 s2, $0x0  }
0xcf: {  	s3 =	rddreg [dreg:$0x2];
	[bflag:$0x3] =	sbarrier.arrive $0xFFFF;
	s2 =	simm.s32 @!p0 $0x1C0A  }
0xd0: {  	[timem:s3], [sflag:s2] =	dma.local @!p0 [hbm:s0], s1  }
0xd1: {  	s0 =	simm.s32 @!p0 $0xA  }
0xd2: {  	_ =	swait.ge @!p0 [sflag:s0], s1  }
0xd3: {  	s1 =	ssub.s32 @!p0 $0x0, s1;
	[sflag:s0] =	ssyncset.done @!p0 $0x0  }
0xd4: {  	[sflag:s0] =	ssyncadd.s32 @!p0 s1  }
0xd5: {  	[bflag:$0x3] =	sbarrier.arrive $0xFFFF  }
0xd6: {  	_ =	shalt  }

// kernel: kernel.15.cloned.1.call-start
scs
__scs_entry_jumppad:
0x0: {  	(pc) =	sbr.rel $0x88, $3  }
0x1: {  	(tag) =	ssettag $0x0;
	lr =	simm.s32 $0x1  }
0x2: {  	[smem:$0x3F7A] =	sst lr;
	_ =	strace $0xD0000000  }
0x3: {  	_ = 	snop  }
0x4: {  	_ = 	snop  }
0x5: {  	_ = 	snop  }
0x6: {  	_ = 	snop  }
0x7: {  	_ = 	snop  }
__scs_overlays_trampoline_lowered:
0x8: {  	[smem:$0x3F89] =	sst s0  }
0x9: {  	[smem:$0x3F8A] =	sst s1  }
0xa: {  	[smem:$0x3F8B] =	sst s2  }
0xb: {  	[smem:$0x3F8C] =	sst s3  }
0xc: {  	[smem:$0x3F8D] =	sst s4  }
0xd: {  	[smem:$0x3F8E] =	sst s5  }
0xe: {  	[smem:$0x3F8F] =	sst s6  }
0xf: {  	[smem:$0x3F90] =	sst s7  }
0x10: {  	[smem:$0x3F91] =	sst s8  }
0x11: {  	[smem:$0x3F92] =	sst s9;
	s0 =	simm.s32 @!p0 $0x0  }
0x12: {  	s1 =	sld [smem:$0x3F78];
	s0 =	simm.s32 @p0 $0x1  }
0x13: {  	[smem:$0x3F93] =	sst s0;
	s0 =	simm.s32 @!p1 $0x0  }
0x14: {  	s2 =	sld [smem:$0x3F77];
	s0 =	simm.s32 @p1 $0x1  }
0x15: {  	[smem:$0x3F94] =	sst s0;
	s0 =	simm.s32 @!p2 $0x0  }
0x16: {  	s3 =	sld [smem:$0x3FDB];
	s0 =	simm.s32 @p2 $0x1  }
0x17: {  	s4 =	simm.s32 $0x1BF5;
	[smem:$0x3F96] =	sst s0  }
0x18: {  	s0 =	sld [smem:$0x3F79];
	_ =	swait.ge [sflag:s4], $0x0  }
0x19: {  	s7 =	sld [smem:$0x3F7A]  }
0x1a: {  	s8 =	sadd.s32 $0xFFFFE003, lr  }
0x1b: {  	s9 =	sadd.s32 $0xFFFFFEF7, lr;
	s5 =	simm.s32 $0xFFFFFFFF;
	p2 =	slt.u32 s8, $0xFFFFF086  }
0x1c: {  	p1 =	slt.u32 s9, $0xF7A;
	s5 =	simm.s32 @!p2 $0x0  }
0x1d: {  	s5 =	simm.s32 @p1 $0x1;
	p0 =	seq.s32 s7, s2  }
0x1e: {  	s7 =	smul.u32 @!p0 $0xF7A, s2;
	p2 =	seq.s32 @!p0 s5, $0x0  }
0x1f: {  	s9 =	smul.u32 $0xF7A, s1;
	s8 =	simm.s32 @!p0 $0x1BF5;
	p2 =	por !p2, p0  }
0x20: {  	[sflag:s8] =	ssyncset.s32 @!p0 $0xFFFFF086;
	s6 =	sadd.s32 @!p0 s3, s7;
	s7 =	simm.s32 @!p0 $0x108  }
0x21: {  	s3 =	sadd.s32 s3, s9;
	s6 =	sadd.s32 @!p0 $0x88, s6;
	s7 =	simm.s32 @p2 $0x1082  }
0x22: {  	[simem:s7], [sflag:s8] =	dma.local @!p0 [hbm:s6], $0xF7A  }
0x23: {  	s9 =	sor.u32 $0xD0000000, s2;
	s6 =	simm.s32 $0x108;
	_ =	swait.ge @!p0 [sflag:s8], $0x0  }
0x24: {  	s3 =	sadd.s32 $0x88, s3;
	s6 =	simm.s32 @!p1 $0x1082;
	[sflag:s4] =	ssyncset.s32 $0xFFFFF086  }
0x25: {  	[simem:s6], [sflag:s4] =	dma.local [hbm:s3], $0xF7A  }
0x26: {  	[smem:$0x3F7A] =	sst s1;
	(tag) =	ssettag s2;
	_ =	strace s9  }
0x27: {  	s1 =	sld [smem:$0x3F8A]  }
0x28: {  	s2 =	sld [smem:$0x3F8B]  }
0x29: {  	s4 =	sld [smem:$0x3F8D]  }
0x2a: {  	p0 =	seq.s32 s5, $0x0;
	s5 =	sld [smem:$0x3F8E]  }
0x2b: {  	s6 =	sld [smem:$0x3F8F]  }
0x2c: {  	s7 =	sld [smem:$0x3F90]  }
0x2d: {  	s3 =	simm.s32 $0x108;
	s8 =	sld [smem:$0x3F91]  }
0x2e: {  	s3 =	simm.s32 @!p0 $0x1082;
	s9 =	sld [smem:$0x3F92]  }
0x2f: {  	lr =	sadd.s32 s0, s3;
	s0 =	sld [smem:$0x3F89]  }
0x30: {  	s3 =	sld [smem:$0x3F8C]  }
0x31: {  	[smem:$0x3F95] =	sst s10  }
0x32: {  	s10 =	sld [smem:$0x3F93];
	_ =	sdelay $0x3  }
0x33: {  	p0 =	seq.s32 s10, $0x1;
	s10 =	sld [smem:$0x3F95];
	_ =	sdelay $0x3  }
0x34: {  	[smem:$0x3F95] =	sst s10  }
0x35: {  	s10 =	sld [smem:$0x3F94];
	_ =	sdelay $0x3  }
0x36: {  	p1 =	seq.s32 s10, $0x1;
	s10 =	sld [smem:$0x3F95];
	_ =	sdelay $0x3  }
0x37: {  	[smem:$0x3F95] =	sst s10  }
0x38: {  	s10 =	sld [smem:$0x3F96]  }
0x39: {  	_ = 	snop;
	(pc) =	sbr.ind lr, $3  }
0x3a: {  	_ = 	snop  }
0x3b: {  	_ = 	snop  }
0x3c: {  	p2 =	seq.s32 s10, $0x1;
	s10 =	sld [smem:$0x3F95]  }
0x3d: {  	_ =	shalt  }
0x3e: {  	_ =	shalt  }
0x3f: {  	_ =	shalt  }
0x40: {  	_ =	shalt  }
0x41: {  	_ =	shalt  }
0x42: {  	_ =	shalt  }
0x43: {  	_ =	shalt  }
0x44: {  	_ =	shalt  }
0x45: {  	_ =	shalt  }
0x46: {  	_ =	shalt  }
0x47: {  	_ =	shalt  }
0x48: {  	_ =	shalt  }
0x49: {  	_ =	shalt  }
0x4a: {  	_ =	shalt  }
0x4b: {  	_ =	shalt  }
0x4c: {  	_ =	shalt  }
0x4d: {  	_ =	shalt  }
0x4e: {  	_ =	shalt  }
0x4f: {  	_ =	shalt  }
0x50: {  	_ =	shalt  }
0x51: {  	_ =	shalt  }
0x52: {  	_ =	shalt  }
0x53: {  	_ =	shalt  }
0x54: {  	_ =	shalt  }
0x55: {  	_ =	shalt  }
0x56: {  	_ =	shalt  }
0x57: {  	_ =	shalt  }
0x58: {  	_ =	shalt  }
0x59: {  	_ =	shalt  }
0x5a: {  	_ =	shalt  }
0x5b: {  	_ =	shalt  }
0x5c: {  	_ =	shalt  }
0x5d: {  	_ =	shalt  }
0x5e: {  	_ =	shalt  }
0x5f: {  	_ =	shalt  }
0x60: {  	_ =	shalt  }
0x61: {  	_ =	shalt  }
0x62: {  	_ =	shalt  }
0x63: {  	_ =	shalt  }
0x64: {  	_ =	shalt  }
0x65: {  	_ =	shalt  }
0x66: {  	_ =	shalt  }
0x67: {  	_ =	shalt  }
0x68: {  	_ =	shalt  }
0x69: {  	_ =	shalt  }
0x6a: {  	_ =	shalt  }
0x6b: {  	_ =	shalt  }
0x6c: {  	_ =	shalt  }
0x6d: {  	_ =	shalt  }
0x6e: {  	_ =	shalt  }
0x6f: {  	_ =	shalt  }
0x70: {  	_ =	shalt  }
0x71: {  	_ =	shalt  }
0x72: {  	_ =	shalt  }
0x73: {  	_ =	shalt  }
0x74: {  	_ =	shalt  }
0x75: {  	_ =	shalt  }
0x76: {  	_ =	shalt  }
0x77: {  	_ =	shalt  }
0x78: {  	_ =	shalt  }
0x79: {  	_ =	shalt  }
0x7a: {  	_ =	shalt  }
0x7b: {  	_ =	shalt  }
0x7c: {  	_ =	shalt  }
0x7d: {  	_ =	shalt  }
0x7e: {  	_ =	shalt  }
0x7f: {  	_ =	shalt  }
0x80: {  	_ =	shalt  }
0x81: {  	_ =	shalt  }
0x82: {  	_ =	shalt  }
0x83: {  	_ =	shalt  }
0x84: {  	_ =	shalt  }
0x85: {  	_ =	shalt  }
0x86: {  	_ =	shalt  }
0x87: {  	_ =	shalt  }
.Lfunc_end0:
.L_simem_size_0:
called_computation.2_lowered:
.L_overlay_start_0:
0x88: {  	s2 =	sld [smem:$0x3FD9]  }
0x89: {  	s3 =	sld [smem:$0x3FFE];
	_ =	sdelay $0x1  }
0x8a: {  	s1 =	srdreg.scid  }
0x8b: {  	s0 =	sand.u32 $0x1, s1  }
0x8c: {  	s16 =	sshll.u32 s0, $0xA;
	s2 =	sadd.s32 s3, s2  }
0x8d: {  	s2 =	sadd.s32 s2, s16  }
0x8e: {  	[smem:$0x3FA1] =	sst s2  }
0x8f: {  	_ = 	snop  }
0x90: {  	(tm) =	ssettm $0x1  }
0x91: {  	s17 =	sld [smem:$0x3FFB];
	_ =	sdelay $0x3  }
0x92: {  	_ =	strace s17  }
0x93: {  	s2 =	sld [smem:$0x3FFC];
	_ =	sdelay $0x3  }
0x94: {  	_ =	strace s2  }
0x95: {  	s2 =	sld [smem:$0x3FFD];
	_ =	sdelay $0x3  }
0x96: {  	_ =	strace s2  }
0x97: {  	_ =	strace $0x8FFFFFFF  }
0x98: {  	s18 =	sld [smem:$0x3FDB];
	_ =	sdelay $0x1  }
0x99: {  	s19 =	simm.s32 $_scs_section_size  }
0x9a: {  	s4 =	simm.s32 $_size__tile_overlayer_lowered;
	s5 =	simm.s32 $_tile_overlayer_lowered  }
0x9b: {  	s22 =	simm.s32 $0x1BFF;
	s21 =	sshll.u32 s5, $0x1;
	s2 =	sadd.s32 s19, s18  }
0x9c: {  	s6 =	simm.s32 $0x0;
	s20 =	sshll.u32 s4, $0x1;
	s4 =	sadd.s32 s21, s2  }
0x9d: {  	[timem:s6], [sflag:s22] =	dma.local [hbm:s4], s20  }
0x9e: {  	_ =	swait.ge [sflag:s22], s20  }
0x9f: {  	s3 =	ssub.s32 $0x0, s20;
	[sflag:s22] =	ssyncset.done $0x0  }
0xa0: {  	[sflag:s22] =	ssyncadd.s32 s3;
	_ =	sdelay $0x1  }
0xa1: {  	s23 =	simm.s32 $0x1B8B  }
0xa2: {  	_ =	swait.ge [sflag:s23], $0x1  }
0xa3: {  	[sflag:s23] =	ssyncset.done $0x0  }
0xa4: {  	s25 =	simm.s32 $0x1B8E;
	s24 =	sld [smem:$0x3FFE];
	[sflag:s23] =	ssyncadd.s32 $0xFFFFFFFF  }
0xa5: {  	s26 =	simm.s32 $execute0_lowered;
	[smem:$0x3FD2] =	sst s25  }
0xa6: {  	s4 =	sshll.u32 s26, $0x1;
	_ =	strace $0x8000004C;
	[dreg:$0x1] =	wrdreg $0xFFFFFFFF  }
0xa7: {  	s28 =	simm.s32 $_size_execute0_lowered;
	s2 =	sadd.s32 s2, s4;
	[dreg:$0x0] =	wrdreg $0x0  }
0xa8: {  	s4 =	sshll.u32 s28, $0x1;
	[dreg:$0x2] =	wrdreg s2  }
0xa9: {  	[dreg:$0x3] =	wrdreg s4  }
0xaa: {  	[dreg:$0x4] =	wrdreg $0xC0  }
0xab: {  	_ =	task [dreg:s6], $0x5FFFF  }
0xac: {  	[dreg:$0x1] =	wrdreg $0xFFFFFFFF  }
0xad: {  	[dreg:$0x0] =	wrdreg $0x60  }
0xae: {  	[dreg:$0x2] =	wrdreg s24  }
0xaf: {  	[dreg:$0x3] =	wrdreg $0x7B000  }
0xb0: {  	[dreg:$0x4] =	wrdreg $0x9  }
0xb1: {  	_ =	task.clear_ibuf [dreg:s6], $0x5FFFF;
	_ =	strace $0x9000004C  }
0xb2: {  	s29 =	simm.s32 $0x9;
	_ =	strace $0x8000004E  }
0xb3: {  	_ =	swait.ge [sflag:s29], $0x1  }
0xb4: {  	[sflag:s29] =	ssyncadd.s32 $0xFFFFFFFF  }
0xb5: {  	_ =	strace $0x9000004E  }
0xb6: {  	_ =	sfence  }
0xb7: {  	s30 =	sld [smem:$0x0];
	_ =	sdelay $0x2  }
0xb8: {  	s31 =	sshll.u32 s1, $0xD;
	s1 =	sshrl.u32 s1, $0x2  }
0xb9: {  	s3 =	sand.u32 $0x4000, s31;
	s1 =	sadd.s32 s1, s30  }
0xba: {  	s0 =	sor.u32 s3, s0;
	s1 =	sshll.u32 s1, $0x11  }
0xbb: {  	s0 =	sor.u32 s1, s0  }
0xbc: {  	s0 =	sadd.s32 $0x8F2B, s0  }
0xbd: {  	[sflag:s0] =	ssyncadd.remote.s32 $0x1  }
0xbe: {  	_ =	sfence.sel $0xFFFF  }
0xbf: {  	[dreg:$0x0] =	wrdreg $0xFFFFFFFF;
	(pc) =	sbr.abs _section_cstart, $3  }
0xc0: {  	[dreg:$0x1] =	wrdreg $0xFFFFFFFF  }
0xc1: {  	_ =	task.clear_ibuf [dreg:s6], $0x2FFFF;
	_ =	strace $0x9FFFFFFF  }
0xc2: {  	(tm) =	ssettm $0x7FFFFFFF  }
0xc3: {  	_ =	shalt  }
tec
execute0_lowered:
.L_overlay_start_1:
0x0: {  	(tag) =	ssettag $0x1  }
0x1: {  	s0 =	rddreg [dreg:$0x0]  }
0x2: {  	s1 =	rddreg [dreg:$0x1]  }
0x3: {  	s2 =	simm.s32 $0x0;
	s3 =	srdreg.scid;
	s11 =	stileid.u32  }
0x4: {  	s28 =	simm.s32 $0x300;
	s29 =	simm.s32 $0x8;
	s30 =	simm.s32 $0x2B00  }
0x5: {  	s31 =	simm.s32 $0x4;
	[smem:$0x7FF] =	sst s2;
	s4 =	sadd.s32 $0x28800, s0  }
0x6: {  	s5 =	sadd.s32 $0x6C00, s0;
	s3 =	sand.u32 $0x1, s3;
	s7 =	smul.u32 $0x2780, s11  }
0x7: {  	s6 =	sadd.s32 $0x16600, s0;
	s10 =	sadd.s32 $0x26000, s0;
	s20 =	smul.u32 $0x4F000, s11  }
0x8: {  	s24 =	smul.u32 $0x3E80, s11;
	s25 =	sshll.u32 s11, $0x6;
	_ =	strace $0x8000004D  }
0x9: {  	s8 =	smul.u32 $0x27800, s3;
	s9 =	sshll.u32 s3, $0x4;
	[dreg:$0x7] =	wrdreg s10  }
0xa: {  	s21 =	ssub.s32 $0x2, s3;
	s3 =	smul.u32 $0x3E800, s3;
	s13 =	sor.u32 $0x1C0A, s25  }
0xb: {  	s9 =	sor.u32 s11, s9;
	s22 =	sshrl.u32 s21, $0x1;
	s23 =	sshrl.u32 s20, $0x2  }
0xc: {  	s11 =	simm.s32 $0x6;
	[dreg:$0x9] =	wrdreg s13;
	s7 =	sadd.s32 s7, s8  }
0xd: {  	s9 =	smul.u32 $0x3E80, s9;
	s8 =	sadd.s32 s23, s1;
	s3 =	sadd.s32 s24, s3  }
0xe: {  	s0 =	sadd.s32 s7, s0;
	s7 =	ssub.s32 s21, s22;
	s10 =	sadd.s32 $0x280, s3  }
0xf: {  	[dreg:$0x8] =	wrdreg s8;
	s26 =	sshrl.u32 s9, $0x3;
	s17 =	sshrl.u32 s10, $0x3  }
0x10: {  	s0 =	sadd.s32 $0x4FA00, s0;
	s25 =	smax.u32 s7, $0x1;
	s7 =	simm.s32 $0x5300  }
0x11: {  	s10 =	simm.s32 $0x2;
	s12 =	sadd.s32 s6, s26;
	s14 =	sadd.s32 s5, s26  }
0x12: {  	s15 =	sadd.s32 $0x10, s26;
	s18 =	sadd.s32 $0x20, s26;
	[dreg:$0x10] =	wrdreg s0  }
0x13: {  	s19 =	sadd.s32 s17, s5;
	[dreg:$0x11] =	wrdreg s25;
	s26 =	sadd.s32 $0x180, s3  }
0x14: {  	s25 =	simm.s32 $0x7;
	s0 =	simm.s32 $0x1;
	[dreg:$0xa] =	wrdreg s12  }
0x15: {  	[dreg:$0xb] =	wrdreg s14;
	s16 =	sadd.s32 s6, s15;
	s8 =	sadd.s32 s5, s15  }
0x16: {  	s12 =	sadd.s32 $0x200, s3;
	[dreg:$0x3] =	wrdreg s19;
	s21 =	sadd.s32 s6, s18  }
0x17: {  	s23 =	sadd.s32 s5, s18;
	[dreg:$0x12] =	wrdreg s26;
	s19 =	simm.s32 $0xA  }
0x18: {  	s14 =	simm.s32 $0x280;
	s26 =	simm.s32 $0x50;
	[dreg:$0xc] =	wrdreg s16  }
0x19: {  	s3 =	simm.s32 $0x9;
	s15 =	simm.s32 $0x0;
	[dreg:$0xd] =	wrdreg s8  }
0x1a: {  	s8 =	sadd.s32 s17, s6;
	s20 =	sshrl.u32 s12, $0x3;
	[dreg:$0xe] =	wrdreg s21  }
0x1b: {  	[dreg:$0xf] =	wrdreg s23;
	s21 =	simm.s32 $0x200;
	s12 =	simm.s32 $0x3  }
0x1c: {  	[dreg:$0x4] =	wrdreg s8;
	s22 =	sadd.s32 s20, s5;
	s24 =	sadd.s32 s20, s6  }
0x1d: {  	s20 =	simm.s32 $0x180;
	s8 =	simm.s32 $0x5;
	[dreg:$0x5] =	wrdreg s22  }
0x1e: {  	[dreg:$0x6] =	wrdreg s24;
	s22 =	simm.s32 $0x80;
	s24 =	simm.s32 $0x100  }
.LBB2_1:
0x1f: {  	[dreg:$0x13] =	wrdreg s15  }
0x20: {  	s9 =	rddreg [dreg:$0x8]  }
0x21: {  	s23 =	rddreg [dreg:$0x7];
	s18 =	sshrl.u32 s9, $0x3  }
0x22: {  	[dreg:$0x14] =	wrdreg s18  }
0x23: {  	[spmem:s18], [sflag:s13] =	dma.local [hbm:s23], $0x2780  }
0x24: {  	_ =	swait.ge [sflag:s19], $0x2780  }
0x25: {  	[sflag:s19] =	ssyncset.done $0x0  }
0x26: {  	[sflag:s19] =	ssyncadd.s32 $0xFFFFD880  }
0x27: {  	[bflag:$0x0] =	sbarrier.arrive $0xFFFF  }
0x28: {  	s16 =	rddreg [dreg:$0xa]  }
0x29: {  	[tilespmem:s20], [sflag:$0x4] =	stream.linear.gather [hbm4b:s16+s2], $0x80, $0x38;
	[tilespmem:$0x1B700] =	vst v63  }
0x2a: {  	s17 =	rddreg [dreg:$0xb]  }
0x2b: {  	[tilespmem:s2], [sflag:$0x7] =	stream.linear.gather [hbm4b:s17+s2], $0x80, $0x38;
	[tilespmem:$0x1B700] =	vst v63  }
0x2c: {  	s18 =	rddreg [dreg:$0xc]  }
0x2d: {  	[tilespmem:s21], [sflag:$0x5] =	stream.linear.gather [hbm4b:s18+s2], $0x80, $0x38;
	[tilespmem:$0x1B700] =	vst v63  }
0x2e: {  	s23 =	rddreg [dreg:$0xd]  }
0x2f: {  	[tilespmem:s22], [sflag:$0x8] =	stream.linear.gather [hbm4b:s23+s2], $0x80, $0x38;
	[tilespmem:$0x1B700] =	vst v63  }
0x30: {  	s13 =	rddreg [dreg:$0xe]  }
0x31: {  	[tilespmem:s14], [sflag:$0x6] =	stream.linear.gather [hbm4b:s13+s2], $0x80, $0x38;
	[tilespmem:$0x1B700] =	vst v63  }
0x32: {  	s15 =	rddreg [dreg:$0xf]  }
0x33: {  	[tilespmem:s24], [sflag:$0x9] =	stream.linear.gather [hbm4b:s15+s2], $0x80, $0x38;
	[tilespmem:$0x1B700] =	vst v63  }
0x34: {  	_ =	swait.ge [sflag:s25], $0x80  }
0x35: {  	[sflag:s25] =	ssyncset.done $0x0  }
0x36: {  	[sflag:s25] =	ssyncadd.s32 $0xFFFFFF80  }
0x37: {  	[tilespmem:s28], [sflag:$0x1] =	stream.indirect.gather [hbm4b:s4+s26], $0x80, s2, s26, $0xb8;
	[tilespmem:$0x1B700] =	vst v63  }
0x38: {  	_ =	swait.ge [sflag:s29], $0x80  }
0x39: {  	[sflag:s29] =	ssyncset.done $0x0  }
0x3a: {  	[sflag:s29] =	ssyncadd.s32 $0xFFFFFF80  }
0x3b: {  	[tilespmem:s30], [sflag:$0x2] =	stream.indirect.gather [hbm4b:s4+s26], $0x80, s22, s26, $0xb8;
	[tilespmem:$0x1B700] =	vst v63  }
0x3c: {  	_ =	swait.ge [sflag:s31], $0x80  }
0x3d: {  	[sflag:s31] =	ssyncset.done $0x0  }
0x3e: {  	[sflag:s31] =	ssyncadd.s32 $0xFFFFFF80  }
0x3f: {  	_ =	swait.ge [sflag:s0], $0x2800  }
0x40: {  	[sflag:s0] =	ssyncset.done $0x0  }
0x41: {  	[sflag:s0] =	ssyncadd.s32 $0xFFFFD800  }
0x42: {  	[spmem:s1] =	stream.indirect.scatter.add.f32 [tilespmem:s28], [sflag:$0xA], $0x80, s20, s26, $0xb8;
	[tilespmem:$0x1B700] =	vst v63  }
0x43: {  	_ =	swait.ge [sflag:s19], $0x2800  }
0x44: {  	s13 =	rddreg [dreg:$0x12]  }
0x45: {  	[sflag:s19] =	ssyncset.done $0x0;
	s16 =	sshrl.u32 s13, $0x3  }
0x46: {  	[sflag:s19] =	ssyncadd.s32 $0xFFFFD800;
	s17 =	sadd.s32 s6, s16  }
0x47: {  	[tilespmem:s20], [sflag:$0x4] =	stream.linear.gather [hbm4b:s17+s2], $0x80, $0x38;
	[tilespmem:$0x1B700] =	vst v63  }
0x48: {  	s15 =	sadd.s32 s5, s16  }
0x49: {  	[tilespmem:s2], [sflag:$0x7] =	stream.linear.gather [hbm4b:s15+s2], $0x80, $0x38;
	[tilespmem:$0x1B700] =	vst v63  }
0x4a: {  	_ =	swait.ge [sflag:s3], $0x80  }
0x4b: {  	[sflag:s3] =	ssyncset.done $0x0  }
0x4c: {  	[sflag:s3] =	ssyncadd.s32 $0xFFFFFF80  }
0x4d: {  	[tilespmem:s7], [sflag:$0x3] =	stream.indirect.gather [hbm4b:s4+s26], $0x80, s24, s26, $0xb8;
	[tilespmem:$0x1B700] =	vst v63  }
0x4e: {  	_ =	swait.ge [sflag:s8], $0x80  }
0x4f: {  	[sflag:s8] =	ssyncset.done $0x0  }
0x50: {  	[sflag:s8] =	ssyncadd.s32 $0xFFFFFF80  }
0x51: {  	_ =	swait.ge [sflag:s10], $0x2800  }
0x52: {  	[sflag:s10] =	ssyncset.done $0x0  }
0x53: {  	[sflag:s10] =	ssyncadd.s32 $0xFFFFD800  }
0x54: {  	[spmem:s1] =	stream.indirect.scatter.add.f32 [tilespmem:s30], [sflag:$0xA], $0x80, s21, s26, $0xb8;
	[tilespmem:$0x1B700] =	vst v63  }
0x55: {  	_ =	swait.ge [sflag:s19], $0x2800  }
0x56: {  	s17 =	rddreg [dreg:$0x6];
	[sflag:s19] =	ssyncset.done $0x0  }
0x57: {  	s18 =	rddreg [dreg:$0x5];
	[sflag:s19] =	ssyncadd.s32 $0xFFFFD800;
	s15 =	sadd.s32 $0x0, s17  }
0x58: {  	[tilespmem:s21], [sflag:$0x5] =	stream.linear.gather [hbm4b:s15+s2], $0x80, $0x38;
	[tilespmem:$0x1B700] =	vst v63  }
0x59: {  	s23 =	sadd.s32 $0x0, s18  }
0x5a: {  	[tilespmem:s22], [sflag:$0x8] =	stream.linear.gather [hbm4b:s23+s2], $0x80, $0x38;
	[tilespmem:$0x1B700] =	vst v63  }
0x5b: {  	_ =	swait.ge [sflag:s25], $0x80  }
0x5c: {  	[sflag:s25] =	ssyncset.done $0x0  }
0x5d: {  	[sflag:s25] =	ssyncadd.s32 $0xFFFFFF80  }
0x5e: {  	[tilespmem:s28], [sflag:$0x1] =	stream.indirect.gather [hbm4b:s4+s26], $0x80, s2, s26, $0xb8;
	[tilespmem:$0x1B700] =	vst v63  }
0x5f: {  	_ =	swait.ge [sflag:s11], $0x80  }
0x60: {  	[sflag:s11] =	ssyncset.done $0x0  }
0x61: {  	[sflag:s11] =	ssyncadd.s32 $0xFFFFFF80  }
0x62: {  	_ =	swait.ge [sflag:s12], $0x2800  }
0x63: {  	[sflag:s12] =	ssyncset.done $0x0  }
0x64: {  	p0 =	por $0x0, $0x0;
	[sflag:s12] =	ssyncadd.s32 $0xFFFFD800  }
0x65: {  	[spmem:s1] =	stream.indirect.scatter.add.f32 [tilespmem:s7], [sflag:$0xA], $0x80, s14, s26, $0xb8;
	[tilespmem:$0x1B700] =	vst v63  }
0x66: {  	s9 =	simm.s32 @!p0 $0x280;
	_ =	swait.ge [sflag:s19], $0x2800  }
0x67: {  	s18 =	simm.s32 @!p0 $0x0;
	s15 =	rddreg [dreg:$0x4];
	[sflag:s19] =	ssyncset.done $0x0  }
0x68: {  	s17 =	rddreg [dreg:$0x3];
	[sflag:s19] =	ssyncadd.s32 $0xFFFFD800;
	s15 =	sadd.s32 @!p0 $0x0, s15  }
0x69: {  	[tilespmem:s9], [sflag:$0x6] =	stream.linear.gather @!p0 [hbm4b:s15+s18], $0x80, $0x38;
	[tilespmem:$0x1B700] =	vst v63  }
0x6a: {  	s9 =	simm.s32 @!p0 $0x100;
	s15 =	sadd.s32 @!p0 $0x0, s17  }
0x6b: {  	[tilespmem:s9], [sflag:$0x9] =	stream.linear.gather @!p0 [hbm4b:s15+s18], $0x80, $0x38;
	[tilespmem:$0x1B700] =	vst v63  }
0x6c: {  	_ =	swait.ge [sflag:s29], $0x80  }
0x6d: {  	s15 =	simm.s32 $0x30;
	s18 =	smov.u32 s13;
	[sflag:s29] =	ssyncset.done $0x0  }
.LBB2_2:
0x6e: {  	[sflag:s29] =	ssyncadd.s32 $0xFFFFFF80  }
0x6f: {  	[tilespmem:s30], [sflag:$0x2] =	stream.indirect.gather [hbm4b:s4+s26], $0x80, s22, s26, $0xb8;
	[tilespmem:$0x1B700] =	vst v63  }
0x70: {  	_ =	swait.ge [sflag:s31], $0x80  }
0x71: {  	[sflag:s31] =	ssyncset.done $0x0  }
0x72: {  	[sflag:s31] =	ssyncadd.s32 $0xFFFFFF80  }
0x73: {  	_ =	swait.ge [sflag:s0], $0x2800  }
0x74: {  	[sflag:s0] =	ssyncset.done $0x0  }
0x75: {  	[sflag:s0] =	ssyncadd.s32 $0xFFFFD800  }
0x76: {  	[spmem:s1] =	stream.indirect.scatter.add.f32 [tilespmem:s28], [sflag:$0xA], $0x80, s20, s26, $0xb8;
	[tilespmem:$0x1B700] =	vst v63  }
0x77: {  	s18 =	sadd.s32 $0x180, s18;
	_ =	swait.ge [sflag:s19], $0x2800  }
0x78: {  	s9 =	sshrl.u32 s18, $0x3;
	[sflag:s19] =	ssyncset.done $0x0  }
0x79: {  	s16 =	sadd.s32 s6, s9;
	[sflag:s19] =	ssyncadd.s32 $0xFFFFD800  }
0x7a: {  	[tilespmem:s20], [sflag:$0x4] =	stream.linear.gather [hbm4b:s16+s2], $0x80, $0x38;
	[tilespmem:$0x1B700] =	vst v63  }
0x7b: {  	s9 =	sadd.s32 s5, s9  }
0x7c: {  	[tilespmem:s2], [sflag:$0x7] =	stream.linear.gather [hbm4b:s9+s2], $0x80, $0x38;
	[tilespmem:$0x1B700] =	vst v63  }
0x7d: {  	_ =	swait.ge [sflag:s3], $0x80  }
0x7e: {  	[sflag:s3] =	ssyncset.done $0x0  }
0x7f: {  	[sflag:s3] =	ssyncadd.s32 $0xFFFFFF80  }
0x80: {  	[tilespmem:s7], [sflag:$0x3] =	stream.indirect.gather [hbm4b:s4+s26], $0x80, s24, s26, $0xb8;
	[tilespmem:$0x1B700] =	vst v63  }
0x81: {  	_ =	swait.ge [sflag:s8], $0x80  }
0x82: {  	[sflag:s8] =	ssyncset.done $0x0  }
0x83: {  	[sflag:s8] =	ssyncadd.s32 $0xFFFFFF80  }
0x84: {  	_ =	swait.ge [sflag:s10], $0x2800  }
0x85: {  	[sflag:s10] =	ssyncset.done $0x0  }
0x86: {  	[sflag:s10] =	ssyncadd.s32 $0xFFFFD800  }
0x87: {  	[spmem:s1] =	stream.indirect.scatter.add.f32 [tilespmem:s30], [sflag:$0xA], $0x80, s21, s26, $0xb8;
	[tilespmem:$0x1B700] =	vst v63  }
0x88: {  	_ =	swait.ge [sflag:s19], $0x2800  }
0x89: {  	s17 =	smov.u32 s15;
	s23 =	rddreg [dreg:$0x6];
	[sflag:s19] =	ssyncset.done $0x0  }
0x8a: {  	s13 =	rddreg [dreg:$0x5];
	[sflag:s19] =	ssyncadd.s32 $0xFFFFD800;
	s9 =	sadd.s32 s17, s23  }
0x8b: {  	[tilespmem:s21], [sflag:$0x5] =	stream.linear.gather [hbm4b:s9+s2], $0x80, $0x38;
	[tilespmem:$0x1B700] =	vst v63  }
0x8c: {  	s23 =	sadd.s32 s17, s13  }
0x8d: {  	[tilespmem:s22], [sflag:$0x8] =	stream.linear.gather [hbm4b:s23+s2], $0x80, $0x38;
	[tilespmem:$0x1B700] =	vst v63  }
0x8e: {  	_ =	swait.ge [sflag:s25], $0x80  }
0x8f: {  	[sflag:s25] =	ssyncset.done $0x0  }
0x90: {  	[sflag:s25] =	ssyncadd.s32 $0xFFFFFF80  }
0x91: {  	[tilespmem:s28], [sflag:$0x1] =	stream.indirect.gather [hbm4b:s4+s26], $0x80, s2, s26, $0xb8;
	[tilespmem:$0x1B700] =	vst v63  }
0x92: {  	_ =	swait.ge [sflag:s11], $0x80  }
0x93: {  	[sflag:s11] =	ssyncset.done $0x0  }
0x94: {  	[sflag:s11] =	ssyncadd.s32 $0xFFFFFF80  }
0x95: {  	_ =	swait.ge [sflag:s12], $0x2800  }
0x96: {  	[sflag:s12] =	ssyncset.done $0x0  }
0x97: {  	s15 =	sadd.s32 $0x30, s15;
	[sflag:s12] =	ssyncadd.s32 $0xFFFFD800  }
0x98: {  	[spmem:s1] =	stream.indirect.scatter.add.f32 [tilespmem:s7], [sflag:$0xA], $0x80, s14, s26, $0xb8;
	[tilespmem:$0x1B700] =	vst v63  }
0x99: {  	p0 =	sne.s32 s15, $0x7B0;
	p1 =	seq.s32 s17, $0x780;
	_ =	swait.ge [sflag:s19], $0x2800  }
0x9a: {  	s13 =	simm.s32 @!p1 $0x280;
	s9 =	rddreg [dreg:$0x4];
	[sflag:s19] =	ssyncset.done $0x0  }
0x9b: {  	s14 =	simm.s32 @!p1 $0x0;
	[sflag:s19] =	ssyncadd.s32 $0xFFFFD800;
	s9 =	sadd.s32 @!p1 s17, s9  }
0x9c: {  	[tilespmem:s13], [sflag:$0x6] =	stream.linear.gather @!p1 [hbm4b:s9+s14], $0x80, $0x38;
	[tilespmem:$0x1B700] =	vst v63  }
.Ltmp0:
0x9d: {  	s16 =	rddreg [dreg:$0x3];
	(pc) =	sbr.rel @p0 .LBB2_2-.Ltmp0, $4  }
0x9e: {  	s23 =	simm.s32 @!p1 $0x100;
	s9 =	sadd.s32 @!p1 s17, s16  }
0x9f: {  	[tilespmem:s23], [sflag:$0x9] =	stream.linear.gather @!p1 [hbm4b:s9+s14], $0x80, $0x38;
	[tilespmem:$0x1B700] =	vst v63  }
0xa0: {  	_ =	swait.ge [sflag:s29], $0x80  }
0xa1: {  	s14 =	simm.s32 $0x280;
	[sflag:s29] =	ssyncset.done $0x0  }
0xa2: {  	[sflag:s29] =	ssyncadd.s32 $0xFFFFFF80  }
0xa3: {  	[tilespmem:s30], [sflag:$0x2] =	stream.indirect.gather [hbm4b:s4+s26], $0x80, s22, s26, $0xb8;
	[tilespmem:$0x1B700] =	vst v63  }
0xa4: {  	_ =	swait.ge [sflag:s31], $0x80  }
0xa5: {  	[sflag:s31] =	ssyncset.done $0x0  }
0xa6: {  	[sflag:s31] =	ssyncadd.s32 $0xFFFFFF80  }
0xa7: {  	_ =	swait.ge [sflag:s0], $0x2800  }
0xa8: {  	[sflag:s0] =	ssyncset.done $0x0  }
0xa9: {  	[sflag:s0] =	ssyncadd.s32 $0xFFFFD800  }
0xaa: {  	[spmem:s1] =	stream.indirect.scatter.add.f32 [tilespmem:s28], [sflag:$0xA], $0x80, s20, s26, $0xb8;
	[tilespmem:$0x1B700] =	vst v63  }
0xab: {  	_ =	swait.ge [sflag:s19], $0x2800  }
0xac: {  	[sflag:s19] =	ssyncset.done $0x0  }
0xad: {  	[sflag:s19] =	ssyncadd.s32 $0xFFFFD800  }
0xae: {  	_ =	swait.ge [sflag:s8], $0x80  }
0xaf: {  	[sflag:s8] =	ssyncset.done $0x0  }
0xb0: {  	[sflag:s8] =	ssyncadd.s32 $0xFFFFFF80  }
0xb1: {  	_ =	swait.ge [sflag:s10], $0x2800  }
0xb2: {  	[sflag:s10] =	ssyncset.done $0x0  }
0xb3: {  	[sflag:s10] =	ssyncadd.s32 $0xFFFFD800  }
0xb4: {  	[spmem:s1] =	stream.indirect.scatter.add.f32 [tilespmem:s30], [sflag:$0xA], $0x80, s21, s26, $0xb8;
	[tilespmem:$0x1B700] =	vst v63  }
0xb5: {  	_ =	swait.ge [sflag:s19], $0x2800  }
0xb6: {  	[sflag:s19] =	ssyncset.done $0x0  }
0xb7: {  	[sflag:s19] =	ssyncadd.s32 $0xFFFFD800  }
0xb8: {  	[bflag:$0x0] =	sbarrier.arrive $0xFFFF  }
0xb9: {  	s13 =	rddreg [dreg:$0x9]  }
0xba: {  	s9 =	rddreg [dreg:$0x10]  }
0xbb: {  	s15 =	rddreg [dreg:$0x14]  }
0xbc: {  	[hbm:s9], [sflag:s13] =	dma.local [spmem:s15], $0x2780  }
0xbd: {  	_ =	swait.ge [sflag:s19], $0x2780  }
0xbe: {  	s18 =	rddreg [dreg:$0x13]  }
0xbf: {  	s23 =	rddreg [dreg:$0x11];
	s15 =	sadd.s32 $0x1, s18  }
0xc0: {  	p0 =	sne.s32 s15, s23  }
.Ltmp1:
0xc1: {  	_ = 	snop;
	(pc) =	sbr.rel @p0 .LBB2_1-.Ltmp1, $3  }
0xc2: {  	_ =	sdelay $0x1  }
0xc3: {  	[sflag:s19] =	ssyncset.done $0x0  }
0xc4: {  	[sflag:s19] =	ssyncadd.s32 $0xFFFFD880  }
0xc5: {  	_ =	sfence.sel $0x180000  }
0xc6: {  	[bflag:$0x0] =	sbarrier.arrive $0xFFFF  }
0xc7: {  	_ =	strace $0x9000004D  }
0xc8: {  	s0 =	stileid.u32;
	[bflag:$0x2] =	sbarrier.arrive $0xFFFF  }
0xc9: {  	p0 =	sne.s32 s0, $0x0;
	s0 =	rddreg [dreg:$0x2]  }
0xca: {  	s0 =	sadd.s32 @!p0 $0x100000, s0  }
0xcb: {  	[sflag:s0] =	ssyncadd.tile.s32 @!p0 $0x1;
	_ =	shalt  }
.Lfunc_end2:
_tile_overlayer_lowered:
.L_overlay_start_2:
0xcc: {  	(tag) =	ssettag $0x2  }
0xcd: {  	s0 =	rddreg [dreg:$0x0];
	s2 =	stileid.u32  }
0xce: {  	s1 =	rddreg [dreg:$0x1];
	p0 =	sne.s32 s2, $0x0  }
0xcf: {  	s3 =	rddreg [dreg:$0x2];
	[bflag:$0x3] =	sbarrier.arrive $0xFFFF;
	s2 =	simm.s32 @!p0 $0x1C0A  }
0xd0: {  	[timem:s3], [sflag:s2] =	dma.local @!p0 [hbm:s0], s1  }
0xd1: {  	s0 =	simm.s32 @!p0 $0xA  }
0xd2: {  	_ =	swait.ge @!p0 [sflag:s0], s1  }
0xd3: {  	s1 =	ssub.s32 @!p0 $0x0, s1;
	[sflag:s0] =	ssyncset.done @!p0 $0x0  }
0xd4: {  	[sflag:s0] =	ssyncadd.s32 @!p0 s1  }
0xd5: {  	[bflag:$0x3] =	sbarrier.arrive $0xFFFF  }
0xd6: {  	_ =	shalt  }

// kernel: kernel.9.cloned.1.call-start
scs
__scs_entry_jumppad:
0x0: {  	(pc) =	sbr.rel $0x88, $3  }
0x1: {  	(tag) =	ssettag $0x0;
	lr =	simm.s32 $0x1  }
0x2: {  	[smem:$0x3F7A] =	sst lr;
	_ =	strace $0xD0000000  }
0x3: {  	_ = 	snop  }
0x4: {  	_ = 	snop  }
0x5: {  	_ = 	snop  }
0x6: {  	_ = 	snop  }
0x7: {  	_ = 	snop  }
__scs_overlays_trampoline_lowered:
0x8: {  	[smem:$0x3F89] =	sst s0  }
0x9: {  	[smem:$0x3F8A] =	sst s1  }
0xa: {  	[smem:$0x3F8B] =	sst s2  }
0xb: {  	[smem:$0x3F8C] =	sst s3  }
0xc: {  	[smem:$0x3F8D] =	sst s4  }
0xd: {  	[smem:$0x3F8E] =	sst s5  }
0xe: {  	[smem:$0x3F8F] =	sst s6  }
0xf: {  	[smem:$0x3F90] =	sst s7  }
0x10: {  	[smem:$0x3F91] =	sst s8  }
0x11: {  	[smem:$0x3F92] =	sst s9;
	s0 =	simm.s32 @!p0 $0x0  }
0x12: {  	s1 =	sld [smem:$0x3F78];
	s0 =	simm.s32 @p0 $0x1  }
0x13: {  	[smem:$0x3F93] =	sst s0;
	s0 =	simm.s32 @!p1 $0x0  }
0x14: {  	s2 =	sld [smem:$0x3F77];
	s0 =	simm.s32 @p1 $0x1  }
0x15: {  	[smem:$0x3F94] =	sst s0;
	s0 =	simm.s32 @!p2 $0x0  }
0x16: {  	s3 =	sld [smem:$0x3FDB];
	s0 =	simm.s32 @p2 $0x1  }
0x17: {  	s4 =	simm.s32 $0x1BF5;
	[smem:$0x3F96] =	sst s0  }
0x18: {  	s0 =	sld [smem:$0x3F79];
	_ =	swait.ge [sflag:s4], $0x0  }
0x19: {  	s7 =	sld [smem:$0x3F7A]  }
0x1a: {  	s8 =	sadd.s32 $0xFFFFE003, lr  }
0x1b: {  	s9 =	sadd.s32 $0xFFFFFEF7, lr;
	s5 =	simm.s32 $0xFFFFFFFF;
	p2 =	slt.u32 s8, $0xFFFFF086  }
0x1c: {  	p1 =	slt.u32 s9, $0xF7A;
	s5 =	simm.s32 @!p2 $0x0  }
0x1d: {  	s5 =	simm.s32 @p1 $0x1;
	p0 =	seq.s32 s7, s2  }
0x1e: {  	s7 =	smul.u32 @!p0 $0xF7A, s2;
	p2 =	seq.s32 @!p0 s5, $0x0  }
0x1f: {  	s9 =	smul.u32 $0xF7A, s1;
	s8 =	simm.s32 @!p0 $0x1BF5;
	p2 =	por !p2, p0  }
0x20: {  	[sflag:s8] =	ssyncset.s32 @!p0 $0xFFFFF086;
	s6 =	sadd.s32 @!p0 s3, s7;
	s7 =	simm.s32 @!p0 $0x108  }
0x21: {  	s3 =	sadd.s32 s3, s9;
	s6 =	sadd.s32 @!p0 $0x88, s6;
	s7 =	simm.s32 @p2 $0x1082  }
0x22: {  	[simem:s7], [sflag:s8] =	dma.local @!p0 [hbm:s6], $0xF7A  }
0x23: {  	s9 =	sor.u32 $0xD0000000, s2;
	s6 =	simm.s32 $0x108;
	_ =	swait.ge @!p0 [sflag:s8], $0x0  }
0x24: {  	s3 =	sadd.s32 $0x88, s3;
	s6 =	simm.s32 @!p1 $0x1082;
	[sflag:s4] =	ssyncset.s32 $0xFFFFF086  }
0x25: {  	[simem:s6], [sflag:s4] =	dma.local [hbm:s3], $0xF7A  }
0x26: {  	[smem:$0x3F7A] =	sst s1;
	(tag) =	ssettag s2;
	_ =	strace s9  }
0x27: {  	s1 =	sld [smem:$0x3F8A]  }
0x28: {  	s2 =	sld [smem:$0x3F8B]  }
0x29: {  	s4 =	sld [smem:$0x3F8D]  }
0x2a: {  	p0 =	seq.s32 s5, $0x0;
	s5 =	sld [smem:$0x3F8E]  }
0x2b: {  	s6 =	sld [smem:$0x3F8F]  }
0x2c: {  	s7 =	sld [smem:$0x3F90]  }
0x2d: {  	s3 =	simm.s32 $0x108;
	s8 =	sld [smem:$0x3F91]  }
0x2e: {  	s3 =	simm.s32 @!p0 $0x1082;
	s9 =	sld [smem:$0x3F92]  }
0x2f: {  	lr =	sadd.s32 s0, s3;
	s0 =	sld [smem:$0x3F89]  }
0x30: {  	s3 =	sld [smem:$0x3F8C]  }
0x31: {  	[smem:$0x3F95] =	sst s10  }
0x32: {  	s10 =	sld [smem:$0x3F93];
	_ =	sdelay $0x3  }
0x33: {  	p0 =	seq.s32 s10, $0x1;
	s10 =	sld [smem:$0x3F95];
	_ =	sdelay $0x3  }
0x34: {  	[smem:$0x3F95] =	sst s10  }
0x35: {  	s10 =	sld [smem:$0x3F94];
	_ =	sdelay $0x3  }
0x36: {  	p1 =	seq.s32 s10, $0x1;
	s10 =	sld [smem:$0x3F95];
	_ =	sdelay $0x3  }
0x37: {  	[smem:$0x3F95] =	sst s10  }
0x38: {  	s10 =	sld [smem:$0x3F96]  }
0x39: {  	_ = 	snop;
	(pc) =	sbr.ind lr, $3  }
0x3a: {  	_ = 	snop  }
0x3b: {  	_ = 	snop  }
0x3c: {  	p2 =	seq.s32 s10, $0x1;
	s10 =	sld [smem:$0x3F95]  }
0x3d: {  	_ =	shalt  }
0x3e: {  	_ =	shalt  }
0x3f: {  	_ =	shalt  }
0x40: {  	_ =	shalt  }
0x41: {  	_ =	shalt  }
0x42: {  	_ =	shalt  }
0x43: {  	_ =	shalt  }
0x44: {  	_ =	shalt  }
0x45: {  	_ =	shalt  }
0x46: {  	_ =	shalt  }
0x47: {  	_ =	shalt  }
0x48: {  	_ =	shalt  }
0x49: {  	_ =	shalt  }
0x4a: {  	_ =	shalt  }
0x4b: {  	_ =	shalt  }
0x4c: {  	_ =	shalt  }
0x4d: {  	_ =	shalt  }
0x4e: {  	_ =	shalt  }
0x4f: {  	_ =	shalt  }
0x50: {  	_ =	shalt  }
0x51: {  	_ =	shalt  }
0x52: {  	_ =	shalt  }
0x53: {  	_ =	shalt  }
0x54: {  	_ =	shalt  }
0x55: {  	_ =	shalt  }
0x56: {  	_ =	shalt  }
0x57: {  	_ =	shalt  }
0x58: {  	_ =	shalt  }
0x59: {  	_ =	shalt  }
0x5a: {  	_ =	shalt  }
0x5b: {  	_ =	shalt  }
0x5c: {  	_ =	shalt  }
0x5d: {  	_ =	shalt  }
0x5e: {  	_ =	shalt  }
0x5f: {  	_ =	shalt  }
0x60: {  	_ =	shalt  }
0x61: {  	_ =	shalt  }
0x62: {  	_ =	shalt  }
0x63: {  	_ =	shalt  }
0x64: {  	_ =	shalt  }
0x65: {  	_ =	shalt  }
0x66: {  	_ =	shalt  }
0x67: {  	_ =	shalt  }
0x68: {  	_ =	shalt  }
0x69: {  	_ =	shalt  }
0x6a: {  	_ =	shalt  }
0x6b: {  	_ =	shalt  }
0x6c: {  	_ =	shalt  }
0x6d: {  	_ =	shalt  }
0x6e: {  	_ =	shalt  }
0x6f: {  	_ =	shalt  }
0x70: {  	_ =	shalt  }
0x71: {  	_ =	shalt  }
0x72: {  	_ =	shalt  }
0x73: {  	_ =	shalt  }
0x74: {  	_ =	shalt  }
0x75: {  	_ =	shalt  }
0x76: {  	_ =	shalt  }
0x77: {  	_ =	shalt  }
0x78: {  	_ =	shalt  }
0x79: {  	_ =	shalt  }
0x7a: {  	_ =	shalt  }
0x7b: {  	_ =	shalt  }
0x7c: {  	_ =	shalt  }
0x7d: {  	_ =	shalt  }
0x7e: {  	_ =	shalt  }
0x7f: {  	_ =	shalt  }
0x80: {  	_ =	shalt  }
0x81: {  	_ =	shalt  }
0x82: {  	_ =	shalt  }
0x83: {  	_ =	shalt  }
0x84: {  	_ =	shalt  }
0x85: {  	_ =	shalt  }
0x86: {  	_ =	shalt  }
0x87: {  	_ =	shalt  }
.Lfunc_end0:
.L_simem_size_0:
called_computation_lowered:
.L_overlay_start_0:
0x88: {  	s2 =	sld [smem:$0x3FD9]  }
0x89: {  	s3 =	sld [smem:$0x3FFE];
	_ =	sdelay $0x1  }
0x8a: {  	s1 =	srdreg.scid  }
0x8b: {  	s0 =	sand.u32 $0x1, s1  }
0x8c: {  	s17 =	sshll.u32 s0, $0xA;
	s2 =	sadd.s32 s3, s2  }
0x8d: {  	s2 =	sadd.s32 s2, s17  }
0x8e: {  	[smem:$0x3FA1] =	sst s2  }
0x8f: {  	_ = 	snop  }
0x90: {  	s2 =	sld [smem:$0x3FC9];
	(tm) =	ssettm $0x1  }
0x91: {  	s18 =	sld [smem:$0x3FFB];
	_ =	sdelay $0x3  }
0x92: {  	_ =	strace s18  }
0x93: {  	s3 =	sld [smem:$0x3FFC];
	_ =	sdelay $0x3  }
0x94: {  	_ =	strace s3  }
0x95: {  	s3 =	sld [smem:$0x3FFD];
	_ =	sdelay $0x3  }
0x96: {  	_ =	strace s3  }
0x97: {  	_ =	strace $0x8FFFFFFF  }
0x98: {  	s19 =	sld [smem:$0x3FDB];
	_ =	sdelay $0x1  }
0x99: {  	s4 =	simm.s32 $_scs_section_size  }
0x9a: {  	s5 =	simm.s32 $_size__tile_overlayer_lowered;
	s6 =	simm.s32 $_tile_overlayer_lowered  }
0x9b: {  	s22 =	simm.s32 $0x1BFF;
	s21 =	sshll.u32 s6, $0x1;
	s3 =	sadd.s32 s4, s19  }
0x9c: {  	s7 =	simm.s32 $0x0;
	s20 =	sshll.u32 s5, $0x1;
	s5 =	sadd.s32 s21, s3  }
0x9d: {  	[timem:s7], [sflag:s22] =	dma.local [hbm:s5], s20  }
0x9e: {  	_ =	swait.ge [sflag:s22], s20  }
0x9f: {  	s4 =	ssub.s32 $0x0, s20;
	[sflag:s22] =	ssyncset.done $0x0  }
0xa0: {  	[sflag:s22] =	ssyncadd.s32 s4;
	_ =	sdelay $0x1  }
0xa1: {  	s23 =	simm.s32 $0x1B8B  }
0xa2: {  	_ =	swait.ge [sflag:s23], $0x1  }
0xa3: {  	[sflag:s23] =	ssyncset.done $0x0  }
0xa4: {  	s25 =	simm.s32 $0x1B8E;
	s24 =	sld [smem:$0x3FFE];
	[sflag:s23] =	ssyncadd.s32 $0xFFFFFFFF  }
0xa5: {  	s26 =	simm.s32 $execute0_lowered;
	[smem:$0x3FD2] =	sst s25  }
0xa6: {  	s5 =	sshll.u32 s26, $0x1;
	_ =	strace $0x80000046;
	[dreg:$0x1] =	wrdreg $0xFFFFFFFF  }
0xa7: {  	s28 =	simm.s32 $_size_execute0_lowered;
	s3 =	sadd.s32 s3, s5;
	[dreg:$0x0] =	wrdreg $0x0  }
0xa8: {  	s5 =	sshll.u32 s28, $0x1;
	[dreg:$0x2] =	wrdreg s3  }
0xa9: {  	[dreg:$0x3] =	wrdreg s5  }
0xaa: {  	[dreg:$0x4] =	wrdreg $0xC0  }
0xab: {  	_ =	task [dreg:s7], $0x5FFFF  }
0xac: {  	[dreg:$0x1] =	wrdreg $0xFFFFFFFF  }
0xad: {  	[dreg:$0x0] =	wrdreg $0x60  }
0xae: {  	[dreg:$0x2] =	wrdreg s2  }
0xaf: {  	[dreg:$0x3] =	wrdreg s24  }
0xb0: {  	[dreg:$0x4] =	wrdreg $0x7B000  }
0xb1: {  	[dreg:$0x5] =	wrdreg $0x9  }
0xb2: {  	_ =	task.clear_ibuf [dreg:s7], $0x6FFFF;
	_ =	strace $0x90000046  }
0xb3: {  	s29 =	simm.s32 $0x9;
	_ =	strace $0x80000048  }
0xb4: {  	_ =	swait.ge [sflag:s29], $0x1  }
0xb5: {  	[sflag:s29] =	ssyncadd.s32 $0xFFFFFFFF  }
0xb6: {  	_ =	strace $0x90000048  }
0xb7: {  	_ =	sfence  }
0xb8: {  	s30 =	sld [smem:$0x0];
	_ =	sdelay $0x2  }
0xb9: {  	s31 =	sshll.u32 s1, $0xD;
	s1 =	sshrl.u32 s1, $0x2  }
0xba: {  	s3 =	sand.u32 $0x4000, s31;
	s1 =	sadd.s32 s1, s30  }
0xbb: {  	s0 =	sor.u32 s3, s0;
	s1 =	sshll.u32 s1, $0x11  }
0xbc: {  	s0 =	sor.u32 s1, s0  }
0xbd: {  	s0 =	sadd.s32 $0x8F2B, s0  }
0xbe: {  	[sflag:s0] =	ssyncadd.remote.s32 $0x1  }
0xbf: {  	_ =	sfence.sel $0xFFFF  }
0xc0: {  	[dreg:$0x0] =	wrdreg $0xFFFFFFFF;
	(pc) =	sbr.abs _section_cstart, $3  }
0xc1: {  	[dreg:$0x1] =	wrdreg $0xFFFFFFFF  }
0xc2: {  	_ =	task.clear_ibuf [dreg:s7], $0x2FFFF;
	_ =	strace $0x9FFFFFFF  }
0xc3: {  	(tm) =	ssettm $0x7FFFFFFF  }
tec
execute0_lowered:
.L_overlay_start_1:
0x0: {  	(tag) =	ssettag $0x1  }
0x1: {  	s1 =	rddreg [dreg:$0x0]  }
0x2: {  	s0 =	rddreg [dreg:$0x1]  }
0x3: {  	s2 =	rddreg [dreg:$0x2];
	s4 =	simm.s32 $0x0;
	s3 =	srdreg.scid  }
0x4: {  	s11 =	stileid.u32;
	s28 =	simm.s32 $0x300;
	s29 =	simm.s32 $0x8  }
0x5: {  	s30 =	simm.s32 $0x2B00;
	s31 =	simm.s32 $0x4;
	[smem:$0x7FF] =	sst s4  }
0x6: {  	s5 =	sadd.s32 $0x6C00, s0;
	s3 =	sand.u32 $0x1, s3;
	s7 =	smul.u32 $0x2780, s11  }
0x7: {  	s6 =	sadd.s32 $0x16600, s0;
	s10 =	sadd.s32 $0x26000, s0;
	s20 =	smul.u32 $0x4F000, s11  }
0x8: {  	s24 =	smul.u32 $0x3E80, s11;
	s25 =	sshll.u32 s11, $0x6;
	_ =	strace $0x80000047  }
0x9: {  	s8 =	smul.u32 $0x27800, s3;
	s9 =	sshll.u32 s3, $0x4;
	[dreg:$0x8] =	wrdreg s10  }
0xa: {  	s21 =	ssub.s32 $0x2, s3;
	s3 =	smul.u32 $0x3E800, s3;
	s13 =	sor.u32 $0x1C0A, s25  }
0xb: {  	s9 =	sor.u32 s11, s9;
	s22 =	sshrl.u32 s21, $0x1;
	s23 =	sshrl.u32 s20, $0x2  }
0xc: {  	s11 =	simm.s32 $0x6;
	[dreg:$0xa] =	wrdreg s13;
	s7 =	sadd.s32 s7, s8  }
0xd: {  	s9 =	smul.u32 $0x3E80, s9;
	s8 =	sadd.s32 s23, s2;
	s3 =	sadd.s32 s24, s3  }
0xe: {  	s0 =	sadd.s32 s7, s0;
	s7 =	ssub.s32 s21, s22;
	s10 =	sadd.s32 $0x280, s3  }
0xf: {  	[dreg:$0x9] =	wrdreg s8;
	s26 =	sshrl.u32 s9, $0x3;
	s17 =	sshrl.u32 s10, $0x3  }
0x10: {  	s0 =	sadd.s32 $0x28800, s0;
	s25 =	smax.u32 s7, $0x1;
	s7 =	simm.s32 $0x5300  }
0x11: {  	s10 =	simm.s32 $0x2;
	s12 =	sadd.s32 s6, s26;
	s14 =	sadd.s32 s5, s26  }
0x12: {  	s15 =	sadd.s32 $0x10, s26;
	s18 =	sadd.s32 $0x20, s26;
	[dreg:$0x11] =	wrdreg s0  }
0x13: {  	s19 =	sadd.s32 s17, s5;
	[dreg:$0x12] =	wrdreg s25;
	s26 =	sadd.s32 $0x180, s3  }
0x14: {  	s25 =	simm.s32 $0x7;
	s0 =	simm.s32 $0x1;
	[dreg:$0xb] =	wrdreg s12  }
0x15: {  	[dreg:$0xc] =	wrdreg s14;
	s16 =	sadd.s32 s6, s15;
	s8 =	sadd.s32 s5, s15  }
0x16: {  	s12 =	sadd.s32 $0x200, s3;
	[dreg:$0x4] =	wrdreg s19;
	s21 =	sadd.s32 s6, s18  }
0x17: {  	s23 =	sadd.s32 s5, s18;
	[dreg:$0x13] =	wrdreg s26;
	s19 =	simm.s32 $0xA  }
0x18: {  	s14 =	simm.s32 $0x280;
	s26 =	simm.s32 $0x50;
	[dreg:$0xd] =	wrdreg s16  }
0x19: {  	s3 =	simm.s32 $0x9;
	s15 =	simm.s32 $0x0;
	[dreg:$0xe] =	wrdreg s8  }
0x1a: {  	s8 =	sadd.s32 s17, s6;
	s20 =	sshrl.u32 s12, $0x3;
	[dreg:$0xf] =	wrdreg s21  }
0x1b: {  	[dreg:$0x10] =	wrdreg s23;
	s21 =	simm.s32 $0x200;
	s12 =	simm.s32 $0x3  }
0x1c: {  	[dreg:$0x5] =	wrdreg s8;
	s22 =	sadd.s32 s20, s5;
	s24 =	sadd.s32 s20, s6  }
0x1d: {  	s20 =	simm.s32 $0x180;
	s8 =	simm.s32 $0x5;
	[dreg:$0x6] =	wrdreg s22  }
0x1e: {  	[dreg:$0x7] =	wrdreg s24;
	s22 =	simm.s32 $0x80;
	s24 =	simm.s32 $0x100  }
.LBB2_1:
0x1f: {  	[dreg:$0x14] =	wrdreg s15  }
0x20: {  	s9 =	rddreg [dreg:$0x9]  }
0x21: {  	s23 =	rddreg [dreg:$0x8];
	s18 =	sshrl.u32 s9, $0x3  }
0x22: {  	[dreg:$0x15] =	wrdreg s18  }
0x23: {  	[spmem:s18], [sflag:s13] =	dma.local [hbm:s23], $0x2780  }
0x24: {  	_ =	swait.ge [sflag:s19], $0x2780  }
0x25: {  	[sflag:s19] =	ssyncset.done $0x0  }
0x26: {  	[sflag:s19] =	ssyncadd.s32 $0xFFFFD880  }
0x27: {  	[bflag:$0x0] =	sbarrier.arrive $0xFFFF  }
0x28: {  	s16 =	rddreg [dreg:$0xb]  }
0x29: {  	[tilespmem:s20], [sflag:$0x4] =	stream.linear.gather [hbm4b:s16+s4], $0x80, $0x38;
	[tilespmem:$0x1B700] =	vst v63  }
0x2a: {  	s17 =	rddreg [dreg:$0xc]  }
0x2b: {  	[tilespmem:s4], [sflag:$0x7] =	stream.linear.gather [hbm4b:s17+s4], $0x80, $0x38;
	[tilespmem:$0x1B700] =	vst v63  }
0x2c: {  	s18 =	rddreg [dreg:$0xd]  }
0x2d: {  	[tilespmem:s21], [sflag:$0x5] =	stream.linear.gather [hbm4b:s18+s4], $0x80, $0x38;
	[tilespmem:$0x1B700] =	vst v63  }
0x2e: {  	s23 =	rddreg [dreg:$0xe]  }
0x2f: {  	[tilespmem:s22], [sflag:$0x8] =	stream.linear.gather [hbm4b:s23+s4], $0x80, $0x38;
	[tilespmem:$0x1B700] =	vst v63  }
0x30: {  	s13 =	rddreg [dreg:$0xf]  }
0x31: {  	[tilespmem:s14], [sflag:$0x6] =	stream.linear.gather [hbm4b:s13+s4], $0x80, $0x38;
	[tilespmem:$0x1B700] =	vst v63  }
0x32: {  	s15 =	rddreg [dreg:$0x10]  }
0x33: {  	[tilespmem:s24], [sflag:$0x9] =	stream.linear.gather [hbm4b:s15+s4], $0x80, $0x38;
	[tilespmem:$0x1B700] =	vst v63  }
0x34: {  	_ =	swait.ge [sflag:s25], $0x80  }
0x35: {  	[sflag:s25] =	ssyncset.done $0x0  }
0x36: {  	[sflag:s25] =	ssyncadd.s32 $0xFFFFFF80  }
0x37: {  	[tilespmem:s28], [sflag:$0x1] =	stream.indirect.gather [hbm4b:s1+s26], $0x80, s4, s26, $0xb8;
	[tilespmem:$0x1B700] =	vst v63  }
0x38: {  	_ =	swait.ge [sflag:s29], $0x80  }
0x39: {  	[sflag:s29] =	ssyncset.done $0x0  }
0x3a: {  	[sflag:s29] =	ssyncadd.s32 $0xFFFFFF80  }
0x3b: {  	[tilespmem:s30], [sflag:$0x2] =	stream.indirect.gather [hbm4b:s1+s26], $0x80, s22, s26, $0xb8;
	[tilespmem:$0x1B700] =	vst v63  }
0x3c: {  	_ =	swait.ge [sflag:s31], $0x80  }
0x3d: {  	[sflag:s31] =	ssyncset.done $0x0  }
0x3e: {  	[sflag:s31] =	ssyncadd.s32 $0xFFFFFF80  }
0x3f: {  	_ =	swait.ge [sflag:s0], $0x2800  }
0x40: {  	[sflag:s0] =	ssyncset.done $0x0  }
0x41: {  	[sflag:s0] =	ssyncadd.s32 $0xFFFFD800  }
0x42: {  	[spmem:s2] =	stream.indirect.scatter.add.f32 [tilespmem:s28], [sflag:$0xA], $0x80, s20, s26, $0xb8;
	[tilespmem:$0x1B700] =	vst v63  }
0x43: {  	_ =	swait.ge [sflag:s19], $0x2800  }
0x44: {  	s13 =	rddreg [dreg:$0x13]  }
0x45: {  	[sflag:s19] =	ssyncset.done $0x0;
	s16 =	sshrl.u32 s13, $0x3  }
0x46: {  	[sflag:s19] =	ssyncadd.s32 $0xFFFFD800;
	s17 =	sadd.s32 s6, s16  }
0x47: {  	[tilespmem:s20], [sflag:$0x4] =	stream.linear.gather [hbm4b:s17+s4], $0x80, $0x38;
	[tilespmem:$0x1B700] =	vst v63  }
0x48: {  	s15 =	sadd.s32 s5, s16  }
0x49: {  	[tilespmem:s4], [sflag:$0x7] =	stream.linear.gather [hbm4b:s15+s4], $0x80, $0x38;
	[tilespmem:$0x1B700] =	vst v63  }
0x4a: {  	_ =	swait.ge [sflag:s3], $0x80  }
0x4b: {  	[sflag:s3] =	ssyncset.done $0x0  }
0x4c: {  	[sflag:s3] =	ssyncadd.s32 $0xFFFFFF80  }
0x4d: {  	[tilespmem:s7], [sflag:$0x3] =	stream.indirect.gather [hbm4b:s1+s26], $0x80, s24, s26, $0xb8;
	[tilespmem:$0x1B700] =	vst v63  }
0x4e: {  	_ =	swait.ge [sflag:s8], $0x80  }
0x4f: {  	[sflag:s8] =	ssyncset.done $0x0  }
0x50: {  	[sflag:s8] =	ssyncadd.s32 $0xFFFFFF80  }
0x51: {  	_ =	swait.ge [sflag:s10], $0x2800  }
0x52: {  	[sflag:s10] =	ssyncset.done $0x0  }
0x53: {  	[sflag:s10] =	ssyncadd.s32 $0xFFFFD800  }
0x54: {  	[spmem:s2] =	stream.indirect.scatter.add.f32 [tilespmem:s30], [sflag:$0xA], $0x80, s21, s26, $0xb8;
	[tilespmem:$0x1B700] =	vst v63  }
0x55: {  	_ =	swait.ge [sflag:s19], $0x2800  }
0x56: {  	s17 =	rddreg [dreg:$0x7];
	[sflag:s19] =	ssyncset.done $0x0  }
0x57: {  	s18 =	rddreg [dreg:$0x6];
	[sflag:s19] =	ssyncadd.s32 $0xFFFFD800;
	s15 =	sadd.s32 $0x0, s17  }
0x58: {  	[tilespmem:s21], [sflag:$0x5] =	stream.linear.gather [hbm4b:s15+s4], $0x80, $0x38;
	[tilespmem:$0x1B700] =	vst v63  }
0x59: {  	s23 =	sadd.s32 $0x0, s18  }
0x5a: {  	[tilespmem:s22], [sflag:$0x8] =	stream.linear.gather [hbm4b:s23+s4], $0x80, $0x38;
	[tilespmem:$0x1B700] =	vst v63  }
0x5b: {  	_ =	swait.ge [sflag:s25], $0x80  }
0x5c: {  	[sflag:s25] =	ssyncset.done $0x0  }
0x5d: {  	[sflag:s25] =	ssyncadd.s32 $0xFFFFFF80  }
0x5e: {  	[tilespmem:s28], [sflag:$0x1] =	stream.indirect.gather [hbm4b:s1+s26], $0x80, s4, s26, $0xb8;
	[tilespmem:$0x1B700] =	vst v63  }
0x5f: {  	_ =	swait.ge [sflag:s11], $0x80  }
0x60: {  	[sflag:s11] =	ssyncset.done $0x0  }
0x61: {  	[sflag:s11] =	ssyncadd.s32 $0xFFFFFF80  }
0x62: {  	_ =	swait.ge [sflag:s12], $0x2800  }
0x63: {  	[sflag:s12] =	ssyncset.done $0x0  }
0x64: {  	p0 =	por $0x0, $0x0;
	[sflag:s12] =	ssyncadd.s32 $0xFFFFD800  }
0x65: {  	[spmem:s2] =	stream.indirect.scatter.add.f32 [tilespmem:s7], [sflag:$0xA], $0x80, s14, s26, $0xb8;
	[tilespmem:$0x1B700] =	vst v63  }
0x66: {  	s9 =	simm.s32 @!p0 $0x280;
	_ =	swait.ge [sflag:s19], $0x2800  }
0x67: {  	s18 =	simm.s32 @!p0 $0x0;
	s15 =	rddreg [dreg:$0x5];
	[sflag:s19] =	ssyncset.done $0x0  }
0x68: {  	s17 =	rddreg [dreg:$0x4];
	[sflag:s19] =	ssyncadd.s32 $0xFFFFD800;
	s15 =	sadd.s32 @!p0 $0x0, s15  }
0x69: {  	[tilespmem:s9], [sflag:$0x6] =	stream.linear.gather @!p0 [hbm4b:s15+s18], $0x80, $0x38;
	[tilespmem:$0x1B700] =	vst v63  }
0x6a: {  	s9 =	simm.s32 @!p0 $0x100;
	s15 =	sadd.s32 @!p0 $0x0, s17  }
0x6b: {  	[tilespmem:s9], [sflag:$0x9] =	stream.linear.gather @!p0 [hbm4b:s15+s18], $0x80, $0x38;
	[tilespmem:$0x1B700] =	vst v63  }
0x6c: {  	_ =	swait.ge [sflag:s29], $0x80  }
0x6d: {  	s15 =	simm.s32 $0x30;
	s18 =	smov.u32 s13;
	[sflag:s29] =	ssyncset.done $0x0  }
.LBB2_2:
0x6e: {  	[sflag:s29] =	ssyncadd.s32 $0xFFFFFF80  }
0x6f: {  	[tilespmem:s30], [sflag:$0x2] =	stream.indirect.gather [hbm4b:s1+s26], $0x80, s22, s26, $0xb8;
	[tilespmem:$0x1B700] =	vst v63  }
0x70: {  	_ =	swait.ge [sflag:s31], $0x80  }
0x71: {  	[sflag:s31] =	ssyncset.done $0x0  }
0x72: {  	[sflag:s31] =	ssyncadd.s32 $0xFFFFFF80  }
0x73: {  	_ =	swait.ge [sflag:s0], $0x2800  }
0x74: {  	[sflag:s0] =	ssyncset.done $0x0  }
0x75: {  	[sflag:s0] =	ssyncadd.s32 $0xFFFFD800  }
0x76: {  	[spmem:s2] =	stream.indirect.scatter.add.f32 [tilespmem:s28], [sflag:$0xA], $0x80, s20, s26, $0xb8;
	[tilespmem:$0x1B700] =	vst v63  }
0x77: {  	s18 =	sadd.s32 $0x180, s18;
	_ =	swait.ge [sflag:s19], $0x2800  }
0x78: {  	s9 =	sshrl.u32 s18, $0x3;
	[sflag:s19] =	ssyncset.done $0x0  }
0x79: {  	s16 =	sadd.s32 s6, s9;
	[sflag:s19] =	ssyncadd.s32 $0xFFFFD800  }
0x7a: {  	[tilespmem:s20], [sflag:$0x4] =	stream.linear.gather [hbm4b:s16+s4], $0x80, $0x38;
	[tilespmem:$0x1B700] =	vst v63  }
0x7b: {  	s9 =	sadd.s32 s5, s9  }
0x7c: {  	[tilespmem:s4], [sflag:$0x7] =	stream.linear.gather [hbm4b:s9+s4], $0x80, $0x38;
	[tilespmem:$0x1B700] =	vst v63  }
0x7d: {  	_ =	swait.ge [sflag:s3], $0x80  }
0x7e: {  	[sflag:s3] =	ssyncset.done $0x0  }
0x7f: {  	[sflag:s3] =	ssyncadd.s32 $0xFFFFFF80  }
0x80: {  	[tilespmem:s7], [sflag:$0x3] =	stream.indirect.gather [hbm4b:s1+s26], $0x80, s24, s26, $0xb8;
	[tilespmem:$0x1B700] =	vst v63  }
0x81: {  	_ =	swait.ge [sflag:s8], $0x80  }
0x82: {  	[sflag:s8] =	ssyncset.done $0x0  }
0x83: {  	[sflag:s8] =	ssyncadd.s32 $0xFFFFFF80  }
0x84: {  	_ =	swait.ge [sflag:s10], $0x2800  }
0x85: {  	[sflag:s10] =	ssyncset.done $0x0  }
0x86: {  	[sflag:s10] =	ssyncadd.s32 $0xFFFFD800  }
0x87: {  	[spmem:s2] =	stream.indirect.scatter.add.f32 [tilespmem:s30], [sflag:$0xA], $0x80, s21, s26, $0xb8;
	[tilespmem:$0x1B700] =	vst v63  }
0x88: {  	_ =	swait.ge [sflag:s19], $0x2800  }
0x89: {  	s17 =	smov.u32 s15;
	s23 =	rddreg [dreg:$0x7];
	[sflag:s19] =	ssyncset.done $0x0  }
0x8a: {  	s13 =	rddreg [dreg:$0x6];
	[sflag:s19] =	ssyncadd.s32 $0xFFFFD800;
	s9 =	sadd.s32 s17, s23  }
0x8b: {  	[tilespmem:s21], [sflag:$0x5] =	stream.linear.gather [hbm4b:s9+s4], $0x80, $0x38;
	[tilespmem:$0x1B700] =	vst v63  }
0x8c: {  	s23 =	sadd.s32 s17, s13  }
0x8d: {  	[tilespmem:s22], [sflag:$0x8] =	stream.linear.gather [hbm4b:s23+s4], $0x80, $0x38;
	[tilespmem:$0x1B700] =	vst v63  }
0x8e: {  	_ =	swait.ge [sflag:s25], $0x80  }
0x8f: {  	[sflag:s25] =	ssyncset.done $0x0  }
0x90: {  	[sflag:s25] =	ssyncadd.s32 $0xFFFFFF80  }
0x91: {  	[tilespmem:s28], [sflag:$0x1] =	stream.indirect.gather [hbm4b:s1+s26], $0x80, s4, s26, $0xb8;
	[tilespmem:$0x1B700] =	vst v63  }
0x92: {  	_ =	swait.ge [sflag:s11], $0x80  }
0x93: {  	[sflag:s11] =	ssyncset.done $0x0  }
0x94: {  	[sflag:s11] =	ssyncadd.s32 $0xFFFFFF80  }
0x95: {  	_ =	swait.ge [sflag:s12], $0x2800  }
0x96: {  	[sflag:s12] =	ssyncset.done $0x0  }
0x97: {  	s15 =	sadd.s32 $0x30, s15;
	[sflag:s12] =	ssyncadd.s32 $0xFFFFD800  }
0x98: {  	[spmem:s2] =	stream.indirect.scatter.add.f32 [tilespmem:s7], [sflag:$0xA], $0x80, s14, s26, $0xb8;
	[tilespmem:$0x1B700] =	vst v63  }
0x99: {  	p0 =	sne.s32 s15, $0x7B0;
	p1 =	seq.s32 s17, $0x780;
	_ =	swait.ge [sflag:s19], $0x2800  }
0x9a: {  	s13 =	simm.s32 @!p1 $0x280;
	s9 =	rddreg [dreg:$0x5];
	[sflag:s19] =	ssyncset.done $0x0  }
0x9b: {  	s14 =	simm.s32 @!p1 $0x0;
	[sflag:s19] =	ssyncadd.s32 $0xFFFFD800;
	s9 =	sadd.s32 @!p1 s17, s9  }
0x9c: {  	[tilespmem:s13], [sflag:$0x6] =	stream.linear.gather @!p1 [hbm4b:s9+s14], $0x80, $0x38;
	[tilespmem:$0x1B700] =	vst v63  }
.Ltmp0:
0x9d: {  	s16 =	rddreg [dreg:$0x4];
	(pc) =	sbr.rel @p0 .LBB2_2-.Ltmp0, $4  }
0x9e: {  	s23 =	simm.s32 @!p1 $0x100;
	s9 =	sadd.s32 @!p1 s17, s16  }
0x9f: {  	[tilespmem:s23], [sflag:$0x9] =	stream.linear.gather @!p1 [hbm4b:s9+s14], $0x80, $0x38;
	[tilespmem:$0x1B700] =	vst v63  }
0xa0: {  	_ =	swait.ge [sflag:s29], $0x80  }
0xa1: {  	s14 =	simm.s32 $0x280;
	[sflag:s29] =	ssyncset.done $0x0  }
0xa2: {  	[sflag:s29] =	ssyncadd.s32 $0xFFFFFF80  }
0xa3: {  	[tilespmem:s30], [sflag:$0x2] =	stream.indirect.gather [hbm4b:s1+s26], $0x80, s22, s26, $0xb8;
	[tilespmem:$0x1B700] =	vst v63  }
0xa4: {  	_ =	swait.ge [sflag:s31], $0x80  }
0xa5: {  	[sflag:s31] =	ssyncset.done $0x0  }
0xa6: {  	[sflag:s31] =	ssyncadd.s32 $0xFFFFFF80  }
0xa7: {  	_ =	swait.ge [sflag:s0], $0x2800  }
0xa8: {  	[sflag:s0] =	ssyncset.done $0x0  }
0xa9: {  	[sflag:s0] =	ssyncadd.s32 $0xFFFFD800  }
0xaa: {  	[spmem:s2] =	stream.indirect.scatter.add.f32 [tilespmem:s28], [sflag:$0xA], $0x80, s20, s26, $0xb8;
	[tilespmem:$0x1B700] =	vst v63  }
0xab: {  	_ =	swait.ge [sflag:s19], $0x2800  }
0xac: {  	[sflag:s19] =	ssyncset.done $0x0  }
0xad: {  	[sflag:s19] =	ssyncadd.s32 $0xFFFFD800  }
0xae: {  	_ =	swait.ge [sflag:s8], $0x80  }
0xaf: {  	[sflag:s8] =	ssyncset.done $0x0  }
0xb0: {  	[sflag:s8] =	ssyncadd.s32 $0xFFFFFF80  }
0xb1: {  	_ =	swait.ge [sflag:s10], $0x2800  }
0xb2: {  	[sflag:s10] =	ssyncset.done $0x0  }
0xb3: {  	[sflag:s10] =	ssyncadd.s32 $0xFFFFD800  }
0xb4: {  	[spmem:s2] =	stream.indirect.scatter.add.f32 [tilespmem:s30], [sflag:$0xA], $0x80, s21, s26, $0xb8;
	[tilespmem:$0x1B700] =	vst v63  }
0xb5: {  	_ =	swait.ge [sflag:s19], $0x2800  }
0xb6: {  	[sflag:s19] =	ssyncset.done $0x0  }
0xb7: {  	[sflag:s19] =	ssyncadd.s32 $0xFFFFD800  }
0xb8: {  	[bflag:$0x0] =	sbarrier.arrive $0xFFFF  }
0xb9: {  	s13 =	rddreg [dreg:$0xa]  }
0xba: {  	s9 =	rddreg [dreg:$0x11]  }
0xbb: {  	s15 =	rddreg [dreg:$0x15]  }
0xbc: {  	[hbm:s9], [sflag:s13] =	dma.local [spmem:s15], $0x2780  }
0xbd: {  	_ =	swait.ge [sflag:s19], $0x2780  }
0xbe: {  	s18 =	rddreg [dreg:$0x14]  }
0xbf: {  	s23 =	rddreg [dreg:$0x12];
	s15 =	sadd.s32 $0x1, s18  }
0xc0: {  	p0 =	sne.s32 s15, s23  }
.Ltmp1:
0xc1: {  	_ = 	snop;
	(pc) =	sbr.rel @p0 .LBB2_1-.Ltmp1, $3  }
0xc2: {  	_ =	sdelay $0x1  }
0xc3: {  	[sflag:s19] =	ssyncset.done $0x0  }
0xc4: {  	[sflag:s19] =	ssyncadd.s32 $0xFFFFD880  }
0xc5: {  	_ =	sfence.sel $0x180000  }
0xc6: {  	[bflag:$0x0] =	sbarrier.arrive $0xFFFF  }
0xc7: {  	_ =	strace $0x90000047  }
0xc8: {  	s0 =	stileid.u32;
	[bflag:$0x2] =	sbarrier.arrive $0xFFFF  }
0xc9: {  	p0 =	sne.s32 s0, $0x0;
	s0 =	rddreg [dreg:$0x3]  }
0xca: {  	s0 =	sadd.s32 @!p0 $0x100000, s0  }
0xcb: {  	[sflag:s0] =	ssyncadd.tile.s32 @!p0 $0x1;
	_ =	shalt  }
.Lfunc_end2:
_tile_overlayer_lowered:
.L_overlay_start_2:
0xcc: {  	(tag) =	ssettag $0x2  }
0xcd: {  	s0 =	rddreg [dreg:$0x0];
	s2 =	stileid.u32  }
0xce: {  	s1 =	rddreg [dreg:$0x1];
	p0 =	sne.s32 s2, $0x0  }
0xcf: {  	s3 =	rddreg [dreg:$0x2];
	[bflag:$0x3] =	sbarrier.arrive $0xFFFF;
	s2 =	simm.s32 @!p0 $0x1C0A  }
0xd0: {  	[timem:s3], [sflag:s2] =	dma.local @!p0 [hbm:s0], s1  }
0xd1: {  	s0 =	simm.s32 @!p0 $0xA  }
0xd2: {  	_ =	swait.ge @!p0 [sflag:s0], s1  }
0xd3: {  	s1 =	ssub.s32 @!p0 $0x0, s1;
	[sflag:s0] =	ssyncset.done @!p0 $0x0  }
0xd4: {  	[sflag:s0] =	ssyncadd.s32 @!p0 s1  }
0xd5: {  	[bflag:$0x3] =	sbarrier.arrive $0xFFFF  }
0xd6: {  	_ =	shalt  }

</sc_bundles>
